<compile_context>
chip_gen: v7x
topology: tpu7x:2x2x1
jax: 0.10.2.dev20260603
libtpu: 0.0.44.dev20260713+nightly
codegen_flags: <defaults>
</compile_context>

<pallas_src>
import functools

import jax
import jax.numpy as jnp
from jax import lax
from jax.experimental import pallas as pl
from jax.experimental.pallas import tpu as pltpu
from jax.experimental.pallas import tpu_sc as plsc

B, S, D = 1, 2048, 1024
E, K, H = 8, 2, 1024
N = B * S
TT = 256
NPAD = N * K + E * TT
NT2 = NPAD // TT
NEG = -1e30

NW = 32
SCH = 64
CCH = 16



def _router_body(wg_ref, x_ref, logits_ref, sel_ref, rw_ref):
    xt = x_ref[...]
    lt = lax.dot_general(
        wg_ref[...], xt, (((1,), (1,)), ((), ())),
        preferred_element_type=jnp.float32)
    idx = lax.broadcasted_iota(jnp.int32, (E, TT), 0)
    m1 = jnp.max(lt, axis=0, keepdims=True)
    a1 = jnp.min(jnp.where(lt == m1, idx, E), axis=0, keepdims=True)
    lt2 = jnp.where(idx == a1, NEG, lt)
    m2 = jnp.max(lt2, axis=0, keepdims=True)
    a2 = jnp.min(jnp.where(lt2 == m2, idx, E), axis=0, keepdims=True)
    e2 = jnp.exp(m2 - m1)
    denom = 1.0 + e2
    logits_ref[...] = lt
    sel_ref[...] = jnp.concatenate([a1, a2], axis=0)
    rw = jnp.concatenate([1.0 / denom, e2 / denom], axis=0)
    rw_ref[...] = jnp.broadcast_to(rw[:, :, None], (K, rw.shape[1], 128))


def _router(xf, Wg):
    nt = N // TT
    return pl.pallas_call(
        _router_body,
        grid=(nt,),
        in_specs=[
            pl.BlockSpec((E, D), lambda t: (0, 0)),
            pl.BlockSpec((TT, D), lambda t: (t, 0)),
        ],
        out_specs=[
            pl.BlockSpec((E, TT), lambda t: (0, t)),
            pl.BlockSpec((K, TT), lambda t: (0, t)),
            pl.BlockSpec((K, TT, 128), lambda t: (0, t, 0)),
        ],
        out_shape=[
            jax.ShapeDtypeStruct((E, N), jnp.float32),
            jax.ShapeDtypeStruct((K, N), jnp.int32),
            jax.ShapeDtypeStruct((K, N, 128), jnp.float32),
        ],
    )(Wg, xf)



def _dispatch_meta(selT):
    sel_flat = selT.reshape(-1)
    onehot = (sel_flat[:, None] == jnp.arange(E, dtype=jnp.int32)[None, :])
    oh = onehot.astype(jnp.int32)
    counts = jnp.sum(oh, axis=0)
    rank = jnp.sum((jnp.cumsum(oh, axis=0) - 1) * oh, axis=1)
    pcounts = ((counts + TT - 1) // TT) * TT
    pcum = jnp.cumsum(pcounts)
    pstart = pcum - pcounts
    pstart_sel = jnp.sum(oh * pstart[None, :], axis=1)
    dest = (pstart_sel + rank).astype(jnp.int32)
    invr = dest.reshape(K, N)
    tile_starts = jnp.arange(NT2, dtype=jnp.int32) * TT
    te = jnp.sum((pcum[None, :] <= tile_starts[:, None]).astype(jnp.int32),
                 axis=1)
    active = (tile_starts < pcum[E - 1]).astype(jnp.int32)
    te = jnp.minimum(te, E - 1).astype(jnp.int32)
    return dest, invr, te, active



def _sc_dispatch(xf, dest3, wwide):
    D2 = D
    spw = (K * N) // NW
    nch = spw // SCH
    mesh = plsc.VectorSubcoreMesh(core_axis_name="c", subcore_axis_name="s")

    @functools.partial(
        pl.kernel,
        out_type=[
            jax.ShapeDtypeStruct((NPAD, D2), jnp.float32),
            jax.ShapeDtypeStruct((NPAD, 128), jnp.float32),
        ],
        mesh=mesh,
        scratch_types=[
            pltpu.VMEM((SCH,), jnp.int32),
            pltpu.VMEM((SCH, D2), jnp.float32),
            pltpu.VMEM((SCH, 128), jnp.float32),
            pltpu.SemaphoreType.DMA,
            pltpu.SemaphoreType.DMA,
        ],
    )
    def k(x_hbm, d_hbm, w_hbm, xs_hbm, ws_hbm, idx_v, rows_v, w_v, s0, s1):
        wid = lax.axis_index("s") * 2 + lax.axis_index("c")
        base = wid * spw
        tok = base - (base // N) * N
        for c in range(nch):
            off = c * SCH
            pltpu.sync_copy(d_hbm.at[wid, c], idx_v)
            pltpu.sync_copy(x_hbm.at[pl.ds(tok + off, SCH)], rows_v)
            pltpu.sync_copy(w_hbm.at[pl.ds(base + off, SCH)], w_v)
            cpx = pltpu.async_copy(rows_v, xs_hbm.at[idx_v], s0)
            cpw = pltpu.async_copy(w_v, ws_hbm.at[idx_v], s1)
            cpx.wait()
            cpw.wait()

    return k(xf, dest3, wwide)



def _expert_body(te_ref, act_ref, xs_ref, w1_ref, w2_ref, ws_ref, ys_ref):
    t = pl.program_id(0)

    @pl.when(act_ref[t] == 1)
    def _():
        xt = xs_ref[...]
        g = lax.dot_general(
            xt, w1_ref[0, 0], (((1,), (1,)), ((), ())),
            preferred_element_type=jnp.float32)
        l = lax.dot_general(
            xt, w1_ref[0, 1], (((1,), (1,)), ((), ())),
            preferred_element_type=jnp.float32)
        a = g * lax.logistic(g) * l
        oe = lax.dot_general(
            a, w2_ref[0], (((1,), (1,)), ((), ())),
            preferred_element_type=jnp.float32)
        ys_ref[...] = ws_ref[:, 0:1] * oe

    @pl.when(act_ref[t] == 0)
    def _():
        ys_ref[...] = jnp.zeros_like(ys_ref)


def _experts(xs, W1r, W2, wslot, te, active):
    grid_spec = pltpu.PrefetchScalarGridSpec(
        num_scalar_prefetch=2,
        grid=(NT2,),
        in_specs=[
            pl.BlockSpec((TT, D), lambda t, te_r, ac_r: (t, 0)),
            pl.BlockSpec((1, 2, H, D), lambda t, te_r, ac_r: (te_r[t], 0, 0, 0)),
            pl.BlockSpec((1, D, H), lambda t, te_r, ac_r: (te_r[t], 0, 0)),
            pl.BlockSpec((TT, 128), lambda t, te_r, ac_r: (t, 0)),
        ],
        out_specs=pl.BlockSpec((TT, D), lambda t, te_r, ac_r: (t, 0)),
    )
    return pl.pallas_call(
        _expert_body,
        grid_spec=grid_spec,
        out_shape=jax.ShapeDtypeStruct((NPAD, D), jnp.float32),
    )(te, active, xs, W1r, W2, wslot)



def _sc_combine(ys, i0, i1):
    tpw = N // NW
    nch = tpw // CCH
    mesh = plsc.VectorSubcoreMesh(core_axis_name="c", subcore_axis_name="s")

    @functools.partial(
        pl.kernel,
        out_type=jax.ShapeDtypeStruct((N, D), jnp.float32),
        mesh=mesh,
        scratch_types=[
            [pltpu.VMEM((CCH,), jnp.int32) for _ in range(2)],
            [pltpu.VMEM((CCH,), jnp.int32) for _ in range(2)],
            [pltpu.VMEM((CCH, D), jnp.float32) for _ in range(2)],
            [pltpu.VMEM((CCH, D), jnp.float32) for _ in range(2)],
            [pltpu.VMEM((CCH, D), jnp.float32) for _ in range(2)],
            [pltpu.SemaphoreType.DMA for _ in range(2)],
            [pltpu.SemaphoreType.DMA for _ in range(2)],
            [pltpu.SemaphoreType.DMA for _ in range(2)],
        ],
    )
    def k(ys_hbm, i0_hbm, i1_hbm, out_hbm, i0_v, i1_v, g0, g1, o, s0, s1, sw):
        wid = lax.axis_index("s") * 2 + lax.axis_index("c")
        base = wid * tpw
        cp0 = [None] * nch
        cp1 = [None] * nch
        wb = [None] * nch

        def start(c):
            b = c & 1
            off = base + c * CCH
            pltpu.sync_copy(i0_hbm.at[pl.ds(off, CCH)], i0_v[b])
            pltpu.sync_copy(i1_hbm.at[pl.ds(off, CCH)], i1_v[b])
            cp0[c] = pltpu.async_copy(ys_hbm.at[i0_v[b]], g0[b], s0[b])
            cp1[c] = pltpu.async_copy(ys_hbm.at[i1_v[b]], g1[b], s1[b])

        start(0)
        if nch > 1:
            start(1)
        for c in range(nch):
            b = c & 1
            cp0[c].wait()
            cp1[c].wait()
            if c >= 2:
                wb[c - 2].wait()

            def add_row(r, carry):
                for j in range(D // 16):
                    sl = pl.ds(j * 16, 16)
                    o[b][r, sl] = g0[b][r, sl] + g1[b][r, sl]
                return carry

            lax.fori_loop(0, CCH, add_row, 0)
            wb[c] = pltpu.async_copy(
                o[b], out_hbm.at[pl.ds(base + c * CCH, CCH)], sw[b])
            if c + 2 < nch:
                start(c + 2)
        wb[nch - 1].wait()
        if nch > 1:
            wb[nch - 2].wait()

    return k(ys, i0, i1)



@jax.jit
def kernel(x, Wg, W1, W2):
    xf = x.reshape(N, D)
    logitsT, selT, rww = _router(xf, Wg)
    dest, invr, te, active = _dispatch_meta(selT)
    dest3 = dest.reshape(NW, (K * N) // (NW * SCH), SCH)
    xs, ws = _sc_dispatch(xf, dest3, rww.reshape(K * N, 128))
    W1r = W1.reshape(E, 2, H, D)
    ys = _experts(xs, W1r, W2, ws, te, active)
    out = _sc_combine(ys, invr[0], invr[1])
    return out.reshape(B, S, D), logitsT.T.reshape(B, S, E)

# --- scband reference (transcript-rebuilt; emitter-appended) ---
"""Pipeline reference for scband-mo-elayer-24240795419274 (READ-ONLY COPY).

The authoritative reference and input builder live on the scoring server;
editing this copy changes nothing except your own understanding.
"""

import jax, jax.numpy as jnp
import numpy as np

B, S, D = 1, 2048, 1024
E, K, H = 8, 2, 1024


def setup_inputs(seed: int = 0) -> dict:
    key = jax.random.key(seed)
    k0, k1, k2, k3 = jax.random.split(key, 4)
    x = jax.random.normal(k0, (B, S, D), dtype=jnp.float32)
    # gate: nn.Linear(d_model, num_experts, bias=False), init normal std=0.01
    Wg = jax.random.normal(k1, (E, D), dtype=jnp.float32) * 0.01
    # SwiGLU expert fc1: (2H, D) xavier_uniform; fc2: (D, H) xavier_uniform gain=0.5
    lim1 = float(np.sqrt(6.0 / (D + 2 * H)))
    W1 = jax.random.uniform(k2, (E, 2 * H, D), dtype=jnp.float32, minval=-lim1, maxval=lim1)
    lim2 = 0.5 * float(np.sqrt(6.0 / (H + D)))
    W2 = jax.random.uniform(k3, (E, D, H), dtype=jnp.float32, minval=-lim2, maxval=lim2)
    return {"x": x, "Wg": Wg, "W1": W1, "W2": W2}


def moe_forward(x, Wg, W1, W2):
    b, s, d = x.shape
    xf = x.reshape(-1, d)
    n = xf.shape[0]
    # router
    logits = xf @ Wg.T
    probs = jax.nn.softmax(logits, axis=-1)
    rw, sel = jax.lax.top_k(probs, K)
    rw = rw / jnp.sum(rw, axis=-1, keepdims=True)
    # scatter routing weights into dense (n, E) combine matrix
    combine = jnp.zeros((n, E), dtype=xf.dtype)
    combine = combine.at[jnp.arange(n)[:, None], sel].add(rw)
    out = jnp.zeros_like(xf)
    for e in range(E):
        h = xf @ W1[e].T
        g = h[:, :H]
        lin = h[:, H:]
        act = jax.nn.silu(g) * lin
        oe = act @ W2[e].T
        out = out + combine[:, e:e + 1] * oe
    return out.reshape(b, s, d), logits.reshape(b, s, E)


def reference(x, Wg, W1, W2):
    return moe_forward(x, Wg, W1, W2)

if __name__ == "__main__":
    import jax
    _d = setup_inputs()
    print(jax.jit(kernel)(*tuple(_d.values())))

</pallas_src>

<mosaic_0001>
#map = affine_map<(d0, d1) -> (0, 0)>
#map1 = affine_map<(d0, d1) -> (0)>
module attributes {stable_mosaic.version = 14 : i64} {
  func.func @k(%arg0: i32, %arg1: i32, %arg2: memref<6144x1024xf32, #tpu.memory_space<hbm>>, %arg3: memref<2048xi32, #tpu.memory_space<hbm>>, %arg4: memref<2048xi32, #tpu.memory_space<hbm>>, %arg5: memref<2048x1024xf32, #tpu.memory_space<hbm>>, %arg6: memref<16xi32, #tpu.memory_space<vmem>>, %arg7: memref<16xi32, #tpu.memory_space<vmem>>, %arg8: memref<16xi32, #tpu.memory_space<vmem>>, %arg9: memref<16xi32, #tpu.memory_space<vmem>>, %arg10: memref<16x1024xf32, #tpu.memory_space<vmem>>, %arg11: memref<16x1024xf32, #tpu.memory_space<vmem>>, %arg12: memref<16x1024xf32, #tpu.memory_space<vmem>>, %arg13: memref<16x1024xf32, #tpu.memory_space<vmem>>, %arg14: memref<16x1024xf32, #tpu.memory_space<vmem>>, %arg15: memref<16x1024xf32, #tpu.memory_space<vmem>>, %arg16: memref<!tpu.dma_semaphore, #tpu.memory_space<semaphore_mem>>, %arg17: memref<!tpu.dma_semaphore, #tpu.memory_space<semaphore_mem>>, %arg18: memref<!tpu.dma_semaphore, #tpu.memory_space<semaphore_mem>>, %arg19: memref<!tpu.dma_semaphore, #tpu.memory_space<semaphore_mem>>, %arg20: memref<!tpu.dma_semaphore, #tpu.memory_space<semaphore_mem>>, %arg21: memref<!tpu.dma_semaphore, #tpu.memory_space<semaphore_mem>>) attributes {dimension_semantics = [#tpu.dimension_semantics<core_parallel>, #tpu.dimension_semantics<subcore_parallel>], iteration_bounds = array<i64: 2, 16>, scalar_prefetch = 0 : i64, scratch_operands = 16 : i64, tpu.core_type = #tpu.core_type<sc_vector_subcore>, window_params = [{transform_indices = #map}, {transform_indices = #map1}, {transform_indices = #map1}, {transform_indices = #map}]} {
    %mul3A = arith.constant 2 : i32
    %mul3A_0 = arith.muli %arg1, %mul3A : i32
    %add3A = arith.addi %mul3A_0, %arg0 : i32
    %mul3A_1 = arith.constant 64 : i32
    %mul3A_2 = arith.muli %add3A, %mul3A_1 : i32
    %add3A_3 = arith.constant 0 : i32
    %add3A_4 = arith.addi %mul3A_2, %add3A_3 : i32
    "tpu.region"() ({
      %run_scoped3A = tpu.sem_alloc : memref<!tpu.dma_semaphore, #tpu.memory_space<semaphore_mem>>
      %dma_start3A_120 = tpu.memref_slice %arg3[%add3A_4] : memref<2048xi32, #tpu.memory_space<hbm>> -> memref<16xi32, #tpu.memory_space<hbm>>
      %dma_start3A_121 = tpu.memref_slice %arg3[%add3A_4] : memref<2048xi32, #tpu.memory_space<hbm>> -> memref<16xi32, #tpu.memory_space<hbm>>
      tpu.enqueue_dma source(%dma_start3A_121 : memref<16xi32, #tpu.memory_space<hbm>>) target(%arg6 : memref<16xi32, #tpu.memory_space<vmem>>) target_semaphore(%run_scoped3A : memref<!tpu.dma_semaphore, #tpu.memory_space<semaphore_mem>>)
      %dma_wait3A_122 = tpu.memref_slice %arg3[%add3A_4] : memref<2048xi32, #tpu.memory_space<hbm>> -> memref<16xi32, #tpu.memory_space<hbm>>
      %dma_wait3A_123 = tpu.memref_slice %arg3[%add3A_4] : memref<2048xi32, #tpu.memory_space<hbm>> -> memref<16xi32, #tpu.memory_space<hbm>>
      tpu.wait_dma2 semaphore(%run_scoped3A : memref<!tpu.dma_semaphore, #tpu.memory_space<semaphore_mem>>) src(%dma_wait3A_123 : memref<16xi32, #tpu.memory_space<hbm>>) dst(%arg6 : memref<16xi32, #tpu.memory_space<vmem>>)
      tpu.yield
    }) : () -> ()
    "tpu.region"() ({
      %run_scoped3A = tpu.sem_alloc : memref<!tpu.dma_semaphore, #tpu.memory_space<semaphore_mem>>
      %dma_start3A_120 = tpu.memref_slice %arg4[%add3A_4] : memref<2048xi32, #tpu.memory_space<hbm>> -> memref<16xi32, #tpu.memory_space<hbm>>
      %dma_start3A_121 = tpu.memref_slice %arg4[%add3A_4] : memref<2048xi32, #tpu.memory_space<hbm>> -> memref<16xi32, #tpu.memory_space<hbm>>
      tpu.enqueue_dma source(%dma_start3A_121 : memref<16xi32, #tpu.memory_space<hbm>>) target(%arg8 : memref<16xi32, #tpu.memory_space<vmem>>) target_semaphore(%run_scoped3A : memref<!tpu.dma_semaphore, #tpu.memory_space<semaphore_mem>>)
      %dma_wait3A_122 = tpu.memref_slice %arg4[%add3A_4] : memref<2048xi32, #tpu.memory_space<hbm>> -> memref<16xi32, #tpu.memory_space<hbm>>
      %dma_wait3A_123 = tpu.memref_slice %arg4[%add3A_4] : memref<2048xi32, #tpu.memory_space<hbm>> -> memref<16xi32, #tpu.memory_space<hbm>>
      tpu.wait_dma2 semaphore(%run_scoped3A : memref<!tpu.dma_semaphore, #tpu.memory_space<semaphore_mem>>) src(%dma_wait3A_123 : memref<16xi32, #tpu.memory_space<hbm>>) dst(%arg8 : memref<16xi32, #tpu.memory_space<vmem>>)
      tpu.yield
    }) : () -> ()
    %dma_start3A = arith.constant 0 : i32
    %dma_start3A_5 = arith.constant 0 : i32
    %dma_start3A_6 = tpu.memref_slice %arg2[%dma_start3A, %dma_start3A_5] : memref<6144x1024xf32, #tpu.memory_space<hbm>> -> memref<6144x1024xf32, #tpu.memory_space<hbm>>
    tpu.enqueue_indirect_dma source(%dma_start3A_6 : memref<6144x1024xf32, #tpu.memory_space<hbm>>) target(%arg10 : memref<16x1024xf32, #tpu.memory_space<vmem>>) offsets(%arg6 : memref<16xi32, #tpu.memory_space<vmem>>) semaphore(%arg16 : memref<!tpu.dma_semaphore, #tpu.memory_space<semaphore_mem>>)
    %dma_start3A_7 = arith.constant 0 : i32
    %dma_start3A_8 = arith.constant 0 : i32
    %dma_start3A_9 = tpu.memref_slice %arg2[%dma_start3A_7, %dma_start3A_8] : memref<6144x1024xf32, #tpu.memory_space<hbm>> -> memref<6144x1024xf32, #tpu.memory_space<hbm>>
    tpu.enqueue_indirect_dma source(%dma_start3A_9 : memref<6144x1024xf32, #tpu.memory_space<hbm>>) target(%arg12 : memref<16x1024xf32, #tpu.memory_space<vmem>>) offsets(%arg8 : memref<16xi32, #tpu.memory_space<vmem>>) semaphore(%arg18 : memref<!tpu.dma_semaphore, #tpu.memory_space<semaphore_mem>>)
    %add3A_10 = arith.constant 16 : i32
    %add3A_11 = arith.addi %mul3A_2, %add3A_10 : i32
    "tpu.region"() ({
      %run_scoped3A = tpu.sem_alloc : memref<!tpu.dma_semaphore, #tpu.memory_space<semaphore_mem>>
      %dma_start3A_120 = tpu.memref_slice %arg3[%add3A_11] : memref<2048xi32, #tpu.memory_space<hbm>> -> memref<16xi32, #tpu.memory_space<hbm>>
      %dma_start3A_121 = tpu.memref_slice %arg3[%add3A_11] : memref<2048xi32, #tpu.memory_space<hbm>> -> memref<16xi32, #tpu.memory_space<hbm>>
      tpu.enqueue_dma source(%dma_start3A_121 : memref<16xi32, #tpu.memory_space<hbm>>) target(%arg7 : memref<16xi32, #tpu.memory_space<vmem>>) target_semaphore(%run_scoped3A : memref<!tpu.dma_semaphore, #tpu.memory_space<semaphore_mem>>)
      %dma_wait3A_122 = tpu.memref_slice %arg3[%add3A_11] : memref<2048xi32, #tpu.memory_space<hbm>> -> memref<16xi32, #tpu.memory_space<hbm>>
      %dma_wait3A_123 = tpu.memref_slice %arg3[%add3A_11] : memref<2048xi32, #tpu.memory_space<hbm>> -> memref<16xi32, #tpu.memory_space<hbm>>
      tpu.wait_dma2 semaphore(%run_scoped3A : memref<!tpu.dma_semaphore, #tpu.memory_space<semaphore_mem>>) src(%dma_wait3A_123 : memref<16xi32, #tpu.memory_space<hbm>>) dst(%arg7 : memref<16xi32, #tpu.memory_space<vmem>>)
      tpu.yield
    }) : () -> ()
    "tpu.region"() ({
      %run_scoped3A = tpu.sem_alloc : memref<!tpu.dma_semaphore, #tpu.memory_space<semaphore_mem>>
      %dma_start3A_120 = tpu.memref_slice %arg4[%add3A_11] : memref<2048xi32, #tpu.memory_space<hbm>> -> memref<16xi32, #tpu.memory_space<hbm>>
      %dma_start3A_121 = tpu.memref_slice %arg4[%add3A_11] : memref<2048xi32, #tpu.memory_space<hbm>> -> memref<16xi32, #tpu.memory_space<hbm>>
      tpu.enqueue_dma source(%dma_start3A_121 : memref<16xi32, #tpu.memory_space<hbm>>) target(%arg9 : memref<16xi32, #tpu.memory_space<vmem>>) target_semaphore(%run_scoped3A : memref<!tpu.dma_semaphore, #tpu.memory_space<semaphore_mem>>)
      %dma_wait3A_122 = tpu.memref_slice %arg4[%add3A_11] : memref<2048xi32, #tpu.memory_space<hbm>> -> memref<16xi32, #tpu.memory_space<hbm>>
      %dma_wait3A_123 = tpu.memref_slice %arg4[%add3A_11] : memref<2048xi32, #tpu.memory_space<hbm>> -> memref<16xi32, #tpu.memory_space<hbm>>
      tpu.wait_dma2 semaphore(%run_scoped3A : memref<!tpu.dma_semaphore, #tpu.memory_space<semaphore_mem>>) src(%dma_wait3A_123 : memref<16xi32, #tpu.memory_space<hbm>>) dst(%arg9 : memref<16xi32, #tpu.memory_space<vmem>>)
      tpu.yield
    }) : () -> ()
    %dma_start3A_12 = arith.constant 0 : i32
    %dma_start3A_13 = arith.constant 0 : i32
    %dma_start3A_14 = tpu.memref_slice %arg2[%dma_start3A_12, %dma_start3A_13] : memref<6144x1024xf32, #tpu.memory_space<hbm>> -> memref<6144x1024xf32, #tpu.memory_space<hbm>>
    tpu.enqueue_indirect_dma source(%dma_start3A_14 : memref<6144x1024xf32, #tpu.memory_space<hbm>>) target(%arg11 : memref<16x1024xf32, #tpu.memory_space<vmem>>) offsets(%arg7 : memref<16xi32, #tpu.memory_space<vmem>>) semaphore(%arg17 : memref<!tpu.dma_semaphore, #tpu.memory_space<semaphore_mem>>)
    %dma_start3A_15 = arith.constant 0 : i32
    %dma_start3A_16 = arith.constant 0 : i32
    %dma_start3A_17 = tpu.memref_slice %arg2[%dma_start3A_15, %dma_start3A_16] : memref<6144x1024xf32, #tpu.memory_space<hbm>> -> memref<6144x1024xf32, #tpu.memory_space<hbm>>
    tpu.enqueue_indirect_dma source(%dma_start3A_17 : memref<6144x1024xf32, #tpu.memory_space<hbm>>) target(%arg13 : memref<16x1024xf32, #tpu.memory_space<vmem>>) offsets(%arg9 : memref<16xi32, #tpu.memory_space<vmem>>) semaphore(%arg19 : memref<!tpu.dma_semaphore, #tpu.memory_space<semaphore_mem>>)
    %dma_wait3A = arith.constant 0 : i32
    %dma_wait3A_18 = arith.constant 0 : i32
    %dma_wait3A_19 = tpu.memref_slice %arg2[%dma_wait3A, %dma_wait3A_18] : memref<6144x1024xf32, #tpu.memory_space<hbm>> -> memref<6144x1024xf32, #tpu.memory_space<hbm>>
    tpu.wait_indirect_dma semaphore(%arg16 : memref<!tpu.dma_semaphore, #tpu.memory_space<semaphore_mem>>) src(%dma_wait3A_19 : memref<6144x1024xf32, #tpu.memory_space<hbm>>) dst(%arg10 : memref<16x1024xf32, #tpu.memory_space<vmem>>)
    %dma_wait3A_20 = arith.constant 0 : i32
    %dma_wait3A_21 = arith.constant 0 : i32
    %dma_wait3A_22 = tpu.memref_slice %arg2[%dma_wait3A_20, %dma_wait3A_21] : memref<6144x1024xf32, #tpu.memory_space<hbm>> -> memref<6144x1024xf32, #tpu.memory_space<hbm>>
    tpu.wait_indirect_dma semaphore(%arg18 : memref<!tpu.dma_semaphore, #tpu.memory_space<semaphore_mem>>) src(%dma_wait3A_22 : memref<6144x1024xf32, #tpu.memory_space<hbm>>) dst(%arg12 : memref<16x1024xf32, #tpu.memory_space<vmem>>)
    %scan3A = arith.constant 0 : i32
    %scan3A_23 = arith.constant 0 : i32
    %scan3A_24 = arith.constant 16 : i32
    %scan3A_25 = arith.addi %scan3A_23, %scan3A_24 : i32
    %scan3A_26 = arith.constant 1 : i32
    scf.for %scan3A_120 = %scan3A_23 to %scan3A_25 step %scan3A_26  : i32 {
      %get3A = arith.index_cast %scan3A_120 : i32 to index
      %get3A_121 = arith.constant 0 : index
      %get3A_122 = tpu.vector_load %arg10[%get3A, %get3A_121] {strides = array<i32>} : memref<16x1024xf32, #tpu.memory_space<vmem>>, vector<1x16xf32>,
      %get3A_123 = vector.shape_cast %get3A_122 : vector<1x16xf32> to vector<16xf32>
      %get3A_124 = arith.index_cast %scan3A_120 : i32 to index
      %get3A_125 = arith.constant 0 : index
      %get3A_126 = tpu.vector_load %arg12[%get3A_124, %get3A_125] {strides = array<i32>} : memref<16x1024xf32, #tpu.memory_space<vmem>>, vector<1x16xf32>,
      %get3A_127 = vector.shape_cast %get3A_126 : vector<1x16xf32> to vector<16xf32>
      %add3A_128 = arith.addf %get3A_123, %get3A_127 : vector<16xf32>
      %swap3A = arith.index_cast %scan3A_120 : i32 to index
      %swap3A_129 = arith.constant 0 : index
      %swap3A_130 = tpu.vector_load %arg14[%swap3A, %swap3A_129] {strides = array<i32>} : memref<16x1024xf32, #tpu.memory_space<vmem>>, vector<1x16xf32>,
      %swap3A_131 = vector.shape_cast %swap3A_130 : vector<1x16xf32> to vector<16xf32>
      %swap3A_132 = vector.shape_cast %add3A_128 : vector<16xf32> to vector<1x16xf32>
      tpu.vector_store %arg14[%swap3A, %swap3A_129], %swap3A_132 {strides = array<i32>} : memref<16x1024xf32, #tpu.memory_space<vmem>>, vector<1x16xf32>,
      %get3A_133 = arith.index_cast %scan3A_120 : i32 to index
      %get3A_134 = arith.constant 16 : index
      %get3A_135 = tpu.vector_load %arg10[%get3A_133, %get3A_134] {strides = array<i32>} : memref<16x1024xf32, #tpu.memory_space<vmem>>, vector<1x16xf32>,
      %get3A_136 = vector.shape_cast %get3A_135 : vector<1x16xf32> to vector<16xf32>
      %get3A_137 = arith.index_cast %scan3A_120 : i32 to index
      %get3A_138 = arith.constant 16 : index
      %get3A_139 = tpu.vector_load %arg12[%get3A_137, %get3A_138] {strides = array<i32>} : memref<16x1024xf32, #tpu.memory_space<vmem>>, vector<1x16xf32>,
      %get3A_140 = vector.shape_cast %get3A_139 : vector<1x16xf32> to vector<16xf32>
      %add3A_141 = arith.addf %get3A_136, %get3A_140 : vector<16xf32>
      %swap3A_142 = arith.index_cast %scan3A_120 : i32 to index
      %swap3A_143 = arith.constant 16 : index
      %swap3A_144 = tpu.vector_load %arg14[%swap3A_142, %swap3A_143] {strides = array<i32>} : memref<16x1024xf32, #tpu.memory_space<vmem>>, vector<1x16xf32>,
      %swap3A_145 = vector.shape_cast %swap3A_144 : vector<1x16xf32> to vector<16xf32>
      %swap3A_146 = vector.shape_cast %add3A_141 : vector<16xf32> to vector<1x16xf32>
      tpu.vector_store %arg14[%swap3A_142, %swap3A_143], %swap3A_146 {strides = array<i32>} : memref<16x1024xf32, #tpu.memory_space<vmem>>, vector<1x16xf32>,
      %get3A_147 = arith.index_cast %scan3A_120 : i32 to index
      %get3A_148 = arith.constant 32 : index
      %get3A_149 = tpu.vector_load %arg10[%get3A_147, %get3A_148] {strides = array<i32>} : memref<16x1024xf32, #tpu.memory_space<vmem>>, vector<1x16xf32>,
      %get3A_150 = vector.shape_cast %get3A_149 : vector<1x16xf32> to vector<16xf32>
      %get3A_151 = arith.index_cast %scan3A_120 : i32 to index
      %get3A_152 = arith.constant 32 : index
      %get3A_153 = tpu.vector_load %arg12[%get3A_151, %get3A_152] {strides = array<i32>} : memref<16x1024xf32, #tpu.memory_space<vmem>>, vector<1x16xf32>,
      %get3A_154 = vector.shape_cast %get3A_153 : vector<1x16xf32> to vector<16xf32>
      %add3A_155 = arith.addf %get3A_150, %get3A_154 : vector<16xf32>
      %swap3A_156 = arith.index_cast %scan3A_120 : i32 to index
      %swap3A_157 = arith.constant 32 : index
      %swap3A_158 = tpu.vector_load %arg14[%swap3A_156, %swap3A_157] {strides = array<i32>} : memref<16x1024xf32, #tpu.memory_space<vmem>>, vector<1x16xf32>,
      %swap3A_159 = vector.shape_cast %swap3A_158 : vector<1x16xf32> to vector<16xf32>
      %swap3A_160 = vector.shape_cast %add3A_155 : vector<16xf32> to vector<1x16xf32>
      tpu.vector_store %arg14[%swap3A_156, %swap3A_157], %swap3A_160 {strides = array<i32>} : memref<16x1024xf32, #tpu.memory_space<vmem>>, vector<1x16xf32>,
      %get3A_161 = arith.index_cast %scan3A_120 : i32 to index
      %get3A_162 = arith.constant 48 : index
      %get3A_163 = tpu.vector_load %arg10[%get3A_161, %get3A_162] {strides = array<i32>} : memref<16x1024xf32, #tpu.memory_space<vmem>>, vector<1x16xf32>,
      %get3A_164 = vector.shape_cast %get3A_163 : vector<1x16xf32> to vector<16xf32>
      %get3A_165 = arith.index_cast %scan3A_120 : i32 to index
      %get3A_166 = arith.constant 48 : index
      %get3A_167 = tpu.vector_load %arg12[%get3A_165, %get3A_166] {strides = array<i32>} : memref<16x1024xf32, #tpu.memory_space<vmem>>, vector<1x16xf32>,
      %get3A_168 = vector.shape_cast %get3A_167 : vector<1x16xf32> to vector<16xf32>
      %add3A_169 = arith.addf %get3A_164, %get3A_168 : vector<16xf32>
      %swap3A_170 = arith.index_cast %scan3A_120 : i32 to index
      %swap3A_171 = arith.constant 48 : index
      %swap3A_172 = tpu.vector_load %arg14[%swap3A_170, %swap3A_171] {strides = array<i32>} : memref<16x1024xf32, #tpu.memory_space<vmem>>, vector<1x16xf32>,
      %swap3A_173 = vector.shape_cast %swap3A_172 : vector<1x16xf32> to vector<16xf32>
      %swap3A_174 = vector.shape_cast %add3A_169 : vector<16xf32> to vector<1x16xf32>
      tpu.vector_store %arg14[%swap3A_170, %swap3A_171], %swap3A_174 {strides = array<i32>} : memref<16x1024xf32, #tpu.memory_space<vmem>>, vector<1x16xf32>,
      %get3A_175 = arith.index_cast %scan3A_120 : i32 to index
      %get3A_176 = arith.constant 64 : index
      %get3A_177 = tpu.vector_load %arg10[%get3A_175, %get3A_176] {strides = array<i32>} : memref<16x1024xf32, #tpu.memory_space<vmem>>, vector<1x16xf32>,
      %get3A_178 = vector.shape_cast %get3A_177 : vector<1x16xf32> to vector<16xf32>
      %get3A_179 = arith.index_cast %scan3A_120 : i32 to index
      %get3A_180 = arith.constant 64 : index
      %get3A_181 = tpu.vector_load %arg12[%get3A_179, %get3A_180] {strides = array<i32>} : memref<16x1024xf32, #tpu.memory_space<vmem>>, vector<1x16xf32>,
      %get3A_182 = vector.shape_cast %get3A_181 : vector<1x16xf32> to vector<16xf32>
      %add3A_183 = arith.addf %get3A_178, %get3A_182 : vector<16xf32>
      %swap3A_184 = arith.index_cast %scan3A_120 : i32 to index
      %swap3A_185 = arith.constant 64 : index
      %swap3A_186 = tpu.vector_load %arg14[%swap3A_184, %swap3A_185] {strides = array<i32>} : memref<16x1024xf32, #tpu.memory_space<vmem>>, vector<1x16xf32>,
      %swap3A_187 = vector.shape_cast %swap3A_186 : vector<1x16xf32> to vector<16xf32>
      %swap3A_188 = vector.shape_cast %add3A_183 : vector<16xf32> to vector<1x16xf32>
      tpu.vector_store %arg14[%swap3A_184, %swap3A_185], %swap3A_188 {strides = array<i32>} : memref<16x1024xf32, #tpu.memory_space<vmem>>, vector<1x16xf32>,
      %get3A_189 = arith.index_cast %scan3A_120 : i32 to index
      %get3A_190 = arith.constant 80 : index
      %get3A_191 = tpu.vector_load %arg10[%get3A_189, %get3A_190] {strides = array<i32>} : memref<16x1024xf32, #tpu.memory_space<vmem>>, vector<1x16xf32>,
      %get3A_192 = vector.shape_cast %get3A_191 : vector<1x16xf32> to vector<16xf32>
      %get3A_193 = arith.index_cast %scan3A_120 : i32 to index
      %get3A_194 = arith.constant 80 : index
      %get3A_195 = tpu.vector_load %arg12[%get3A_193, %get3A_194] {strides = array<i32>} : memref<16x1024xf32, #tpu.memory_space<vmem>>, vector<1x16xf32>,
      %get3A_196 = vector.shape_cast %get3A_195 : vector<1x16xf32> to vector<16xf32>
      %add3A_197 = arith.addf %get3A_192, %get3A_196 : vector<16xf32>
      %swap3A_198 = arith.index_cast %scan3A_120 : i32 to index
      %swap3A_199 = arith.constant 80 : index
      %swap3A_200 = tpu.vector_load %arg14[%swap3A_198, %swap3A_199] {strides = array<i32>} : memref<16x1024xf32, #tpu.memory_space<vmem>>, vector<1x16xf32>,
      %swap3A_201 = vector.shape_cast %swap3A_200 : vector<1x16xf32> to vector<16xf32>
      %swap3A_202 = vector.shape_cast %add3A_197 : vector<16xf32> to vector<1x16xf32>
      tpu.vector_store %arg14[%swap3A_198, %swap3A_199], %swap3A_202 {strides = array<i32>} : memref<16x1024xf32, #tpu.memory_space<vmem>>, vector<1x16xf32>,
      %get3A_203 = arith.index_cast %scan3A_120 : i32 to index
      %get3A_204 = arith.constant 96 : index
      %get3A_205 = tpu.vector_load %arg10[%get3A_203, %get3A_204] {strides = array<i32>} : memref<16x1024xf32, #tpu.memory_space<vmem>>, vector<1x16xf32>,
      %get3A_206 = vector.shape_cast %get3A_205 : vector<1x16xf32> to vector<16xf32>
      %get3A_207 = arith.index_cast %scan3A_120 : i32 to index
      %get3A_208 = arith.constant 96 : index
      %get3A_209 = tpu.vector_load %arg12[%get3A_207, %get3A_208] {strides = array<i32>} : memref<16x1024xf32, #tpu.memory_space<vmem>>, vector<1x16xf32>,
      %get3A_210 = vector.shape_cast %get3A_209 : vector<1x16xf32> to vector<16xf32>
      %add3A_211 = arith.addf %get3A_206, %get3A_210 : vector<16xf32>
      %swap3A_212 = arith.index_cast %scan3A_120 : i32 to index
      %swap3A_213 = arith.constant 96 : index
      %swap3A_214 = tpu.vector_load %arg14[%swap3A_212, %swap3A_213] {strides = array<i32>} : memref<16x1024xf32, #tpu.memory_space<vmem>>, vector<1x16xf32>,
      %swap3A_215 = vector.shape_cast %swap3A_214 : vector<1x16xf32> to vector<16xf32>
      %swap3A_216 = vector.shape_cast %add3A_211 : vector<16xf32> to vector<1x16xf32>
      tpu.vector_store %arg14[%swap3A_212, %swap3A_213], %swap3A_216 {strides = array<i32>} : memref<16x1024xf32, #tpu.memory_space<vmem>>, vector<1x16xf32>,
      %get3A_217 = arith.index_cast %scan3A_120 : i32 to index
      %get3A_218 = arith.constant 112 : index
      %get3A_219 = tpu.vector_load %arg10[%get3A_217, %get3A_218] {strides = array<i32>} : memref<16x1024xf32, #tpu.memory_space<vmem>>, vector<1x16xf32>,
      %get3A_220 = vector.shape_cast %get3A_219 : vector<1x16xf32> to vector<16xf32>
      %get3A_221 = arith.index_cast %scan3A_120 : i32 to index
      %get3A_222 = arith.constant 112 : index
      %get3A_223 = tpu.vector_load %arg12[%get3A_221, %get3A_222] {strides = array<i32>} : memref<16x1024xf32, #tpu.memory_space<vmem>>, vector<1x16xf32>,
      %get3A_224 = vector.shape_cast %get3A_223 : vector<1x16xf32> to vector<16xf32>
      %add3A_225 = arith.addf %get3A_220, %get3A_224 : vector<16xf32>
      %swap3A_226 = arith.index_cast %scan3A_120 : i32 to index
      %swap3A_227 = arith.constant 112 : index
      %swap3A_228 = tpu.vector_load %arg14[%swap3A_226, %swap3A_227] {strides = array<i32>} : memref<16x1024xf32, #tpu.memory_space<vmem>>, vector<1x16xf32>,
      %swap3A_229 = vector.shape_cast %swap3A_228 : vector<1x16xf32> to vector<16xf32>
      %swap3A_230 = vector.shape_cast %add3A_225 : vector<16xf32> to vector<1x16xf32>
      tpu.vector_store %arg14[%swap3A_226, %swap3A_227], %swap3A_230 {strides = array<i32>} : memref<16x1024xf32, #tpu.memory_space<vmem>>, vector<1x16xf32>,
      %get3A_231 = arith.index_cast %scan3A_120 : i32 to index
      %get3A_232 = arith.constant 128 : index
      %get3A_233 = tpu.vector_load %arg10[%get3A_231, %get3A_232] {strides = array<i32>} : memref<16x1024xf32, #tpu.memory_space<vmem>>, vector<1x16xf32>,
      %get3A_234 = vector.shape_cast %get3A_233 : vector<1x16xf32> to vector<16xf32>
      %get3A_235 = arith.index_cast %scan3A_120 : i32 to index
      %get3A_236 = arith.constant 128 : index
      %get3A_237 = tpu.vector_load %arg12[%get3A_235, %get3A_236] {strides = array<i32>} : memref<16x1024xf32, #tpu.memory_space<vmem>>, vector<1x16xf32>,
      %get3A_238 = vector.shape_cast %get3A_237 : vector<1x16xf32> to vector<16xf32>
      %add3A_239 = arith.addf %get3A_234, %get3A_238 : vector<16xf32>
      %swap3A_240 = arith.index_cast %scan3A_120 : i32 to index
      %swap3A_241 = arith.constant 128 : index
      %swap3A_242 = tpu.vector_load %arg14[%swap3A_240, %swap3A_241] {strides = array<i32>} : memref<16x1024xf32, #tpu.memory_space<vmem>>, vector<1x16xf32>,
      %swap3A_243 = vector.shape_cast %swap3A_242 : vector<1x16xf32> to vector<16xf32>
      %swap3A_244 = vector.shape_cast %add3A_239 : vector<16xf32> to vector<1x16xf32>
      tpu.vector_store %arg14[%swap3A_240, %swap3A_241], %swap3A_244 {strides = array<i32>} : memref<16x1024xf32, #tpu.memory_space<vmem>>, vector<1x16xf32>,
      %get3A_245 = arith.index_cast %scan3A_120 : i32 to index
      %get3A_246 = arith.constant 144 : index
      %get3A_247 = tpu.vector_load %arg10[%get3A_245, %get3A_246] {strides = array<i32>} : memref<16x1024xf32, #tpu.memory_space<vmem>>, vector<1x16xf32>,
      %get3A_248 = vector.shape_cast %get3A_247 : vector<1x16xf32> to vector<16xf32>
      %get3A_249 = arith.index_cast %scan3A_120 : i32 to index
      %get3A_250 = arith.constant 144 : index
      %get3A_251 = tpu.vector_load %arg12[%get3A_249, %get3A_250] {strides = array<i32>} : memref<16x1024xf32, #tpu.memory_space<vmem>>, vector<1x16xf32>,
      %get3A_252 = vector.shape_cast %get3A_251 : vector<1x16xf32> to vector<16xf32>
      %add3A_253 = arith.addf %get3A_248, %get3A_252 : vector<16xf32>
      %swap3A_254 = arith.index_cast %scan3A_120 : i32 to index
      %swap3A_255 = arith.constant 144 : index
      %swap3A_256 = tpu.vector_load %arg14[%swap3A_254, %swap3A_255] {strides = array<i32>} : memref<16x1024xf32, #tpu.memory_space<vmem>>, vector<1x16xf32>,
      %swap3A_257 = vector.shape_cast %swap3A_256 : vector<1x16xf32> to vector<16xf32>
      %swap3A_258 = vector.shape_cast %add3A_253 : vector<16xf32> to vector<1x16xf32>
      tpu.vector_store %arg14[%swap3A_254, %swap3A_255], %swap3A_258 {strides = array<i32>} : memref<16x1024xf32, #tpu.memory_space<vmem>>, vector<1x16xf32>,
      %get3A_259 = arith.index_cast %scan3A_120 : i32 to index
      %get3A_260 = arith.constant 160 : index
      %get3A_261 = tpu.vector_load %arg10[%get3A_259, %get3A_260] {strides = array<i32>} : memref<16x1024xf32, #tpu.memory_space<vmem>>, vector<1x16xf32>,
      %get3A_262 = vector.shape_cast %get3A_261 : vector<1x16xf32> to vector<16xf32>
      %get3A_263 = arith.index_cast %scan3A_120 : i32 to index
      %get3A_264 = arith.constant 160 : index
      %get3A_265 = tpu.vector_load %arg12[%get3A_263, %get3A_264] {strides = array<i32>} : memref<16x1024xf32, #tpu.memory_space<vmem>>, vector<1x16xf32>,
      %get3A_266 = vector.shape_cast %get3A_265 : vector<1x16xf32> to vector<16xf32>
      %add3A_267 = arith.addf %get3A_262, %get3A_266 : vector<16xf32>
      %swap3A_268 = arith.index_cast %scan3A_120 : i32 to index
      %swap3A_269 = arith.constant 160 : index
      %swap3A_270 = tpu.vector_load %arg14[%swap3A_268, %swap3A_269] {strides = array<i32>} : memref<16x1024xf32, #tpu.memory_space<vmem>>, vector<1x16xf32>,
      %swap3A_271 = vector.shape_cast %swap3A_270 : vector<1x16xf32> to vector<16xf32>
      %swap3A_272 = vector.shape_cast %add3A_267 : vector<16xf32> to vector<1x16xf32>
      tpu.vector_store %arg14[%swap3A_268, %swap3A_269], %swap3A_272 {strides = array<i32>} : memref<16x1024xf32, #tpu.memory_space<vmem>>, vector<1x16xf32>,
      %get3A_273 = arith.index_cast %scan3A_120 : i32 to index
      %get3A_274 = arith.constant 176 : index
      %get3A_275 = tpu.vector_load %arg10[%get3A_273, %get3A_274] {strides = array<i32>} : memref<16x1024xf32, #tpu.memory_space<vmem>>, vector<1x16xf32>,
      %get3A_276 = vector.shape_cast %get3A_275 : vector<1x16xf32> to vector<16xf32>
      %get3A_277 = arith.index_cast %scan3A_120 : i32 to index
      %get3A_278 = arith.constant 176 : index
      %get3A_279 = tpu.vector_load %arg12[%get3A_277, %get3A_278] {strides = array<i32>} : memref<16x1024xf32, #tpu.memory_space<vmem>>, vector<1x16xf32>,
      %get3A_280 = vector.shape_cast %get3A_279 : vector<1x16xf32> to vector<16xf32>
      %add3A_281 = arith.addf %get3A_276, %get3A_280 : vector<16xf32>
      %swap3A_282 = arith.index_cast %scan3A_120 : i32 to index
      %swap3A_283 = arith.constant 176 : index
      %swap3A_284 = tpu.vector_load %arg14[%swap3A_282, %swap3A_283] {strides = array<i32>} : memref<16x1024xf32, #tpu.memory_space<vmem>>, vector<1x16xf32>,
      %swap3A_285 = vector.shape_cast %swap3A_284 : vector<1x16xf32> to vector<16xf32>
      %swap3A_286 = vector.shape_cast %add3A_281 : vector<16xf32> to vector<1x16xf32>
      tpu.vector_store %arg14[%swap3A_282, %swap3A_283], %swap3A_286 {strides = array<i32>} : memref<16x1024xf32, #tpu.memory_space<vmem>>, vector<1x16xf32>,
      %get3A_287 = arith.index_cast %scan3A_120 : i32 to index
      %get3A_288 = arith.constant 192 : index
      %get3A_289 = tpu.vector_load %arg10[%get3A_287, %get3A_288] {strides = array<i32>} : memref<16x1024xf32, #tpu.memory_space<vmem>>, vector<1x16xf32>,
      %get3A_290 = vector.shape_cast %get3A_289 : vector<1x16xf32> to vector<16xf32>
      %get3A_291 = arith.index_cast %scan3A_120 : i32 to index
      %get3A_292 = arith.constant 192 : index
      %get3A_293 = tpu.vector_load %arg12[%get3A_291, %get3A_292] {strides = array<i32>} : memref<16x1024xf32, #tpu.memory_space<vmem>>, vector<1x16xf32>,
      %get3A_294 = vector.shape_cast %get3A_293 : vector<1x16xf32> to vector<16xf32>
      %add3A_295 = arith.addf %get3A_290, %get3A_294 : vector<16xf32>
      %swap3A_296 = arith.index_cast %scan3A_120 : i32 to index
      %swap3A_297 = arith.constant 192 : index
      %swap3A_298 = tpu.vector_load %arg14[%swap3A_296, %swap3A_297] {strides = array<i32>} : memref<16x1024xf32, #tpu.memory_space<vmem>>, vector<1x16xf32>,
      %swap3A_299 = vector.shape_cast %swap3A_298 : vector<1x16xf32> to vector<16xf32>
      %swap3A_300 = vector.shape_cast %add3A_295 : vector<16xf32> to vector<1x16xf32>
      tpu.vector_store %arg14[%swap3A_296, %swap3A_297], %swap3A_300 {strides = array<i32>} : memref<16x1024xf32, #tpu.memory_space<vmem>>, vector<1x16xf32>,
      %get3A_301 = arith.index_cast %scan3A_120 : i32 to index
      %get3A_302 = arith.constant 208 : index
      %get3A_303 = tpu.vector_load %arg10[%get3A_301, %get3A_302] {strides = array<i32>} : memref<16x1024xf32, #tpu.memory_space<vmem>>, vector<1x16xf32>,
      %get3A_304 = vector.shape_cast %get3A_303 : vector<1x16xf32> to vector<16xf32>
      %get3A_305 = arith.index_cast %scan3A_120 : i32 to index
      %get3A_306 = arith.constant 208 : index
      %get3A_307 = tpu.vector_load %arg12[%get3A_305, %get3A_306] {strides = array<i32>} : memref<16x1024xf32, #tpu.memory_space<vmem>>, vector<1x16xf32>,
      %get3A_308 = vector.shape_cast %get3A_307 : vector<1x16xf32> to vector<16xf32>
      %add3A_309 = arith.addf %get3A_304, %get3A_308 : vector<16xf32>
      %swap3A_310 = arith.index_cast %scan3A_120 : i32 to index
      %swap3A_311 = arith.constant 208 : index
      %swap3A_312 = tpu.vector_load %arg14[%swap3A_310, %swap3A_311] {strides = array<i32>} : memref<16x1024xf32, #tpu.memory_space<vmem>>, vector<1x16xf32>,
      %swap3A_313 = vector.shape_cast %swap3A_312 : vector<1x16xf32> to vector<16xf32>
      %swap3A_314 = vector.shape_cast %add3A_309 : vector<16xf32> to vector<1x16xf32>
      tpu.vector_store %arg14[%swap3A_310, %swap3A_311], %swap3A_314 {strides = array<i32>} : memref<16x1024xf32, #tpu.memory_space<vmem>>, vector<1x16xf32>,
      %get3A_315 = arith.index_cast %scan3A_120 : i32 to index
      %get3A_316 = arith.constant 224 : index
      %get3A_317 = tpu.vector_load %arg10[%get3A_315, %get3A_316] {strides = array<i32>} : memref<16x1024xf32, #tpu.memory_space<vmem>>, vector<1x16xf32>,
      %get3A_318 = vector.shape_cast %get3A_317 : vector<1x16xf32> to vector<16xf32>
      %get3A_319 = arith.index_cast %scan3A_120 : i32 to index
      %get3A_320 = arith.constant 224 : index
      %get3A_321 = tpu.vector_load %arg12[%get3A_319, %get3A_320] {strides = array<i32>} : memref<16x1024xf32, #tpu.memory_space<vmem>>, vector<1x16xf32>,
      %get3A_322 = vector.shape_cast %get3A_321 : vector<1x16xf32> to vector<16xf32>
      %add3A_323 = arith.addf %get3A_318, %get3A_322 : vector<16xf32>
      %swap3A_324 = arith.index_cast %scan3A_120 : i32 to index
      %swap3A_325 = arith.constant 224 : index
      %swap3A_326 = tpu.vector_load %arg14[%swap3A_324, %swap3A_325] {strides = array<i32>} : memref<16x1024xf32, #tpu.memory_space<vmem>>, vector<1x16xf32>,
      %swap3A_327 = vector.shape_cast %swap3A_326 : vector<1x16xf32> to vector<16xf32>
      %swap3A_328 = vector.shape_cast %add3A_323 : vector<16xf32> to vector<1x16xf32>
      tpu.vector_store %arg14[%swap3A_324, %swap3A_325], %swap3A_328 {strides = array<i32>} : memref<16x1024xf32, #tpu.memory_space<vmem>>, vector<1x16xf32>,
      %get3A_329 = arith.index_cast %scan3A_120 : i32 to index
      %get3A_330 = arith.constant 240 : index
      %get3A_331 = tpu.vector_load %arg10[%get3A_329, %get3A_330] {strides = array<i32>} : memref<16x1024xf32, #tpu.memory_space<vmem>>, vector<1x16xf32>,
      %get3A_332 = vector.shape_cast %get3A_331 : vector<1x16xf32> to vector<16xf32>
      %get3A_333 = arith.index_cast %scan3A_120 : i32 to index
      %get3A_334 = arith.constant 240 : index
      %get3A_335 = tpu.vector_load %arg12[%get3A_333, %get3A_334] {strides = array<i32>} : memref<16x1024xf32, #tpu.memory_space<vmem>>, vector<1x16xf32>,
      %get3A_336 = vector.shape_cast %get3A_335 : vector<1x16xf32> to vector<16xf32>
      %add3A_337 = arith.addf %get3A_332, %get3A_336 : vector<16xf32>
      %swap3A_338 = arith.index_cast %scan3A_120 : i32 to index
      %swap3A_339 = arith.constant 240 : index
      %swap3A_340 = tpu.vector_load %arg14[%swap3A_338, %swap3A_339] {strides = array<i32>} : memref<16x1024xf32, #tpu.memory_space<vmem>>, vector<1x16xf32>,
      %swap3A_341 = vector.shape_cast %swap3A_340 : vector<1x16xf32> to vector<16xf32>
      %swap3A_342 = vector.shape_cast %add3A_337 : vector<16xf32> to vector<1x16xf32>
      tpu.vector_store %arg14[%swap3A_338, %swap3A_339], %swap3A_342 {strides = array<i32>} : memref<16x1024xf32, #tpu.memory_space<vmem>>, vector<1x16xf32>,
      %get3A_343 = arith.index_cast %scan3A_120 : i32 to index
      %get3A_344 = arith.constant 256 : index
      %get3A_345 = tpu.vector_load %arg10[%get3A_343, %get3A_344] {strides = array<i32>} : memref<16x1024xf32, #tpu.memory_space<vmem>>, vector<1x16xf32>,
      %get3A_346 = vector.shape_cast %get3A_345 : vector<1x16xf32> to vector<16xf32>
      %get3A_347 = arith.index_cast %scan3A_120 : i32 to index
      %get3A_348 = arith.constant 256 : index
      %get3A_349 = tpu.vector_load %arg12[%get3A_347, %get3A_348] {strides = array<i32>} : memref<16x1024xf32, #tpu.memory_space<vmem>>, vector<1x16xf32>,
      %get3A_350 = vector.shape_cast %get3A_349 : vector<1x16xf32> to vector<16xf32>
      %add3A_351 = arith.addf %get3A_346, %get3A_350 : vector<16xf32>
      %swap3A_352 = arith.index_cast %scan3A_120 : i32 to index
      %swap3A_353 = arith.constant 256 : index
      %swap3A_354 = tpu.vector_load %arg14[%swap3A_352, %swap3A_353] {strides = array<i32>} : memref<16x1024xf32, #tpu.memory_space<vmem>>, vector<1x16xf32>,
      %swap3A_355 = vector.shape_cast %swap3A_354 : vector<1x16xf32> to vector<16xf32>
      %swap3A_356 = vector.shape_cast %add3A_351 : vector<16xf32> to vector<1x16xf32>
      tpu.vector_store %arg14[%swap3A_352, %swap3A_353], %swap3A_356 {strides = array<i32>} : memref<16x1024xf32, #tpu.memory_space<vmem>>, vector<1x16xf32>,
      %get3A_357 = arith.index_cast %scan3A_120 : i32 to index
      %get3A_358 = arith.constant 272 : index
      %get3A_359 = tpu.vector_load %arg10[%get3A_357, %get3A_358] {strides = array<i32>} : memref<16x1024xf32, #tpu.memory_space<vmem>>, vector<1x16xf32>,
      %get3A_360 = vector.shape_cast %get3A_359 : vector<1x16xf32> to vector<16xf32>
      %get3A_361 = arith.index_cast %scan3A_120 : i32 to index
      %get3A_362 = arith.constant 272 : index
      %get3A_363 = tpu.vector_load %arg12[%get3A_361, %get3A_362] {strides = array<i32>} : memref<16x1024xf32, #tpu.memory_space<vmem>>, vector<1x16xf32>,
      %get3A_364 = vector.shape_cast %get3A_363 : vector<1x16xf32> to vector<16xf32>
      %add3A_365 = arith.addf %get3A_360, %get3A_364 : vector<16xf32>
      %swap3A_366 = arith.index_cast %scan3A_120 : i32 to index
      %swap3A_367 = arith.constant 272 : index
      %swap3A_368 = tpu.vector_load %arg14[%swap3A_366, %swap3A_367] {strides = array<i32>} : memref<16x1024xf32, #tpu.memory_space<vmem>>, vector<1x16xf32>,
      %swap3A_369 = vector.shape_cast %swap3A_368 : vector<1x16xf32> to vector<16xf32>
      %swap3A_370 = vector.shape_cast %add3A_365 : vector<16xf32> to vector<1x16xf32>
      tpu.vector_store %arg14[%swap3A_366, %swap3A_367], %swap3A_370 {strides = array<i32>} : memref<16x1024xf32, #tpu.memory_space<vmem>>, vector<1x16xf32>,
      %get3A_371 = arith.index_cast %scan3A_120 : i32 to index
      %get3A_372 = arith.constant 288 : index
      %get3A_373 = tpu.vector_load %arg10[%get3A_371, %get3A_372] {strides = array<i32>} : memref<16x1024xf32, #tpu.memory_space<vmem>>, vector<1x16xf32>,
      %get3A_374 = vector.shape_cast %get3A_373 : vector<1x16xf32> to vector<16xf32>
      %get3A_375 = arith.index_cast %scan3A_120 : i32 to index
      %get3A_376 = arith.constant 288 : index
      %get3A_377 = tpu.vector_load %arg12[%get3A_375, %get3A_376] {strides = array<i32>} : memref<16x1024xf32, #tpu.memory_space<vmem>>, vector<1x16xf32>,
      %get3A_378 = vector.shape_cast %get3A_377 : vector<1x16xf32> to vector<16xf32>
      %add3A_379 = arith.addf %get3A_374, %get3A_378 : vector<16xf32>
      %swap3A_380 = arith.index_cast %scan3A_120 : i32 to index
      %swap3A_381 = arith.constant 288 : index
      %swap3A_382 = tpu.vector_load %arg14[%swap3A_380, %swap3A_381] {strides = array<i32>} : memref<16x1024xf32, #tpu.memory_space<vmem>>, vector<1x16xf32>,
      %swap3A_383 = vector.shape_cast %swap3A_382 : vector<1x16xf32> to vector<16xf32>
      %swap3A_384 = vector.shape_cast %add3A_379 : vector<16xf32> to vector<1x16xf32>
      tpu.vector_store %arg14[%swap3A_380, %swap3A_381], %swap3A_384 {strides = array<i32>} : memref<16x1024xf32, #tpu.memory_space<vmem>>, vector<1x16xf32>,
      %get3A_385 = arith.index_cast %scan3A_120 : i32 to index
      %get3A_386 = arith.constant 304 : index
      %get3A_387 = tpu.vector_load %arg10[%get3A_385, %get3A_386] {strides = array<i32>} : memref<16x1024xf32, #tpu.memory_space<vmem>>, vector<1x16xf32>,
      %get3A_388 = vector.shape_cast %get3A_387 : vector<1x16xf32> to vector<16xf32>
      %get3A_389 = arith.index_cast %scan3A_120 : i32 to index
      %get3A_390 = arith.constant 304 : index
      %get3A_391 = tpu.vector_load %arg12[%get3A_389, %get3A_390] {strides = array<i32>} : memref<16x1024xf32, #tpu.memory_space<vmem>>, vector<1x16xf32>,
      %get3A_392 = vector.shape_cast %get3A_391 : vector<1x16xf32> to vector<16xf32>
      %add3A_393 = arith.addf %get3A_388, %get3A_392 : vector<16xf32>
      %swap3A_394 = arith.index_cast %scan3A_120 : i32 to index
      %swap3A_395 = arith.constant 304 : index
      %swap3A_396 = tpu.vector_load %arg14[%swap3A_394, %swap3A_395] {strides = array<i32>} : memref<16x1024xf32, #tpu.memory_space<vmem>>, vector<1x16xf32>,
      %swap3A_397 = vector.shape_cast %swap3A_396 : vector<1x16xf32> to vector<16xf32>
      %swap3A_398 = vector.shape_cast %add3A_393 : vector<16xf32> to vector<1x16xf32>
      tpu.vector_store %arg14[%swap3A_394, %swap3A_395], %swap3A_398 {strides = array<i32>} : memref<16x1024xf32, #tpu.memory_space<vmem>>, vector<1x16xf32>,
      %get3A_399 = arith.index_cast %scan3A_120 : i32 to index
      %get3A_400 = arith.constant 320 : index
      %get3A_401 = tpu.vector_load %arg10[%get3A_399, %get3A_400] {strides = array<i32>} : memref<16x1024xf32, #tpu.memory_space<vmem>>, vector<1x16xf32>,
      %get3A_402 = vector.shape_cast %get3A_401 : vector<1x16xf32> to vector<16xf32>
      %get3A_403 = arith.index_cast %scan3A_120 : i32 to index
      %get3A_404 = arith.constant 320 : index
      %get3A_405 = tpu.vector_load %arg12[%get3A_403, %get3A_404] {strides = array<i32>} : memref<16x1024xf32, #tpu.memory_space<vmem>>, vector<1x16xf32>,
      %get3A_406 = vector.shape_cast %get3A_405 : vector<1x16xf32> to vector<16xf32>
      %add3A_407 = arith.addf %get3A_402, %get3A_406 : vector<16xf32>
      %swap3A_408 = arith.index_cast %scan3A_120 : i32 to index
      %swap3A_409 = arith.constant 320 : index
      %swap3A_410 = tpu.vector_load %arg14[%swap3A_408, %swap3A_409] {strides = array<i32>} : memref<16x1024xf32, #tpu.memory_space<vmem>>, vector<1x16xf32>,
      %swap3A_411 = vector.shape_cast %swap3A_410 : vector<1x16xf32> to vector<16xf32>
      %swap3A_412 = vector.shape_cast %add3A_407 : vector<16xf32> to vector<1x16xf32>
      tpu.vector_store %arg14[%swap3A_408, %swap3A_409], %swap3A_412 {strides = array<i32>} : memref<16x1024xf32, #tpu.memory_space<vmem>>, vector<1x16xf32>,
      %get3A_413 = arith.index_cast %scan3A_120 : i32 to index
      %get3A_414 = arith.constant 336 : index
      %get3A_415 = tpu.vector_load %arg10[%get3A_413, %get3A_414] {strides = array<i32>} : memref<16x1024xf32, #tpu.memory_space<vmem>>, vector<1x16xf32>,
      %get3A_416 = vector.shape_cast %get3A_415 : vector<1x16xf32> to vector<16xf32>
      %get3A_417 = arith.index_cast %scan3A_120 : i32 to index
      %get3A_418 = arith.constant 336 : index
      %get3A_419 = tpu.vector_load %arg12[%get3A_417, %get3A_418] {strides = array<i32>} : memref<16x1024xf32, #tpu.memory_space<vmem>>, vector<1x16xf32>,
      %get3A_420 = vector.shape_cast %get3A_419 : vector<1x16xf32> to vector<16xf32>
      %add3A_421 = arith.addf %get3A_416, %get3A_420 : vector<16xf32>
      %swap3A_422 = arith.index_cast %scan3A_120 : i32 to index
      %swap3A_423 = arith.constant 336 : index
      %swap3A_424 = tpu.vector_load %arg14[%swap3A_422, %swap3A_423] {strides = array<i32>} : memref<16x1024xf32, #tpu.memory_space<vmem>>, vector<1x16xf32>,
      %swap3A_425 = vector.shape_cast %swap3A_424 : vector<1x16xf32> to vector<16xf32>
      %swap3A_426 = vector.shape_cast %add3A_421 : vector<16xf32> to vector<1x16xf32>
      tpu.vector_store %arg14[%swap3A_422, %swap3A_423], %swap3A_426 {strides = array<i32>} : memref<16x1024xf32, #tpu.memory_space<vmem>>, vector<1x16xf32>,
      %get3A_427 = arith.index_cast %scan3A_120 : i32 to index
      %get3A_428 = arith.constant 352 : index
      %get3A_429 = tpu.vector_load %arg10[%get3A_427, %get3A_428] {strides = array<i32>} : memref<16x1024xf32, #tpu.memory_space<vmem>>, vector<1x16xf32>,
      %get3A_430 = vector.shape_cast %get3A_429 : vector<1x16xf32> to vector<16xf32>
      %get3A_431 = arith.index_cast %scan3A_120 : i32 to index
      %get3A_432 = arith.constant 352 : index
      %get3A_433 = tpu.vector_load %arg12[%get3A_431, %get3A_432] {strides = array<i32>} : memref<16x1024xf32, #tpu.memory_space<vmem>>, vector<1x16xf32>,
      %get3A_434 = vector.shape_cast %get3A_433 : vector<1x16xf32> to vector<16xf32>
      %add3A_435 = arith.addf %get3A_430, %get3A_434 : vector<16xf32>
      %swap3A_436 = arith.index_cast %scan3A_120 : i32 to index
      %swap3A_437 = arith.constant 352 : index
      %swap3A_438 = tpu.vector_load %arg14[%swap3A_436, %swap3A_437] {strides = array<i32>} : memref<16x1024xf32, #tpu.memory_space<vmem>>, vector<1x16xf32>,
      %swap3A_439 = vector.shape_cast %swap3A_438 : vector<1x16xf32> to vector<16xf32>
      %swap3A_440 = vector.shape_cast %add3A_435 : vector<16xf32> to vector<1x16xf32>
      tpu.vector_store %arg14[%swap3A_436, %swap3A_437], %swap3A_440 {strides = array<i32>} : memref<16x1024xf32, #tpu.memory_space<vmem>>, vector<1x16xf32>,
      %get3A_441 = arith.index_cast %scan3A_120 : i32 to index
      %get3A_442 = arith.constant 368 : index
      %get3A_443 = tpu.vector_load %arg10[%get3A_441, %get3A_442] {strides = array<i32>} : memref<16x1024xf32, #tpu.memory_space<vmem>>, vector<1x16xf32>,
      %get3A_444 = vector.shape_cast %get3A_443 : vector<1x16xf32> to vector<16xf32>
      %get3A_445 = arith.index_cast %scan3A_120 : i32 to index
      %get3A_446 = arith.constant 368 : index
      %get3A_447 = tpu.vector_load %arg12[%get3A_445, %get3A_446] {strides = array<i32>} : memref<16x1024xf32, #tpu.memory_space<vmem>>, vector<1x16xf32>,
      %get3A_448 = vector.shape_cast %get3A_447 : vector<1x16xf32> to vector<16xf32>
      %add3A_449 = arith.addf %get3A_444, %get3A_448 : vector<16xf32>
      %swap3A_450 = arith.index_cast %scan3A_120 : i32 to index
      %swap3A_451 = arith.constant 368 : index
      %swap3A_452 = tpu.vector_load %arg14[%swap3A_450, %swap3A_451] {strides = array<i32>} : memref<16x1024xf32, #tpu.memory_space<vmem>>, vector<1x16xf32>,
      %swap3A_453 = vector.shape_cast %swap3A_452 : vector<1x16xf32> to vector<16xf32>
      %swap3A_454 = vector.shape_cast %add3A_449 : vector<16xf32> to vector<1x16xf32>
      tpu.vector_store %arg14[%swap3A_450, %swap3A_451], %swap3A_454 {strides = array<i32>} : memref<16x1024xf32, #tpu.memory_space<vmem>>, vector<1x16xf32>,
      %get3A_455 = arith.index_cast %scan3A_120 : i32 to index
      %get3A_456 = arith.constant 384 : index
      %get3A_457 = tpu.vector_load %arg10[%get3A_455, %get3A_456] {strides = array<i32>} : memref<16x1024xf32, #tpu.memory_space<vmem>>, vector<1x16xf32>,
      %get3A_458 = vector.shape_cast %get3A_457 : vector<1x16xf32> to vector<16xf32>
      %get3A_459 = arith.index_cast %scan3A_120 : i32 to index
      %get3A_460 = arith.constant 384 : index
      %get3A_461 = tpu.vector_load %arg12[%get3A_459, %get3A_460] {strides = array<i32>} : memref<16x1024xf32, #tpu.memory_space<vmem>>, vector<1x16xf32>,
      %get3A_462 = vector.shape_cast %get3A_461 : vector<1x16xf32> to vector<16xf32>
      %add3A_463 = arith.addf %get3A_458, %get3A_462 : vector<16xf32>
      %swap3A_464 = arith.index_cast %scan3A_120 : i32 to index
      %swap3A_465 = arith.constant 384 : index
      %swap3A_466 = tpu.vector_load %arg14[%swap3A_464, %swap3A_465] {strides = array<i32>} : memref<16x1024xf32, #tpu.memory_space<vmem>>, vector<1x16xf32>,
      %swap3A_467 = vector.shape_cast %swap3A_466 : vector<1x16xf32> to vector<16xf32>
      %swap3A_468 = vector.shape_cast %add3A_463 : vector<16xf32> to vector<1x16xf32>
      tpu.vector_store %arg14[%swap3A_464, %swap3A_465], %swap3A_468 {strides = array<i32>} : memref<16x1024xf32, #tpu.memory_space<vmem>>, vector<1x16xf32>,
      %get3A_469 = arith.index_cast %scan3A_120 : i32 to index
      %get3A_470 = arith.constant 400 : index
      %get3A_471 = tpu.vector_load %arg10[%get3A_469, %get3A_470] {strides = array<i32>} : memref<16x1024xf32, #tpu.memory_space<vmem>>, vector<1x16xf32>,
      %get3A_472 = vector.shape_cast %get3A_471 : vector<1x16xf32> to vector<16xf32>
      %get3A_473 = arith.index_cast %scan3A_120 : i32 to index
      %get3A_474 = arith.constant 400 : index
      %get3A_475 = tpu.vector_load %arg12[%get3A_473, %get3A_474] {strides = array<i32>} : memref<16x1024xf32, #tpu.memory_space<vmem>>, vector<1x16xf32>,
      %get3A_476 = vector.shape_cast %get3A_475 : vector<1x16xf32> to vector<16xf32>
      %add3A_477 = arith.addf %get3A_472, %get3A_476 : vector<16xf32>
      %swap3A_478 = arith.index_cast %scan3A_120 : i32 to index
      %swap3A_479 = arith.constant 400 : index
      %swap3A_480 = tpu.vector_load %arg14[%swap3A_478, %swap3A_479] {strides = array<i32>} : memref<16x1024xf32, #tpu.memory_space<vmem>>, vector<1x16xf32>,
      %swap3A_481 = vector.shape_cast %swap3A_480 : vector<1x16xf32> to vector<16xf32>
      %swap3A_482 = vector.shape_cast %add3A_477 : vector<16xf32> to vector<1x16xf32>
      tpu.vector_store %arg14[%swap3A_478, %swap3A_479], %swap3A_482 {strides = array<i32>} : memref<16x1024xf32, #tpu.memory_space<vmem>>, vector<1x16xf32>,
      %get3A_483 = arith.index_cast %scan3A_120 : i32 to index
      %get3A_484 = arith.constant 416 : index
      %get3A_485 = tpu.vector_load %arg10[%get3A_483, %get3A_484] {strides = array<i32>} : memref<16x1024xf32, #tpu.memory_space<vmem>>, vector<1x16xf32>,
      %get3A_486 = vector.shape_cast %get3A_485 : vector<1x16xf32> to vector<16xf32>
      %get3A_487 = arith.index_cast %scan3A_120 : i32 to index
      %get3A_488 = arith.constant 416 : index
      %get3A_489 = tpu.vector_load %arg12[%get3A_487, %get3A_488] {strides = array<i32>} : memref<16x1024xf32, #tpu.memory_space<vmem>>, vector<1x16xf32>,
      %get3A_490 = vector.shape_cast %get3A_489 : vector<1x16xf32> to vector<16xf32>
      %add3A_491 = arith.addf %get3A_486, %get3A_490 : vector<16xf32>
      %swap3A_492 = arith.index_cast %scan3A_120 : i32 to index
      %swap3A_493 = arith.constant 416 : index
      %swap3A_494 = tpu.vector_load %arg14[%swap3A_492, %swap3A_493] {strides = array<i32>} : memref<16x1024xf32, #tpu.memory_space<vmem>>, vector<1x16xf32>,
      %swap3A_495 = vector.shape_cast %swap3A_494 : vector<1x16xf32> to vector<16xf32>
      %swap3A_496 = vector.shape_cast %add3A_491 : vector<16xf32> to vector<1x16xf32>
      tpu.vector_store %arg14[%swap3A_492, %swap3A_493], %swap3A_496 {strides = array<i32>} : memref<16x1024xf32, #tpu.memory_space<vmem>>, vector<1x16xf32>,
      %get3A_497 = arith.index_cast %scan3A_120 : i32 to index
      %get3A_498 = arith.constant 432 : index
      %get3A_499 = tpu.vector_load %arg10[%get3A_497, %get3A_498] {strides = array<i32>} : memref<16x1024xf32, #tpu.memory_space<vmem>>, vector<1x16xf32>,
      %get3A_500 = vector.shape_cast %get3A_499 : vector<1x16xf32> to vector<16xf32>
      %get3A_501 = arith.index_cast %scan3A_120 : i32 to index
      %get3A_502 = arith.constant 432 : index
      %get3A_503 = tpu.vector_load %arg12[%get3A_501, %get3A_502] {strides = array<i32>} : memref<16x1024xf32, #tpu.memory_space<vmem>>, vector<1x16xf32>,
      %get3A_504 = vector.shape_cast %get3A_503 : vector<1x16xf32> to vector<16xf32>
      %add3A_505 = arith.addf %get3A_500, %get3A_504 : vector<16xf32>
      %swap3A_506 = arith.index_cast %scan3A_120 : i32 to index
      %swap3A_507 = arith.constant 432 : index
      %swap3A_508 = tpu.vector_load %arg14[%swap3A_506, %swap3A_507] {strides = array<i32>} : memref<16x1024xf32, #tpu.memory_space<vmem>>, vector<1x16xf32>,
      %swap3A_509 = vector.shape_cast %swap3A_508 : vector<1x16xf32> to vector<16xf32>
      %swap3A_510 = vector.shape_cast %add3A_505 : vector<16xf32> to vector<1x16xf32>
      tpu.vector_store %arg14[%swap3A_506, %swap3A_507], %swap3A_510 {strides = array<i32>} : memref<16x1024xf32, #tpu.memory_space<vmem>>, vector<1x16xf32>,
      %get3A_511 = arith.index_cast %scan3A_120 : i32 to index
      %get3A_512 = arith.constant 448 : index
      %get3A_513 = tpu.vector_load %arg10[%get3A_511, %get3A_512] {strides = array<i32>} : memref<16x1024xf32, #tpu.memory_space<vmem>>, vector<1x16xf32>,
      %get3A_514 = vector.shape_cast %get3A_513 : vector<1x16xf32> to vector<16xf32>
      %get3A_515 = arith.index_cast %scan3A_120 : i32 to index
      %get3A_516 = arith.constant 448 : index
      %get3A_517 = tpu.vector_load %arg12[%get3A_515, %get3A_516] {strides = array<i32>} : memref<16x1024xf32, #tpu.memory_space<vmem>>, vector<1x16xf32>,
      %get3A_518 = vector.shape_cast %get3A_517 : vector<1x16xf32> to vector<16xf32>
      %add3A_519 = arith.addf %get3A_514, %get3A_518 : vector<16xf32>
      %swap3A_520 = arith.index_cast %scan3A_120 : i32 to index
      %swap3A_521 = arith.constant 448 : index
      %swap3A_522 = tpu.vector_load %arg14[%swap3A_520, %swap3A_521] {strides = array<i32>} : memref<16x1024xf32, #tpu.memory_space<vmem>>, vector<1x16xf32>,
      %swap3A_523 = vector.shape_cast %swap3A_522 : vector<1x16xf32> to vector<16xf32>
      %swap3A_524 = vector.shape_cast %add3A_519 : vector<16xf32> to vector<1x16xf32>
      tpu.vector_store %arg14[%swap3A_520, %swap3A_521], %swap3A_524 {strides = array<i32>} : memref<16x1024xf32, #tpu.memory_space<vmem>>, vector<1x16xf32>,
      %get3A_525 = arith.index_cast %scan3A_120 : i32 to index
      %get3A_526 = arith.constant 464 : index
      %get3A_527 = tpu.vector_load %arg10[%get3A_525, %get3A_526] {strides = array<i32>} : memref<16x1024xf32, #tpu.memory_space<vmem>>, vector<1x16xf32>,
      %get3A_528 = vector.shape_cast %get3A_527 : vector<1x16xf32> to vector<16xf32>
      %get3A_529 = arith.index_cast %scan3A_120 : i32 to index
      %get3A_530 = arith.constant 464 : index
      %get3A_531 = tpu.vector_load %arg12[%get3A_529, %get3A_530] {strides = array<i32>} : memref<16x1024xf32, #tpu.memory_space<vmem>>, vector<1x16xf32>,
      %get3A_532 = vector.shape_cast %get3A_531 : vector<1x16xf32> to vector<16xf32>
      %add3A_533 = arith.addf %get3A_528, %get3A_532 : vector<16xf32>
      %swap3A_534 = arith.index_cast %scan3A_120 : i32 to index
      %swap3A_535 = arith.constant 464 : index
      %swap3A_536 = tpu.vector_load %arg14[%swap3A_534, %swap3A_535] {strides = array<i32>} : memref<16x1024xf32, #tpu.memory_space<vmem>>, vector<1x16xf32>,
      %swap3A_537 = vector.shape_cast %swap3A_536 : vector<1x16xf32> to vector<16xf32>
      %swap3A_538 = vector.shape_cast %add3A_533 : vector<16xf32> to vector<1x16xf32>
      tpu.vector_store %arg14[%swap3A_534, %swap3A_535], %swap3A_538 {strides = array<i32>} : memref<16x1024xf32, #tpu.memory_space<vmem>>, vector<1x16xf32>,
      %get3A_539 = arith.index_cast %scan3A_120 : i32 to index
      %get3A_540 = arith.constant 480 : index
      %get3A_541 = tpu.vector_load %arg10[%get3A_539, %get3A_540] {strides = array<i32>} : memref<16x1024xf32, #tpu.memory_space<vmem>>, vector<1x16xf32>,
      %get3A_542 = vector.shape_cast %get3A_541 : vector<1x16xf32> to vector<16xf32>
      %get3A_543 = arith.index_cast %scan3A_120 : i32 to index
      %get3A_544 = arith.constant 480 : index
      %get3A_545 = tpu.vector_load %arg12[%get3A_543, %get3A_544] {strides = array<i32>} : memref<16x1024xf32, #tpu.memory_space<vmem>>, vector<1x16xf32>,
      %get3A_546 = vector.shape_cast %get3A_545 : vector<1x16xf32> to vector<16xf32>
      %add3A_547 = arith.addf %get3A_542, %get3A_546 : vector<16xf32>
      %swap3A_548 = arith.index_cast %scan3A_120 : i32 to index
      %swap3A_549 = arith.constant 480 : index
      %swap3A_550 = tpu.vector_load %arg14[%swap3A_548, %swap3A_549] {strides = array<i32>} : memref<16x1024xf32, #tpu.memory_space<vmem>>, vector<1x16xf32>,
      %swap3A_551 = vector.shape_cast %swap3A_550 : vector<1x16xf32> to vector<16xf32>
      %swap3A_552 = vector.shape_cast %add3A_547 : vector<16xf32> to vector<1x16xf32>
      tpu.vector_store %arg14[%swap3A_548, %swap3A_549], %swap3A_552 {strides = array<i32>} : memref<16x1024xf32, #tpu.memory_space<vmem>>, vector<1x16xf32>,
      %get3A_553 = arith.index_cast %scan3A_120 : i32 to index
      %get3A_554 = arith.constant 496 : index
      %get3A_555 = tpu.vector_load %arg10[%get3A_553, %get3A_554] {strides = array<i32>} : memref<16x1024xf32, #tpu.memory_space<vmem>>, vector<1x16xf32>,
      %get3A_556 = vector.shape_cast %get3A_555 : vector<1x16xf32> to vector<16xf32>
      %get3A_557 = arith.index_cast %scan3A_120 : i32 to index
      %get3A_558 = arith.constant 496 : index
      %get3A_559 = tpu.vector_load %arg12[%get3A_557, %get3A_558] {strides = array<i32>} : memref<16x1024xf32, #tpu.memory_space<vmem>>, vector<1x16xf32>,
      %get3A_560 = vector.shape_cast %get3A_559 : vector<1x16xf32> to vector<16xf32>
      %add3A_561 = arith.addf %get3A_556, %get3A_560 : vector<16xf32>
      %swap3A_562 = arith.index_cast %scan3A_120 : i32 to index
      %swap3A_563 = arith.constant 496 : index
      %swap3A_564 = tpu.vector_load %arg14[%swap3A_562, %swap3A_563] {strides = array<i32>} : memref<16x1024xf32, #tpu.memory_space<vmem>>, vector<1x16xf32>,
      %swap3A_565 = vector.shape_cast %swap3A_564 : vector<1x16xf32> to vector<16xf32>
      %swap3A_566 = vector.shape_cast %add3A_561 : vector<16xf32> to vector<1x16xf32>
      tpu.vector_store %arg14[%swap3A_562, %swap3A_563], %swap3A_566 {strides = array<i32>} : memref<16x1024xf32, #tpu.memory_space<vmem>>, vector<1x16xf32>,
      %get3A_567 = arith.index_cast %scan3A_120 : i32 to index
      %get3A_568 = arith.constant 512 : index
      %get3A_569 = tpu.vector_load %arg10[%get3A_567, %get3A_568] {strides = array<i32>} : memref<16x1024xf32, #tpu.memory_space<vmem>>, vector<1x16xf32>,
      %get3A_570 = vector.shape_cast %get3A_569 : vector<1x16xf32> to vector<16xf32>
      %get3A_571 = arith.index_cast %scan3A_120 : i32 to index
      %get3A_572 = arith.constant 512 : index
      %get3A_573 = tpu.vector_load %arg12[%get3A_571, %get3A_572] {strides = array<i32>} : memref<16x1024xf32, #tpu.memory_space<vmem>>, vector<1x16xf32>,
      %get3A_574 = vector.shape_cast %get3A_573 : vector<1x16xf32> to vector<16xf32>
      %add3A_575 = arith.addf %get3A_570, %get3A_574 : vector<16xf32>
      %swap3A_576 = arith.index_cast %scan3A_120 : i32 to index
      %swap3A_577 = arith.constant 512 : index
      %swap3A_578 = tpu.vector_load %arg14[%swap3A_576, %swap3A_577] {strides = array<i32>} : memref<16x1024xf32, #tpu.memory_space<vmem>>, vector<1x16xf32>,
      %swap3A_579 = vector.shape_cast %swap3A_578 : vector<1x16xf32> to vector<16xf32>
      %swap3A_580 = vector.shape_cast %add3A_575 : vector<16xf32> to vector<1x16xf32>
      tpu.vector_store %arg14[%swap3A_576, %swap3A_577], %swap3A_580 {strides = array<i32>} : memref<16x1024xf32, #tpu.memory_space<vmem>>, vector<1x16xf32>,
      %get3A_581 = arith.index_cast %scan3A_120 : i32 to index
      %get3A_582 = arith.constant 528 : index
      %get3A_583 = tpu.vector_load %arg10[%get3A_581, %get3A_582] {strides = array<i32>} : memref<16x1024xf32, #tpu.memory_space<vmem>>, vector<1x16xf32>,
      %get3A_584 = vector.shape_cast %get3A_583 : vector<1x16xf32> to vector<16xf32>
      %get3A_585 = arith.index_cast %scan3A_120 : i32 to index
      %get3A_586 = arith.constant 528 : index
      %get3A_587 = tpu.vector_load %arg12[%get3A_585, %get3A_586] {strides = array<i32>} : memref<16x1024xf32, #tpu.memory_space<vmem>>, vector<1x16xf32>,
      %get3A_588 = vector.shape_cast %get3A_587 : vector<1x16xf32> to vector<16xf32>
      %add3A_589 = arith.addf %get3A_584, %get3A_588 : vector<16xf32>
      %swap3A_590 = arith.index_cast %scan3A_120 : i32 to index
      %swap3A_591 = arith.constant 528 : index
      %swap3A_592 = tpu.vector_load %arg14[%swap3A_590, %swap3A_591] {strides = array<i32>} : memref<16x1024xf32, #tpu.memory_space<vmem>>, vector<1x16xf32>,
      %swap3A_593 = vector.shape_cast %swap3A_592 : vector<1x16xf32> to vector<16xf32>
      %swap3A_594 = vector.shape_cast %add3A_589 : vector<16xf32> to vector<1x16xf32>
      tpu.vector_store %arg14[%swap3A_590, %swap3A_591], %swap3A_594 {strides = array<i32>} : memref<16x1024xf32, #tpu.memory_space<vmem>>, vector<1x16xf32>,
      %get3A_595 = arith.index_cast %scan3A_120 : i32 to index
      %get3A_596 = arith.constant 544 : index
      %get3A_597 = tpu.vector_load %arg10[%get3A_595, %get3A_596] {strides = array<i32>} : memref<16x1024xf32, #tpu.memory_space<vmem>>, vector<1x16xf32>,
      %get3A_598 = vector.shape_cast %get3A_597 : vector<1x16xf32> to vector<16xf32>
      %get3A_599 = arith.index_cast %scan3A_120 : i32 to index
      %get3A_600 = arith.constant 544 : index
      %get3A_601 = tpu.vector_load %arg12[%get3A_599, %get3A_600] {strides = array<i32>} : memref<16x1024xf32, #tpu.memory_space<vmem>>, vector<1x16xf32>,
      %get3A_602 = vector.shape_cast %get3A_601 : vector<1x16xf32> to vector<16xf32>
      %add3A_603 = arith.addf %get3A_598, %get3A_602 : vector<16xf32>
      %swap3A_604 = arith.index_cast %scan3A_120 : i32 to index
      %swap3A_605 = arith.constant 544 : index
      %swap3A_606 = tpu.vector_load %arg14[%swap3A_604, %swap3A_605] {strides = array<i32>} : memref<16x1024xf32, #tpu.memory_space<vmem>>, vector<1x16xf32>,
      %swap3A_607 = vector.shape_cast %swap3A_606 : vector<1x16xf32> to vector<16xf32>
      %swap3A_608 = vector.shape_cast %add3A_603 : vector<16xf32> to vector<1x16xf32>
      tpu.vector_store %arg14[%swap3A_604, %swap3A_605], %swap3A_608 {strides = array<i32>} : memref<16x1024xf32, #tpu.memory_space<vmem>>, vector<1x16xf32>,
      %get3A_609 = arith.index_cast %scan3A_120 : i32 to index
      %get3A_610 = arith.constant 560 : index
      %get3A_611 = tpu.vector_load %arg10[%get3A_609, %get3A_610] {strides = array<i32>} : memref<16x1024xf32, #tpu.memory_space<vmem>>, vector<1x16xf32>,
      %get3A_612 = vector.shape_cast %get3A_611 : vector<1x16xf32> to vector<16xf32>
      %get3A_613 = arith.index_cast %scan3A_120 : i32 to index
      %get3A_614 = arith.constant 560 : index
      %get3A_615 = tpu.vector_load %arg12[%get3A_613, %get3A_614] {strides = array<i32>} : memref<16x1024xf32, #tpu.memory_space<vmem>>, vector<1x16xf32>,
      %get3A_616 = vector.shape_cast %get3A_615 : vector<1x16xf32> to vector<16xf32>
      %add3A_617 = arith.addf %get3A_612, %get3A_616 : vector<16xf32>
      %swap3A_618 = arith.index_cast %scan3A_120 : i32 to index
      %swap3A_619 = arith.constant 560 : index
      %swap3A_620 = tpu.vector_load %arg14[%swap3A_618, %swap3A_619] {strides = array<i32>} : memref<16x1024xf32, #tpu.memory_space<vmem>>, vector<1x16xf32>,
      %swap3A_621 = vector.shape_cast %swap3A_620 : vector<1x16xf32> to vector<16xf32>
      %swap3A_622 = vector.shape_cast %add3A_617 : vector<16xf32> to vector<1x16xf32>
      tpu.vector_store %arg14[%swap3A_618, %swap3A_619], %swap3A_622 {strides = array<i32>} : memref<16x1024xf32, #tpu.memory_space<vmem>>, vector<1x16xf32>,
      %get3A_623 = arith.index_cast %scan3A_120 : i32 to index
      %get3A_624 = arith.constant 576 : index
      %get3A_625 = tpu.vector_load %arg10[%get3A_623, %get3A_624] {strides = array<i32>} : memref<16x1024xf32, #tpu.memory_space<vmem>>, vector<1x16xf32>,
      %get3A_626 = vector.shape_cast %get3A_625 : vector<1x16xf32> to vector<16xf32>
      %get3A_627 = arith.index_cast %scan3A_120 : i32 to index
      %get3A_628 = arith.constant 576 : index
      %get3A_629 = tpu.vector_load %arg12[%get3A_627, %get3A_628] {strides = array<i32>} : memref<16x1024xf32, #tpu.memory_space<vmem>>, vector<1x16xf32>,
      %get3A_630 = vector.shape_cast %get3A_629 : vector<1x16xf32> to vector<16xf32>
      %add3A_631 = arith.addf %get3A_626, %get3A_630 : vector<16xf32>
      %swap3A_632 = arith.index_cast %scan3A_120 : i32 to index
      %swap3A_633 = arith.constant 576 : index
      %swap3A_634 = tpu.vector_load %arg14[%swap3A_632, %swap3A_633] {strides = array<i32>} : memref<16x1024xf32, #tpu.memory_space<vmem>>, vector<1x16xf32>,
      %swap3A_635 = vector.shape_cast %swap3A_634 : vector<1x16xf32> to vector<16xf32>
      %swap3A_636 = vector.shape_cast %add3A_631 : vector<16xf32> to vector<1x16xf32>
      tpu.vector_store %arg14[%swap3A_632, %swap3A_633], %swap3A_636 {strides = array<i32>} : memref<16x1024xf32, #tpu.memory_space<vmem>>, vector<1x16xf32>,
      %get3A_637 = arith.index_cast %scan3A_120 : i32 to index
      %get3A_638 = arith.constant 592 : index
      %get3A_639 = tpu.vector_load %arg10[%get3A_637, %get3A_638] {strides = array<i32>} : memref<16x1024xf32, #tpu.memory_space<vmem>>, vector<1x16xf32>,
      %get3A_640 = vector.shape_cast %get3A_639 : vector<1x16xf32> to vector<16xf32>
      %get3A_641 = arith.index_cast %scan3A_120 : i32 to index
      %get3A_642 = arith.constant 592 : index
      %get3A_643 = tpu.vector_load %arg12[%get3A_641, %get3A_642] {strides = array<i32>} : memref<16x1024xf32, #tpu.memory_space<vmem>>, vector<1x16xf32>,
      %get3A_644 = vector.shape_cast %get3A_643 : vector<1x16xf32> to vector<16xf32>
      %add3A_645 = arith.addf %get3A_640, %get3A_644 : vector<16xf32>
      %swap3A_646 = arith.index_cast %scan3A_120 : i32 to index
      %swap3A_647 = arith.constant 592 : index
      %swap3A_648 = tpu.vector_load %arg14[%swap3A_646, %swap3A_647] {strides = array<i32>} : memref<16x1024xf32, #tpu.memory_space<vmem>>, vector<1x16xf32>,
      %swap3A_649 = vector.shape_cast %swap3A_648 : vector<1x16xf32> to vector<16xf32>
      %swap3A_650 = vector.shape_cast %add3A_645 : vector<16xf32> to vector<1x16xf32>
      tpu.vector_store %arg14[%swap3A_646, %swap3A_647], %swap3A_650 {strides = array<i32>} : memref<16x1024xf32, #tpu.memory_space<vmem>>, vector<1x16xf32>,
      %get3A_651 = arith.index_cast %scan3A_120 : i32 to index
      %get3A_652 = arith.constant 608 : index
      %get3A_653 = tpu.vector_load %arg10[%get3A_651, %get3A_652] {strides = array<i32>} : memref<16x1024xf32, #tpu.memory_space<vmem>>, vector<1x16xf32>,
      %get3A_654 = vector.shape_cast %get3A_653 : vector<1x16xf32> to vector<16xf32>
      %get3A_655 = arith.index_cast %scan3A_120 : i32 to index
      %get3A_656 = arith.constant 608 : index
      %get3A_657 = tpu.vector_load %arg12[%get3A_655, %get3A_656] {strides = array<i32>} : memref<16x1024xf32, #tpu.memory_space<vmem>>, vector<1x16xf32>,
      %get3A_658 = vector.shape_cast %get3A_657 : vector<1x16xf32> to vector<16xf32>
      %add3A_659 = arith.addf %get3A_654, %get3A_658 : vector<16xf32>
      %swap3A_660 = arith.index_cast %scan3A_120 : i32 to index
      %swap3A_661 = arith.constant 608 : index
      %swap3A_662 = tpu.vector_load %arg14[%swap3A_660, %swap3A_661] {strides = array<i32>} : memref<16x1024xf32, #tpu.memory_space<vmem>>, vector<1x16xf32>,
      %swap3A_663 = vector.shape_cast %swap3A_662 : vector<1x16xf32> to vector<16xf32>
      %swap3A_664 = vector.shape_cast %add3A_659 : vector<16xf32> to vector<1x16xf32>
      tpu.vector_store %arg14[%swap3A_660, %swap3A_661], %swap3A_664 {strides = array<i32>} : memref<16x1024xf32, #tpu.memory_space<vmem>>, vector<1x16xf32>,
      %get3A_665 = arith.index_cast %scan3A_120 : i32 to index
      %get3A_666 = arith.constant 624 : index
      %get3A_667 = tpu.vector_load %arg10[%get3A_665, %get3A_666] {strides = array<i32>} : memref<16x1024xf32, #tpu.memory_space<vmem>>, vector<1x16xf32>,
      %get3A_668 = vector.shape_cast %get3A_667 : vector<1x16xf32> to vector<16xf32>
      %get3A_669 = arith.index_cast %scan3A_120 : i32 to index
      %get3A_670 = arith.constant 624 : index
      %get3A_671 = tpu.vector_load %arg12[%get3A_669, %get3A_670] {strides = array<i32>} : memref<16x1024xf32, #tpu.memory_space<vmem>>, vector<1x16xf32>,
      %get3A_672 = vector.shape_cast %get3A_671 : vector<1x16xf32> to vector<16xf32>
      %add3A_673 = arith.addf %get3A_668, %get3A_672 : vector<16xf32>
      %swap3A_674 = arith.index_cast %scan3A_120 : i32 to index
      %swap3A_675 = arith.constant 624 : index
      %swap3A_676 = tpu.vector_load %arg14[%swap3A_674, %swap3A_675] {strides = array<i32>} : memref<16x1024xf32, #tpu.memory_space<vmem>>, vector<1x16xf32>,
      %swap3A_677 = vector.shape_cast %swap3A_676 : vector<1x16xf32> to vector<16xf32>
      %swap3A_678 = vector.shape_cast %add3A_673 : vector<16xf32> to vector<1x16xf32>
      tpu.vector_store %arg14[%swap3A_674, %swap3A_675], %swap3A_678 {strides = array<i32>} : memref<16x1024xf32, #tpu.memory_space<vmem>>, vector<1x16xf32>,
      %get3A_679 = arith.index_cast %scan3A_120 : i32 to index
      %get3A_680 = arith.constant 640 : index
      %get3A_681 = tpu.vector_load %arg10[%get3A_679, %get3A_680] {strides = array<i32>} : memref<16x1024xf32, #tpu.memory_space<vmem>>, vector<1x16xf32>,
      %get3A_682 = vector.shape_cast %get3A_681 : vector<1x16xf32> to vector<16xf32>
      %get3A_683 = arith.index_cast %scan3A_120 : i32 to index
      %get3A_684 = arith.constant 640 : index
      %get3A_685 = tpu.vector_load %arg12[%get3A_683, %get3A_684] {strides = array<i32>} : memref<16x1024xf32, #tpu.memory_space<vmem>>, vector<1x16xf32>,
      %get3A_686 = vector.shape_cast %get3A_685 : vector<1x16xf32> to vector<16xf32>
      %add3A_687 = arith.addf %get3A_682, %get3A_686 : vector<16xf32>
      %swap3A_688 = arith.index_cast %scan3A_120 : i32 to index
      %swap3A_689 = arith.constant 640 : index
      %swap3A_690 = tpu.vector_load %arg14[%swap3A_688, %swap3A_689] {strides = array<i32>} : memref<16x1024xf32, #tpu.memory_space<vmem>>, vector<1x16xf32>,
      %swap3A_691 = vector.shape_cast %swap3A_690 : vector<1x16xf32> to vector<16xf32>
      %swap3A_692 = vector.shape_cast %add3A_687 : vector<16xf32> to vector<1x16xf32>
      tpu.vector_store %arg14[%swap3A_688, %swap3A_689], %swap3A_692 {strides = array<i32>} : memref<16x1024xf32, #tpu.memory_space<vmem>>, vector<1x16xf32>,
      %get3A_693 = arith.index_cast %scan3A_120 : i32 to index
      %get3A_694 = arith.constant 656 : index
      %get3A_695 = tpu.vector_load %arg10[%get3A_693, %get3A_694] {strides = array<i32>} : memref<16x1024xf32, #tpu.memory_space<vmem>>, vector<1x16xf32>,
      %get3A_696 = vector.shape_cast %get3A_695 : vector<1x16xf32> to vector<16xf32>
      %get3A_697 = arith.index_cast %scan3A_120 : i32 to index
      %get3A_698 = arith.constant 656 : index
      %get3A_699 = tpu.vector_load %arg12[%get3A_697, %get3A_698] {strides = array<i32>} : memref<16x1024xf32, #tpu.memory_space<vmem>>, vector<1x16xf32>,
      %get3A_700 = vector.shape_cast %get3A_699 : vector<1x16xf32> to vector<16xf32>
      %add3A_701 = arith.addf %get3A_696, %get3A_700 : vector<16xf32>
      %swap3A_702 = arith.index_cast %scan3A_120 : i32 to index
      %swap3A_703 = arith.constant 656 : index
      %swap3A_704 = tpu.vector_load %arg14[%swap3A_702, %swap3A_703] {strides = array<i32>} : memref<16x1024xf32, #tpu.memory_space<vmem>>, vector<1x16xf32>,
      %swap3A_705 = vector.shape_cast %swap3A_704 : vector<1x16xf32> to vector<16xf32>
      %swap3A_706 = vector.shape_cast %add3A_701 : vector<16xf32> to vector<1x16xf32>
      tpu.vector_store %arg14[%swap3A_702, %swap3A_703], %swap3A_706 {strides = array<i32>} : memref<16x1024xf32, #tpu.memory_space<vmem>>, vector<1x16xf32>,
      %get3A_707 = arith.index_cast %scan3A_120 : i32 to index
      %get3A_708 = arith.constant 672 : index
      %get3A_709 = tpu.vector_load %arg10[%get3A_707, %get3A_708] {strides = array<i32>} : memref<16x1024xf32, #tpu.memory_space<vmem>>, vector<1x16xf32>,
      %get3A_710 = vector.shape_cast %get3A_709 : vector<1x16xf32> to vector<16xf32>
      %get3A_711 = arith.index_cast %scan3A_120 : i32 to index
      %get3A_712 = arith.constant 672 : index
      %get3A_713 = tpu.vector_load %arg12[%get3A_711, %get3A_712] {strides = array<i32>} : memref<16x1024xf32, #tpu.memory_space<vmem>>, vector<1x16xf32>,
      %get3A_714 = vector.shape_cast %get3A_713 : vector<1x16xf32> to vector<16xf32>
      %add3A_715 = arith.addf %get3A_710, %get3A_714 : vector<16xf32>
      %swap3A_716 = arith.index_cast %scan3A_120 : i32 to index
      %swap3A_717 = arith.constant 672 : index
      %swap3A_718 = tpu.vector_load %arg14[%swap3A_716, %swap3A_717] {strides = array<i32>} : memref<16x1024xf32, #tpu.memory_space<vmem>>, vector<1x16xf32>,
      %swap3A_719 = vector.shape_cast %swap3A_718 : vector<1x16xf32> to vector<16xf32>
      %swap3A_720 = vector.shape_cast %add3A_715 : vector<16xf32> to vector<1x16xf32>
      tpu.vector_store %arg14[%swap3A_716, %swap3A_717], %swap3A_720 {strides = array<i32>} : memref<16x1024xf32, #tpu.memory_space<vmem>>, vector<1x16xf32>,
      %get3A_721 = arith.index_cast %scan3A_120 : i32 to index
      %get3A_722 = arith.constant 688 : index
      %get3A_723 = tpu.vector_load %arg10[%get3A_721, %get3A_722] {strides = array<i32>} : memref<16x1024xf32, #tpu.memory_space<vmem>>, vector<1x16xf32>,
      %get3A_724 = vector.shape_cast %get3A_723 : vector<1x16xf32> to vector<16xf32>
      %get3A_725 = arith.index_cast %scan3A_120 : i32 to index
      %get3A_726 = arith.constant 688 : index
      %get3A_727 = tpu.vector_load %arg12[%get3A_725, %get3A_726] {strides = array<i32>} : memref<16x1024xf32, #tpu.memory_space<vmem>>, vector<1x16xf32>,
      %get3A_728 = vector.shape_cast %get3A_727 : vector<1x16xf32> to vector<16xf32>
      %add3A_729 = arith.addf %get3A_724, %get3A_728 : vector<16xf32>
      %swap3A_730 = arith.index_cast %scan3A_120 : i32 to index
      %swap3A_731 = arith.constant 688 : index
      %swap3A_732 = tpu.vector_load %arg14[%swap3A_730, %swap3A_731] {strides = array<i32>} : memref<16x1024xf32, #tpu.memory_space<vmem>>, vector<1x16xf32>,
      %swap3A_733 = vector.shape_cast %swap3A_732 : vector<1x16xf32> to vector<16xf32>
      %swap3A_734 = vector.shape_cast %add3A_729 : vector<16xf32> to vector<1x16xf32>
      tpu.vector_store %arg14[%swap3A_730, %swap3A_731], %swap3A_734 {strides = array<i32>} : memref<16x1024xf32, #tpu.memory_space<vmem>>, vector<1x16xf32>,
      %get3A_735 = arith.index_cast %scan3A_120 : i32 to index
      %get3A_736 = arith.constant 704 : index
      %get3A_737 = tpu.vector_load %arg10[%get3A_735, %get3A_736] {strides = array<i32>} : memref<16x1024xf32, #tpu.memory_space<vmem>>, vector<1x16xf32>,
      %get3A_738 = vector.shape_cast %get3A_737 : vector<1x16xf32> to vector<16xf32>
      %get3A_739 = arith.index_cast %scan3A_120 : i32 to index
      %get3A_740 = arith.constant 704 : index
      %get3A_741 = tpu.vector_load %arg12[%get3A_739, %get3A_740] {strides = array<i32>} : memref<16x1024xf32, #tpu.memory_space<vmem>>, vector<1x16xf32>,
      %get3A_742 = vector.shape_cast %get3A_741 : vector<1x16xf32> to vector<16xf32>
      %add3A_743 = arith.addf %get3A_738, %get3A_742 : vector<16xf32>
      %swap3A_744 = arith.index_cast %scan3A_120 : i32 to index
      %swap3A_745 = arith.constant 704 : index
      %swap3A_746 = tpu.vector_load %arg14[%swap3A_744, %swap3A_745] {strides = array<i32>} : memref<16x1024xf32, #tpu.memory_space<vmem>>, vector<1x16xf32>,
      %swap3A_747 = vector.shape_cast %swap3A_746 : vector<1x16xf32> to vector<16xf32>
      %swap3A_748 = vector.shape_cast %add3A_743 : vector<16xf32> to vector<1x16xf32>
      tpu.vector_store %arg14[%swap3A_744, %swap3A_745], %swap3A_748 {strides = array<i32>} : memref<16x1024xf32, #tpu.memory_space<vmem>>, vector<1x16xf32>,
      %get3A_749 = arith.index_cast %scan3A_120 : i32 to index
      %get3A_750 = arith.constant 720 : index
      %get3A_751 = tpu.vector_load %arg10[%get3A_749, %get3A_750] {strides = array<i32>} : memref<16x1024xf32, #tpu.memory_space<vmem>>, vector<1x16xf32>,
      %get3A_752 = vector.shape_cast %get3A_751 : vector<1x16xf32> to vector<16xf32>
      %get3A_753 = arith.index_cast %scan3A_120 : i32 to index
      %get3A_754 = arith.constant 720 : index
      %get3A_755 = tpu.vector_load %arg12[%get3A_753, %get3A_754] {strides = array<i32>} : memref<16x1024xf32, #tpu.memory_space<vmem>>, vector<1x16xf32>,
      %get3A_756 = vector.shape_cast %get3A_755 : vector<1x16xf32> to vector<16xf32>
      %add3A_757 = arith.addf %get3A_752, %get3A_756 : vector<16xf32>
      %swap3A_758 = arith.index_cast %scan3A_120 : i32 to index
      %swap3A_759 = arith.constant 720 : index
      %swap3A_760 = tpu.vector_load %arg14[%swap3A_758, %swap3A_759] {strides = array<i32>} : memref<16x1024xf32, #tpu.memory_space<vmem>>, vector<1x16xf32>,
      %swap3A_761 = vector.shape_cast %swap3A_760 : vector<1x16xf32> to vector<16xf32>
      %swap3A_762 = vector.shape_cast %add3A_757 : vector<16xf32> to vector<1x16xf32>
      tpu.vector_store %arg14[%swap3A_758, %swap3A_759], %swap3A_762 {strides = array<i32>} : memref<16x1024xf32, #tpu.memory_space<vmem>>, vector<1x16xf32>,
      %get3A_763 = arith.index_cast %scan3A_120 : i32 to index
      %get3A_764 = arith.constant 736 : index
      %get3A_765 = tpu.vector_load %arg10[%get3A_763, %get3A_764] {strides = array<i32>} : memref<16x1024xf32, #tpu.memory_space<vmem>>, vector<1x16xf32>,
      %get3A_766 = vector.shape_cast %get3A_765 : vector<1x16xf32> to vector<16xf32>
      %get3A_767 = arith.index_cast %scan3A_120 : i32 to index
      %get3A_768 = arith.constant 736 : index
      %get3A_769 = tpu.vector_load %arg12[%get3A_767, %get3A_768] {strides = array<i32>} : memref<16x1024xf32, #tpu.memory_space<vmem>>, vector<1x16xf32>,
      %get3A_770 = vector.shape_cast %get3A_769 : vector<1x16xf32> to vector<16xf32>
      %add3A_771 = arith.addf %get3A_766, %get3A_770 : vector<16xf32>
      %swap3A_772 = arith.index_cast %scan3A_120 : i32 to index
      %swap3A_773 = arith.constant 736 : index
      %swap3A_774 = tpu.vector_load %arg14[%swap3A_772, %swap3A_773] {strides = array<i32>} : memref<16x1024xf32, #tpu.memory_space<vmem>>, vector<1x16xf32>,
      %swap3A_775 = vector.shape_cast %swap3A_774 : vector<1x16xf32> to vector<16xf32>
      %swap3A_776 = vector.shape_cast %add3A_771 : vector<16xf32> to vector<1x16xf32>
      tpu.vector_store %arg14[%swap3A_772, %swap3A_773], %swap3A_776 {strides = array<i32>} : memref<16x1024xf32, #tpu.memory_space<vmem>>, vector<1x16xf32>,
      %get3A_777 = arith.index_cast %scan3A_120 : i32 to index
      %get3A_778 = arith.constant 752 : index
      %get3A_779 = tpu.vector_load %arg10[%get3A_777, %get3A_778] {strides = array<i32>} : memref<16x1024xf32, #tpu.memory_space<vmem>>, vector<1x16xf32>,
      %get3A_780 = vector.shape_cast %get3A_779 : vector<1x16xf32> to vector<16xf32>
      %get3A_781 = arith.index_cast %scan3A_120 : i32 to index
      %get3A_782 = arith.constant 752 : index
      %get3A_783 = tpu.vector_load %arg12[%get3A_781, %get3A_782] {strides = array<i32>} : memref<16x1024xf32, #tpu.memory_space<vmem>>, vector<1x16xf32>,
      %get3A_784 = vector.shape_cast %get3A_783 : vector<1x16xf32> to vector<16xf32>
      %add3A_785 = arith.addf %get3A_780, %get3A_784 : vector<16xf32>
      %swap3A_786 = arith.index_cast %scan3A_120 : i32 to index
      %swap3A_787 = arith.constant 752 : index
      %swap3A_788 = tpu.vector_load %arg14[%swap3A_786, %swap3A_787] {strides = array<i32>} : memref<16x1024xf32, #tpu.memory_space<vmem>>, vector<1x16xf32>,
      %swap3A_789 = vector.shape_cast %swap3A_788 : vector<1x16xf32> to vector<16xf32>
      %swap3A_790 = vector.shape_cast %add3A_785 : vector<16xf32> to vector<1x16xf32>
      tpu.vector_store %arg14[%swap3A_786, %swap3A_787], %swap3A_790 {strides = array<i32>} : memref<16x1024xf32, #tpu.memory_space<vmem>>, vector<1x16xf32>,
      %get3A_791 = arith.index_cast %scan3A_120 : i32 to index
      %get3A_792 = arith.constant 768 : index
      %get3A_793 = tpu.vector_load %arg10[%get3A_791, %get3A_792] {strides = array<i32>} : memref<16x1024xf32, #tpu.memory_space<vmem>>, vector<1x16xf32>,
      %get3A_794 = vector.shape_cast %get3A_793 : vector<1x16xf32> to vector<16xf32>
      %get3A_795 = arith.index_cast %scan3A_120 : i32 to index
      %get3A_796 = arith.constant 768 : index
      %get3A_797 = tpu.vector_load %arg12[%get3A_795, %get3A_796] {strides = array<i32>} : memref<16x1024xf32, #tpu.memory_space<vmem>>, vector<1x16xf32>,
      %get3A_798 = vector.shape_cast %get3A_797 : vector<1x16xf32> to vector<16xf32>
      %add3A_799 = arith.addf %get3A_794, %get3A_798 : vector<16xf32>
      %swap3A_800 = arith.index_cast %scan3A_120 : i32 to index
      %swap3A_801 = arith.constant 768 : index
      %swap3A_802 = tpu.vector_load %arg14[%swap3A_800, %swap3A_801] {strides = array<i32>} : memref<16x1024xf32, #tpu.memory_space<vmem>>, vector<1x16xf32>,
      %swap3A_803 = vector.shape_cast %swap3A_802 : vector<1x16xf32> to vector<16xf32>
      %swap3A_804 = vector.shape_cast %add3A_799 : vector<16xf32> to vector<1x16xf32>
      tpu.vector_store %arg14[%swap3A_800, %swap3A_801], %swap3A_804 {strides = array<i32>} : memref<16x1024xf32, #tpu.memory_space<vmem>>, vector<1x16xf32>,
      %get3A_805 = arith.index_cast %scan3A_120 : i32 to index
      %get3A_806 = arith.constant 784 : index
      %get3A_807 = tpu.vector_load %arg10[%get3A_805, %get3A_806] {strides = array<i32>} : memref<16x1024xf32, #tpu.memory_space<vmem>>, vector<1x16xf32>,
      %get3A_808 = vector.shape_cast %get3A_807 : vector<1x16xf32> to vector<16xf32>
      %get3A_809 = arith.index_cast %scan3A_120 : i32 to index
      %get3A_810 = arith.constant 784 : index
      %get3A_811 = tpu.vector_load %arg12[%get3A_809, %get3A_810] {strides = array<i32>} : memref<16x1024xf32, #tpu.memory_space<vmem>>, vector<1x16xf32>,
      %get3A_812 = vector.shape_cast %get3A_811 : vector<1x16xf32> to vector<16xf32>
      %add3A_813 = arith.addf %get3A_808, %get3A_812 : vector<16xf32>
      %swap3A_814 = arith.index_cast %scan3A_120 : i32 to index
      %swap3A_815 = arith.constant 784 : index
      %swap3A_816 = tpu.vector_load %arg14[%swap3A_814, %swap3A_815] {strides = array<i32>} : memref<16x1024xf32, #tpu.memory_space<vmem>>, vector<1x16xf32>,
      %swap3A_817 = vector.shape_cast %swap3A_816 : vector<1x16xf32> to vector<16xf32>
      %swap3A_818 = vector.shape_cast %add3A_813 : vector<16xf32> to vector<1x16xf32>
      tpu.vector_store %arg14[%swap3A_814, %swap3A_815], %swap3A_818 {strides = array<i32>} : memref<16x1024xf32, #tpu.memory_space<vmem>>, vector<1x16xf32>,
      %get3A_819 = arith.index_cast %scan3A_120 : i32 to index
      %get3A_820 = arith.constant 800 : index
      %get3A_821 = tpu.vector_load %arg10[%get3A_819, %get3A_820] {strides = array<i32>} : memref<16x1024xf32, #tpu.memory_space<vmem>>, vector<1x16xf32>,
      %get3A_822 = vector.shape_cast %get3A_821 : vector<1x16xf32> to vector<16xf32>
      %get3A_823 = arith.index_cast %scan3A_120 : i32 to index
      %get3A_824 = arith.constant 800 : index
      %get3A_825 = tpu.vector_load %arg12[%get3A_823, %get3A_824] {strides = array<i32>} : memref<16x1024xf32, #tpu.memory_space<vmem>>, vector<1x16xf32>,
      %get3A_826 = vector.shape_cast %get3A_825 : vector<1x16xf32> to vector<16xf32>
      %add3A_827 = arith.addf %get3A_822, %get3A_826 : vector<16xf32>
      %swap3A_828 = arith.index_cast %scan3A_120 : i32 to index
      %swap3A_829 = arith.constant 800 : index
      %swap3A_830 = tpu.vector_load %arg14[%swap3A_828, %swap3A_829] {strides = array<i32>} : memref<16x1024xf32, #tpu.memory_space<vmem>>, vector<1x16xf32>,
      %swap3A_831 = vector.shape_cast %swap3A_830 : vector<1x16xf32> to vector<16xf32>
      %swap3A_832 = vector.shape_cast %add3A_827 : vector<16xf32> to vector<1x16xf32>
      tpu.vector_store %arg14[%swap3A_828, %swap3A_829], %swap3A_832 {strides = array<i32>} : memref<16x1024xf32, #tpu.memory_space<vmem>>, vector<1x16xf32>,
      %get3A_833 = arith.index_cast %scan3A_120 : i32 to index
      %get3A_834 = arith.constant 816 : index
      %get3A_835 = tpu.vector_load %arg10[%get3A_833, %get3A_834] {strides = array<i32>} : memref<16x1024xf32, #tpu.memory_space<vmem>>, vector<1x16xf32>,
      %get3A_836 = vector.shape_cast %get3A_835 : vector<1x16xf32> to vector<16xf32>
      %get3A_837 = arith.index_cast %scan3A_120 : i32 to index
      %get3A_838 = arith.constant 816 : index
      %get3A_839 = tpu.vector_load %arg12[%get3A_837, %get3A_838] {strides = array<i32>} : memref<16x1024xf32, #tpu.memory_space<vmem>>, vector<1x16xf32>,
      %get3A_840 = vector.shape_cast %get3A_839 : vector<1x16xf32> to vector<16xf32>
      %add3A_841 = arith.addf %get3A_836, %get3A_840 : vector<16xf32>
      %swap3A_842 = arith.index_cast %scan3A_120 : i32 to index
      %swap3A_843 = arith.constant 816 : index
      %swap3A_844 = tpu.vector_load %arg14[%swap3A_842, %swap3A_843] {strides = array<i32>} : memref<16x1024xf32, #tpu.memory_space<vmem>>, vector<1x16xf32>,
      %swap3A_845 = vector.shape_cast %swap3A_844 : vector<1x16xf32> to vector<16xf32>
      %swap3A_846 = vector.shape_cast %add3A_841 : vector<16xf32> to vector<1x16xf32>
      tpu.vector_store %arg14[%swap3A_842, %swap3A_843], %swap3A_846 {strides = array<i32>} : memref<16x1024xf32, #tpu.memory_space<vmem>>, vector<1x16xf32>,
      %get3A_847 = arith.index_cast %scan3A_120 : i32 to index
      %get3A_848 = arith.constant 832 : index
      %get3A_849 = tpu.vector_load %arg10[%get3A_847, %get3A_848] {strides = array<i32>} : memref<16x1024xf32, #tpu.memory_space<vmem>>, vector<1x16xf32>,
      %get3A_850 = vector.shape_cast %get3A_849 : vector<1x16xf32> to vector<16xf32>
      %get3A_851 = arith.index_cast %scan3A_120 : i32 to index
      %get3A_852 = arith.constant 832 : index
      %get3A_853 = tpu.vector_load %arg12[%get3A_851, %get3A_852] {strides = array<i32>} : memref<16x1024xf32, #tpu.memory_space<vmem>>, vector<1x16xf32>,
      %get3A_854 = vector.shape_cast %get3A_853 : vector<1x16xf32> to vector<16xf32>
      %add3A_855 = arith.addf %get3A_850, %get3A_854 : vector<16xf32>
      %swap3A_856 = arith.index_cast %scan3A_120 : i32 to index
      %swap3A_857 = arith.constant 832 : index
      %swap3A_858 = tpu.vector_load %arg14[%swap3A_856, %swap3A_857] {strides = array<i32>} : memref<16x1024xf32, #tpu.memory_space<vmem>>, vector<1x16xf32>,
      %swap3A_859 = vector.shape_cast %swap3A_858 : vector<1x16xf32> to vector<16xf32>
      %swap3A_860 = vector.shape_cast %add3A_855 : vector<16xf32> to vector<1x16xf32>
      tpu.vector_store %arg14[%swap3A_856, %swap3A_857], %swap3A_860 {strides = array<i32>} : memref<16x1024xf32, #tpu.memory_space<vmem>>, vector<1x16xf32>,
      %get3A_861 = arith.index_cast %scan3A_120 : i32 to index
      %get3A_862 = arith.constant 848 : index
      %get3A_863 = tpu.vector_load %arg10[%get3A_861, %get3A_862] {strides = array<i32>} : memref<16x1024xf32, #tpu.memory_space<vmem>>, vector<1x16xf32>,
      %get3A_864 = vector.shape_cast %get3A_863 : vector<1x16xf32> to vector<16xf32>
      %get3A_865 = arith.index_cast %scan3A_120 : i32 to index
      %get3A_866 = arith.constant 848 : index
      %get3A_867 = tpu.vector_load %arg12[%get3A_865, %get3A_866] {strides = array<i32>} : memref<16x1024xf32, #tpu.memory_space<vmem>>, vector<1x16xf32>,
      %get3A_868 = vector.shape_cast %get3A_867 : vector<1x16xf32> to vector<16xf32>
      %add3A_869 = arith.addf %get3A_864, %get3A_868 : vector<16xf32>
      %swap3A_870 = arith.index_cast %scan3A_120 : i32 to index
      %swap3A_871 = arith.constant 848 : index
      %swap3A_872 = tpu.vector_load %arg14[%swap3A_870, %swap3A_871] {strides = array<i32>} : memref<16x1024xf32, #tpu.memory_space<vmem>>, vector<1x16xf32>,
      %swap3A_873 = vector.shape_cast %swap3A_872 : vector<1x16xf32> to vector<16xf32>
      %swap3A_874 = vector.shape_cast %add3A_869 : vector<16xf32> to vector<1x16xf32>
      tpu.vector_store %arg14[%swap3A_870, %swap3A_871], %swap3A_874 {strides = array<i32>} : memref<16x1024xf32, #tpu.memory_space<vmem>>, vector<1x16xf32>,
      %get3A_875 = arith.index_cast %scan3A_120 : i32 to index
      %get3A_876 = arith.constant 864 : index
      %get3A_877 = tpu.vector_load %arg10[%get3A_875, %get3A_876] {strides = array<i32>} : memref<16x1024xf32, #tpu.memory_space<vmem>>, vector<1x16xf32>,
      %get3A_878 = vector.shape_cast %get3A_877 : vector<1x16xf32> to vector<16xf32>
      %get3A_879 = arith.index_cast %scan3A_120 : i32 to index
      %get3A_880 = arith.constant 864 : index
      %get3A_881 = tpu.vector_load %arg12[%get3A_879, %get3A_880] {strides = array<i32>} : memref<16x1024xf32, #tpu.memory_space<vmem>>, vector<1x16xf32>,
      %get3A_882 = vector.shape_cast %get3A_881 : vector<1x16xf32> to vector<16xf32>
      %add3A_883 = arith.addf %get3A_878, %get3A_882 : vector<16xf32>
      %swap3A_884 = arith.index_cast %scan3A_120 : i32 to index
      %swap3A_885 = arith.constant 864 : index
      %swap3A_886 = tpu.vector_load %arg14[%swap3A_884, %swap3A_885] {strides = array<i32>} : memref<16x1024xf32, #tpu.memory_space<vmem>>, vector<1x16xf32>,
      %swap3A_887 = vector.shape_cast %swap3A_886 : vector<1x16xf32> to vector<16xf32>
      %swap3A_888 = vector.shape_cast %add3A_883 : vector<16xf32> to vector<1x16xf32>
      tpu.vector_store %arg14[%swap3A_884, %swap3A_885], %swap3A_888 {strides = array<i32>} : memref<16x1024xf32, #tpu.memory_space<vmem>>, vector<1x16xf32>,
      %get3A_889 = arith.index_cast %scan3A_120 : i32 to index
      %get3A_890 = arith.constant 880 : index
      %get3A_891 = tpu.vector_load %arg10[%get3A_889, %get3A_890] {strides = array<i32>} : memref<16x1024xf32, #tpu.memory_space<vmem>>, vector<1x16xf32>,
      %get3A_892 = vector.shape_cast %get3A_891 : vector<1x16xf32> to vector<16xf32>
      %get3A_893 = arith.index_cast %scan3A_120 : i32 to index
      %get3A_894 = arith.constant 880 : index
      %get3A_895 = tpu.vector_load %arg12[%get3A_893, %get3A_894] {strides = array<i32>} : memref<16x1024xf32, #tpu.memory_space<vmem>>, vector<1x16xf32>,
      %get3A_896 = vector.shape_cast %get3A_895 : vector<1x16xf32> to vector<16xf32>
      %add3A_897 = arith.addf %get3A_892, %get3A_896 : vector<16xf32>
      %swap3A_898 = arith.index_cast %scan3A_120 : i32 to index
      %swap3A_899 = arith.constant 880 : index
      %swap3A_900 = tpu.vector_load %arg14[%swap3A_898, %swap3A_899] {strides = array<i32>} : memref<16x1024xf32, #tpu.memory_space<vmem>>, vector<1x16xf32>,
      %swap3A_901 = vector.shape_cast %swap3A_900 : vector<1x16xf32> to vector<16xf32>
      %swap3A_902 = vector.shape_cast %add3A_897 : vector<16xf32> to vector<1x16xf32>
      tpu.vector_store %arg14[%swap3A_898, %swap3A_899], %swap3A_902 {strides = array<i32>} : memref<16x1024xf32, #tpu.memory_space<vmem>>, vector<1x16xf32>,
      %get3A_903 = arith.index_cast %scan3A_120 : i32 to index
      %get3A_904 = arith.constant 896 : index
      %get3A_905 = tpu.vector_load %arg10[%get3A_903, %get3A_904] {strides = array<i32>} : memref<16x1024xf32, #tpu.memory_space<vmem>>, vector<1x16xf32>,
      %get3A_906 = vector.shape_cast %get3A_905 : vector<1x16xf32> to vector<16xf32>
      %get3A_907 = arith.index_cast %scan3A_120 : i32 to index
      %get3A_908 = arith.constant 896 : index
      %get3A_909 = tpu.vector_load %arg12[%get3A_907, %get3A_908] {strides = array<i32>} : memref<16x1024xf32, #tpu.memory_space<vmem>>, vector<1x16xf32>,
      %get3A_910 = vector.shape_cast %get3A_909 : vector<1x16xf32> to vector<16xf32>
      %add3A_911 = arith.addf %get3A_906, %get3A_910 : vector<16xf32>
      %swap3A_912 = arith.index_cast %scan3A_120 : i32 to index
      %swap3A_913 = arith.constant 896 : index
      %swap3A_914 = tpu.vector_load %arg14[%swap3A_912, %swap3A_913] {strides = array<i32>} : memref<16x1024xf32, #tpu.memory_space<vmem>>, vector<1x16xf32>,
      %swap3A_915 = vector.shape_cast %swap3A_914 : vector<1x16xf32> to vector<16xf32>
      %swap3A_916 = vector.shape_cast %add3A_911 : vector<16xf32> to vector<1x16xf32>
      tpu.vector_store %arg14[%swap3A_912, %swap3A_913], %swap3A_916 {strides = array<i32>} : memref<16x1024xf32, #tpu.memory_space<vmem>>, vector<1x16xf32>,
      %get3A_917 = arith.index_cast %scan3A_120 : i32 to index
      %get3A_918 = arith.constant 912 : index
      %get3A_919 = tpu.vector_load %arg10[%get3A_917, %get3A_918] {strides = array<i32>} : memref<16x1024xf32, #tpu.memory_space<vmem>>, vector<1x16xf32>,
      %get3A_920 = vector.shape_cast %get3A_919 : vector<1x16xf32> to vector<16xf32>
      %get3A_921 = arith.index_cast %scan3A_120 : i32 to index
      %get3A_922 = arith.constant 912 : index
      %get3A_923 = tpu.vector_load %arg12[%get3A_921, %get3A_922] {strides = array<i32>} : memref<16x1024xf32, #tpu.memory_space<vmem>>, vector<1x16xf32>,
      %get3A_924 = vector.shape_cast %get3A_923 : vector<1x16xf32> to vector<16xf32>
      %add3A_925 = arith.addf %get3A_920, %get3A_924 : vector<16xf32>
      %swap3A_926 = arith.index_cast %scan3A_120 : i32 to index
      %swap3A_927 = arith.constant 912 : index
      %swap3A_928 = tpu.vector_load %arg14[%swap3A_926, %swap3A_927] {strides = array<i32>} : memref<16x1024xf32, #tpu.memory_space<vmem>>, vector<1x16xf32>,
      %swap3A_929 = vector.shape_cast %swap3A_928 : vector<1x16xf32> to vector<16xf32>
      %swap3A_930 = vector.shape_cast %add3A_925 : vector<16xf32> to vector<1x16xf32>
      tpu.vector_store %arg14[%swap3A_926, %swap3A_927], %swap3A_930 {strides = array<i32>} : memref<16x1024xf32, #tpu.memory_space<vmem>>, vector<1x16xf32>,
      %get3A_931 = arith.index_cast %scan3A_120 : i32 to index
      %get3A_932 = arith.constant 928 : index
      %get3A_933 = tpu.vector_load %arg10[%get3A_931, %get3A_932] {strides = array<i32>} : memref<16x1024xf32, #tpu.memory_space<vmem>>, vector<1x16xf32>,
      %get3A_934 = vector.shape_cast %get3A_933 : vector<1x16xf32> to vector<16xf32>
      %get3A_935 = arith.index_cast %scan3A_120 : i32 to index
      %get3A_936 = arith.constant 928 : index
      %get3A_937 = tpu.vector_load %arg12[%get3A_935, %get3A_936] {strides = array<i32>} : memref<16x1024xf32, #tpu.memory_space<vmem>>, vector<1x16xf32>,
      %get3A_938 = vector.shape_cast %get3A_937 : vector<1x16xf32> to vector<16xf32>
      %add3A_939 = arith.addf %get3A_934, %get3A_938 : vector<16xf32>
      %swap3A_940 = arith.index_cast %scan3A_120 : i32 to index
      %swap3A_941 = arith.constant 928 : index
      %swap3A_942 = tpu.vector_load %arg14[%swap3A_940, %swap3A_941] {strides = array<i32>} : memref<16x1024xf32, #tpu.memory_space<vmem>>, vector<1x16xf32>,
      %swap3A_943 = vector.shape_cast %swap3A_942 : vector<1x16xf32> to vector<16xf32>
      %swap3A_944 = vector.shape_cast %add3A_939 : vector<16xf32> to vector<1x16xf32>
      tpu.vector_store %arg14[%swap3A_940, %swap3A_941], %swap3A_944 {strides = array<i32>} : memref<16x1024xf32, #tpu.memory_space<vmem>>, vector<1x16xf32>,
      %get3A_945 = arith.index_cast %scan3A_120 : i32 to index
      %get3A_946 = arith.constant 944 : index
      %get3A_947 = tpu.vector_load %arg10[%get3A_945, %get3A_946] {strides = array<i32>} : memref<16x1024xf32, #tpu.memory_space<vmem>>, vector<1x16xf32>,
      %get3A_948 = vector.shape_cast %get3A_947 : vector<1x16xf32> to vector<16xf32>
      %get3A_949 = arith.index_cast %scan3A_120 : i32 to index
      %get3A_950 = arith.constant 944 : index
      %get3A_951 = tpu.vector_load %arg12[%get3A_949, %get3A_950] {strides = array<i32>} : memref<16x1024xf32, #tpu.memory_space<vmem>>, vector<1x16xf32>,
      %get3A_952 = vector.shape_cast %get3A_951 : vector<1x16xf32> to vector<16xf32>
      %add3A_953 = arith.addf %get3A_948, %get3A_952 : vector<16xf32>
      %swap3A_954 = arith.index_cast %scan3A_120 : i32 to index
      %swap3A_955 = arith.constant 944 : index
      %swap3A_956 = tpu.vector_load %arg14[%swap3A_954, %swap3A_955] {strides = array<i32>} : memref<16x1024xf32, #tpu.memory_space<vmem>>, vector<1x16xf32>,
      %swap3A_957 = vector.shape_cast %swap3A_956 : vector<1x16xf32> to vector<16xf32>
      %swap3A_958 = vector.shape_cast %add3A_953 : vector<16xf32> to vector<1x16xf32>
      tpu.vector_store %arg14[%swap3A_954, %swap3A_955], %swap3A_958 {strides = array<i32>} : memref<16x1024xf32, #tpu.memory_space<vmem>>, vector<1x16xf32>,
      %get3A_959 = arith.index_cast %scan3A_120 : i32 to index
      %get3A_960 = arith.constant 960 : index
      %get3A_961 = tpu.vector_load %arg10[%get3A_959, %get3A_960] {strides = array<i32>} : memref<16x1024xf32, #tpu.memory_space<vmem>>, vector<1x16xf32>,
      %get3A_962 = vector.shape_cast %get3A_961 : vector<1x16xf32> to vector<16xf32>
      %get3A_963 = arith.index_cast %scan3A_120 : i32 to index
      %get3A_964 = arith.constant 960 : index
      %get3A_965 = tpu.vector_load %arg12[%get3A_963, %get3A_964] {strides = array<i32>} : memref<16x1024xf32, #tpu.memory_space<vmem>>, vector<1x16xf32>,
      %get3A_966 = vector.shape_cast %get3A_965 : vector<1x16xf32> to vector<16xf32>
      %add3A_967 = arith.addf %get3A_962, %get3A_966 : vector<16xf32>
      %swap3A_968 = arith.index_cast %scan3A_120 : i32 to index
      %swap3A_969 = arith.constant 960 : index
      %swap3A_970 = tpu.vector_load %arg14[%swap3A_968, %swap3A_969] {strides = array<i32>} : memref<16x1024xf32, #tpu.memory_space<vmem>>, vector<1x16xf32>,
      %swap3A_971 = vector.shape_cast %swap3A_970 : vector<1x16xf32> to vector<16xf32>
      %swap3A_972 = vector.shape_cast %add3A_967 : vector<16xf32> to vector<1x16xf32>
      tpu.vector_store %arg14[%swap3A_968, %swap3A_969], %swap3A_972 {strides = array<i32>} : memref<16x1024xf32, #tpu.memory_space<vmem>>, vector<1x16xf32>,
      %get3A_973 = arith.index_cast %scan3A_120 : i32 to index
      %get3A_974 = arith.constant 976 : index
      %get3A_975 = tpu.vector_load %arg10[%get3A_973, %get3A_974] {strides = array<i32>} : memref<16x1024xf32, #tpu.memory_space<vmem>>, vector<1x16xf32>,
      %get3A_976 = vector.shape_cast %get3A_975 : vector<1x16xf32> to vector<16xf32>
      %get3A_977 = arith.index_cast %scan3A_120 : i32 to index
      %get3A_978 = arith.constant 976 : index
      %get3A_979 = tpu.vector_load %arg12[%get3A_977, %get3A_978] {strides = array<i32>} : memref<16x1024xf32, #tpu.memory_space<vmem>>, vector<1x16xf32>,
      %get3A_980 = vector.shape_cast %get3A_979 : vector<1x16xf32> to vector<16xf32>
      %add3A_981 = arith.addf %get3A_976, %get3A_980 : vector<16xf32>
      %swap3A_982 = arith.index_cast %scan3A_120 : i32 to index
      %swap3A_983 = arith.constant 976 : index
      %swap3A_984 = tpu.vector_load %arg14[%swap3A_982, %swap3A_983] {strides = array<i32>} : memref<16x1024xf32, #tpu.memory_space<vmem>>, vector<1x16xf32>,
      %swap3A_985 = vector.shape_cast %swap3A_984 : vector<1x16xf32> to vector<16xf32>
      %swap3A_986 = vector.shape_cast %add3A_981 : vector<16xf32> to vector<1x16xf32>
      tpu.vector_store %arg14[%swap3A_982, %swap3A_983], %swap3A_986 {strides = array<i32>} : memref<16x1024xf32, #tpu.memory_space<vmem>>, vector<1x16xf32>,
      %get3A_987 = arith.index_cast %scan3A_120 : i32 to index
      %get3A_988 = arith.constant 992 : index
      %get3A_989 = tpu.vector_load %arg10[%get3A_987, %get3A_988] {strides = array<i32>} : memref<16x1024xf32, #tpu.memory_space<vmem>>, vector<1x16xf32>,
      %get3A_990 = vector.shape_cast %get3A_989 : vector<1x16xf32> to vector<16xf32>
      %get3A_991 = arith.index_cast %scan3A_120 : i32 to index
      %get3A_992 = arith.constant 992 : index
      %get3A_993 = tpu.vector_load %arg12[%get3A_991, %get3A_992] {strides = array<i32>} : memref<16x1024xf32, #tpu.memory_space<vmem>>, vector<1x16xf32>,
      %get3A_994 = vector.shape_cast %get3A_993 : vector<1x16xf32> to vector<16xf32>
      %add3A_995 = arith.addf %get3A_990, %get3A_994 : vector<16xf32>
      %swap3A_996 = arith.index_cast %scan3A_120 : i32 to index
      %swap3A_997 = arith.constant 992 : index
      %swap3A_998 = tpu.vector_load %arg14[%swap3A_996, %swap3A_997] {strides = array<i32>} : memref<16x1024xf32, #tpu.memory_space<vmem>>, vector<1x16xf32>,
      %swap3A_999 = vector.shape_cast %swap3A_998 : vector<1x16xf32> to vector<16xf32>
      %swap3A_1000 = vector.shape_cast %add3A_995 : vector<16xf32> to vector<1x16xf32>
      tpu.vector_store %arg14[%swap3A_996, %swap3A_997], %swap3A_1000 {strides = array<i32>} : memref<16x1024xf32, #tpu.memory_space<vmem>>, vector<1x16xf32>,
      %get3A_1001 = arith.index_cast %scan3A_120 : i32 to index
      %get3A_1002 = arith.constant 1008 : index
      %get3A_1003 = tpu.vector_load %arg10[%get3A_1001, %get3A_1002] {strides = array<i32>} : memref<16x1024xf32, #tpu.memory_space<vmem>>, vector<1x16xf32>,
      %get3A_1004 = vector.shape_cast %get3A_1003 : vector<1x16xf32> to vector<16xf32>
      %get3A_1005 = arith.index_cast %scan3A_120 : i32 to index
      %get3A_1006 = arith.constant 1008 : index
      %get3A_1007 = tpu.vector_load %arg12[%get3A_1005, %get3A_1006] {strides = array<i32>} : memref<16x1024xf32, #tpu.memory_space<vmem>>, vector<1x16xf32>,
      %get3A_1008 = vector.shape_cast %get3A_1007 : vector<1x16xf32> to vector<16xf32>
      %add3A_1009 = arith.addf %get3A_1004, %get3A_1008 : vector<16xf32>
      %swap3A_1010 = arith.index_cast %scan3A_120 : i32 to index
      %swap3A_1011 = arith.constant 1008 : index
      %swap3A_1012 = tpu.vector_load %arg14[%swap3A_1010, %swap3A_1011] {strides = array<i32>} : memref<16x1024xf32, #tpu.memory_space<vmem>>, vector<1x16xf32>,
      %swap3A_1013 = vector.shape_cast %swap3A_1012 : vector<1x16xf32> to vector<16xf32>
      %swap3A_1014 = vector.shape_cast %add3A_1009 : vector<16xf32> to vector<1x16xf32>
      tpu.vector_store %arg14[%swap3A_1010, %swap3A_1011], %swap3A_1014 {strides = array<i32>} : memref<16x1024xf32, #tpu.memory_space<vmem>>, vector<1x16xf32>,
    }
    %scan3A_27 = arith.constant 16 : i32
    %add3A_28 = arith.constant 0 : i32
    %add3A_29 = arith.addi %mul3A_2, %add3A_28 : i32
    %dma_start3A_30 = arith.constant 0 : i32
    %dma_start3A_31 = tpu.memref_slice %arg5[%add3A_29, %dma_start3A_30] : memref<2048x1024xf32, #tpu.memory_space<hbm>> -> memref<16x1024xf32, #tpu.memory_space<hbm>>
    %dma_start3A_32 = arith.constant 0 : i32
    %dma_start3A_33 = tpu.memref_slice %arg5[%add3A_29, %dma_start3A_32] : memref<2048x1024xf32, #tpu.memory_space<hbm>> -> memref<16x1024xf32, #tpu.memory_space<hbm>>
    tpu.enqueue_dma source(%arg14 : memref<16x1024xf32, #tpu.memory_space<vmem>>) target(%dma_start3A_33 : memref<16x1024xf32, #tpu.memory_space<hbm>>) target_semaphore(%arg20 : memref<!tpu.dma_semaphore, #tpu.memory_space<semaphore_mem>>)
    %add3A_34 = arith.constant 32 : i32
    %add3A_35 = arith.addi %mul3A_2, %add3A_34 : i32
    "tpu.region"() ({
      %run_scoped3A = tpu.sem_alloc : memref<!tpu.dma_semaphore, #tpu.memory_space<semaphore_mem>>
      %dma_start3A_120 = tpu.memref_slice %arg3[%add3A_35] : memref<2048xi32, #tpu.memory_space<hbm>> -> memref<16xi32, #tpu.memory_space<hbm>>
      %dma_start3A_121 = tpu.memref_slice %arg3[%add3A_35] : memref<2048xi32, #tpu.memory_space<hbm>> -> memref<16xi32, #tpu.memory_space<hbm>>
      tpu.enqueue_dma source(%dma_start3A_121 : memref<16xi32, #tpu.memory_space<hbm>>) target(%arg6 : memref<16xi32, #tpu.memory_space<vmem>>) target_semaphore(%run_scoped3A : memref<!tpu.dma_semaphore, #tpu.memory_space<semaphore_mem>>)
      %dma_wait3A_122 = tpu.memref_slice %arg3[%add3A_35] : memref<2048xi32, #tpu.memory_space<hbm>> -> memref<16xi32, #tpu.memory_space<hbm>>
      %dma_wait3A_123 = tpu.memref_slice %arg3[%add3A_35] : memref<2048xi32, #tpu.memory_space<hbm>> -> memref<16xi32, #tpu.memory_space<hbm>>
      tpu.wait_dma2 semaphore(%run_scoped3A : memref<!tpu.dma_semaphore, #tpu.memory_space<semaphore_mem>>) src(%dma_wait3A_123 : memref<16xi32, #tpu.memory_space<hbm>>) dst(%arg6 : memref<16xi32, #tpu.memory_space<vmem>>)
      tpu.yield
    }) : () -> ()
    "tpu.region"() ({
      %run_scoped3A = tpu.sem_alloc : memref<!tpu.dma_semaphore, #tpu.memory_space<semaphore_mem>>
      %dma_start3A_120 = tpu.memref_slice %arg4[%add3A_35] : memref<2048xi32, #tpu.memory_space<hbm>> -> memref<16xi32, #tpu.memory_space<hbm>>
      %dma_start3A_121 = tpu.memref_slice %arg4[%add3A_35] : memref<2048xi32, #tpu.memory_space<hbm>> -> memref<16xi32, #tpu.memory_space<hbm>>
      tpu.enqueue_dma source(%dma_start3A_121 : memref<16xi32, #tpu.memory_space<hbm>>) target(%arg8 : memref<16xi32, #tpu.memory_space<vmem>>) target_semaphore(%run_scoped3A : memref<!tpu.dma_semaphore, #tpu.memory_space<semaphore_mem>>)
      %dma_wait3A_122 = tpu.memref_slice %arg4[%add3A_35] : memref<2048xi32, #tpu.memory_space<hbm>> -> memref<16xi32, #tpu.memory_space<hbm>>
      %dma_wait3A_123 = tpu.memref_slice %arg4[%add3A_35] : memref<2048xi32, #tpu.memory_space<hbm>> -> memref<16xi32, #tpu.memory_space<hbm>>
      tpu.wait_dma2 semaphore(%run_scoped3A : memref<!tpu.dma_semaphore, #tpu.memory_space<semaphore_mem>>) src(%dma_wait3A_123 : memref<16xi32, #tpu.memory_space<hbm>>) dst(%arg8 : memref<16xi32, #tpu.memory_space<vmem>>)
      tpu.yield
    }) : () -> ()
    %dma_start3A_36 = arith.constant 0 : i32
    %dma_start3A_37 = arith.constant 0 : i32
    %dma_start3A_38 = tpu.memref_slice %arg2[%dma_start3A_36, %dma_start3A_37] : memref<6144x1024xf32, #tpu.memory_space<hbm>> -> memref<6144x1024xf32, #tpu.memory_space<hbm>>
    tpu.enqueue_indirect_dma source(%dma_start3A_38 : memref<6144x1024xf32, #tpu.memory_space<hbm>>) target(%arg10 : memref<16x1024xf32, #tpu.memory_space<vmem>>) offsets(%arg6 : memref<16xi32, #tpu.memory_space<vmem>>) semaphore(%arg16 : memref<!tpu.dma_semaphore, #tpu.memory_space<semaphore_mem>>)
    %dma_start3A_39 = arith.constant 0 : i32
    %dma_start3A_40 = arith.constant 0 : i32
    %dma_start3A_41 = tpu.memref_slice %arg2[%dma_start3A_39, %dma_start3A_40] : memref<6144x1024xf32, #tpu.memory_space<hbm>> -> memref<6144x1024xf32, #tpu.memory_space<hbm>>
    tpu.enqueue_indirect_dma source(%dma_start3A_41 : memref<6144x1024xf32, #tpu.memory_space<hbm>>) target(%arg12 : memref<16x1024xf32, #tpu.memory_space<vmem>>) offsets(%arg8 : memref<16xi32, #tpu.memory_space<vmem>>) semaphore(%arg18 : memref<!tpu.dma_semaphore, #tpu.memory_space<semaphore_mem>>)
    %dma_wait3A_42 = arith.constant 0 : i32
    %dma_wait3A_43 = arith.constant 0 : i32
    %dma_wait3A_44 = tpu.memref_slice %arg2[%dma_wait3A_42, %dma_wait3A_43] : memref<6144x1024xf32, #tpu.memory_space<hbm>> -> memref<6144x1024xf32, #tpu.memory_space<hbm>>
    tpu.wait_indirect_dma semaphore(%arg17 : memref<!tpu.dma_semaphore, #tpu.memory_space<semaphore_mem>>) src(%dma_wait3A_44 : memref<6144x1024xf32, #tpu.memory_space<hbm>>) dst(%arg11 : memref<16x1024xf32, #tpu.memory_space<vmem>>)
    %dma_wait3A_45 = arith.constant 0 : i32
    %dma_wait3A_46 = arith.constant 0 : i32
    %dma_wait3A_47 = tpu.memref_slice %arg2[%dma_wait3A_45, %dma_wait3A_46] : memref<6144x1024xf32, #tpu.memory_space<hbm>> -> memref<6144x1024xf32, #tpu.memory_space<hbm>>
    tpu.wait_indirect_dma semaphore(%arg19 : memref<!tpu.dma_semaphore, #tpu.memory_space<semaphore_mem>>) src(%dma_wait3A_47 : memref<6144x1024xf32, #tpu.memory_space<hbm>>) dst(%arg13 : memref<16x1024xf32, #tpu.memory_space<vmem>>)
    %scan3A_48 = arith.constant 0 : i32
    %scan3A_49 = arith.constant 0 : i32
    %scan3A_50 = arith.constant 16 : i32
    %scan3A_51 = arith.addi %scan3A_49, %scan3A_50 : i32
    %scan3A_52 = arith.constant 1 : i32
    scf.for %scan3A_120 = %scan3A_49 to %scan3A_51 step %scan3A_52  : i32 {
      %get3A = arith.index_cast %scan3A_120 : i32 to index
      %get3A_121 = arith.constant 0 : index
      %get3A_122 = tpu.vector_load %arg11[%get3A, %get3A_121] {strides = array<i32>} : memref<16x1024xf32, #tpu.memory_space<vmem>>, vector<1x16xf32>,
      %get3A_123 = vector.shape_cast %get3A_122 : vector<1x16xf32> to vector<16xf32>
      %get3A_124 = arith.index_cast %scan3A_120 : i32 to index
      %get3A_125 = arith.constant 0 : index
      %get3A_126 = tpu.vector_load %arg13[%get3A_124, %get3A_125] {strides = array<i32>} : memref<16x1024xf32, #tpu.memory_space<vmem>>, vector<1x16xf32>,
      %get3A_127 = vector.shape_cast %get3A_126 : vector<1x16xf32> to vector<16xf32>
      %add3A_128 = arith.addf %get3A_123, %get3A_127 : vector<16xf32>
      %swap3A = arith.index_cast %scan3A_120 : i32 to index
      %swap3A_129 = arith.constant 0 : index
      %swap3A_130 = tpu.vector_load %arg15[%swap3A, %swap3A_129] {strides = array<i32>} : memref<16x1024xf32, #tpu.memory_space<vmem>>, vector<1x16xf32>,
      %swap3A_131 = vector.shape_cast %swap3A_130 : vector<1x16xf32> to vector<16xf32>
      %swap3A_132 = vector.shape_cast %add3A_128 : vector<16xf32> to vector<1x16xf32>
      tpu.vector_store %arg15[%swap3A, %swap3A_129], %swap3A_132 {strides = array<i32>} : memref<16x1024xf32, #tpu.memory_space<vmem>>, vector<1x16xf32>,
      %get3A_133 = arith.index_cast %scan3A_120 : i32 to index
      %get3A_134 = arith.constant 16 : index
      %get3A_135 = tpu.vector_load %arg11[%get3A_133, %get3A_134] {strides = array<i32>} : memref<16x1024xf32, #tpu.memory_space<vmem>>, vector<1x16xf32>,
      %get3A_136 = vector.shape_cast %get3A_135 : vector<1x16xf32> to vector<16xf32>
      %get3A_137 = arith.index_cast %scan3A_120 : i32 to index
      %get3A_138 = arith.constant 16 : index
      %get3A_139 = tpu.vector_load %arg13[%get3A_137, %get3A_138] {strides = array<i32>} : memref<16x1024xf32, #tpu.memory_space<vmem>>, vector<1x16xf32>,
      %get3A_140 = vector.shape_cast %get3A_139 : vector<1x16xf32> to vector<16xf32>
      %add3A_141 = arith.addf %get3A_136, %get3A_140 : vector<16xf32>
      %swap3A_142 = arith.index_cast %scan3A_120 : i32 to index
      %swap3A_143 = arith.constant 16 : index
      %swap3A_144 = tpu.vector_load %arg15[%swap3A_142, %swap3A_143] {strides = array<i32>} : memref<16x1024xf32, #tpu.memory_space<vmem>>, vector<1x16xf32>,
      %swap3A_145 = vector.shape_cast %swap3A_144 : vector<1x16xf32> to vector<16xf32>
      %swap3A_146 = vector.shape_cast %add3A_141 : vector<16xf32> to vector<1x16xf32>
      tpu.vector_store %arg15[%swap3A_142, %swap3A_143], %swap3A_146 {strides = array<i32>} : memref<16x1024xf32, #tpu.memory_space<vmem>>, vector<1x16xf32>,
      %get3A_147 = arith.index_cast %scan3A_120 : i32 to index
      %get3A_148 = arith.constant 32 : index
      %get3A_149 = tpu.vector_load %arg11[%get3A_147, %get3A_148] {strides = array<i32>} : memref<16x1024xf32, #tpu.memory_space<vmem>>, vector<1x16xf32>,
      %get3A_150 = vector.shape_cast %get3A_149 : vector<1x16xf32> to vector<16xf32>
      %get3A_151 = arith.index_cast %scan3A_120 : i32 to index
      %get3A_152 = arith.constant 32 : index
      %get3A_153 = tpu.vector_load %arg13[%get3A_151, %get3A_152] {strides = array<i32>} : memref<16x1024xf32, #tpu.memory_space<vmem>>, vector<1x16xf32>,
      %get3A_154 = vector.shape_cast %get3A_153 : vector<1x16xf32> to vector<16xf32>
      %add3A_155 = arith.addf %get3A_150, %get3A_154 : vector<16xf32>
      %swap3A_156 = arith.index_cast %scan3A_120 : i32 to index
      %swap3A_157 = arith.constant 32 : index
      %swap3A_158 = tpu.vector_load %arg15[%swap3A_156, %swap3A_157] {strides = array<i32>} : memref<16x1024xf32, #tpu.memory_space<vmem>>, vector<1x16xf32>,
      %swap3A_159 = vector.shape_cast %swap3A_158 : vector<1x16xf32> to vector<16xf32>
      %swap3A_160 = vector.shape_cast %add3A_155 : vector<16xf32> to vector<1x16xf32>
      tpu.vector_store %arg15[%swap3A_156, %swap3A_157], %swap3A_160 {strides = array<i32>} : memref<16x1024xf32, #tpu.memory_space<vmem>>, vector<1x16xf32>,
      %get3A_161 = arith.index_cast %scan3A_120 : i32 to index
      %get3A_162 = arith.constant 48 : index
      %get3A_163 = tpu.vector_load %arg11[%get3A_161, %get3A_162] {strides = array<i32>} : memref<16x1024xf32, #tpu.memory_space<vmem>>, vector<1x16xf32>,
      %get3A_164 = vector.shape_cast %get3A_163 : vector<1x16xf32> to vector<16xf32>
      %get3A_165 = arith.index_cast %scan3A_120 : i32 to index
      %get3A_166 = arith.constant 48 : index
      %get3A_167 = tpu.vector_load %arg13[%get3A_165, %get3A_166] {strides = array<i32>} : memref<16x1024xf32, #tpu.memory_space<vmem>>, vector<1x16xf32>,
      %get3A_168 = vector.shape_cast %get3A_167 : vector<1x16xf32> to vector<16xf32>
      %add3A_169 = arith.addf %get3A_164, %get3A_168 : vector<16xf32>
      %swap3A_170 = arith.index_cast %scan3A_120 : i32 to index
      %swap3A_171 = arith.constant 48 : index
      %swap3A_172 = tpu.vector_load %arg15[%swap3A_170, %swap3A_171] {strides = array<i32>} : memref<16x1024xf32, #tpu.memory_space<vmem>>, vector<1x16xf32>,
      %swap3A_173 = vector.shape_cast %swap3A_172 : vector<1x16xf32> to vector<16xf32>
      %swap3A_174 = vector.shape_cast %add3A_169 : vector<16xf32> to vector<1x16xf32>
      tpu.vector_store %arg15[%swap3A_170, %swap3A_171], %swap3A_174 {strides = array<i32>} : memref<16x1024xf32, #tpu.memory_space<vmem>>, vector<1x16xf32>,
      %get3A_175 = arith.index_cast %scan3A_120 : i32 to index
      %get3A_176 = arith.constant 64 : index
      %get3A_177 = tpu.vector_load %arg11[%get3A_175, %get3A_176] {strides = array<i32>} : memref<16x1024xf32, #tpu.memory_space<vmem>>, vector<1x16xf32>,
      %get3A_178 = vector.shape_cast %get3A_177 : vector<1x16xf32> to vector<16xf32>
      %get3A_179 = arith.index_cast %scan3A_120 : i32 to index
      %get3A_180 = arith.constant 64 : index
      %get3A_181 = tpu.vector_load %arg13[%get3A_179, %get3A_180] {strides = array<i32>} : memref<16x1024xf32, #tpu.memory_space<vmem>>, vector<1x16xf32>,
      %get3A_182 = vector.shape_cast %get3A_181 : vector<1x16xf32> to vector<16xf32>
      %add3A_183 = arith.addf %get3A_178, %get3A_182 : vector<16xf32>
      %swap3A_184 = arith.index_cast %scan3A_120 : i32 to index
      %swap3A_185 = arith.constant 64 : index
      %swap3A_186 = tpu.vector_load %arg15[%swap3A_184, %swap3A_185] {strides = array<i32>} : memref<16x1024xf32, #tpu.memory_space<vmem>>, vector<1x16xf32>,
      %swap3A_187 = vector.shape_cast %swap3A_186 : vector<1x16xf32> to vector<16xf32>
      %swap3A_188 = vector.shape_cast %add3A_183 : vector<16xf32> to vector<1x16xf32>
      tpu.vector_store %arg15[%swap3A_184, %swap3A_185], %swap3A_188 {strides = array<i32>} : memref<16x1024xf32, #tpu.memory_space<vmem>>, vector<1x16xf32>,
      %get3A_189 = arith.index_cast %scan3A_120 : i32 to index
      %get3A_190 = arith.constant 80 : index
      %get3A_191 = tpu.vector_load %arg11[%get3A_189, %get3A_190] {strides = array<i32>} : memref<16x1024xf32, #tpu.memory_space<vmem>>, vector<1x16xf32>,
      %get3A_192 = vector.shape_cast %get3A_191 : vector<1x16xf32> to vector<16xf32>
      %get3A_193 = arith.index_cast %scan3A_120 : i32 to index
      %get3A_194 = arith.constant 80 : index
      %get3A_195 = tpu.vector_load %arg13[%get3A_193, %get3A_194] {strides = array<i32>} : memref<16x1024xf32, #tpu.memory_space<vmem>>, vector<1x16xf32>,
      %get3A_196 = vector.shape_cast %get3A_195 : vector<1x16xf32> to vector<16xf32>
      %add3A_197 = arith.addf %get3A_192, %get3A_196 : vector<16xf32>
      %swap3A_198 = arith.index_cast %scan3A_120 : i32 to index
      %swap3A_199 = arith.constant 80 : index
      %swap3A_200 = tpu.vector_load %arg15[%swap3A_198, %swap3A_199] {strides = array<i32>} : memref<16x1024xf32, #tpu.memory_space<vmem>>, vector<1x16xf32>,
      %swap3A_201 = vector.shape_cast %swap3A_200 : vector<1x16xf32> to vector<16xf32>
      %swap3A_202 = vector.shape_cast %add3A_197 : vector<16xf32> to vector<1x16xf32>
      tpu.vector_store %arg15[%swap3A_198, %swap3A_199], %swap3A_202 {strides = array<i32>} : memref<16x1024xf32, #tpu.memory_space<vmem>>, vector<1x16xf32>,
      %get3A_203 = arith.index_cast %scan3A_120 : i32 to index
      %get3A_204 = arith.constant 96 : index
      %get3A_205 = tpu.vector_load %arg11[%get3A_203, %get3A_204] {strides = array<i32>} : memref<16x1024xf32, #tpu.memory_space<vmem>>, vector<1x16xf32>,
      %get3A_206 = vector.shape_cast %get3A_205 : vector<1x16xf32> to vector<16xf32>
      %get3A_207 = arith.index_cast %scan3A_120 : i32 to index
      %get3A_208 = arith.constant 96 : index
      %get3A_209 = tpu.vector_load %arg13[%get3A_207, %get3A_208] {strides = array<i32>} : memref<16x1024xf32, #tpu.memory_space<vmem>>, vector<1x16xf32>,
      %get3A_210 = vector.shape_cast %get3A_209 : vector<1x16xf32> to vector<16xf32>
      %add3A_211 = arith.addf %get3A_206, %get3A_210 : vector<16xf32>
      %swap3A_212 = arith.index_cast %scan3A_120 : i32 to index
      %swap3A_213 = arith.constant 96 : index
      %swap3A_214 = tpu.vector_load %arg15[%swap3A_212, %swap3A_213] {strides = array<i32>} : memref<16x1024xf32, #tpu.memory_space<vmem>>, vector<1x16xf32>,
      %swap3A_215 = vector.shape_cast %swap3A_214 : vector<1x16xf32> to vector<16xf32>
      %swap3A_216 = vector.shape_cast %add3A_211 : vector<16xf32> to vector<1x16xf32>
      tpu.vector_store %arg15[%swap3A_212, %swap3A_213], %swap3A_216 {strides = array<i32>} : memref<16x1024xf32, #tpu.memory_space<vmem>>, vector<1x16xf32>,
      %get3A_217 = arith.index_cast %scan3A_120 : i32 to index
      %get3A_218 = arith.constant 112 : index
      %get3A_219 = tpu.vector_load %arg11[%get3A_217, %get3A_218] {strides = array<i32>} : memref<16x1024xf32, #tpu.memory_space<vmem>>, vector<1x16xf32>,
      %get3A_220 = vector.shape_cast %get3A_219 : vector<1x16xf32> to vector<16xf32>
      %get3A_221 = arith.index_cast %scan3A_120 : i32 to index
      %get3A_222 = arith.constant 112 : index
      %get3A_223 = tpu.vector_load %arg13[%get3A_221, %get3A_222] {strides = array<i32>} : memref<16x1024xf32, #tpu.memory_space<vmem>>, vector<1x16xf32>,
      %get3A_224 = vector.shape_cast %get3A_223 : vector<1x16xf32> to vector<16xf32>
      %add3A_225 = arith.addf %get3A_220, %get3A_224 : vector<16xf32>
      %swap3A_226 = arith.index_cast %scan3A_120 : i32 to index
      %swap3A_227 = arith.constant 112 : index
      %swap3A_228 = tpu.vector_load %arg15[%swap3A_226, %swap3A_227] {strides = array<i32>} : memref<16x1024xf32, #tpu.memory_space<vmem>>, vector<1x16xf32>,
      %swap3A_229 = vector.shape_cast %swap3A_228 : vector<1x16xf32> to vector<16xf32>
      %swap3A_230 = vector.shape_cast %add3A_225 : vector<16xf32> to vector<1x16xf32>
      tpu.vector_store %arg15[%swap3A_226, %swap3A_227], %swap3A_230 {strides = array<i32>} : memref<16x1024xf32, #tpu.memory_space<vmem>>, vector<1x16xf32>,
      %get3A_231 = arith.index_cast %scan3A_120 : i32 to index
      %get3A_232 = arith.constant 128 : index
      %get3A_233 = tpu.vector_load %arg11[%get3A_231, %get3A_232] {strides = array<i32>} : memref<16x1024xf32, #tpu.memory_space<vmem>>, vector<1x16xf32>,
      %get3A_234 = vector.shape_cast %get3A_233 : vector<1x16xf32> to vector<16xf32>
      %get3A_235 = arith.index_cast %scan3A_120 : i32 to index
      %get3A_236 = arith.constant 128 : index
      %get3A_237 = tpu.vector_load %arg13[%get3A_235, %get3A_236] {strides = array<i32>} : memref<16x1024xf32, #tpu.memory_space<vmem>>, vector<1x16xf32>,
      %get3A_238 = vector.shape_cast %get3A_237 : vector<1x16xf32> to vector<16xf32>
      %add3A_239 = arith.addf %get3A_234, %get3A_238 : vector<16xf32>
      %swap3A_240 = arith.index_cast %scan3A_120 : i32 to index
      %swap3A_241 = arith.constant 128 : index
      %swap3A_242 = tpu.vector_load %arg15[%swap3A_240, %swap3A_241] {strides = array<i32>} : memref<16x1024xf32, #tpu.memory_space<vmem>>, vector<1x16xf32>,
      %swap3A_243 = vector.shape_cast %swap3A_242 : vector<1x16xf32> to vector<16xf32>
      %swap3A_244 = vector.shape_cast %add3A_239 : vector<16xf32> to vector<1x16xf32>
      tpu.vector_store %arg15[%swap3A_240, %swap3A_241], %swap3A_244 {strides = array<i32>} : memref<16x1024xf32, #tpu.memory_space<vmem>>, vector<1x16xf32>,
      %get3A_245 = arith.index_cast %scan3A_120 : i32 to index
      %get3A_246 = arith.constant 144 : index
      %get3A_247 = tpu.vector_load %arg11[%get3A_245, %get3A_246] {strides = array<i32>} : memref<16x1024xf32, #tpu.memory_space<vmem>>, vector<1x16xf32>,
      %get3A_248 = vector.shape_cast %get3A_247 : vector<1x16xf32> to vector<16xf32>
      %get3A_249 = arith.index_cast %scan3A_120 : i32 to index
      %get3A_250 = arith.constant 144 : index
      %get3A_251 = tpu.vector_load %arg13[%get3A_249, %get3A_250] {strides = array<i32>} : memref<16x1024xf32, #tpu.memory_space<vmem>>, vector<1x16xf32>,
      %get3A_252 = vector.shape_cast %get3A_251 : vector<1x16xf32> to vector<16xf32>
      %add3A_253 = arith.addf %get3A_248, %get3A_252 : vector<16xf32>
      %swap3A_254 = arith.index_cast %scan3A_120 : i32 to index
      %swap3A_255 = arith.constant 144 : index
      %swap3A_256 = tpu.vector_load %arg15[%swap3A_254, %swap3A_255] {strides = array<i32>} : memref<16x1024xf32, #tpu.memory_space<vmem>>, vector<1x16xf32>,
      %swap3A_257 = vector.shape_cast %swap3A_256 : vector<1x16xf32> to vector<16xf32>
      %swap3A_258 = vector.shape_cast %add3A_253 : vector<16xf32> to vector<1x16xf32>
      tpu.vector_store %arg15[%swap3A_254, %swap3A_255], %swap3A_258 {strides = array<i32>} : memref<16x1024xf32, #tpu.memory_space<vmem>>, vector<1x16xf32>,
      %get3A_259 = arith.index_cast %scan3A_120 : i32 to index
      %get3A_260 = arith.constant 160 : index
      %get3A_261 = tpu.vector_load %arg11[%get3A_259, %get3A_260] {strides = array<i32>} : memref<16x1024xf32, #tpu.memory_space<vmem>>, vector<1x16xf32>,
      %get3A_262 = vector.shape_cast %get3A_261 : vector<1x16xf32> to vector<16xf32>
      %get3A_263 = arith.index_cast %scan3A_120 : i32 to index
      %get3A_264 = arith.constant 160 : index
      %get3A_265 = tpu.vector_load %arg13[%get3A_263, %get3A_264] {strides = array<i32>} : memref<16x1024xf32, #tpu.memory_space<vmem>>, vector<1x16xf32>,
      %get3A_266 = vector.shape_cast %get3A_265 : vector<1x16xf32> to vector<16xf32>
      %add3A_267 = arith.addf %get3A_262, %get3A_266 : vector<16xf32>
      %swap3A_268 = arith.index_cast %scan3A_120 : i32 to index
      %swap3A_269 = arith.constant 160 : index
      %swap3A_270 = tpu.vector_load %arg15[%swap3A_268, %swap3A_269] {strides = array<i32>} : memref<16x1024xf32, #tpu.memory_space<vmem>>, vector<1x16xf32>,
      %swap3A_271 = vector.shape_cast %swap3A_270 : vector<1x16xf32> to vector<16xf32>
      %swap3A_272 = vector.shape_cast %add3A_267 : vector<16xf32> to vector<1x16xf32>
      tpu.vector_store %arg15[%swap3A_268, %swap3A_269], %swap3A_272 {strides = array<i32>} : memref<16x1024xf32, #tpu.memory_space<vmem>>, vector<1x16xf32>,
      %get3A_273 = arith.index_cast %scan3A_120 : i32 to index
      %get3A_274 = arith.constant 176 : index
      %get3A_275 = tpu.vector_load %arg11[%get3A_273, %get3A_274] {strides = array<i32>} : memref<16x1024xf32, #tpu.memory_space<vmem>>, vector<1x16xf32>,
      %get3A_276 = vector.shape_cast %get3A_275 : vector<1x16xf32> to vector<16xf32>
      %get3A_277 = arith.index_cast %scan3A_120 : i32 to index
      %get3A_278 = arith.constant 176 : index
      %get3A_279 = tpu.vector_load %arg13[%get3A_277, %get3A_278] {strides = array<i32>} : memref<16x1024xf32, #tpu.memory_space<vmem>>, vector<1x16xf32>,
      %get3A_280 = vector.shape_cast %get3A_279 : vector<1x16xf32> to vector<16xf32>
      %add3A_281 = arith.addf %get3A_276, %get3A_280 : vector<16xf32>
      %swap3A_282 = arith.index_cast %scan3A_120 : i32 to index
      %swap3A_283 = arith.constant 176 : index
      %swap3A_284 = tpu.vector_load %arg15[%swap3A_282, %swap3A_283] {strides = array<i32>} : memref<16x1024xf32, #tpu.memory_space<vmem>>, vector<1x16xf32>,
      %swap3A_285 = vector.shape_cast %swap3A_284 : vector<1x16xf32> to vector<16xf32>
      %swap3A_286 = vector.shape_cast %add3A_281 : vector<16xf32> to vector<1x16xf32>
      tpu.vector_store %arg15[%swap3A_282, %swap3A_283], %swap3A_286 {strides = array<i32>} : memref<16x1024xf32, #tpu.memory_space<vmem>>, vector<1x16xf32>,
      %get3A_287 = arith.index_cast %scan3A_120 : i32 to index
      %get3A_288 = arith.constant 192 : index
      %get3A_289 = tpu.vector_load %arg11[%get3A_287, %get3A_288] {strides = array<i32>} : memref<16x1024xf32, #tpu.memory_space<vmem>>, vector<1x16xf32>,
      %get3A_290 = vector.shape_cast %get3A_289 : vector<1x16xf32> to vector<16xf32>
      %get3A_291 = arith.index_cast %scan3A_120 : i32 to index
      %get3A_292 = arith.constant 192 : index
      %get3A_293 = tpu.vector_load %arg13[%get3A_291, %get3A_292] {strides = array<i32>} : memref<16x1024xf32, #tpu.memory_space<vmem>>, vector<1x16xf32>,
      %get3A_294 = vector.shape_cast %get3A_293 : vector<1x16xf32> to vector<16xf32>
      %add3A_295 = arith.addf %get3A_290, %get3A_294 : vector<16xf32>
      %swap3A_296 = arith.index_cast %scan3A_120 : i32 to index
      %swap3A_297 = arith.constant 192 : index
      %swap3A_298 = tpu.vector_load %arg15[%swap3A_296, %swap3A_297] {strides = array<i32>} : memref<16x1024xf32, #tpu.memory_space<vmem>>, vector<1x16xf32>,
      %swap3A_299 = vector.shape_cast %swap3A_298 : vector<1x16xf32> to vector<16xf32>
      %swap3A_300 = vector.shape_cast %add3A_295 : vector<16xf32> to vector<1x16xf32>
      tpu.vector_store %arg15[%swap3A_296, %swap3A_297], %swap3A_300 {strides = array<i32>} : memref<16x1024xf32, #tpu.memory_space<vmem>>, vector<1x16xf32>,
      %get3A_301 = arith.index_cast %scan3A_120 : i32 to index
      %get3A_302 = arith.constant 208 : index
      %get3A_303 = tpu.vector_load %arg11[%get3A_301, %get3A_302] {strides = array<i32>} : memref<16x1024xf32, #tpu.memory_space<vmem>>, vector<1x16xf32>,
      %get3A_304 = vector.shape_cast %get3A_303 : vector<1x16xf32> to vector<16xf32>
      %get3A_305 = arith.index_cast %scan3A_120 : i32 to index
      %get3A_306 = arith.constant 208 : index
      %get3A_307 = tpu.vector_load %arg13[%get3A_305, %get3A_306] {strides = array<i32>} : memref<16x1024xf32, #tpu.memory_space<vmem>>, vector<1x16xf32>,
      %get3A_308 = vector.shape_cast %get3A_307 : vector<1x16xf32> to vector<16xf32>
      %add3A_309 = arith.addf %get3A_304, %get3A_308 : vector<16xf32>
      %swap3A_310 = arith.index_cast %scan3A_120 : i32 to index
      %swap3A_311 = arith.constant 208 : index
      %swap3A_312 = tpu.vector_load %arg15[%swap3A_310, %swap3A_311] {strides = array<i32>} : memref<16x1024xf32, #tpu.memory_space<vmem>>, vector<1x16xf32>,
      %swap3A_313 = vector.shape_cast %swap3A_312 : vector<1x16xf32> to vector<16xf32>
      %swap3A_314 = vector.shape_cast %add3A_309 : vector<16xf32> to vector<1x16xf32>
      tpu.vector_store %arg15[%swap3A_310, %swap3A_311], %swap3A_314 {strides = array<i32>} : memref<16x1024xf32, #tpu.memory_space<vmem>>, vector<1x16xf32>,
      %get3A_315 = arith.index_cast %scan3A_120 : i32 to index
      %get3A_316 = arith.constant 224 : index
      %get3A_317 = tpu.vector_load %arg11[%get3A_315, %get3A_316] {strides = array<i32>} : memref<16x1024xf32, #tpu.memory_space<vmem>>, vector<1x16xf32>,
      %get3A_318 = vector.shape_cast %get3A_317 : vector<1x16xf32> to vector<16xf32>
      %get3A_319 = arith.index_cast %scan3A_120 : i32 to index
      %get3A_320 = arith.constant 224 : index
      %get3A_321 = tpu.vector_load %arg13[%get3A_319, %get3A_320] {strides = array<i32>} : memref<16x1024xf32, #tpu.memory_space<vmem>>, vector<1x16xf32>,
      %get3A_322 = vector.shape_cast %get3A_321 : vector<1x16xf32> to vector<16xf32>
      %add3A_323 = arith.addf %get3A_318, %get3A_322 : vector<16xf32>
      %swap3A_324 = arith.index_cast %scan3A_120 : i32 to index
      %swap3A_325 = arith.constant 224 : index
      %swap3A_326 = tpu.vector_load %arg15[%swap3A_324, %swap3A_325] {strides = array<i32>} : memref<16x1024xf32, #tpu.memory_space<vmem>>, vector<1x16xf32>,
      %swap3A_327 = vector.shape_cast %swap3A_326 : vector<1x16xf32> to vector<16xf32>
      %swap3A_328 = vector.shape_cast %add3A_323 : vector<16xf32> to vector<1x16xf32>
      tpu.vector_store %arg15[%swap3A_324, %swap3A_325], %swap3A_328 {strides = array<i32>} : memref<16x1024xf32, #tpu.memory_space<vmem>>, vector<1x16xf32>,
      %get3A_329 = arith.index_cast %scan3A_120 : i32 to index
      %get3A_330 = arith.constant 240 : index
      %get3A_331 = tpu.vector_load %arg11[%get3A_329, %get3A_330] {strides = array<i32>} : memref<16x1024xf32, #tpu.memory_space<vmem>>, vector<1x16xf32>,
      %get3A_332 = vector.shape_cast %get3A_331 : vector<1x16xf32> to vector<16xf32>
      %get3A_333 = arith.index_cast %scan3A_120 : i32 to index
      %get3A_334 = arith.constant 240 : index
      %get3A_335 = tpu.vector_load %arg13[%get3A_333, %get3A_334] {strides = array<i32>} : memref<16x1024xf32, #tpu.memory_space<vmem>>, vector<1x16xf32>,
      %get3A_336 = vector.shape_cast %get3A_335 : vector<1x16xf32> to vector<16xf32>
      %add3A_337 = arith.addf %get3A_332, %get3A_336 : vector<16xf32>
      %swap3A_338 = arith.index_cast %scan3A_120 : i32 to index
      %swap3A_339 = arith.constant 240 : index
      %swap3A_340 = tpu.vector_load %arg15[%swap3A_338, %swap3A_339] {strides = array<i32>} : memref<16x1024xf32, #tpu.memory_space<vmem>>, vector<1x16xf32>,
      %swap3A_341 = vector.shape_cast %swap3A_340 : vector<1x16xf32> to vector<16xf32>
      %swap3A_342 = vector.shape_cast %add3A_337 : vector<16xf32> to vector<1x16xf32>
      tpu.vector_store %arg15[%swap3A_338, %swap3A_339], %swap3A_342 {strides = array<i32>} : memref<16x1024xf32, #tpu.memory_space<vmem>>, vector<1x16xf32>,
      %get3A_343 = arith.index_cast %scan3A_120 : i32 to index
      %get3A_344 = arith.constant 256 : index
      %get3A_345 = tpu.vector_load %arg11[%get3A_343, %get3A_344] {strides = array<i32>} : memref<16x1024xf32, #tpu.memory_space<vmem>>, vector<1x16xf32>,
      %get3A_346 = vector.shape_cast %get3A_345 : vector<1x16xf32> to vector<16xf32>
      %get3A_347 = arith.index_cast %scan3A_120 : i32 to index
      %get3A_348 = arith.constant 256 : index
      %get3A_349 = tpu.vector_load %arg13[%get3A_347, %get3A_348] {strides = array<i32>} : memref<16x1024xf32, #tpu.memory_space<vmem>>, vector<1x16xf32>,
      %get3A_350 = vector.shape_cast %get3A_349 : vector<1x16xf32> to vector<16xf32>
      %add3A_351 = arith.addf %get3A_346, %get3A_350 : vector<16xf32>
      %swap3A_352 = arith.index_cast %scan3A_120 : i32 to index
      %swap3A_353 = arith.constant 256 : index
      %swap3A_354 = tpu.vector_load %arg15[%swap3A_352, %swap3A_353] {strides = array<i32>} : memref<16x1024xf32, #tpu.memory_space<vmem>>, vector<1x16xf32>,
      %swap3A_355 = vector.shape_cast %swap3A_354 : vector<1x16xf32> to vector<16xf32>
      %swap3A_356 = vector.shape_cast %add3A_351 : vector<16xf32> to vector<1x16xf32>
      tpu.vector_store %arg15[%swap3A_352, %swap3A_353], %swap3A_356 {strides = array<i32>} : memref<16x1024xf32, #tpu.memory_space<vmem>>, vector<1x16xf32>,
      %get3A_357 = arith.index_cast %scan3A_120 : i32 to index
      %get3A_358 = arith.constant 272 : index
      %get3A_359 = tpu.vector_load %arg11[%get3A_357, %get3A_358] {strides = array<i32>} : memref<16x1024xf32, #tpu.memory_space<vmem>>, vector<1x16xf32>,
      %get3A_360 = vector.shape_cast %get3A_359 : vector<1x16xf32> to vector<16xf32>
      %get3A_361 = arith.index_cast %scan3A_120 : i32 to index
      %get3A_362 = arith.constant 272 : index
      %get3A_363 = tpu.vector_load %arg13[%get3A_361, %get3A_362] {strides = array<i32>} : memref<16x1024xf32, #tpu.memory_space<vmem>>, vector<1x16xf32>,
      %get3A_364 = vector.shape_cast %get3A_363 : vector<1x16xf32> to vector<16xf32>
      %add3A_365 = arith.addf %get3A_360, %get3A_364 : vector<16xf32>
      %swap3A_366 = arith.index_cast %scan3A_120 : i32 to index
      %swap3A_367 = arith.constant 272 : index
      %swap3A_368 = tpu.vector_load %arg15[%swap3A_366, %swap3A_367] {strides = array<i32>} : memref<16x1024xf32, #tpu.memory_space<vmem>>, vector<1x16xf32>,
      %swap3A_369 = vector.shape_cast %swap3A_368 : vector<1x16xf32> to vector<16xf32>
      %swap3A_370 = vector.shape_cast %add3A_365 : vector<16xf32> to vector<1x16xf32>
      tpu.vector_store %arg15[%swap3A_366, %swap3A_367], %swap3A_370 {strides = array<i32>} : memref<16x1024xf32, #tpu.memory_space<vmem>>, vector<1x16xf32>,
      %get3A_371 = arith.index_cast %scan3A_120 : i32 to index
      %get3A_372 = arith.constant 288 : index
      %get3A_373 = tpu.vector_load %arg11[%get3A_371, %get3A_372] {strides = array<i32>} : memref<16x1024xf32, #tpu.memory_space<vmem>>, vector<1x16xf32>,
      %get3A_374 = vector.shape_cast %get3A_373 : vector<1x16xf32> to vector<16xf32>
      %get3A_375 = arith.index_cast %scan3A_120 : i32 to index
      %get3A_376 = arith.constant 288 : index
      %get3A_377 = tpu.vector_load %arg13[%get3A_375, %get3A_376] {strides = array<i32>} : memref<16x1024xf32, #tpu.memory_space<vmem>>, vector<1x16xf32>,
      %get3A_378 = vector.shape_cast %get3A_377 : vector<1x16xf32> to vector<16xf32>
      %add3A_379 = arith.addf %get3A_374, %get3A_378 : vector<16xf32>
      %swap3A_380 = arith.index_cast %scan3A_120 : i32 to index
      %swap3A_381 = arith.constant 288 : index
      %swap3A_382 = tpu.vector_load %arg15[%swap3A_380, %swap3A_381] {strides = array<i32>} : memref<16x1024xf32, #tpu.memory_space<vmem>>, vector<1x16xf32>,
      %swap3A_383 = vector.shape_cast %swap3A_382 : vector<1x16xf32> to vector<16xf32>
      %swap3A_384 = vector.shape_cast %add3A_379 : vector<16xf32> to vector<1x16xf32>
      tpu.vector_store %arg15[%swap3A_380, %swap3A_381], %swap3A_384 {strides = array<i32>} : memref<16x1024xf32, #tpu.memory_space<vmem>>, vector<1x16xf32>,
      %get3A_385 = arith.index_cast %scan3A_120 : i32 to index
      %get3A_386 = arith.constant 304 : index
      %get3A_387 = tpu.vector_load %arg11[%get3A_385, %get3A_386] {strides = array<i32>} : memref<16x1024xf32, #tpu.memory_space<vmem>>, vector<1x16xf32>,
      %get3A_388 = vector.shape_cast %get3A_387 : vector<1x16xf32> to vector<16xf32>
      %get3A_389 = arith.index_cast %scan3A_120 : i32 to index
      %get3A_390 = arith.constant 304 : index
      %get3A_391 = tpu.vector_load %arg13[%get3A_389, %get3A_390] {strides = array<i32>} : memref<16x1024xf32, #tpu.memory_space<vmem>>, vector<1x16xf32>,
      %get3A_392 = vector.shape_cast %get3A_391 : vector<1x16xf32> to vector<16xf32>
      %add3A_393 = arith.addf %get3A_388, %get3A_392 : vector<16xf32>
      %swap3A_394 = arith.index_cast %scan3A_120 : i32 to index
      %swap3A_395 = arith.constant 304 : index
      %swap3A_396 = tpu.vector_load %arg15[%swap3A_394, %swap3A_395] {strides = array<i32>} : memref<16x1024xf32, #tpu.memory_space<vmem>>, vector<1x16xf32>,
      %swap3A_397 = vector.shape_cast %swap3A_396 : vector<1x16xf32> to vector<16xf32>
      %swap3A_398 = vector.shape_cast %add3A_393 : vector<16xf32> to vector<1x16xf32>
      tpu.vector_store %arg15[%swap3A_394, %swap3A_395], %swap3A_398 {strides = array<i32>} : memref<16x1024xf32, #tpu.memory_space<vmem>>, vector<1x16xf32>,
      %get3A_399 = arith.index_cast %scan3A_120 : i32 to index
      %get3A_400 = arith.constant 320 : index
      %get3A_401 = tpu.vector_load %arg11[%get3A_399, %get3A_400] {strides = array<i32>} : memref<16x1024xf32, #tpu.memory_space<vmem>>, vector<1x16xf32>,
      %get3A_402 = vector.shape_cast %get3A_401 : vector<1x16xf32> to vector<16xf32>
      %get3A_403 = arith.index_cast %scan3A_120 : i32 to index
      %get3A_404 = arith.constant 320 : index
      %get3A_405 = tpu.vector_load %arg13[%get3A_403, %get3A_404] {strides = array<i32>} : memref<16x1024xf32, #tpu.memory_space<vmem>>, vector<1x16xf32>,
      %get3A_406 = vector.shape_cast %get3A_405 : vector<1x16xf32> to vector<16xf32>
      %add3A_407 = arith.addf %get3A_402, %get3A_406 : vector<16xf32>
      %swap3A_408 = arith.index_cast %scan3A_120 : i32 to index
      %swap3A_409 = arith.constant 320 : index
      %swap3A_410 = tpu.vector_load %arg15[%swap3A_408, %swap3A_409] {strides = array<i32>} : memref<16x1024xf32, #tpu.memory_space<vmem>>, vector<1x16xf32>,
      %swap3A_411 = vector.shape_cast %swap3A_410 : vector<1x16xf32> to vector<16xf32>
      %swap3A_412 = vector.shape_cast %add3A_407 : vector<16xf32> to vector<1x16xf32>
      tpu.vector_store %arg15[%swap3A_408, %swap3A_409], %swap3A_412 {strides = array<i32>} : memref<16x1024xf32, #tpu.memory_space<vmem>>, vector<1x16xf32>,
      %get3A_413 = arith.index_cast %scan3A_120 : i32 to index
      %get3A_414 = arith.constant 336 : index
      %get3A_415 = tpu.vector_load %arg11[%get3A_413, %get3A_414] {strides = array<i32>} : memref<16x1024xf32, #tpu.memory_space<vmem>>, vector<1x16xf32>,
      %get3A_416 = vector.shape_cast %get3A_415 : vector<1x16xf32> to vector<16xf32>
      %get3A_417 = arith.index_cast %scan3A_120 : i32 to index
      %get3A_418 = arith.constant 336 : index
      %get3A_419 = tpu.vector_load %arg13[%get3A_417, %get3A_418] {strides = array<i32>} : memref<16x1024xf32, #tpu.memory_space<vmem>>, vector<1x16xf32>,
      %get3A_420 = vector.shape_cast %get3A_419 : vector<1x16xf32> to vector<16xf32>
      %add3A_421 = arith.addf %get3A_416, %get3A_420 : vector<16xf32>
      %swap3A_422 = arith.index_cast %scan3A_120 : i32 to index
      %swap3A_423 = arith.constant 336 : index
      %swap3A_424 = tpu.vector_load %arg15[%swap3A_422, %swap3A_423] {strides = array<i32>} : memref<16x1024xf32, #tpu.memory_space<vmem>>, vector<1x16xf32>,
      %swap3A_425 = vector.shape_cast %swap3A_424 : vector<1x16xf32> to vector<16xf32>
      %swap3A_426 = vector.shape_cast %add3A_421 : vector<16xf32> to vector<1x16xf32>
      tpu.vector_store %arg15[%swap3A_422, %swap3A_423], %swap3A_426 {strides = array<i32>} : memref<16x1024xf32, #tpu.memory_space<vmem>>, vector<1x16xf32>,
      %get3A_427 = arith.index_cast %scan3A_120 : i32 to index
      %get3A_428 = arith.constant 352 : index
      %get3A_429 = tpu.vector_load %arg11[%get3A_427, %get3A_428] {strides = array<i32>} : memref<16x1024xf32, #tpu.memory_space<vmem>>, vector<1x16xf32>,
      %get3A_430 = vector.shape_cast %get3A_429 : vector<1x16xf32> to vector<16xf32>
      %get3A_431 = arith.index_cast %scan3A_120 : i32 to index
      %get3A_432 = arith.constant 352 : index
      %get3A_433 = tpu.vector_load %arg13[%get3A_431, %get3A_432] {strides = array<i32>} : memref<16x1024xf32, #tpu.memory_space<vmem>>, vector<1x16xf32>,
      %get3A_434 = vector.shape_cast %get3A_433 : vector<1x16xf32> to vector<16xf32>
      %add3A_435 = arith.addf %get3A_430, %get3A_434 : vector<16xf32>
      %swap3A_436 = arith.index_cast %scan3A_120 : i32 to index
      %swap3A_437 = arith.constant 352 : index
      %swap3A_438 = tpu.vector_load %arg15[%swap3A_436, %swap3A_437] {strides = array<i32>} : memref<16x1024xf32, #tpu.memory_space<vmem>>, vector<1x16xf32>,
      %swap3A_439 = vector.shape_cast %swap3A_438 : vector<1x16xf32> to vector<16xf32>
      %swap3A_440 = vector.shape_cast %add3A_435 : vector<16xf32> to vector<1x16xf32>
      tpu.vector_store %arg15[%swap3A_436, %swap3A_437], %swap3A_440 {strides = array<i32>} : memref<16x1024xf32, #tpu.memory_space<vmem>>, vector<1x16xf32>,
      %get3A_441 = arith.index_cast %scan3A_120 : i32 to index
      %get3A_442 = arith.constant 368 : index
      %get3A_443 = tpu.vector_load %arg11[%get3A_441, %get3A_442] {strides = array<i32>} : memref<16x1024xf32, #tpu.memory_space<vmem>>, vector<1x16xf32>,
      %get3A_444 = vector.shape_cast %get3A_443 : vector<1x16xf32> to vector<16xf32>
      %get3A_445 = arith.index_cast %scan3A_120 : i32 to index
      %get3A_446 = arith.constant 368 : index
      %get3A_447 = tpu.vector_load %arg13[%get3A_445, %get3A_446] {strides = array<i32>} : memref<16x1024xf32, #tpu.memory_space<vmem>>, vector<1x16xf32>,
      %get3A_448 = vector.shape_cast %get3A_447 : vector<1x16xf32> to vector<16xf32>
      %add3A_449 = arith.addf %get3A_444, %get3A_448 : vector<16xf32>
      %swap3A_450 = arith.index_cast %scan3A_120 : i32 to index
      %swap3A_451 = arith.constant 368 : index
      %swap3A_452 = tpu.vector_load %arg15[%swap3A_450, %swap3A_451] {strides = array<i32>} : memref<16x1024xf32, #tpu.memory_space<vmem>>, vector<1x16xf32>,
      %swap3A_453 = vector.shape_cast %swap3A_452 : vector<1x16xf32> to vector<16xf32>
      %swap3A_454 = vector.shape_cast %add3A_449 : vector<16xf32> to vector<1x16xf32>
      tpu.vector_store %arg15[%swap3A_450, %swap3A_451], %swap3A_454 {strides = array<i32>} : memref<16x1024xf32, #tpu.memory_space<vmem>>, vector<1x16xf32>,
      %get3A_455 = arith.index_cast %scan3A_120 : i32 to index
      %get3A_456 = arith.constant 384 : index
      %get3A_457 = tpu.vector_load %arg11[%get3A_455, %get3A_456] {strides = array<i32>} : memref<16x1024xf32, #tpu.memory_space<vmem>>, vector<1x16xf32>,
      %get3A_458 = vector.shape_cast %get3A_457 : vector<1x16xf32> to vector<16xf32>
      %get3A_459 = arith.index_cast %scan3A_120 : i32 to index
      %get3A_460 = arith.constant 384 : index
      %get3A_461 = tpu.vector_load %arg13[%get3A_459, %get3A_460] {strides = array<i32>} : memref<16x1024xf32, #tpu.memory_space<vmem>>, vector<1x16xf32>,
      %get3A_462 = vector.shape_cast %get3A_461 : vector<1x16xf32> to vector<16xf32>
      %add3A_463 = arith.addf %get3A_458, %get3A_462 : vector<16xf32>
      %swap3A_464 = arith.index_cast %scan3A_120 : i32 to index
      %swap3A_465 = arith.constant 384 : index
      %swap3A_466 = tpu.vector_load %arg15[%swap3A_464, %swap3A_465] {strides = array<i32>} : memref<16x1024xf32, #tpu.memory_space<vmem>>, vector<1x16xf32>,
      %swap3A_467 = vector.shape_cast %swap3A_466 : vector<1x16xf32> to vector<16xf32>
      %swap3A_468 = vector.shape_cast %add3A_463 : vector<16xf32> to vector<1x16xf32>
      tpu.vector_store %arg15[%swap3A_464, %swap3A_465], %swap3A_468 {strides = array<i32>} : memref<16x1024xf32, #tpu.memory_space<vmem>>, vector<1x16xf32>,
      %get3A_469 = arith.index_cast %scan3A_120 : i32 to index
      %get3A_470 = arith.constant 400 : index
      %get3A_471 = tpu.vector_load %arg11[%get3A_469, %get3A_470] {strides = array<i32>} : memref<16x1024xf32, #tpu.memory_space<vmem>>, vector<1x16xf32>,
      %get3A_472 = vector.shape_cast %get3A_471 : vector<1x16xf32> to vector<16xf32>
      %get3A_473 = arith.index_cast %scan3A_120 : i32 to index
      %get3A_474 = arith.constant 400 : index
      %get3A_475 = tpu.vector_load %arg13[%get3A_473, %get3A_474] {strides = array<i32>} : memref<16x1024xf32, #tpu.memory_space<vmem>>, vector<1x16xf32>,
      %get3A_476 = vector.shape_cast %get3A_475 : vector<1x16xf32> to vector<16xf32>
      %add3A_477 = arith.addf %get3A_472, %get3A_476 : vector<16xf32>
      %swap3A_478 = arith.index_cast %scan3A_120 : i32 to index
      %swap3A_479 = arith.constant 400 : index
      %swap3A_480 = tpu.vector_load %arg15[%swap3A_478, %swap3A_479] {strides = array<i32>} : memref<16x1024xf32, #tpu.memory_space<vmem>>, vector<1x16xf32>,
      %swap3A_481 = vector.shape_cast %swap3A_480 : vector<1x16xf32> to vector<16xf32>
      %swap3A_482 = vector.shape_cast %add3A_477 : vector<16xf32> to vector<1x16xf32>
      tpu.vector_store %arg15[%swap3A_478, %swap3A_479], %swap3A_482 {strides = array<i32>} : memref<16x1024xf32, #tpu.memory_space<vmem>>, vector<1x16xf32>,
      %get3A_483 = arith.index_cast %scan3A_120 : i32 to index
      %get3A_484 = arith.constant 416 : index
      %get3A_485 = tpu.vector_load %arg11[%get3A_483, %get3A_484] {strides = array<i32>} : memref<16x1024xf32, #tpu.memory_space<vmem>>, vector<1x16xf32>,
      %get3A_486 = vector.shape_cast %get3A_485 : vector<1x16xf32> to vector<16xf32>
      %get3A_487 = arith.index_cast %scan3A_120 : i32 to index
      %get3A_488 = arith.constant 416 : index
      %get3A_489 = tpu.vector_load %arg13[%get3A_487, %get3A_488] {strides = array<i32>} : memref<16x1024xf32, #tpu.memory_space<vmem>>, vector<1x16xf32>,
      %get3A_490 = vector.shape_cast %get3A_489 : vector<1x16xf32> to vector<16xf32>
      %add3A_491 = arith.addf %get3A_486, %get3A_490 : vector<16xf32>
      %swap3A_492 = arith.index_cast %scan3A_120 : i32 to index
      %swap3A_493 = arith.constant 416 : index
      %swap3A_494 = tpu.vector_load %arg15[%swap3A_492, %swap3A_493] {strides = array<i32>} : memref<16x1024xf32, #tpu.memory_space<vmem>>, vector<1x16xf32>,
      %swap3A_495 = vector.shape_cast %swap3A_494 : vector<1x16xf32> to vector<16xf32>
      %swap3A_496 = vector.shape_cast %add3A_491 : vector<16xf32> to vector<1x16xf32>
      tpu.vector_store %arg15[%swap3A_492, %swap3A_493], %swap3A_496 {strides = array<i32>} : memref<16x1024xf32, #tpu.memory_space<vmem>>, vector<1x16xf32>,
      %get3A_497 = arith.index_cast %scan3A_120 : i32 to index
      %get3A_498 = arith.constant 432 : index
      %get3A_499 = tpu.vector_load %arg11[%get3A_497, %get3A_498] {strides = array<i32>} : memref<16x1024xf32, #tpu.memory_space<vmem>>, vector<1x16xf32>,
      %get3A_500 = vector.shape_cast %get3A_499 : vector<1x16xf32> to vector<16xf32>
      %get3A_501 = arith.index_cast %scan3A_120 : i32 to index
      %get3A_502 = arith.constant 432 : index
      %get3A_503 = tpu.vector_load %arg13[%get3A_501, %get3A_502] {strides = array<i32>} : memref<16x1024xf32, #tpu.memory_space<vmem>>, vector<1x16xf32>,
      %get3A_504 = vector.shape_cast %get3A_503 : vector<1x16xf32> to vector<16xf32>
      %add3A_505 = arith.addf %get3A_500, %get3A_504 : vector<16xf32>
      %swap3A_506 = arith.index_cast %scan3A_120 : i32 to index
      %swap3A_507 = arith.constant 432 : index
      %swap3A_508 = tpu.vector_load %arg15[%swap3A_506, %swap3A_507] {strides = array<i32>} : memref<16x1024xf32, #tpu.memory_space<vmem>>, vector<1x16xf32>,
      %swap3A_509 = vector.shape_cast %swap3A_508 : vector<1x16xf32> to vector<16xf32>
      %swap3A_510 = vector.shape_cast %add3A_505 : vector<16xf32> to vector<1x16xf32>
      tpu.vector_store %arg15[%swap3A_506, %swap3A_507], %swap3A_510 {strides = array<i32>} : memref<16x1024xf32, #tpu.memory_space<vmem>>, vector<1x16xf32>,
      %get3A_511 = arith.index_cast %scan3A_120 : i32 to index
      %get3A_512 = arith.constant 448 : index
      %get3A_513 = tpu.vector_load %arg11[%get3A_511, %get3A_512] {strides = array<i32>} : memref<16x1024xf32, #tpu.memory_space<vmem>>, vector<1x16xf32>,
      %get3A_514 = vector.shape_cast %get3A_513 : vector<1x16xf32> to vector<16xf32>
      %get3A_515 = arith.index_cast %scan3A_120 : i32 to index
      %get3A_516 = arith.constant 448 : index
      %get3A_517 = tpu.vector_load %arg13[%get3A_515, %get3A_516] {strides = array<i32>} : memref<16x1024xf32, #tpu.memory_space<vmem>>, vector<1x16xf32>,
      %get3A_518 = vector.shape_cast %get3A_517 : vector<1x16xf32> to vector<16xf32>
      %add3A_519 = arith.addf %get3A_514, %get3A_518 : vector<16xf32>
      %swap3A_520 = arith.index_cast %scan3A_120 : i32 to index
      %swap3A_521 = arith.constant 448 : index
      %swap3A_522 = tpu.vector_load %arg15[%swap3A_520, %swap3A_521] {strides = array<i32>} : memref<16x1024xf32, #tpu.memory_space<vmem>>, vector<1x16xf32>,
      %swap3A_523 = vector.shape_cast %swap3A_522 : vector<1x16xf32> to vector<16xf32>
      %swap3A_524 = vector.shape_cast %add3A_519 : vector<16xf32> to vector<1x16xf32>
      tpu.vector_store %arg15[%swap3A_520, %swap3A_521], %swap3A_524 {strides = array<i32>} : memref<16x1024xf32, #tpu.memory_space<vmem>>, vector<1x16xf32>,
      %get3A_525 = arith.index_cast %scan3A_120 : i32 to index
      %get3A_526 = arith.constant 464 : index
      %get3A_527 = tpu.vector_load %arg11[%get3A_525, %get3A_526] {strides = array<i32>} : memref<16x1024xf32, #tpu.memory_space<vmem>>, vector<1x16xf32>,
      %get3A_528 = vector.shape_cast %get3A_527 : vector<1x16xf32> to vector<16xf32>
      %get3A_529 = arith.index_cast %scan3A_120 : i32 to index
      %get3A_530 = arith.constant 464 : index
      %get3A_531 = tpu.vector_load %arg13[%get3A_529, %get3A_530] {strides = array<i32>} : memref<16x1024xf32, #tpu.memory_space<vmem>>, vector<1x16xf32>,
      %get3A_532 = vector.shape_cast %get3A_531 : vector<1x16xf32> to vector<16xf32>
      %add3A_533 = arith.addf %get3A_528, %get3A_532 : vector<16xf32>
      %swap3A_534 = arith.index_cast %scan3A_120 : i32 to index
      %swap3A_535 = arith.constant 464 : index
      %swap3A_536 = tpu.vector_load %arg15[%swap3A_534, %swap3A_535] {strides = array<i32>} : memref<16x1024xf32, #tpu.memory_space<vmem>>, vector<1x16xf32>,
      %swap3A_537 = vector.shape_cast %swap3A_536 : vector<1x16xf32> to vector<16xf32>
      %swap3A_538 = vector.shape_cast %add3A_533 : vector<16xf32> to vector<1x16xf32>
      tpu.vector_store %arg15[%swap3A_534, %swap3A_535], %swap3A_538 {strides = array<i32>} : memref<16x1024xf32, #tpu.memory_space<vmem>>, vector<1x16xf32>,
      %get3A_539 = arith.index_cast %scan3A_120 : i32 to index
      %get3A_540 = arith.constant 480 : index
      %get3A_541 = tpu.vector_load %arg11[%get3A_539, %get3A_540] {strides = array<i32>} : memref<16x1024xf32, #tpu.memory_space<vmem>>, vector<1x16xf32>,
      %get3A_542 = vector.shape_cast %get3A_541 : vector<1x16xf32> to vector<16xf32>
      %get3A_543 = arith.index_cast %scan3A_120 : i32 to index
      %get3A_544 = arith.constant 480 : index
      %get3A_545 = tpu.vector_load %arg13[%get3A_543, %get3A_544] {strides = array<i32>} : memref<16x1024xf32, #tpu.memory_space<vmem>>, vector<1x16xf32>,
      %get3A_546 = vector.shape_cast %get3A_545 : vector<1x16xf32> to vector<16xf32>
      %add3A_547 = arith.addf %get3A_542, %get3A_546 : vector<16xf32>
      %swap3A_548 = arith.index_cast %scan3A_120 : i32 to index
      %swap3A_549 = arith.constant 480 : index
      %swap3A_550 = tpu.vector_load %arg15[%swap3A_548, %swap3A_549] {strides = array<i32>} : memref<16x1024xf32, #tpu.memory_space<vmem>>, vector<1x16xf32>,
      %swap3A_551 = vector.shape_cast %swap3A_550 : vector<1x16xf32> to vector<16xf32>
      %swap3A_552 = vector.shape_cast %add3A_547 : vector<16xf32> to vector<1x16xf32>
      tpu.vector_store %arg15[%swap3A_548, %swap3A_549], %swap3A_552 {strides = array<i32>} : memref<16x1024xf32, #tpu.memory_space<vmem>>, vector<1x16xf32>,
      %get3A_553 = arith.index_cast %scan3A_120 : i32 to index
      %get3A_554 = arith.constant 496 : index
      %get3A_555 = tpu.vector_load %arg11[%get3A_553, %get3A_554] {strides = array<i32>} : memref<16x1024xf32, #tpu.memory_space<vmem>>, vector<1x16xf32>,
      %get3A_556 = vector.shape_cast %get3A_555 : vector<1x16xf32> to vector<16xf32>
      %get3A_557 = arith.index_cast %scan3A_120 : i32 to index
      %get3A_558 = arith.constant 496 : index
      %get3A_559 = tpu.vector_load %arg13[%get3A_557, %get3A_558] {strides = array<i32>} : memref<16x1024xf32, #tpu.memory_space<vmem>>, vector<1x16xf32>,
      %get3A_560 = vector.shape_cast %get3A_559 : vector<1x16xf32> to vector<16xf32>
      %add3A_561 = arith.addf %get3A_556, %get3A_560 : vector<16xf32>
      %swap3A_562 = arith.index_cast %scan3A_120 : i32 to index
      %swap3A_563 = arith.constant 496 : index
      %swap3A_564 = tpu.vector_load %arg15[%swap3A_562, %swap3A_563] {strides = array<i32>} : memref<16x1024xf32, #tpu.memory_space<vmem>>, vector<1x16xf32>,
      %swap3A_565 = vector.shape_cast %swap3A_564 : vector<1x16xf32> to vector<16xf32>
      %swap3A_566 = vector.shape_cast %add3A_561 : vector<16xf32> to vector<1x16xf32>
      tpu.vector_store %arg15[%swap3A_562, %swap3A_563], %swap3A_566 {strides = array<i32>} : memref<16x1024xf32, #tpu.memory_space<vmem>>, vector<1x16xf32>,
      %get3A_567 = arith.index_cast %scan3A_120 : i32 to index
      %get3A_568 = arith.constant 512 : index
      %get3A_569 = tpu.vector_load %arg11[%get3A_567, %get3A_568] {strides = array<i32>} : memref<16x1024xf32, #tpu.memory_space<vmem>>, vector<1x16xf32>,
      %get3A_570 = vector.shape_cast %get3A_569 : vector<1x16xf32> to vector<16xf32>
      %get3A_571 = arith.index_cast %scan3A_120 : i32 to index
      %get3A_572 = arith.constant 512 : index
      %get3A_573 = tpu.vector_load %arg13[%get3A_571, %get3A_572] {strides = array<i32>} : memref<16x1024xf32, #tpu.memory_space<vmem>>, vector<1x16xf32>,
      %get3A_574 = vector.shape_cast %get3A_573 : vector<1x16xf32> to vector<16xf32>
      %add3A_575 = arith.addf %get3A_570, %get3A_574 : vector<16xf32>
      %swap3A_576 = arith.index_cast %scan3A_120 : i32 to index
      %swap3A_577 = arith.constant 512 : index
      %swap3A_578 = tpu.vector_load %arg15[%swap3A_576, %swap3A_577] {strides = array<i32>} : memref<16x1024xf32, #tpu.memory_space<vmem>>, vector<1x16xf32>,
      %swap3A_579 = vector.shape_cast %swap3A_578 : vector<1x16xf32> to vector<16xf32>
      %swap3A_580 = vector.shape_cast %add3A_575 : vector<16xf32> to vector<1x16xf32>
      tpu.vector_store %arg15[%swap3A_576, %swap3A_577], %swap3A_580 {strides = array<i32>} : memref<16x1024xf32, #tpu.memory_space<vmem>>, vector<1x16xf32>,
      %get3A_581 = arith.index_cast %scan3A_120 : i32 to index
      %get3A_582 = arith.constant 528 : index
      %get3A_583 = tpu.vector_load %arg11[%get3A_581, %get3A_582] {strides = array<i32>} : memref<16x1024xf32, #tpu.memory_space<vmem>>, vector<1x16xf32>,
      %get3A_584 = vector.shape_cast %get3A_583 : vector<1x16xf32> to vector<16xf32>
      %get3A_585 = arith.index_cast %scan3A_120 : i32 to index
      %get3A_586 = arith.constant 528 : index
      %get3A_587 = tpu.vector_load %arg13[%get3A_585, %get3A_586] {strides = array<i32>} : memref<16x1024xf32, #tpu.memory_space<vmem>>, vector<1x16xf32>,
      %get3A_588 = vector.shape_cast %get3A_587 : vector<1x16xf32> to vector<16xf32>
      %add3A_589 = arith.addf %get3A_584, %get3A_588 : vector<16xf32>
      %swap3A_590 = arith.index_cast %scan3A_120 : i32 to index
      %swap3A_591 = arith.constant 528 : index
      %swap3A_592 = tpu.vector_load %arg15[%swap3A_590, %swap3A_591] {strides = array<i32>} : memref<16x1024xf32, #tpu.memory_space<vmem>>, vector<1x16xf32>,
      %swap3A_593 = vector.shape_cast %swap3A_592 : vector<1x16xf32> to vector<16xf32>
      %swap3A_594 = vector.shape_cast %add3A_589 : vector<16xf32> to vector<1x16xf32>
      tpu.vector_store %arg15[%swap3A_590, %swap3A_591], %swap3A_594 {strides = array<i32>} : memref<16x1024xf32, #tpu.memory_space<vmem>>, vector<1x16xf32>,
      %get3A_595 = arith.index_cast %scan3A_120 : i32 to index
      %get3A_596 = arith.constant 544 : index
      %get3A_597 = tpu.vector_load %arg11[%get3A_595, %get3A_596] {strides = array<i32>} : memref<16x1024xf32, #tpu.memory_space<vmem>>, vector<1x16xf32>,
      %get3A_598 = vector.shape_cast %get3A_597 : vector<1x16xf32> to vector<16xf32>
      %get3A_599 = arith.index_cast %scan3A_120 : i32 to index
      %get3A_600 = arith.constant 544 : index
      %get3A_601 = tpu.vector_load %arg13[%get3A_599, %get3A_600] {strides = array<i32>} : memref<16x1024xf32, #tpu.memory_space<vmem>>, vector<1x16xf32>,
      %get3A_602 = vector.shape_cast %get3A_601 : vector<1x16xf32> to vector<16xf32>
      %add3A_603 = arith.addf %get3A_598, %get3A_602 : vector<16xf32>
      %swap3A_604 = arith.index_cast %scan3A_120 : i32 to index
      %swap3A_605 = arith.constant 544 : index
      %swap3A_606 = tpu.vector_load %arg15[%swap3A_604, %swap3A_605] {strides = array<i32>} : memref<16x1024xf32, #tpu.memory_space<vmem>>, vector<1x16xf32>,
      %swap3A_607 = vector.shape_cast %swap3A_606 : vector<1x16xf32> to vector<16xf32>
      %swap3A_608 = vector.shape_cast %add3A_603 : vector<16xf32> to vector<1x16xf32>
      tpu.vector_store %arg15[%swap3A_604, %swap3A_605], %swap3A_608 {strides = array<i32>} : memref<16x1024xf32, #tpu.memory_space<vmem>>, vector<1x16xf32>,
      %get3A_609 = arith.index_cast %scan3A_120 : i32 to index
      %get3A_610 = arith.constant 560 : index
      %get3A_611 = tpu.vector_load %arg11[%get3A_609, %get3A_610] {strides = array<i32>} : memref<16x1024xf32, #tpu.memory_space<vmem>>, vector<1x16xf32>,
      %get3A_612 = vector.shape_cast %get3A_611 : vector<1x16xf32> to vector<16xf32>
      %get3A_613 = arith.index_cast %scan3A_120 : i32 to index
      %get3A_614 = arith.constant 560 : index
      %get3A_615 = tpu.vector_load %arg13[%get3A_613, %get3A_614] {strides = array<i32>} : memref<16x1024xf32, #tpu.memory_space<vmem>>, vector<1x16xf32>,
      %get3A_616 = vector.shape_cast %get3A_615 : vector<1x16xf32> to vector<16xf32>
      %add3A_617 = arith.addf %get3A_612, %get3A_616 : vector<16xf32>
      %swap3A_618 = arith.index_cast %scan3A_120 : i32 to index
      %swap3A_619 = arith.constant 560 : index
      %swap3A_620 = tpu.vector_load %arg15[%swap3A_618, %swap3A_619] {strides = array<i32>} : memref<16x1024xf32, #tpu.memory_space<vmem>>, vector<1x16xf32>,
      %swap3A_621 = vector.shape_cast %swap3A_620 : vector<1x16xf32> to vector<16xf32>
      %swap3A_622 = vector.shape_cast %add3A_617 : vector<16xf32> to vector<1x16xf32>
      tpu.vector_store %arg15[%swap3A_618, %swap3A_619], %swap3A_622 {strides = array<i32>} : memref<16x1024xf32, #tpu.memory_space<vmem>>, vector<1x16xf32>,
      %get3A_623 = arith.index_cast %scan3A_120 : i32 to index
      %get3A_624 = arith.constant 576 : index
      %get3A_625 = tpu.vector_load %arg11[%get3A_623, %get3A_624] {strides = array<i32>} : memref<16x1024xf32, #tpu.memory_space<vmem>>, vector<1x16xf32>,
      %get3A_626 = vector.shape_cast %get3A_625 : vector<1x16xf32> to vector<16xf32>
      %get3A_627 = arith.index_cast %scan3A_120 : i32 to index
      %get3A_628 = arith.constant 576 : index
      %get3A_629 = tpu.vector_load %arg13[%get3A_627, %get3A_628] {strides = array<i32>} : memref<16x1024xf32, #tpu.memory_space<vmem>>, vector<1x16xf32>,
      %get3A_630 = vector.shape_cast %get3A_629 : vector<1x16xf32> to vector<16xf32>
      %add3A_631 = arith.addf %get3A_626, %get3A_630 : vector<16xf32>
      %swap3A_632 = arith.index_cast %scan3A_120 : i32 to index
      %swap3A_633 = arith.constant 576 : index
      %swap3A_634 = tpu.vector_load %arg15[%swap3A_632, %swap3A_633] {strides = array<i32>} : memref<16x1024xf32, #tpu.memory_space<vmem>>, vector<1x16xf32>,
      %swap3A_635 = vector.shape_cast %swap3A_634 : vector<1x16xf32> to vector<16xf32>
      %swap3A_636 = vector.shape_cast %add3A_631 : vector<16xf32> to vector<1x16xf32>
      tpu.vector_store %arg15[%swap3A_632, %swap3A_633], %swap3A_636 {strides = array<i32>} : memref<16x1024xf32, #tpu.memory_space<vmem>>, vector<1x16xf32>,
      %get3A_637 = arith.index_cast %scan3A_120 : i32 to index
      %get3A_638 = arith.constant 592 : index
      %get3A_639 = tpu.vector_load %arg11[%get3A_637, %get3A_638] {strides = array<i32>} : memref<16x1024xf32, #tpu.memory_space<vmem>>, vector<1x16xf32>,
      %get3A_640 = vector.shape_cast %get3A_639 : vector<1x16xf32> to vector<16xf32>
      %get3A_641 = arith.index_cast %scan3A_120 : i32 to index
      %get3A_642 = arith.constant 592 : index
      %get3A_643 = tpu.vector_load %arg13[%get3A_641, %get3A_642] {strides = array<i32>} : memref<16x1024xf32, #tpu.memory_space<vmem>>, vector<1x16xf32>,
      %get3A_644 = vector.shape_cast %get3A_643 : vector<1x16xf32> to vector<16xf32>
      %add3A_645 = arith.addf %get3A_640, %get3A_644 : vector<16xf32>
      %swap3A_646 = arith.index_cast %scan3A_120 : i32 to index
      %swap3A_647 = arith.constant 592 : index
      %swap3A_648 = tpu.vector_load %arg15[%swap3A_646, %swap3A_647] {strides = array<i32>} : memref<16x1024xf32, #tpu.memory_space<vmem>>, vector<1x16xf32>,
      %swap3A_649 = vector.shape_cast %swap3A_648 : vector<1x16xf32> to vector<16xf32>
      %swap3A_650 = vector.shape_cast %add3A_645 : vector<16xf32> to vector<1x16xf32>
      tpu.vector_store %arg15[%swap3A_646, %swap3A_647], %swap3A_650 {strides = array<i32>} : memref<16x1024xf32, #tpu.memory_space<vmem>>, vector<1x16xf32>,
      %get3A_651 = arith.index_cast %scan3A_120 : i32 to index
      %get3A_652 = arith.constant 608 : index
      %get3A_653 = tpu.vector_load %arg11[%get3A_651, %get3A_652] {strides = array<i32>} : memref<16x1024xf32, #tpu.memory_space<vmem>>, vector<1x16xf32>,
      %get3A_654 = vector.shape_cast %get3A_653 : vector<1x16xf32> to vector<16xf32>
      %get3A_655 = arith.index_cast %scan3A_120 : i32 to index
      %get3A_656 = arith.constant 608 : index
      %get3A_657 = tpu.vector_load %arg13[%get3A_655, %get3A_656] {strides = array<i32>} : memref<16x1024xf32, #tpu.memory_space<vmem>>, vector<1x16xf32>,
      %get3A_658 = vector.shape_cast %get3A_657 : vector<1x16xf32> to vector<16xf32>
      %add3A_659 = arith.addf %get3A_654, %get3A_658 : vector<16xf32>
      %swap3A_660 = arith.index_cast %scan3A_120 : i32 to index
      %swap3A_661 = arith.constant 608 : index
      %swap3A_662 = tpu.vector_load %arg15[%swap3A_660, %swap3A_661] {strides = array<i32>} : memref<16x1024xf32, #tpu.memory_space<vmem>>, vector<1x16xf32>,
      %swap3A_663 = vector.shape_cast %swap3A_662 : vector<1x16xf32> to vector<16xf32>
      %swap3A_664 = vector.shape_cast %add3A_659 : vector<16xf32> to vector<1x16xf32>
      tpu.vector_store %arg15[%swap3A_660, %swap3A_661], %swap3A_664 {strides = array<i32>} : memref<16x1024xf32, #tpu.memory_space<vmem>>, vector<1x16xf32>,
      %get3A_665 = arith.index_cast %scan3A_120 : i32 to index
      %get3A_666 = arith.constant 624 : index
      %get3A_667 = tpu.vector_load %arg11[%get3A_665, %get3A_666] {strides = array<i32>} : memref<16x1024xf32, #tpu.memory_space<vmem>>, vector<1x16xf32>,
      %get3A_668 = vector.shape_cast %get3A_667 : vector<1x16xf32> to vector<16xf32>
      %get3A_669 = arith.index_cast %scan3A_120 : i32 to index
      %get3A_670 = arith.constant 624 : index
      %get3A_671 = tpu.vector_load %arg13[%get3A_669, %get3A_670] {strides = array<i32>} : memref<16x1024xf32, #tpu.memory_space<vmem>>, vector<1x16xf32>,
      %get3A_672 = vector.shape_cast %get3A_671 : vector<1x16xf32> to vector<16xf32>
      %add3A_673 = arith.addf %get3A_668, %get3A_672 : vector<16xf32>
      %swap3A_674 = arith.index_cast %scan3A_120 : i32 to index
      %swap3A_675 = arith.constant 624 : index
      %swap3A_676 = tpu.vector_load %arg15[%swap3A_674, %swap3A_675] {strides = array<i32>} : memref<16x1024xf32, #tpu.memory_space<vmem>>, vector<1x16xf32>,
      %swap3A_677 = vector.shape_cast %swap3A_676 : vector<1x16xf32> to vector<16xf32>
      %swap3A_678 = vector.shape_cast %add3A_673 : vector<16xf32> to vector<1x16xf32>
      tpu.vector_store %arg15[%swap3A_674, %swap3A_675], %swap3A_678 {strides = array<i32>} : memref<16x1024xf32, #tpu.memory_space<vmem>>, vector<1x16xf32>,
      %get3A_679 = arith.index_cast %scan3A_120 : i32 to index
      %get3A_680 = arith.constant 640 : index
      %get3A_681 = tpu.vector_load %arg11[%get3A_679, %get3A_680] {strides = array<i32>} : memref<16x1024xf32, #tpu.memory_space<vmem>>, vector<1x16xf32>,
      %get3A_682 = vector.shape_cast %get3A_681 : vector<1x16xf32> to vector<16xf32>
      %get3A_683 = arith.index_cast %scan3A_120 : i32 to index
      %get3A_684 = arith.constant 640 : index
      %get3A_685 = tpu.vector_load %arg13[%get3A_683, %get3A_684] {strides = array<i32>} : memref<16x1024xf32, #tpu.memory_space<vmem>>, vector<1x16xf32>,
      %get3A_686 = vector.shape_cast %get3A_685 : vector<1x16xf32> to vector<16xf32>
      %add3A_687 = arith.addf %get3A_682, %get3A_686 : vector<16xf32>
      %swap3A_688 = arith.index_cast %scan3A_120 : i32 to index
      %swap3A_689 = arith.constant 640 : index
      %swap3A_690 = tpu.vector_load %arg15[%swap3A_688, %swap3A_689] {strides = array<i32>} : memref<16x1024xf32, #tpu.memory_space<vmem>>, vector<1x16xf32>,
      %swap3A_691 = vector.shape_cast %swap3A_690 : vector<1x16xf32> to vector<16xf32>
      %swap3A_692 = vector.shape_cast %add3A_687 : vector<16xf32> to vector<1x16xf32>
      tpu.vector_store %arg15[%swap3A_688, %swap3A_689], %swap3A_692 {strides = array<i32>} : memref<16x1024xf32, #tpu.memory_space<vmem>>, vector<1x16xf32>,
      %get3A_693 = arith.index_cast %scan3A_120 : i32 to index
      %get3A_694 = arith.constant 656 : index
      %get3A_695 = tpu.vector_load %arg11[%get3A_693, %get3A_694] {strides = array<i32>} : memref<16x1024xf32, #tpu.memory_space<vmem>>, vector<1x16xf32>,
      %get3A_696 = vector.shape_cast %get3A_695 : vector<1x16xf32> to vector<16xf32>
      %get3A_697 = arith.index_cast %scan3A_120 : i32 to index
      %get3A_698 = arith.constant 656 : index
      %get3A_699 = tpu.vector_load %arg13[%get3A_697, %get3A_698] {strides = array<i32>} : memref<16x1024xf32, #tpu.memory_space<vmem>>, vector<1x16xf32>,
      %get3A_700 = vector.shape_cast %get3A_699 : vector<1x16xf32> to vector<16xf32>
      %add3A_701 = arith.addf %get3A_696, %get3A_700 : vector<16xf32>
      %swap3A_702 = arith.index_cast %scan3A_120 : i32 to index
      %swap3A_703 = arith.constant 656 : index
      %swap3A_704 = tpu.vector_load %arg15[%swap3A_702, %swap3A_703] {strides = array<i32>} : memref<16x1024xf32, #tpu.memory_space<vmem>>, vector<1x16xf32>,
      %swap3A_705 = vector.shape_cast %swap3A_704 : vector<1x16xf32> to vector<16xf32>
      %swap3A_706 = vector.shape_cast %add3A_701 : vector<16xf32> to vector<1x16xf32>
      tpu.vector_store %arg15[%swap3A_702, %swap3A_703], %swap3A_706 {strides = array<i32>} : memref<16x1024xf32, #tpu.memory_space<vmem>>, vector<1x16xf32>,
      %get3A_707 = arith.index_cast %scan3A_120 : i32 to index
      %get3A_708 = arith.constant 672 : index
      %get3A_709 = tpu.vector_load %arg11[%get3A_707, %get3A_708] {strides = array<i32>} : memref<16x1024xf32, #tpu.memory_space<vmem>>, vector<1x16xf32>,
      %get3A_710 = vector.shape_cast %get3A_709 : vector<1x16xf32> to vector<16xf32>
      %get3A_711 = arith.index_cast %scan3A_120 : i32 to index
      %get3A_712 = arith.constant 672 : index
      %get3A_713 = tpu.vector_load %arg13[%get3A_711, %get3A_712] {strides = array<i32>} : memref<16x1024xf32, #tpu.memory_space<vmem>>, vector<1x16xf32>,
      %get3A_714 = vector.shape_cast %get3A_713 : vector<1x16xf32> to vector<16xf32>
      %add3A_715 = arith.addf %get3A_710, %get3A_714 : vector<16xf32>
      %swap3A_716 = arith.index_cast %scan3A_120 : i32 to index
      %swap3A_717 = arith.constant 672 : index
      %swap3A_718 = tpu.vector_load %arg15[%swap3A_716, %swap3A_717] {strides = array<i32>} : memref<16x1024xf32, #tpu.memory_space<vmem>>, vector<1x16xf32>,
      %swap3A_719 = vector.shape_cast %swap3A_718 : vector<1x16xf32> to vector<16xf32>
      %swap3A_720 = vector.shape_cast %add3A_715 : vector<16xf32> to vector<1x16xf32>
      tpu.vector_store %arg15[%swap3A_716, %swap3A_717], %swap3A_720 {strides = array<i32>} : memref<16x1024xf32, #tpu.memory_space<vmem>>, vector<1x16xf32>,
      %get3A_721 = arith.index_cast %scan3A_120 : i32 to index
      %get3A_722 = arith.constant 688 : index
      %get3A_723 = tpu.vector_load %arg11[%get3A_721, %get3A_722] {strides = array<i32>} : memref<16x1024xf32, #tpu.memory_space<vmem>>, vector<1x16xf32>,
      %get3A_724 = vector.shape_cast %get3A_723 : vector<1x16xf32> to vector<16xf32>
      %get3A_725 = arith.index_cast %scan3A_120 : i32 to index
      %get3A_726 = arith.constant 688 : index
      %get3A_727 = tpu.vector_load %arg13[%get3A_725, %get3A_726] {strides = array<i32>} : memref<16x1024xf32, #tpu.memory_space<vmem>>, vector<1x16xf32>,
      %get3A_728 = vector.shape_cast %get3A_727 : vector<1x16xf32> to vector<16xf32>
      %add3A_729 = arith.addf %get3A_724, %get3A_728 : vector<16xf32>
      %swap3A_730 = arith.index_cast %scan3A_120 : i32 to index
      %swap3A_731 = arith.constant 688 : index
      %swap3A_732 = tpu.vector_load %arg15[%swap3A_730, %swap3A_731] {strides = array<i32>} : memref<16x1024xf32, #tpu.memory_space<vmem>>, vector<1x16xf32>,
      %swap3A_733 = vector.shape_cast %swap3A_732 : vector<1x16xf32> to vector<16xf32>
      %swap3A_734 = vector.shape_cast %add3A_729 : vector<16xf32> to vector<1x16xf32>
      tpu.vector_store %arg15[%swap3A_730, %swap3A_731], %swap3A_734 {strides = array<i32>} : memref<16x1024xf32, #tpu.memory_space<vmem>>, vector<1x16xf32>,
      %get3A_735 = arith.index_cast %scan3A_120 : i32 to index
      %get3A_736 = arith.constant 704 : index
      %get3A_737 = tpu.vector_load %arg11[%get3A_735, %get3A_736] {strides = array<i32>} : memref<16x1024xf32, #tpu.memory_space<vmem>>, vector<1x16xf32>,
      %get3A_738 = vector.shape_cast %get3A_737 : vector<1x16xf32> to vector<16xf32>
      %get3A_739 = arith.index_cast %scan3A_120 : i32 to index
      %get3A_740 = arith.constant 704 : index
      %get3A_741 = tpu.vector_load %arg13[%get3A_739, %get3A_740] {strides = array<i32>} : memref<16x1024xf32, #tpu.memory_space<vmem>>, vector<1x16xf32>,
      %get3A_742 = vector.shape_cast %get3A_741 : vector<1x16xf32> to vector<16xf32>
      %add3A_743 = arith.addf %get3A_738, %get3A_742 : vector<16xf32>
      %swap3A_744 = arith.index_cast %scan3A_120 : i32 to index
      %swap3A_745 = arith.constant 704 : index
      %swap3A_746 = tpu.vector_load %arg15[%swap3A_744, %swap3A_745] {strides = array<i32>} : memref<16x1024xf32, #tpu.memory_space<vmem>>, vector<1x16xf32>,
      %swap3A_747 = vector.shape_cast %swap3A_746 : vector<1x16xf32> to vector<16xf32>
      %swap3A_748 = vector.shape_cast %add3A_743 : vector<16xf32> to vector<1x16xf32>
      tpu.vector_store %arg15[%swap3A_744, %swap3A_745], %swap3A_748 {strides = array<i32>} : memref<16x1024xf32, #tpu.memory_space<vmem>>, vector<1x16xf32>,
      %get3A_749 = arith.index_cast %scan3A_120 : i32 to index
      %get3A_750 = arith.constant 720 : index
      %get3A_751 = tpu.vector_load %arg11[%get3A_749, %get3A_750] {strides = array<i32>} : memref<16x1024xf32, #tpu.memory_space<vmem>>, vector<1x16xf32>,
      %get3A_752 = vector.shape_cast %get3A_751 : vector<1x16xf32> to vector<16xf32>
      %get3A_753 = arith.index_cast %scan3A_120 : i32 to index
      %get3A_754 = arith.constant 720 : index
      %get3A_755 = tpu.vector_load %arg13[%get3A_753, %get3A_754] {strides = array<i32>} : memref<16x1024xf32, #tpu.memory_space<vmem>>, vector<1x16xf32>,
      %get3A_756 = vector.shape_cast %get3A_755 : vector<1x16xf32> to vector<16xf32>
      %add3A_757 = arith.addf %get3A_752, %get3A_756 : vector<16xf32>
      %swap3A_758 = arith.index_cast %scan3A_120 : i32 to index
      %swap3A_759 = arith.constant 720 : index
      %swap3A_760 = tpu.vector_load %arg15[%swap3A_758, %swap3A_759] {strides = array<i32>} : memref<16x1024xf32, #tpu.memory_space<vmem>>, vector<1x16xf32>,
      %swap3A_761 = vector.shape_cast %swap3A_760 : vector<1x16xf32> to vector<16xf32>
      %swap3A_762 = vector.shape_cast %add3A_757 : vector<16xf32> to vector<1x16xf32>
      tpu.vector_store %arg15[%swap3A_758, %swap3A_759], %swap3A_762 {strides = array<i32>} : memref<16x1024xf32, #tpu.memory_space<vmem>>, vector<1x16xf32>,
      %get3A_763 = arith.index_cast %scan3A_120 : i32 to index
      %get3A_764 = arith.constant 736 : index
      %get3A_765 = tpu.vector_load %arg11[%get3A_763, %get3A_764] {strides = array<i32>} : memref<16x1024xf32, #tpu.memory_space<vmem>>, vector<1x16xf32>,
      %get3A_766 = vector.shape_cast %get3A_765 : vector<1x16xf32> to vector<16xf32>
      %get3A_767 = arith.index_cast %scan3A_120 : i32 to index
      %get3A_768 = arith.constant 736 : index
      %get3A_769 = tpu.vector_load %arg13[%get3A_767, %get3A_768] {strides = array<i32>} : memref<16x1024xf32, #tpu.memory_space<vmem>>, vector<1x16xf32>,
      %get3A_770 = vector.shape_cast %get3A_769 : vector<1x16xf32> to vector<16xf32>
      %add3A_771 = arith.addf %get3A_766, %get3A_770 : vector<16xf32>
      %swap3A_772 = arith.index_cast %scan3A_120 : i32 to index
      %swap3A_773 = arith.constant 736 : index
      %swap3A_774 = tpu.vector_load %arg15[%swap3A_772, %swap3A_773] {strides = array<i32>} : memref<16x1024xf32, #tpu.memory_space<vmem>>, vector<1x16xf32>,
      %swap3A_775 = vector.shape_cast %swap3A_774 : vector<1x16xf32> to vector<16xf32>
      %swap3A_776 = vector.shape_cast %add3A_771 : vector<16xf32> to vector<1x16xf32>
      tpu.vector_store %arg15[%swap3A_772, %swap3A_773], %swap3A_776 {strides = array<i32>} : memref<16x1024xf32, #tpu.memory_space<vmem>>, vector<1x16xf32>,
      %get3A_777 = arith.index_cast %scan3A_120 : i32 to index
      %get3A_778 = arith.constant 752 : index
      %get3A_779 = tpu.vector_load %arg11[%get3A_777, %get3A_778] {strides = array<i32>} : memref<16x1024xf32, #tpu.memory_space<vmem>>, vector<1x16xf32>,
      %get3A_780 = vector.shape_cast %get3A_779 : vector<1x16xf32> to vector<16xf32>
      %get3A_781 = arith.index_cast %scan3A_120 : i32 to index
      %get3A_782 = arith.constant 752 : index
      %get3A_783 = tpu.vector_load %arg13[%get3A_781, %get3A_782] {strides = array<i32>} : memref<16x1024xf32, #tpu.memory_space<vmem>>, vector<1x16xf32>,
      %get3A_784 = vector.shape_cast %get3A_783 : vector<1x16xf32> to vector<16xf32>
      %add3A_785 = arith.addf %get3A_780, %get3A_784 : vector<16xf32>
      %swap3A_786 = arith.index_cast %scan3A_120 : i32 to index
      %swap3A_787 = arith.constant 752 : index
      %swap3A_788 = tpu.vector_load %arg15[%swap3A_786, %swap3A_787] {strides = array<i32>} : memref<16x1024xf32, #tpu.memory_space<vmem>>, vector<1x16xf32>,
      %swap3A_789 = vector.shape_cast %swap3A_788 : vector<1x16xf32> to vector<16xf32>
      %swap3A_790 = vector.shape_cast %add3A_785 : vector<16xf32> to vector<1x16xf32>
      tpu.vector_store %arg15[%swap3A_786, %swap3A_787], %swap3A_790 {strides = array<i32>} : memref<16x1024xf32, #tpu.memory_space<vmem>>, vector<1x16xf32>,
      %get3A_791 = arith.index_cast %scan3A_120 : i32 to index
      %get3A_792 = arith.constant 768 : index
      %get3A_793 = tpu.vector_load %arg11[%get3A_791, %get3A_792] {strides = array<i32>} : memref<16x1024xf32, #tpu.memory_space<vmem>>, vector<1x16xf32>,
      %get3A_794 = vector.shape_cast %get3A_793 : vector<1x16xf32> to vector<16xf32>
      %get3A_795 = arith.index_cast %scan3A_120 : i32 to index
      %get3A_796 = arith.constant 768 : index
      %get3A_797 = tpu.vector_load %arg13[%get3A_795, %get3A_796] {strides = array<i32>} : memref<16x1024xf32, #tpu.memory_space<vmem>>, vector<1x16xf32>,
      %get3A_798 = vector.shape_cast %get3A_797 : vector<1x16xf32> to vector<16xf32>
      %add3A_799 = arith.addf %get3A_794, %get3A_798 : vector<16xf32>
      %swap3A_800 = arith.index_cast %scan3A_120 : i32 to index
      %swap3A_801 = arith.constant 768 : index
      %swap3A_802 = tpu.vector_load %arg15[%swap3A_800, %swap3A_801] {strides = array<i32>} : memref<16x1024xf32, #tpu.memory_space<vmem>>, vector<1x16xf32>,
      %swap3A_803 = vector.shape_cast %swap3A_802 : vector<1x16xf32> to vector<16xf32>
      %swap3A_804 = vector.shape_cast %add3A_799 : vector<16xf32> to vector<1x16xf32>
      tpu.vector_store %arg15[%swap3A_800, %swap3A_801], %swap3A_804 {strides = array<i32>} : memref<16x1024xf32, #tpu.memory_space<vmem>>, vector<1x16xf32>,
      %get3A_805 = arith.index_cast %scan3A_120 : i32 to index
      %get3A_806 = arith.constant 784 : index
      %get3A_807 = tpu.vector_load %arg11[%get3A_805, %get3A_806] {strides = array<i32>} : memref<16x1024xf32, #tpu.memory_space<vmem>>, vector<1x16xf32>,
      %get3A_808 = vector.shape_cast %get3A_807 : vector<1x16xf32> to vector<16xf32>
      %get3A_809 = arith.index_cast %scan3A_120 : i32 to index
      %get3A_810 = arith.constant 784 : index
      %get3A_811 = tpu.vector_load %arg13[%get3A_809, %get3A_810] {strides = array<i32>} : memref<16x1024xf32, #tpu.memory_space<vmem>>, vector<1x16xf32>,
      %get3A_812 = vector.shape_cast %get3A_811 : vector<1x16xf32> to vector<16xf32>
      %add3A_813 = arith.addf %get3A_808, %get3A_812 : vector<16xf32>
      %swap3A_814 = arith.index_cast %scan3A_120 : i32 to index
      %swap3A_815 = arith.constant 784 : index
      %swap3A_816 = tpu.vector_load %arg15[%swap3A_814, %swap3A_815] {strides = array<i32>} : memref<16x1024xf32, #tpu.memory_space<vmem>>, vector<1x16xf32>,
      %swap3A_817 = vector.shape_cast %swap3A_816 : vector<1x16xf32> to vector<16xf32>
      %swap3A_818 = vector.shape_cast %add3A_813 : vector<16xf32> to vector<1x16xf32>
      tpu.vector_store %arg15[%swap3A_814, %swap3A_815], %swap3A_818 {strides = array<i32>} : memref<16x1024xf32, #tpu.memory_space<vmem>>, vector<1x16xf32>,
      %get3A_819 = arith.index_cast %scan3A_120 : i32 to index
      %get3A_820 = arith.constant 800 : index
      %get3A_821 = tpu.vector_load %arg11[%get3A_819, %get3A_820] {strides = array<i32>} : memref<16x1024xf32, #tpu.memory_space<vmem>>, vector<1x16xf32>,
      %get3A_822 = vector.shape_cast %get3A_821 : vector<1x16xf32> to vector<16xf32>
      %get3A_823 = arith.index_cast %scan3A_120 : i32 to index
      %get3A_824 = arith.constant 800 : index
      %get3A_825 = tpu.vector_load %arg13[%get3A_823, %get3A_824] {strides = array<i32>} : memref<16x1024xf32, #tpu.memory_space<vmem>>, vector<1x16xf32>,
      %get3A_826 = vector.shape_cast %get3A_825 : vector<1x16xf32> to vector<16xf32>
      %add3A_827 = arith.addf %get3A_822, %get3A_826 : vector<16xf32>
      %swap3A_828 = arith.index_cast %scan3A_120 : i32 to index
      %swap3A_829 = arith.constant 800 : index
      %swap3A_830 = tpu.vector_load %arg15[%swap3A_828, %swap3A_829] {strides = array<i32>} : memref<16x1024xf32, #tpu.memory_space<vmem>>, vector<1x16xf32>,
      %swap3A_831 = vector.shape_cast %swap3A_830 : vector<1x16xf32> to vector<16xf32>
      %swap3A_832 = vector.shape_cast %add3A_827 : vector<16xf32> to vector<1x16xf32>
      tpu.vector_store %arg15[%swap3A_828, %swap3A_829], %swap3A_832 {strides = array<i32>} : memref<16x1024xf32, #tpu.memory_space<vmem>>, vector<1x16xf32>,
      %get3A_833 = arith.index_cast %scan3A_120 : i32 to index
      %get3A_834 = arith.constant 816 : index
      %get3A_835 = tpu.vector_load %arg11[%get3A_833, %get3A_834] {strides = array<i32>} : memref<16x1024xf32, #tpu.memory_space<vmem>>, vector<1x16xf32>,
      %get3A_836 = vector.shape_cast %get3A_835 : vector<1x16xf32> to vector<16xf32>
      %get3A_837 = arith.index_cast %scan3A_120 : i32 to index
      %get3A_838 = arith.constant 816 : index
      %get3A_839 = tpu.vector_load %arg13[%get3A_837, %get3A_838] {strides = array<i32>} : memref<16x1024xf32, #tpu.memory_space<vmem>>, vector<1x16xf32>,
      %get3A_840 = vector.shape_cast %get3A_839 : vector<1x16xf32> to vector<16xf32>
      %add3A_841 = arith.addf %get3A_836, %get3A_840 : vector<16xf32>
      %swap3A_842 = arith.index_cast %scan3A_120 : i32 to index
      %swap3A_843 = arith.constant 816 : index
      %swap3A_844 = tpu.vector_load %arg15[%swap3A_842, %swap3A_843] {strides = array<i32>} : memref<16x1024xf32, #tpu.memory_space<vmem>>, vector<1x16xf32>,
      %swap3A_845 = vector.shape_cast %swap3A_844 : vector<1x16xf32> to vector<16xf32>
      %swap3A_846 = vector.shape_cast %add3A_841 : vector<16xf32> to vector<1x16xf32>
      tpu.vector_store %arg15[%swap3A_842, %swap3A_843], %swap3A_846 {strides = array<i32>} : memref<16x1024xf32, #tpu.memory_space<vmem>>, vector<1x16xf32>,
      %get3A_847 = arith.index_cast %scan3A_120 : i32 to index
      %get3A_848 = arith.constant 832 : index
      %get3A_849 = tpu.vector_load %arg11[%get3A_847, %get3A_848] {strides = array<i32>} : memref<16x1024xf32, #tpu.memory_space<vmem>>, vector<1x16xf32>,
      %get3A_850 = vector.shape_cast %get3A_849 : vector<1x16xf32> to vector<16xf32>
      %get3A_851 = arith.index_cast %scan3A_120 : i32 to index
      %get3A_852 = arith.constant 832 : index
      %get3A_853 = tpu.vector_load %arg13[%get3A_851, %get3A_852] {strides = array<i32>} : memref<16x1024xf32, #tpu.memory_space<vmem>>, vector<1x16xf32>,
      %get3A_854 = vector.shape_cast %get3A_853 : vector<1x16xf32> to vector<16xf32>
      %add3A_855 = arith.addf %get3A_850, %get3A_854 : vector<16xf32>
      %swap3A_856 = arith.index_cast %scan3A_120 : i32 to index
      %swap3A_857 = arith.constant 832 : index
      %swap3A_858 = tpu.vector_load %arg15[%swap3A_856, %swap3A_857] {strides = array<i32>} : memref<16x1024xf32, #tpu.memory_space<vmem>>, vector<1x16xf32>,
      %swap3A_859 = vector.shape_cast %swap3A_858 : vector<1x16xf32> to vector<16xf32>
      %swap3A_860 = vector.shape_cast %add3A_855 : vector<16xf32> to vector<1x16xf32>
      tpu.vector_store %arg15[%swap3A_856, %swap3A_857], %swap3A_860 {strides = array<i32>} : memref<16x1024xf32, #tpu.memory_space<vmem>>, vector<1x16xf32>,
      %get3A_861 = arith.index_cast %scan3A_120 : i32 to index
      %get3A_862 = arith.constant 848 : index
      %get3A_863 = tpu.vector_load %arg11[%get3A_861, %get3A_862] {strides = array<i32>} : memref<16x1024xf32, #tpu.memory_space<vmem>>, vector<1x16xf32>,
      %get3A_864 = vector.shape_cast %get3A_863 : vector<1x16xf32> to vector<16xf32>
      %get3A_865 = arith.index_cast %scan3A_120 : i32 to index
      %get3A_866 = arith.constant 848 : index
      %get3A_867 = tpu.vector_load %arg13[%get3A_865, %get3A_866] {strides = array<i32>} : memref<16x1024xf32, #tpu.memory_space<vmem>>, vector<1x16xf32>,
      %get3A_868 = vector.shape_cast %get3A_867 : vector<1x16xf32> to vector<16xf32>
      %add3A_869 = arith.addf %get3A_864, %get3A_868 : vector<16xf32>
      %swap3A_870 = arith.index_cast %scan3A_120 : i32 to index
      %swap3A_871 = arith.constant 848 : index
      %swap3A_872 = tpu.vector_load %arg15[%swap3A_870, %swap3A_871] {strides = array<i32>} : memref<16x1024xf32, #tpu.memory_space<vmem>>, vector<1x16xf32>,
      %swap3A_873 = vector.shape_cast %swap3A_872 : vector<1x16xf32> to vector<16xf32>
      %swap3A_874 = vector.shape_cast %add3A_869 : vector<16xf32> to vector<1x16xf32>
      tpu.vector_store %arg15[%swap3A_870, %swap3A_871], %swap3A_874 {strides = array<i32>} : memref<16x1024xf32, #tpu.memory_space<vmem>>, vector<1x16xf32>,
      %get3A_875 = arith.index_cast %scan3A_120 : i32 to index
      %get3A_876 = arith.constant 864 : index
      %get3A_877 = tpu.vector_load %arg11[%get3A_875, %get3A_876] {strides = array<i32>} : memref<16x1024xf32, #tpu.memory_space<vmem>>, vector<1x16xf32>,
      %get3A_878 = vector.shape_cast %get3A_877 : vector<1x16xf32> to vector<16xf32>
      %get3A_879 = arith.index_cast %scan3A_120 : i32 to index
      %get3A_880 = arith.constant 864 : index
      %get3A_881 = tpu.vector_load %arg13[%get3A_879, %get3A_880] {strides = array<i32>} : memref<16x1024xf32, #tpu.memory_space<vmem>>, vector<1x16xf32>,
      %get3A_882 = vector.shape_cast %get3A_881 : vector<1x16xf32> to vector<16xf32>
      %add3A_883 = arith.addf %get3A_878, %get3A_882 : vector<16xf32>
      %swap3A_884 = arith.index_cast %scan3A_120 : i32 to index
      %swap3A_885 = arith.constant 864 : index
      %swap3A_886 = tpu.vector_load %arg15[%swap3A_884, %swap3A_885] {strides = array<i32>} : memref<16x1024xf32, #tpu.memory_space<vmem>>, vector<1x16xf32>,
      %swap3A_887 = vector.shape_cast %swap3A_886 : vector<1x16xf32> to vector<16xf32>
      %swap3A_888 = vector.shape_cast %add3A_883 : vector<16xf32> to vector<1x16xf32>
      tpu.vector_store %arg15[%swap3A_884, %swap3A_885], %swap3A_888 {strides = array<i32>} : memref<16x1024xf32, #tpu.memory_space<vmem>>, vector<1x16xf32>,
      %get3A_889 = arith.index_cast %scan3A_120 : i32 to index
      %get3A_890 = arith.constant 880 : index
      %get3A_891 = tpu.vector_load %arg11[%get3A_889, %get3A_890] {strides = array<i32>} : memref<16x1024xf32, #tpu.memory_space<vmem>>, vector<1x16xf32>,
      %get3A_892 = vector.shape_cast %get3A_891 : vector<1x16xf32> to vector<16xf32>
      %get3A_893 = arith.index_cast %scan3A_120 : i32 to index
      %get3A_894 = arith.constant 880 : index
      %get3A_895 = tpu.vector_load %arg13[%get3A_893, %get3A_894] {strides = array<i32>} : memref<16x1024xf32, #tpu.memory_space<vmem>>, vector<1x16xf32>,
      %get3A_896 = vector.shape_cast %get3A_895 : vector<1x16xf32> to vector<16xf32>
      %add3A_897 = arith.addf %get3A_892, %get3A_896 : vector<16xf32>
      %swap3A_898 = arith.index_cast %scan3A_120 : i32 to index
      %swap3A_899 = arith.constant 880 : index
      %swap3A_900 = tpu.vector_load %arg15[%swap3A_898, %swap3A_899] {strides = array<i32>} : memref<16x1024xf32, #tpu.memory_space<vmem>>, vector<1x16xf32>,
      %swap3A_901 = vector.shape_cast %swap3A_900 : vector<1x16xf32> to vector<16xf32>
      %swap3A_902 = vector.shape_cast %add3A_897 : vector<16xf32> to vector<1x16xf32>
      tpu.vector_store %arg15[%swap3A_898, %swap3A_899], %swap3A_902 {strides = array<i32>} : memref<16x1024xf32, #tpu.memory_space<vmem>>, vector<1x16xf32>,
      %get3A_903 = arith.index_cast %scan3A_120 : i32 to index
      %get3A_904 = arith.constant 896 : index
      %get3A_905 = tpu.vector_load %arg11[%get3A_903, %get3A_904] {strides = array<i32>} : memref<16x1024xf32, #tpu.memory_space<vmem>>, vector<1x16xf32>,
      %get3A_906 = vector.shape_cast %get3A_905 : vector<1x16xf32> to vector<16xf32>
      %get3A_907 = arith.index_cast %scan3A_120 : i32 to index
      %get3A_908 = arith.constant 896 : index
      %get3A_909 = tpu.vector_load %arg13[%get3A_907, %get3A_908] {strides = array<i32>} : memref<16x1024xf32, #tpu.memory_space<vmem>>, vector<1x16xf32>,
      %get3A_910 = vector.shape_cast %get3A_909 : vector<1x16xf32> to vector<16xf32>
      %add3A_911 = arith.addf %get3A_906, %get3A_910 : vector<16xf32>
      %swap3A_912 = arith.index_cast %scan3A_120 : i32 to index
      %swap3A_913 = arith.constant 896 : index
      %swap3A_914 = tpu.vector_load %arg15[%swap3A_912, %swap3A_913] {strides = array<i32>} : memref<16x1024xf32, #tpu.memory_space<vmem>>, vector<1x16xf32>,
      %swap3A_915 = vector.shape_cast %swap3A_914 : vector<1x16xf32> to vector<16xf32>
      %swap3A_916 = vector.shape_cast %add3A_911 : vector<16xf32> to vector<1x16xf32>
      tpu.vector_store %arg15[%swap3A_912, %swap3A_913], %swap3A_916 {strides = array<i32>} : memref<16x1024xf32, #tpu.memory_space<vmem>>, vector<1x16xf32>,
      %get3A_917 = arith.index_cast %scan3A_120 : i32 to index
      %get3A_918 = arith.constant 912 : index
      %get3A_919 = tpu.vector_load %arg11[%get3A_917, %get3A_918] {strides = array<i32>} : memref<16x1024xf32, #tpu.memory_space<vmem>>, vector<1x16xf32>,
      %get3A_920 = vector.shape_cast %get3A_919 : vector<1x16xf32> to vector<16xf32>
      %get3A_921 = arith.index_cast %scan3A_120 : i32 to index
      %get3A_922 = arith.constant 912 : index
      %get3A_923 = tpu.vector_load %arg13[%get3A_921, %get3A_922] {strides = array<i32>} : memref<16x1024xf32, #tpu.memory_space<vmem>>, vector<1x16xf32>,
      %get3A_924 = vector.shape_cast %get3A_923 : vector<1x16xf32> to vector<16xf32>
      %add3A_925 = arith.addf %get3A_920, %get3A_924 : vector<16xf32>
      %swap3A_926 = arith.index_cast %scan3A_120 : i32 to index
      %swap3A_927 = arith.constant 912 : index
      %swap3A_928 = tpu.vector_load %arg15[%swap3A_926, %swap3A_927] {strides = array<i32>} : memref<16x1024xf32, #tpu.memory_space<vmem>>, vector<1x16xf32>,
      %swap3A_929 = vector.shape_cast %swap3A_928 : vector<1x16xf32> to vector<16xf32>
      %swap3A_930 = vector.shape_cast %add3A_925 : vector<16xf32> to vector<1x16xf32>
      tpu.vector_store %arg15[%swap3A_926, %swap3A_927], %swap3A_930 {strides = array<i32>} : memref<16x1024xf32, #tpu.memory_space<vmem>>, vector<1x16xf32>,
      %get3A_931 = arith.index_cast %scan3A_120 : i32 to index
      %get3A_932 = arith.constant 928 : index
      %get3A_933 = tpu.vector_load %arg11[%get3A_931, %get3A_932] {strides = array<i32>} : memref<16x1024xf32, #tpu.memory_space<vmem>>, vector<1x16xf32>,
      %get3A_934 = vector.shape_cast %get3A_933 : vector<1x16xf32> to vector<16xf32>
      %get3A_935 = arith.index_cast %scan3A_120 : i32 to index
      %get3A_936 = arith.constant 928 : index
      %get3A_937 = tpu.vector_load %arg13[%get3A_935, %get3A_936] {strides = array<i32>} : memref<16x1024xf32, #tpu.memory_space<vmem>>, vector<1x16xf32>,
      %get3A_938 = vector.shape_cast %get3A_937 : vector<1x16xf32> to vector<16xf32>
      %add3A_939 = arith.addf %get3A_934, %get3A_938 : vector<16xf32>
      %swap3A_940 = arith.index_cast %scan3A_120 : i32 to index
      %swap3A_941 = arith.constant 928 : index
      %swap3A_942 = tpu.vector_load %arg15[%swap3A_940, %swap3A_941] {strides = array<i32>} : memref<16x1024xf32, #tpu.memory_space<vmem>>, vector<1x16xf32>,
      %swap3A_943 = vector.shape_cast %swap3A_942 : vector<1x16xf32> to vector<16xf32>
      %swap3A_944 = vector.shape_cast %add3A_939 : vector<16xf32> to vector<1x16xf32>
      tpu.vector_store %arg15[%swap3A_940, %swap3A_941], %swap3A_944 {strides = array<i32>} : memref<16x1024xf32, #tpu.memory_space<vmem>>, vector<1x16xf32>,
      %get3A_945 = arith.index_cast %scan3A_120 : i32 to index
      %get3A_946 = arith.constant 944 : index
      %get3A_947 = tpu.vector_load %arg11[%get3A_945, %get3A_946] {strides = array<i32>} : memref<16x1024xf32, #tpu.memory_space<vmem>>, vector<1x16xf32>,
      %get3A_948 = vector.shape_cast %get3A_947 : vector<1x16xf32> to vector<16xf32>
      %get3A_949 = arith.index_cast %scan3A_120 : i32 to index
      %get3A_950 = arith.constant 944 : index
      %get3A_951 = tpu.vector_load %arg13[%get3A_949, %get3A_950] {strides = array<i32>} : memref<16x1024xf32, #tpu.memory_space<vmem>>, vector<1x16xf32>,
      %get3A_952 = vector.shape_cast %get3A_951 : vector<1x16xf32> to vector<16xf32>
      %add3A_953 = arith.addf %get3A_948, %get3A_952 : vector<16xf32>
      %swap3A_954 = arith.index_cast %scan3A_120 : i32 to index
      %swap3A_955 = arith.constant 944 : index
      %swap3A_956 = tpu.vector_load %arg15[%swap3A_954, %swap3A_955] {strides = array<i32>} : memref<16x1024xf32, #tpu.memory_space<vmem>>, vector<1x16xf32>,
      %swap3A_957 = vector.shape_cast %swap3A_956 : vector<1x16xf32> to vector<16xf32>
      %swap3A_958 = vector.shape_cast %add3A_953 : vector<16xf32> to vector<1x16xf32>
      tpu.vector_store %arg15[%swap3A_954, %swap3A_955], %swap3A_958 {strides = array<i32>} : memref<16x1024xf32, #tpu.memory_space<vmem>>, vector<1x16xf32>,
      %get3A_959 = arith.index_cast %scan3A_120 : i32 to index
      %get3A_960 = arith.constant 960 : index
      %get3A_961 = tpu.vector_load %arg11[%get3A_959, %get3A_960] {strides = array<i32>} : memref<16x1024xf32, #tpu.memory_space<vmem>>, vector<1x16xf32>,
      %get3A_962 = vector.shape_cast %get3A_961 : vector<1x16xf32> to vector<16xf32>
      %get3A_963 = arith.index_cast %scan3A_120 : i32 to index
      %get3A_964 = arith.constant 960 : index
      %get3A_965 = tpu.vector_load %arg13[%get3A_963, %get3A_964] {strides = array<i32>} : memref<16x1024xf32, #tpu.memory_space<vmem>>, vector<1x16xf32>,
      %get3A_966 = vector.shape_cast %get3A_965 : vector<1x16xf32> to vector<16xf32>
      %add3A_967 = arith.addf %get3A_962, %get3A_966 : vector<16xf32>
      %swap3A_968 = arith.index_cast %scan3A_120 : i32 to index
      %swap3A_969 = arith.constant 960 : index
      %swap3A_970 = tpu.vector_load %arg15[%swap3A_968, %swap3A_969] {strides = array<i32>} : memref<16x1024xf32, #tpu.memory_space<vmem>>, vector<1x16xf32>,
      %swap3A_971 = vector.shape_cast %swap3A_970 : vector<1x16xf32> to vector<16xf32>
      %swap3A_972 = vector.shape_cast %add3A_967 : vector<16xf32> to vector<1x16xf32>
      tpu.vector_store %arg15[%swap3A_968, %swap3A_969], %swap3A_972 {strides = array<i32>} : memref<16x1024xf32, #tpu.memory_space<vmem>>, vector<1x16xf32>,
      %get3A_973 = arith.index_cast %scan3A_120 : i32 to index
      %get3A_974 = arith.constant 976 : index
      %get3A_975 = tpu.vector_load %arg11[%get3A_973, %get3A_974] {strides = array<i32>} : memref<16x1024xf32, #tpu.memory_space<vmem>>, vector<1x16xf32>,
      %get3A_976 = vector.shape_cast %get3A_975 : vector<1x16xf32> to vector<16xf32>
      %get3A_977 = arith.index_cast %scan3A_120 : i32 to index
      %get3A_978 = arith.constant 976 : index
      %get3A_979 = tpu.vector_load %arg13[%get3A_977, %get3A_978] {strides = array<i32>} : memref<16x1024xf32, #tpu.memory_space<vmem>>, vector<1x16xf32>,
      %get3A_980 = vector.shape_cast %get3A_979 : vector<1x16xf32> to vector<16xf32>
      %add3A_981 = arith.addf %get3A_976, %get3A_980 : vector<16xf32>
      %swap3A_982 = arith.index_cast %scan3A_120 : i32 to index
      %swap3A_983 = arith.constant 976 : index
      %swap3A_984 = tpu.vector_load %arg15[%swap3A_982, %swap3A_983] {strides = array<i32>} : memref<16x1024xf32, #tpu.memory_space<vmem>>, vector<1x16xf32>,
      %swap3A_985 = vector.shape_cast %swap3A_984 : vector<1x16xf32> to vector<16xf32>
      %swap3A_986 = vector.shape_cast %add3A_981 : vector<16xf32> to vector<1x16xf32>
      tpu.vector_store %arg15[%swap3A_982, %swap3A_983], %swap3A_986 {strides = array<i32>} : memref<16x1024xf32, #tpu.memory_space<vmem>>, vector<1x16xf32>,
      %get3A_987 = arith.index_cast %scan3A_120 : i32 to index
      %get3A_988 = arith.constant 992 : index
      %get3A_989 = tpu.vector_load %arg11[%get3A_987, %get3A_988] {strides = array<i32>} : memref<16x1024xf32, #tpu.memory_space<vmem>>, vector<1x16xf32>,
      %get3A_990 = vector.shape_cast %get3A_989 : vector<1x16xf32> to vector<16xf32>
      %get3A_991 = arith.index_cast %scan3A_120 : i32 to index
      %get3A_992 = arith.constant 992 : index
      %get3A_993 = tpu.vector_load %arg13[%get3A_991, %get3A_992] {strides = array<i32>} : memref<16x1024xf32, #tpu.memory_space<vmem>>, vector<1x16xf32>,
      %get3A_994 = vector.shape_cast %get3A_993 : vector<1x16xf32> to vector<16xf32>
      %add3A_995 = arith.addf %get3A_990, %get3A_994 : vector<16xf32>
      %swap3A_996 = arith.index_cast %scan3A_120 : i32 to index
      %swap3A_997 = arith.constant 992 : index
      %swap3A_998 = tpu.vector_load %arg15[%swap3A_996, %swap3A_997] {strides = array<i32>} : memref<16x1024xf32, #tpu.memory_space<vmem>>, vector<1x16xf32>,
      %swap3A_999 = vector.shape_cast %swap3A_998 : vector<1x16xf32> to vector<16xf32>
      %swap3A_1000 = vector.shape_cast %add3A_995 : vector<16xf32> to vector<1x16xf32>
      tpu.vector_store %arg15[%swap3A_996, %swap3A_997], %swap3A_1000 {strides = array<i32>} : memref<16x1024xf32, #tpu.memory_space<vmem>>, vector<1x16xf32>,
      %get3A_1001 = arith.index_cast %scan3A_120 : i32 to index
      %get3A_1002 = arith.constant 1008 : index
      %get3A_1003 = tpu.vector_load %arg11[%get3A_1001, %get3A_1002] {strides = array<i32>} : memref<16x1024xf32, #tpu.memory_space<vmem>>, vector<1x16xf32>,
      %get3A_1004 = vector.shape_cast %get3A_1003 : vector<1x16xf32> to vector<16xf32>
      %get3A_1005 = arith.index_cast %scan3A_120 : i32 to index
      %get3A_1006 = arith.constant 1008 : index
      %get3A_1007 = tpu.vector_load %arg13[%get3A_1005, %get3A_1006] {strides = array<i32>} : memref<16x1024xf32, #tpu.memory_space<vmem>>, vector<1x16xf32>,
      %get3A_1008 = vector.shape_cast %get3A_1007 : vector<1x16xf32> to vector<16xf32>
      %add3A_1009 = arith.addf %get3A_1004, %get3A_1008 : vector<16xf32>
      %swap3A_1010 = arith.index_cast %scan3A_120 : i32 to index
      %swap3A_1011 = arith.constant 1008 : index
      %swap3A_1012 = tpu.vector_load %arg15[%swap3A_1010, %swap3A_1011] {strides = array<i32>} : memref<16x1024xf32, #tpu.memory_space<vmem>>, vector<1x16xf32>,
      %swap3A_1013 = vector.shape_cast %swap3A_1012 : vector<1x16xf32> to vector<16xf32>
      %swap3A_1014 = vector.shape_cast %add3A_1009 : vector<16xf32> to vector<1x16xf32>
      tpu.vector_store %arg15[%swap3A_1010, %swap3A_1011], %swap3A_1014 {strides = array<i32>} : memref<16x1024xf32, #tpu.memory_space<vmem>>, vector<1x16xf32>,
    }
    %scan3A_53 = arith.constant 16 : i32
    %add3A_54 = arith.constant 16 : i32
    %add3A_55 = arith.addi %mul3A_2, %add3A_54 : i32
    %dma_start3A_56 = arith.constant 0 : i32
    %dma_start3A_57 = tpu.memref_slice %arg5[%add3A_55, %dma_start3A_56] : memref<2048x1024xf32, #tpu.memory_space<hbm>> -> memref<16x1024xf32, #tpu.memory_space<hbm>>
    %dma_start3A_58 = arith.constant 0 : i32
    %dma_start3A_59 = tpu.memref_slice %arg5[%add3A_55, %dma_start3A_58] : memref<2048x1024xf32, #tpu.memory_space<hbm>> -> memref<16x1024xf32, #tpu.memory_space<hbm>>
    tpu.enqueue_dma source(%arg15 : memref<16x1024xf32, #tpu.memory_space<vmem>>) target(%dma_start3A_59 : memref<16x1024xf32, #tpu.memory_space<hbm>>) target_semaphore(%arg21 : memref<!tpu.dma_semaphore, #tpu.memory_space<semaphore_mem>>)
    %add3A_60 = arith.constant 48 : i32
    %add3A_61 = arith.addi %mul3A_2, %add3A_60 : i32
    "tpu.region"() ({
      %run_scoped3A = tpu.sem_alloc : memref<!tpu.dma_semaphore, #tpu.memory_space<semaphore_mem>>
      %dma_start3A_120 = tpu.memref_slice %arg3[%add3A_61] : memref<2048xi32, #tpu.memory_space<hbm>> -> memref<16xi32, #tpu.memory_space<hbm>>
      %dma_start3A_121 = tpu.memref_slice %arg3[%add3A_61] : memref<2048xi32, #tpu.memory_space<hbm>> -> memref<16xi32, #tpu.memory_space<hbm>>
      tpu.enqueue_dma source(%dma_start3A_121 : memref<16xi32, #tpu.memory_space<hbm>>) target(%arg7 : memref<16xi32, #tpu.memory_space<vmem>>) target_semaphore(%run_scoped3A : memref<!tpu.dma_semaphore, #tpu.memory_space<semaphore_mem>>)
      %dma_wait3A_122 = tpu.memref_slice %arg3[%add3A_61] : memref<2048xi32, #tpu.memory_space<hbm>> -> memref<16xi32, #tpu.memory_space<hbm>>
      %dma_wait3A_123 = tpu.memref_slice %arg3[%add3A_61] : memref<2048xi32, #tpu.memory_space<hbm>> -> memref<16xi32, #tpu.memory_space<hbm>>
      tpu.wait_dma2 semaphore(%run_scoped3A : memref<!tpu.dma_semaphore, #tpu.memory_space<semaphore_mem>>) src(%dma_wait3A_123 : memref<16xi32, #tpu.memory_space<hbm>>) dst(%arg7 : memref<16xi32, #tpu.memory_space<vmem>>)
      tpu.yield
    }) : () -> ()
    "tpu.region"() ({
      %run_scoped3A = tpu.sem_alloc : memref<!tpu.dma_semaphore, #tpu.memory_space<semaphore_mem>>
      %dma_start3A_120 = tpu.memref_slice %arg4[%add3A_61] : memref<2048xi32, #tpu.memory_space<hbm>> -> memref<16xi32, #tpu.memory_space<hbm>>
      %dma_start3A_121 = tpu.memref_slice %arg4[%add3A_61] : memref<2048xi32, #tpu.memory_space<hbm>> -> memref<16xi32, #tpu.memory_space<hbm>>
      tpu.enqueue_dma source(%dma_start3A_121 : memref<16xi32, #tpu.memory_space<hbm>>) target(%arg9 : memref<16xi32, #tpu.memory_space<vmem>>) target_semaphore(%run_scoped3A : memref<!tpu.dma_semaphore, #tpu.memory_space<semaphore_mem>>)
      %dma_wait3A_122 = tpu.memref_slice %arg4[%add3A_61] : memref<2048xi32, #tpu.memory_space<hbm>> -> memref<16xi32, #tpu.memory_space<hbm>>
      %dma_wait3A_123 = tpu.memref_slice %arg4[%add3A_61] : memref<2048xi32, #tpu.memory_space<hbm>> -> memref<16xi32, #tpu.memory_space<hbm>>
      tpu.wait_dma2 semaphore(%run_scoped3A : memref<!tpu.dma_semaphore, #tpu.memory_space<semaphore_mem>>) src(%dma_wait3A_123 : memref<16xi32, #tpu.memory_space<hbm>>) dst(%arg9 : memref<16xi32, #tpu.memory_space<vmem>>)
      tpu.yield
    }) : () -> ()
    %dma_start3A_62 = arith.constant 0 : i32
    %dma_start3A_63 = arith.constant 0 : i32
    %dma_start3A_64 = tpu.memref_slice %arg2[%dma_start3A_62, %dma_start3A_63] : memref<6144x1024xf32, #tpu.memory_space<hbm>> -> memref<6144x1024xf32, #tpu.memory_space<hbm>>
    tpu.enqueue_indirect_dma source(%dma_start3A_64 : memref<6144x1024xf32, #tpu.memory_space<hbm>>) target(%arg11 : memref<16x1024xf32, #tpu.memory_space<vmem>>) offsets(%arg7 : memref<16xi32, #tpu.memory_space<vmem>>) semaphore(%arg17 : memref<!tpu.dma_semaphore, #tpu.memory_space<semaphore_mem>>)
    %dma_start3A_65 = arith.constant 0 : i32
    %dma_start3A_66 = arith.constant 0 : i32
    %dma_start3A_67 = tpu.memref_slice %arg2[%dma_start3A_65, %dma_start3A_66] : memref<6144x1024xf32, #tpu.memory_space<hbm>> -> memref<6144x1024xf32, #tpu.memory_space<hbm>>
    tpu.enqueue_indirect_dma source(%dma_start3A_67 : memref<6144x1024xf32, #tpu.memory_space<hbm>>) target(%arg13 : memref<16x1024xf32, #tpu.memory_space<vmem>>) offsets(%arg9 : memref<16xi32, #tpu.memory_space<vmem>>) semaphore(%arg19 : memref<!tpu.dma_semaphore, #tpu.memory_space<semaphore_mem>>)
    %dma_wait3A_68 = arith.constant 0 : i32
    %dma_wait3A_69 = arith.constant 0 : i32
    %dma_wait3A_70 = tpu.memref_slice %arg2[%dma_wait3A_68, %dma_wait3A_69] : memref<6144x1024xf32, #tpu.memory_space<hbm>> -> memref<6144x1024xf32, #tpu.memory_space<hbm>>
    tpu.wait_indirect_dma semaphore(%arg16 : memref<!tpu.dma_semaphore, #tpu.memory_space<semaphore_mem>>) src(%dma_wait3A_70 : memref<6144x1024xf32, #tpu.memory_space<hbm>>) dst(%arg10 : memref<16x1024xf32, #tpu.memory_space<vmem>>)
    %dma_wait3A_71 = arith.constant 0 : i32
    %dma_wait3A_72 = arith.constant 0 : i32
    %dma_wait3A_73 = tpu.memref_slice %arg2[%dma_wait3A_71, %dma_wait3A_72] : memref<6144x1024xf32, #tpu.memory_space<hbm>> -> memref<6144x1024xf32, #tpu.memory_space<hbm>>
    tpu.wait_indirect_dma semaphore(%arg18 : memref<!tpu.dma_semaphore, #tpu.memory_space<semaphore_mem>>) src(%dma_wait3A_73 : memref<6144x1024xf32, #tpu.memory_space<hbm>>) dst(%arg12 : memref<16x1024xf32, #tpu.memory_space<vmem>>)
    %dma_wait3A_74 = arith.constant 0 : i32
    %dma_wait3A_75 = tpu.memref_slice %arg5[%add3A_29, %dma_wait3A_74] : memref<2048x1024xf32, #tpu.memory_space<hbm>> -> memref<16x1024xf32, #tpu.memory_space<hbm>>
    %dma_wait3A_76 = arith.constant 0 : i32
    %dma_wait3A_77 = tpu.memref_slice %arg5[%add3A_29, %dma_wait3A_76] : memref<2048x1024xf32, #tpu.memory_space<hbm>> -> memref<16x1024xf32, #tpu.memory_space<hbm>>
    tpu.wait_dma2 semaphore(%arg20 : memref<!tpu.dma_semaphore, #tpu.memory_space<semaphore_mem>>) src(%arg14 : memref<16x1024xf32, #tpu.memory_space<vmem>>) dst(%dma_wait3A_77 : memref<16x1024xf32, #tpu.memory_space<hbm>>)
    %scan3A_78 = arith.constant 0 : i32
    %scan3A_79 = arith.constant 0 : i32
    %scan3A_80 = arith.constant 16 : i32
    %scan3A_81 = arith.addi %scan3A_79, %scan3A_80 : i32
    %scan3A_82 = arith.constant 1 : i32
    scf.for %scan3A_120 = %scan3A_79 to %scan3A_81 step %scan3A_82  : i32 {
      %get3A = arith.index_cast %scan3A_120 : i32 to index
      %get3A_121 = arith.constant 0 : index
      %get3A_122 = tpu.vector_load %arg10[%get3A, %get3A_121] {strides = array<i32>} : memref<16x1024xf32, #tpu.memory_space<vmem>>, vector<1x16xf32>,
      %get3A_123 = vector.shape_cast %get3A_122 : vector<1x16xf32> to vector<16xf32>
      %get3A_124 = arith.index_cast %scan3A_120 : i32 to index
      %get3A_125 = arith.constant 0 : index
      %get3A_126 = tpu.vector_load %arg12[%get3A_124, %get3A_125] {strides = array<i32>} : memref<16x1024xf32, #tpu.memory_space<vmem>>, vector<1x16xf32>,
      %get3A_127 = vector.shape_cast %get3A_126 : vector<1x16xf32> to vector<16xf32>
      %add3A_128 = arith.addf %get3A_123, %get3A_127 : vector<16xf32>
      %swap3A = arith.index_cast %scan3A_120 : i32 to index
      %swap3A_129 = arith.constant 0 : index
      %swap3A_130 = tpu.vector_load %arg14[%swap3A, %swap3A_129] {strides = array<i32>} : memref<16x1024xf32, #tpu.memory_space<vmem>>, vector<1x16xf32>,
      %swap3A_131 = vector.shape_cast %swap3A_130 : vector<1x16xf32> to vector<16xf32>
      %swap3A_132 = vector.shape_cast %add3A_128 : vector<16xf32> to vector<1x16xf32>
      tpu.vector_store %arg14[%swap3A, %swap3A_129], %swap3A_132 {strides = array<i32>} : memref<16x1024xf32, #tpu.memory_space<vmem>>, vector<1x16xf32>,
      %get3A_133 = arith.index_cast %scan3A_120 : i32 to index
      %get3A_134 = arith.constant 16 : index
      %get3A_135 = tpu.vector_load %arg10[%get3A_133, %get3A_134] {strides = array<i32>} : memref<16x1024xf32, #tpu.memory_space<vmem>>, vector<1x16xf32>,
      %get3A_136 = vector.shape_cast %get3A_135 : vector<1x16xf32> to vector<16xf32>
      %get3A_137 = arith.index_cast %scan3A_120 : i32 to index
      %get3A_138 = arith.constant 16 : index
      %get3A_139 = tpu.vector_load %arg12[%get3A_137, %get3A_138] {strides = array<i32>} : memref<16x1024xf32, #tpu.memory_space<vmem>>, vector<1x16xf32>,
      %get3A_140 = vector.shape_cast %get3A_139 : vector<1x16xf32> to vector<16xf32>
      %add3A_141 = arith.addf %get3A_136, %get3A_140 : vector<16xf32>
      %swap3A_142 = arith.index_cast %scan3A_120 : i32 to index
      %swap3A_143 = arith.constant 16 : index
      %swap3A_144 = tpu.vector_load %arg14[%swap3A_142, %swap3A_143] {strides = array<i32>} : memref<16x1024xf32, #tpu.memory_space<vmem>>, vector<1x16xf32>,
      %swap3A_145 = vector.shape_cast %swap3A_144 : vector<1x16xf32> to vector<16xf32>
      %swap3A_146 = vector.shape_cast %add3A_141 : vector<16xf32> to vector<1x16xf32>
      tpu.vector_store %arg14[%swap3A_142, %swap3A_143], %swap3A_146 {strides = array<i32>} : memref<16x1024xf32, #tpu.memory_space<vmem>>, vector<1x16xf32>,
      %get3A_147 = arith.index_cast %scan3A_120 : i32 to index
      %get3A_148 = arith.constant 32 : index
      %get3A_149 = tpu.vector_load %arg10[%get3A_147, %get3A_148] {strides = array<i32>} : memref<16x1024xf32, #tpu.memory_space<vmem>>, vector<1x16xf32>,
      %get3A_150 = vector.shape_cast %get3A_149 : vector<1x16xf32> to vector<16xf32>
      %get3A_151 = arith.index_cast %scan3A_120 : i32 to index
      %get3A_152 = arith.constant 32 : index
      %get3A_153 = tpu.vector_load %arg12[%get3A_151, %get3A_152] {strides = array<i32>} : memref<16x1024xf32, #tpu.memory_space<vmem>>, vector<1x16xf32>,
      %get3A_154 = vector.shape_cast %get3A_153 : vector<1x16xf32> to vector<16xf32>
      %add3A_155 = arith.addf %get3A_150, %get3A_154 : vector<16xf32>
      %swap3A_156 = arith.index_cast %scan3A_120 : i32 to index
      %swap3A_157 = arith.constant 32 : index
      %swap3A_158 = tpu.vector_load %arg14[%swap3A_156, %swap3A_157] {strides = array<i32>} : memref<16x1024xf32, #tpu.memory_space<vmem>>, vector<1x16xf32>,
      %swap3A_159 = vector.shape_cast %swap3A_158 : vector<1x16xf32> to vector<16xf32>
      %swap3A_160 = vector.shape_cast %add3A_155 : vector<16xf32> to vector<1x16xf32>
      tpu.vector_store %arg14[%swap3A_156, %swap3A_157], %swap3A_160 {strides = array<i32>} : memref<16x1024xf32, #tpu.memory_space<vmem>>, vector<1x16xf32>,
      %get3A_161 = arith.index_cast %scan3A_120 : i32 to index
      %get3A_162 = arith.constant 48 : index
      %get3A_163 = tpu.vector_load %arg10[%get3A_161, %get3A_162] {strides = array<i32>} : memref<16x1024xf32, #tpu.memory_space<vmem>>, vector<1x16xf32>,
      %get3A_164 = vector.shape_cast %get3A_163 : vector<1x16xf32> to vector<16xf32>
      %get3A_165 = arith.index_cast %scan3A_120 : i32 to index
      %get3A_166 = arith.constant 48 : index
      %get3A_167 = tpu.vector_load %arg12[%get3A_165, %get3A_166] {strides = array<i32>} : memref<16x1024xf32, #tpu.memory_space<vmem>>, vector<1x16xf32>,
      %get3A_168 = vector.shape_cast %get3A_167 : vector<1x16xf32> to vector<16xf32>
      %add3A_169 = arith.addf %get3A_164, %get3A_168 : vector<16xf32>
      %swap3A_170 = arith.index_cast %scan3A_120 : i32 to index
      %swap3A_171 = arith.constant 48 : index
      %swap3A_172 = tpu.vector_load %arg14[%swap3A_170, %swap3A_171] {strides = array<i32>} : memref<16x1024xf32, #tpu.memory_space<vmem>>, vector<1x16xf32>,
      %swap3A_173 = vector.shape_cast %swap3A_172 : vector<1x16xf32> to vector<16xf32>
      %swap3A_174 = vector.shape_cast %add3A_169 : vector<16xf32> to vector<1x16xf32>
      tpu.vector_store %arg14[%swap3A_170, %swap3A_171], %swap3A_174 {strides = array<i32>} : memref<16x1024xf32, #tpu.memory_space<vmem>>, vector<1x16xf32>,
      %get3A_175 = arith.index_cast %scan3A_120 : i32 to index
      %get3A_176 = arith.constant 64 : index
      %get3A_177 = tpu.vector_load %arg10[%get3A_175, %get3A_176] {strides = array<i32>} : memref<16x1024xf32, #tpu.memory_space<vmem>>, vector<1x16xf32>,
      %get3A_178 = vector.shape_cast %get3A_177 : vector<1x16xf32> to vector<16xf32>
      %get3A_179 = arith.index_cast %scan3A_120 : i32 to index
      %get3A_180 = arith.constant 64 : index
      %get3A_181 = tpu.vector_load %arg12[%get3A_179, %get3A_180] {strides = array<i32>} : memref<16x1024xf32, #tpu.memory_space<vmem>>, vector<1x16xf32>,
      %get3A_182 = vector.shape_cast %get3A_181 : vector<1x16xf32> to vector<16xf32>
      %add3A_183 = arith.addf %get3A_178, %get3A_182 : vector<16xf32>
      %swap3A_184 = arith.index_cast %scan3A_120 : i32 to index
      %swap3A_185 = arith.constant 64 : index
      %swap3A_186 = tpu.vector_load %arg14[%swap3A_184, %swap3A_185] {strides = array<i32>} : memref<16x1024xf32, #tpu.memory_space<vmem>>, vector<1x16xf32>,
      %swap3A_187 = vector.shape_cast %swap3A_186 : vector<1x16xf32> to vector<16xf32>
      %swap3A_188 = vector.shape_cast %add3A_183 : vector<16xf32> to vector<1x16xf32>
      tpu.vector_store %arg14[%swap3A_184, %swap3A_185], %swap3A_188 {strides = array<i32>} : memref<16x1024xf32, #tpu.memory_space<vmem>>, vector<1x16xf32>,
      %get3A_189 = arith.index_cast %scan3A_120 : i32 to index
      %get3A_190 = arith.constant 80 : index
      %get3A_191 = tpu.vector_load %arg10[%get3A_189, %get3A_190] {strides = array<i32>} : memref<16x1024xf32, #tpu.memory_space<vmem>>, vector<1x16xf32>,
      %get3A_192 = vector.shape_cast %get3A_191 : vector<1x16xf32> to vector<16xf32>
      %get3A_193 = arith.index_cast %scan3A_120 : i32 to index
      %get3A_194 = arith.constant 80 : index
      %get3A_195 = tpu.vector_load %arg12[%get3A_193, %get3A_194] {strides = array<i32>} : memref<16x1024xf32, #tpu.memory_space<vmem>>, vector<1x16xf32>,
      %get3A_196 = vector.shape_cast %get3A_195 : vector<1x16xf32> to vector<16xf32>
      %add3A_197 = arith.addf %get3A_192, %get3A_196 : vector<16xf32>
      %swap3A_198 = arith.index_cast %scan3A_120 : i32 to index
      %swap3A_199 = arith.constant 80 : index
      %swap3A_200 = tpu.vector_load %arg14[%swap3A_198, %swap3A_199] {strides = array<i32>} : memref<16x1024xf32, #tpu.memory_space<vmem>>, vector<1x16xf32>,
      %swap3A_201 = vector.shape_cast %swap3A_200 : vector<1x16xf32> to vector<16xf32>
      %swap3A_202 = vector.shape_cast %add3A_197 : vector<16xf32> to vector<1x16xf32>
      tpu.vector_store %arg14[%swap3A_198, %swap3A_199], %swap3A_202 {strides = array<i32>} : memref<16x1024xf32, #tpu.memory_space<vmem>>, vector<1x16xf32>,
      %get3A_203 = arith.index_cast %scan3A_120 : i32 to index
      %get3A_204 = arith.constant 96 : index
      %get3A_205 = tpu.vector_load %arg10[%get3A_203, %get3A_204] {strides = array<i32>} : memref<16x1024xf32, #tpu.memory_space<vmem>>, vector<1x16xf32>,
      %get3A_206 = vector.shape_cast %get3A_205 : vector<1x16xf32> to vector<16xf32>
      %get3A_207 = arith.index_cast %scan3A_120 : i32 to index
      %get3A_208 = arith.constant 96 : index
      %get3A_209 = tpu.vector_load %arg12[%get3A_207, %get3A_208] {strides = array<i32>} : memref<16x1024xf32, #tpu.memory_space<vmem>>, vector<1x16xf32>,
      %get3A_210 = vector.shape_cast %get3A_209 : vector<1x16xf32> to vector<16xf32>
      %add3A_211 = arith.addf %get3A_206, %get3A_210 : vector<16xf32>
      %swap3A_212 = arith.index_cast %scan3A_120 : i32 to index
      %swap3A_213 = arith.constant 96 : index
      %swap3A_214 = tpu.vector_load %arg14[%swap3A_212, %swap3A_213] {strides = array<i32>} : memref<16x1024xf32, #tpu.memory_space<vmem>>, vector<1x16xf32>,
      %swap3A_215 = vector.shape_cast %swap3A_214 : vector<1x16xf32> to vector<16xf32>
      %swap3A_216 = vector.shape_cast %add3A_211 : vector<16xf32> to vector<1x16xf32>
      tpu.vector_store %arg14[%swap3A_212, %swap3A_213], %swap3A_216 {strides = array<i32>} : memref<16x1024xf32, #tpu.memory_space<vmem>>, vector<1x16xf32>,
      %get3A_217 = arith.index_cast %scan3A_120 : i32 to index
      %get3A_218 = arith.constant 112 : index
      %get3A_219 = tpu.vector_load %arg10[%get3A_217, %get3A_218] {strides = array<i32>} : memref<16x1024xf32, #tpu.memory_space<vmem>>, vector<1x16xf32>,
      %get3A_220 = vector.shape_cast %get3A_219 : vector<1x16xf32> to vector<16xf32>
      %get3A_221 = arith.index_cast %scan3A_120 : i32 to index
      %get3A_222 = arith.constant 112 : index
      %get3A_223 = tpu.vector_load %arg12[%get3A_221, %get3A_222] {strides = array<i32>} : memref<16x1024xf32, #tpu.memory_space<vmem>>, vector<1x16xf32>,
      %get3A_224 = vector.shape_cast %get3A_223 : vector<1x16xf32> to vector<16xf32>
      %add3A_225 = arith.addf %get3A_220, %get3A_224 : vector<16xf32>
      %swap3A_226 = arith.index_cast %scan3A_120 : i32 to index
      %swap3A_227 = arith.constant 112 : index
      %swap3A_228 = tpu.vector_load %arg14[%swap3A_226, %swap3A_227] {strides = array<i32>} : memref<16x1024xf32, #tpu.memory_space<vmem>>, vector<1x16xf32>,
      %swap3A_229 = vector.shape_cast %swap3A_228 : vector<1x16xf32> to vector<16xf32>
      %swap3A_230 = vector.shape_cast %add3A_225 : vector<16xf32> to vector<1x16xf32>
      tpu.vector_store %arg14[%swap3A_226, %swap3A_227], %swap3A_230 {strides = array<i32>} : memref<16x1024xf32, #tpu.memory_space<vmem>>, vector<1x16xf32>,
      %get3A_231 = arith.index_cast %scan3A_120 : i32 to index
      %get3A_232 = arith.constant 128 : index
      %get3A_233 = tpu.vector_load %arg10[%get3A_231, %get3A_232] {strides = array<i32>} : memref<16x1024xf32, #tpu.memory_space<vmem>>, vector<1x16xf32>,
      %get3A_234 = vector.shape_cast %get3A_233 : vector<1x16xf32> to vector<16xf32>
      %get3A_235 = arith.index_cast %scan3A_120 : i32 to index
      %get3A_236 = arith.constant 128 : index
      %get3A_237 = tpu.vector_load %arg12[%get3A_235, %get3A_236] {strides = array<i32>} : memref<16x1024xf32, #tpu.memory_space<vmem>>, vector<1x16xf32>,
      %get3A_238 = vector.shape_cast %get3A_237 : vector<1x16xf32> to vector<16xf32>
      %add3A_239 = arith.addf %get3A_234, %get3A_238 : vector<16xf32>
      %swap3A_240 = arith.index_cast %scan3A_120 : i32 to index
      %swap3A_241 = arith.constant 128 : index
      %swap3A_242 = tpu.vector_load %arg14[%swap3A_240, %swap3A_241] {strides = array<i32>} : memref<16x1024xf32, #tpu.memory_space<vmem>>, vector<1x16xf32>,
      %swap3A_243 = vector.shape_cast %swap3A_242 : vector<1x16xf32> to vector<16xf32>
      %swap3A_244 = vector.shape_cast %add3A_239 : vector<16xf32> to vector<1x16xf32>
      tpu.vector_store %arg14[%swap3A_240, %swap3A_241], %swap3A_244 {strides = array<i32>} : memref<16x1024xf32, #tpu.memory_space<vmem>>, vector<1x16xf32>,
      %get3A_245 = arith.index_cast %scan3A_120 : i32 to index
      %get3A_246 = arith.constant 144 : index
      %get3A_247 = tpu.vector_load %arg10[%get3A_245, %get3A_246] {strides = array<i32>} : memref<16x1024xf32, #tpu.memory_space<vmem>>, vector<1x16xf32>,
      %get3A_248 = vector.shape_cast %get3A_247 : vector<1x16xf32> to vector<16xf32>
      %get3A_249 = arith.index_cast %scan3A_120 : i32 to index
      %get3A_250 = arith.constant 144 : index
      %get3A_251 = tpu.vector_load %arg12[%get3A_249, %get3A_250] {strides = array<i32>} : memref<16x1024xf32, #tpu.memory_space<vmem>>, vector<1x16xf32>,
      %get3A_252 = vector.shape_cast %get3A_251 : vector<1x16xf32> to vector<16xf32>
      %add3A_253 = arith.addf %get3A_248, %get3A_252 : vector<16xf32>
      %swap3A_254 = arith.index_cast %scan3A_120 : i32 to index
      %swap3A_255 = arith.constant 144 : index
      %swap3A_256 = tpu.vector_load %arg14[%swap3A_254, %swap3A_255] {strides = array<i32>} : memref<16x1024xf32, #tpu.memory_space<vmem>>, vector<1x16xf32>,
      %swap3A_257 = vector.shape_cast %swap3A_256 : vector<1x16xf32> to vector<16xf32>
      %swap3A_258 = vector.shape_cast %add3A_253 : vector<16xf32> to vector<1x16xf32>
      tpu.vector_store %arg14[%swap3A_254, %swap3A_255], %swap3A_258 {strides = array<i32>} : memref<16x1024xf32, #tpu.memory_space<vmem>>, vector<1x16xf32>,
      %get3A_259 = arith.index_cast %scan3A_120 : i32 to index
      %get3A_260 = arith.constant 160 : index
      %get3A_261 = tpu.vector_load %arg10[%get3A_259, %get3A_260] {strides = array<i32>} : memref<16x1024xf32, #tpu.memory_space<vmem>>, vector<1x16xf32>,
      %get3A_262 = vector.shape_cast %get3A_261 : vector<1x16xf32> to vector<16xf32>
      %get3A_263 = arith.index_cast %scan3A_120 : i32 to index
      %get3A_264 = arith.constant 160 : index
      %get3A_265 = tpu.vector_load %arg12[%get3A_263, %get3A_264] {strides = array<i32>} : memref<16x1024xf32, #tpu.memory_space<vmem>>, vector<1x16xf32>,
      %get3A_266 = vector.shape_cast %get3A_265 : vector<1x16xf32> to vector<16xf32>
      %add3A_267 = arith.addf %get3A_262, %get3A_266 : vector<16xf32>
      %swap3A_268 = arith.index_cast %scan3A_120 : i32 to index
      %swap3A_269 = arith.constant 160 : index
      %swap3A_270 = tpu.vector_load %arg14[%swap3A_268, %swap3A_269] {strides = array<i32>} : memref<16x1024xf32, #tpu.memory_space<vmem>>, vector<1x16xf32>,
      %swap3A_271 = vector.shape_cast %swap3A_270 : vector<1x16xf32> to vector<16xf32>
      %swap3A_272 = vector.shape_cast %add3A_267 : vector<16xf32> to vector<1x16xf32>
      tpu.vector_store %arg14[%swap3A_268, %swap3A_269], %swap3A_272 {strides = array<i32>} : memref<16x1024xf32, #tpu.memory_space<vmem>>, vector<1x16xf32>,
      %get3A_273 = arith.index_cast %scan3A_120 : i32 to index
      %get3A_274 = arith.constant 176 : index
      %get3A_275 = tpu.vector_load %arg10[%get3A_273, %get3A_274] {strides = array<i32>} : memref<16x1024xf32, #tpu.memory_space<vmem>>, vector<1x16xf32>,
      %get3A_276 = vector.shape_cast %get3A_275 : vector<1x16xf32> to vector<16xf32>
      %get3A_277 = arith.index_cast %scan3A_120 : i32 to index
      %get3A_278 = arith.constant 176 : index
      %get3A_279 = tpu.vector_load %arg12[%get3A_277, %get3A_278] {strides = array<i32>} : memref<16x1024xf32, #tpu.memory_space<vmem>>, vector<1x16xf32>,
      %get3A_280 = vector.shape_cast %get3A_279 : vector<1x16xf32> to vector<16xf32>
      %add3A_281 = arith.addf %get3A_276, %get3A_280 : vector<16xf32>
      %swap3A_282 = arith.index_cast %scan3A_120 : i32 to index
      %swap3A_283 = arith.constant 176 : index
      %swap3A_284 = tpu.vector_load %arg14[%swap3A_282, %swap3A_283] {strides = array<i32>} : memref<16x1024xf32, #tpu.memory_space<vmem>>, vector<1x16xf32>,
      %swap3A_285 = vector.shape_cast %swap3A_284 : vector<1x16xf32> to vector<16xf32>
      %swap3A_286 = vector.shape_cast %add3A_281 : vector<16xf32> to vector<1x16xf32>
      tpu.vector_store %arg14[%swap3A_282, %swap3A_283], %swap3A_286 {strides = array<i32>} : memref<16x1024xf32, #tpu.memory_space<vmem>>, vector<1x16xf32>,
      %get3A_287 = arith.index_cast %scan3A_120 : i32 to index
      %get3A_288 = arith.constant 192 : index
      %get3A_289 = tpu.vector_load %arg10[%get3A_287, %get3A_288] {strides = array<i32>} : memref<16x1024xf32, #tpu.memory_space<vmem>>, vector<1x16xf32>,
      %get3A_290 = vector.shape_cast %get3A_289 : vector<1x16xf32> to vector<16xf32>
      %get3A_291 = arith.index_cast %scan3A_120 : i32 to index
      %get3A_292 = arith.constant 192 : index
      %get3A_293 = tpu.vector_load %arg12[%get3A_291, %get3A_292] {strides = array<i32>} : memref<16x1024xf32, #tpu.memory_space<vmem>>, vector<1x16xf32>,
      %get3A_294 = vector.shape_cast %get3A_293 : vector<1x16xf32> to vector<16xf32>
      %add3A_295 = arith.addf %get3A_290, %get3A_294 : vector<16xf32>
      %swap3A_296 = arith.index_cast %scan3A_120 : i32 to index
      %swap3A_297 = arith.constant 192 : index
      %swap3A_298 = tpu.vector_load %arg14[%swap3A_296, %swap3A_297] {strides = array<i32>} : memref<16x1024xf32, #tpu.memory_space<vmem>>, vector<1x16xf32>,
      %swap3A_299 = vector.shape_cast %swap3A_298 : vector<1x16xf32> to vector<16xf32>
      %swap3A_300 = vector.shape_cast %add3A_295 : vector<16xf32> to vector<1x16xf32>
      tpu.vector_store %arg14[%swap3A_296, %swap3A_297], %swap3A_300 {strides = array<i32>} : memref<16x1024xf32, #tpu.memory_space<vmem>>, vector<1x16xf32>,
      %get3A_301 = arith.index_cast %scan3A_120 : i32 to index
      %get3A_302 = arith.constant 208 : index
      %get3A_303 = tpu.vector_load %arg10[%get3A_301, %get3A_302] {strides = array<i32>} : memref<16x1024xf32, #tpu.memory_space<vmem>>, vector<1x16xf32>,
      %get3A_304 = vector.shape_cast %get3A_303 : vector<1x16xf32> to vector<16xf32>
      %get3A_305 = arith.index_cast %scan3A_120 : i32 to index
      %get3A_306 = arith.constant 208 : index
      %get3A_307 = tpu.vector_load %arg12[%get3A_305, %get3A_306] {strides = array<i32>} : memref<16x1024xf32, #tpu.memory_space<vmem>>, vector<1x16xf32>,
      %get3A_308 = vector.shape_cast %get3A_307 : vector<1x16xf32> to vector<16xf32>
      %add3A_309 = arith.addf %get3A_304, %get3A_308 : vector<16xf32>
      %swap3A_310 = arith.index_cast %scan3A_120 : i32 to index
      %swap3A_311 = arith.constant 208 : index
      %swap3A_312 = tpu.vector_load %arg14[%swap3A_310, %swap3A_311] {strides = array<i32>} : memref<16x1024xf32, #tpu.memory_space<vmem>>, vector<1x16xf32>,
      %swap3A_313 = vector.shape_cast %swap3A_312 : vector<1x16xf32> to vector<16xf32>
      %swap3A_314 = vector.shape_cast %add3A_309 : vector<16xf32> to vector<1x16xf32>
      tpu.vector_store %arg14[%swap3A_310, %swap3A_311], %swap3A_314 {strides = array<i32>} : memref<16x1024xf32, #tpu.memory_space<vmem>>, vector<1x16xf32>,
      %get3A_315 = arith.index_cast %scan3A_120 : i32 to index
      %get3A_316 = arith.constant 224 : index
      %get3A_317 = tpu.vector_load %arg10[%get3A_315, %get3A_316] {strides = array<i32>} : memref<16x1024xf32, #tpu.memory_space<vmem>>, vector<1x16xf32>,
      %get3A_318 = vector.shape_cast %get3A_317 : vector<1x16xf32> to vector<16xf32>
      %get3A_319 = arith.index_cast %scan3A_120 : i32 to index
      %get3A_320 = arith.constant 224 : index
      %get3A_321 = tpu.vector_load %arg12[%get3A_319, %get3A_320] {strides = array<i32>} : memref<16x1024xf32, #tpu.memory_space<vmem>>, vector<1x16xf32>,
      %get3A_322 = vector.shape_cast %get3A_321 : vector<1x16xf32> to vector<16xf32>
      %add3A_323 = arith.addf %get3A_318, %get3A_322 : vector<16xf32>
      %swap3A_324 = arith.index_cast %scan3A_120 : i32 to index
      %swap3A_325 = arith.constant 224 : index
      %swap3A_326 = tpu.vector_load %arg14[%swap3A_324, %swap3A_325] {strides = array<i32>} : memref<16x1024xf32, #tpu.memory_space<vmem>>, vector<1x16xf32>,
      %swap3A_327 = vector.shape_cast %swap3A_326 : vector<1x16xf32> to vector<16xf32>
      %swap3A_328 = vector.shape_cast %add3A_323 : vector<16xf32> to vector<1x16xf32>
      tpu.vector_store %arg14[%swap3A_324, %swap3A_325], %swap3A_328 {strides = array<i32>} : memref<16x1024xf32, #tpu.memory_space<vmem>>, vector<1x16xf32>,
      %get3A_329 = arith.index_cast %scan3A_120 : i32 to index
      %get3A_330 = arith.constant 240 : index
      %get3A_331 = tpu.vector_load %arg10[%get3A_329, %get3A_330] {strides = array<i32>} : memref<16x1024xf32, #tpu.memory_space<vmem>>, vector<1x16xf32>,
      %get3A_332 = vector.shape_cast %get3A_331 : vector<1x16xf32> to vector<16xf32>
      %get3A_333 = arith.index_cast %scan3A_120 : i32 to index
      %get3A_334 = arith.constant 240 : index
      %get3A_335 = tpu.vector_load %arg12[%get3A_333, %get3A_334] {strides = array<i32>} : memref<16x1024xf32, #tpu.memory_space<vmem>>, vector<1x16xf32>,
      %get3A_336 = vector.shape_cast %get3A_335 : vector<1x16xf32> to vector<16xf32>
      %add3A_337 = arith.addf %get3A_332, %get3A_336 : vector<16xf32>
      %swap3A_338 = arith.index_cast %scan3A_120 : i32 to index
      %swap3A_339 = arith.constant 240 : index
      %swap3A_340 = tpu.vector_load %arg14[%swap3A_338, %swap3A_339] {strides = array<i32>} : memref<16x1024xf32, #tpu.memory_space<vmem>>, vector<1x16xf32>,
      %swap3A_341 = vector.shape_cast %swap3A_340 : vector<1x16xf32> to vector<16xf32>
      %swap3A_342 = vector.shape_cast %add3A_337 : vector<16xf32> to vector<1x16xf32>
      tpu.vector_store %arg14[%swap3A_338, %swap3A_339], %swap3A_342 {strides = array<i32>} : memref<16x1024xf32, #tpu.memory_space<vmem>>, vector<1x16xf32>,
      %get3A_343 = arith.index_cast %scan3A_120 : i32 to index
      %get3A_344 = arith.constant 256 : index
      %get3A_345 = tpu.vector_load %arg10[%get3A_343, %get3A_344] {strides = array<i32>} : memref<16x1024xf32, #tpu.memory_space<vmem>>, vector<1x16xf32>,
      %get3A_346 = vector.shape_cast %get3A_345 : vector<1x16xf32> to vector<16xf32>
      %get3A_347 = arith.index_cast %scan3A_120 : i32 to index
      %get3A_348 = arith.constant 256 : index
      %get3A_349 = tpu.vector_load %arg12[%get3A_347, %get3A_348] {strides = array<i32>} : memref<16x1024xf32, #tpu.memory_space<vmem>>, vector<1x16xf32>,
      %get3A_350 = vector.shape_cast %get3A_349 : vector<1x16xf32> to vector<16xf32>
      %add3A_351 = arith.addf %get3A_346, %get3A_350 : vector<16xf32>
      %swap3A_352 = arith.index_cast %scan3A_120 : i32 to index
      %swap3A_353 = arith.constant 256 : index
      %swap3A_354 = tpu.vector_load %arg14[%swap3A_352, %swap3A_353] {strides = array<i32>} : memref<16x1024xf32, #tpu.memory_space<vmem>>, vector<1x16xf32>,
      %swap3A_355 = vector.shape_cast %swap3A_354 : vector<1x16xf32> to vector<16xf32>
      %swap3A_356 = vector.shape_cast %add3A_351 : vector<16xf32> to vector<1x16xf32>
      tpu.vector_store %arg14[%swap3A_352, %swap3A_353], %swap3A_356 {strides = array<i32>} : memref<16x1024xf32, #tpu.memory_space<vmem>>, vector<1x16xf32>,
      %get3A_357 = arith.index_cast %scan3A_120 : i32 to index
      %get3A_358 = arith.constant 272 : index
      %get3A_359 = tpu.vector_load %arg10[%get3A_357, %get3A_358] {strides = array<i32>} : memref<16x1024xf32, #tpu.memory_space<vmem>>, vector<1x16xf32>,
      %get3A_360 = vector.shape_cast %get3A_359 : vector<1x16xf32> to vector<16xf32>
      %get3A_361 = arith.index_cast %scan3A_120 : i32 to index
      %get3A_362 = arith.constant 272 : index
      %get3A_363 = tpu.vector_load %arg12[%get3A_361, %get3A_362] {strides = array<i32>} : memref<16x1024xf32, #tpu.memory_space<vmem>>, vector<1x16xf32>,
      %get3A_364 = vector.shape_cast %get3A_363 : vector<1x16xf32> to vector<16xf32>
      %add3A_365 = arith.addf %get3A_360, %get3A_364 : vector<16xf32>
      %swap3A_366 = arith.index_cast %scan3A_120 : i32 to index
      %swap3A_367 = arith.constant 272 : index
      %swap3A_368 = tpu.vector_load %arg14[%swap3A_366, %swap3A_367] {strides = array<i32>} : memref<16x1024xf32, #tpu.memory_space<vmem>>, vector<1x16xf32>,
      %swap3A_369 = vector.shape_cast %swap3A_368 : vector<1x16xf32> to vector<16xf32>
      %swap3A_370 = vector.shape_cast %add3A_365 : vector<16xf32> to vector<1x16xf32>
      tpu.vector_store %arg14[%swap3A_366, %swap3A_367], %swap3A_370 {strides = array<i32>} : memref<16x1024xf32, #tpu.memory_space<vmem>>, vector<1x16xf32>,
      %get3A_371 = arith.index_cast %scan3A_120 : i32 to index
      %get3A_372 = arith.constant 288 : index
      %get3A_373 = tpu.vector_load %arg10[%get3A_371, %get3A_372] {strides = array<i32>} : memref<16x1024xf32, #tpu.memory_space<vmem>>, vector<1x16xf32>,
      %get3A_374 = vector.shape_cast %get3A_373 : vector<1x16xf32> to vector<16xf32>
      %get3A_375 = arith.index_cast %scan3A_120 : i32 to index
      %get3A_376 = arith.constant 288 : index
      %get3A_377 = tpu.vector_load %arg12[%get3A_375, %get3A_376] {strides = array<i32>} : memref<16x1024xf32, #tpu.memory_space<vmem>>, vector<1x16xf32>,
      %get3A_378 = vector.shape_cast %get3A_377 : vector<1x16xf32> to vector<16xf32>
      %add3A_379 = arith.addf %get3A_374, %get3A_378 : vector<16xf32>
      %swap3A_380 = arith.index_cast %scan3A_120 : i32 to index
      %swap3A_381 = arith.constant 288 : index
      %swap3A_382 = tpu.vector_load %arg14[%swap3A_380, %swap3A_381] {strides = array<i32>} : memref<16x1024xf32, #tpu.memory_space<vmem>>, vector<1x16xf32>,
      %swap3A_383 = vector.shape_cast %swap3A_382 : vector<1x16xf32> to vector<16xf32>
      %swap3A_384 = vector.shape_cast %add3A_379 : vector<16xf32> to vector<1x16xf32>
      tpu.vector_store %arg14[%swap3A_380, %swap3A_381], %swap3A_384 {strides = array<i32>} : memref<16x1024xf32, #tpu.memory_space<vmem>>, vector<1x16xf32>,
      %get3A_385 = arith.index_cast %scan3A_120 : i32 to index
      %get3A_386 = arith.constant 304 : index
      %get3A_387 = tpu.vector_load %arg10[%get3A_385, %get3A_386] {strides = array<i32>} : memref<16x1024xf32, #tpu.memory_space<vmem>>, vector<1x16xf32>,
      %get3A_388 = vector.shape_cast %get3A_387 : vector<1x16xf32> to vector<16xf32>
      %get3A_389 = arith.index_cast %scan3A_120 : i32 to index
      %get3A_390 = arith.constant 304 : index
      %get3A_391 = tpu.vector_load %arg12[%get3A_389, %get3A_390] {strides = array<i32>} : memref<16x1024xf32, #tpu.memory_space<vmem>>, vector<1x16xf32>,
      %get3A_392 = vector.shape_cast %get3A_391 : vector<1x16xf32> to vector<16xf32>
      %add3A_393 = arith.addf %get3A_388, %get3A_392 : vector<16xf32>
      %swap3A_394 = arith.index_cast %scan3A_120 : i32 to index
      %swap3A_395 = arith.constant 304 : index
      %swap3A_396 = tpu.vector_load %arg14[%swap3A_394, %swap3A_395] {strides = array<i32>} : memref<16x1024xf32, #tpu.memory_space<vmem>>, vector<1x16xf32>,
      %swap3A_397 = vector.shape_cast %swap3A_396 : vector<1x16xf32> to vector<16xf32>
      %swap3A_398 = vector.shape_cast %add3A_393 : vector<16xf32> to vector<1x16xf32>
      tpu.vector_store %arg14[%swap3A_394, %swap3A_395], %swap3A_398 {strides = array<i32>} : memref<16x1024xf32, #tpu.memory_space<vmem>>, vector<1x16xf32>,
      %get3A_399 = arith.index_cast %scan3A_120 : i32 to index
      %get3A_400 = arith.constant 320 : index
      %get3A_401 = tpu.vector_load %arg10[%get3A_399, %get3A_400] {strides = array<i32>} : memref<16x1024xf32, #tpu.memory_space<vmem>>, vector<1x16xf32>,
      %get3A_402 = vector.shape_cast %get3A_401 : vector<1x16xf32> to vector<16xf32>
      %get3A_403 = arith.index_cast %scan3A_120 : i32 to index
      %get3A_404 = arith.constant 320 : index
      %get3A_405 = tpu.vector_load %arg12[%get3A_403, %get3A_404] {strides = array<i32>} : memref<16x1024xf32, #tpu.memory_space<vmem>>, vector<1x16xf32>,
      %get3A_406 = vector.shape_cast %get3A_405 : vector<1x16xf32> to vector<16xf32>
      %add3A_407 = arith.addf %get3A_402, %get3A_406 : vector<16xf32>
      %swap3A_408 = arith.index_cast %scan3A_120 : i32 to index
      %swap3A_409 = arith.constant 320 : index
      %swap3A_410 = tpu.vector_load %arg14[%swap3A_408, %swap3A_409] {strides = array<i32>} : memref<16x1024xf32, #tpu.memory_space<vmem>>, vector<1x16xf32>,
      %swap3A_411 = vector.shape_cast %swap3A_410 : vector<1x16xf32> to vector<16xf32>
      %swap3A_412 = vector.shape_cast %add3A_407 : vector<16xf32> to vector<1x16xf32>
      tpu.vector_store %arg14[%swap3A_408, %swap3A_409], %swap3A_412 {strides = array<i32>} : memref<16x1024xf32, #tpu.memory_space<vmem>>, vector<1x16xf32>,
      %get3A_413 = arith.index_cast %scan3A_120 : i32 to index
      %get3A_414 = arith.constant 336 : index
      %get3A_415 = tpu.vector_load %arg10[%get3A_413, %get3A_414] {strides = array<i32>} : memref<16x1024xf32, #tpu.memory_space<vmem>>, vector<1x16xf32>,
      %get3A_416 = vector.shape_cast %get3A_415 : vector<1x16xf32> to vector<16xf32>
      %get3A_417 = arith.index_cast %scan3A_120 : i32 to index
      %get3A_418 = arith.constant 336 : index
      %get3A_419 = tpu.vector_load %arg12[%get3A_417, %get3A_418] {strides = array<i32>} : memref<16x1024xf32, #tpu.memory_space<vmem>>, vector<1x16xf32>,
      %get3A_420 = vector.shape_cast %get3A_419 : vector<1x16xf32> to vector<16xf32>
      %add3A_421 = arith.addf %get3A_416, %get3A_420 : vector<16xf32>
      %swap3A_422 = arith.index_cast %scan3A_120 : i32 to index
      %swap3A_423 = arith.constant 336 : index
      %swap3A_424 = tpu.vector_load %arg14[%swap3A_422, %swap3A_423] {strides = array<i32>} : memref<16x1024xf32, #tpu.memory_space<vmem>>, vector<1x16xf32>,
      %swap3A_425 = vector.shape_cast %swap3A_424 : vector<1x16xf32> to vector<16xf32>
      %swap3A_426 = vector.shape_cast %add3A_421 : vector<16xf32> to vector<1x16xf32>
      tpu.vector_store %arg14[%swap3A_422, %swap3A_423], %swap3A_426 {strides = array<i32>} : memref<16x1024xf32, #tpu.memory_space<vmem>>, vector<1x16xf32>,
      %get3A_427 = arith.index_cast %scan3A_120 : i32 to index
      %get3A_428 = arith.constant 352 : index
      %get3A_429 = tpu.vector_load %arg10[%get3A_427, %get3A_428] {strides = array<i32>} : memref<16x1024xf32, #tpu.memory_space<vmem>>, vector<1x16xf32>,
      %get3A_430 = vector.shape_cast %get3A_429 : vector<1x16xf32> to vector<16xf32>
      %get3A_431 = arith.index_cast %scan3A_120 : i32 to index
      %get3A_432 = arith.constant 352 : index
      %get3A_433 = tpu.vector_load %arg12[%get3A_431, %get3A_432] {strides = array<i32>} : memref<16x1024xf32, #tpu.memory_space<vmem>>, vector<1x16xf32>,
      %get3A_434 = vector.shape_cast %get3A_433 : vector<1x16xf32> to vector<16xf32>
      %add3A_435 = arith.addf %get3A_430, %get3A_434 : vector<16xf32>
      %swap3A_436 = arith.index_cast %scan3A_120 : i32 to index
      %swap3A_437 = arith.constant 352 : index
      %swap3A_438 = tpu.vector_load %arg14[%swap3A_436, %swap3A_437] {strides = array<i32>} : memref<16x1024xf32, #tpu.memory_space<vmem>>, vector<1x16xf32>,
      %swap3A_439 = vector.shape_cast %swap3A_438 : vector<1x16xf32> to vector<16xf32>
      %swap3A_440 = vector.shape_cast %add3A_435 : vector<16xf32> to vector<1x16xf32>
      tpu.vector_store %arg14[%swap3A_436, %swap3A_437], %swap3A_440 {strides = array<i32>} : memref<16x1024xf32, #tpu.memory_space<vmem>>, vector<1x16xf32>,
      %get3A_441 = arith.index_cast %scan3A_120 : i32 to index
      %get3A_442 = arith.constant 368 : index
      %get3A_443 = tpu.vector_load %arg10[%get3A_441, %get3A_442] {strides = array<i32>} : memref<16x1024xf32, #tpu.memory_space<vmem>>, vector<1x16xf32>,
      %get3A_444 = vector.shape_cast %get3A_443 : vector<1x16xf32> to vector<16xf32>
      %get3A_445 = arith.index_cast %scan3A_120 : i32 to index
      %get3A_446 = arith.constant 368 : index
      %get3A_447 = tpu.vector_load %arg12[%get3A_445, %get3A_446] {strides = array<i32>} : memref<16x1024xf32, #tpu.memory_space<vmem>>, vector<1x16xf32>,
      %get3A_448 = vector.shape_cast %get3A_447 : vector<1x16xf32> to vector<16xf32>
      %add3A_449 = arith.addf %get3A_444, %get3A_448 : vector<16xf32>
      %swap3A_450 = arith.index_cast %scan3A_120 : i32 to index
      %swap3A_451 = arith.constant 368 : index
      %swap3A_452 = tpu.vector_load %arg14[%swap3A_450, %swap3A_451] {strides = array<i32>} : memref<16x1024xf32, #tpu.memory_space<vmem>>, vector<1x16xf32>,
      %swap3A_453 = vector.shape_cast %swap3A_452 : vector<1x16xf32> to vector<16xf32>
      %swap3A_454 = vector.shape_cast %add3A_449 : vector<16xf32> to vector<1x16xf32>
      tpu.vector_store %arg14[%swap3A_450, %swap3A_451], %swap3A_454 {strides = array<i32>} : memref<16x1024xf32, #tpu.memory_space<vmem>>, vector<1x16xf32>,
      %get3A_455 = arith.index_cast %scan3A_120 : i32 to index
      %get3A_456 = arith.constant 384 : index
      %get3A_457 = tpu.vector_load %arg10[%get3A_455, %get3A_456] {strides = array<i32>} : memref<16x1024xf32, #tpu.memory_space<vmem>>, vector<1x16xf32>,
      %get3A_458 = vector.shape_cast %get3A_457 : vector<1x16xf32> to vector<16xf32>
      %get3A_459 = arith.index_cast %scan3A_120 : i32 to index
      %get3A_460 = arith.constant 384 : index
      %get3A_461 = tpu.vector_load %arg12[%get3A_459, %get3A_460] {strides = array<i32>} : memref<16x1024xf32, #tpu.memory_space<vmem>>, vector<1x16xf32>,
      %get3A_462 = vector.shape_cast %get3A_461 : vector<1x16xf32> to vector<16xf32>
      %add3A_463 = arith.addf %get3A_458, %get3A_462 : vector<16xf32>
      %swap3A_464 = arith.index_cast %scan3A_120 : i32 to index
      %swap3A_465 = arith.constant 384 : index
      %swap3A_466 = tpu.vector_load %arg14[%swap3A_464, %swap3A_465] {strides = array<i32>} : memref<16x1024xf32, #tpu.memory_space<vmem>>, vector<1x16xf32>,
      %swap3A_467 = vector.shape_cast %swap3A_466 : vector<1x16xf32> to vector<16xf32>
      %swap3A_468 = vector.shape_cast %add3A_463 : vector<16xf32> to vector<1x16xf32>
      tpu.vector_store %arg14[%swap3A_464, %swap3A_465], %swap3A_468 {strides = array<i32>} : memref<16x1024xf32, #tpu.memory_space<vmem>>, vector<1x16xf32>,
      %get3A_469 = arith.index_cast %scan3A_120 : i32 to index
      %get3A_470 = arith.constant 400 : index
      %get3A_471 = tpu.vector_load %arg10[%get3A_469, %get3A_470] {strides = array<i32>} : memref<16x1024xf32, #tpu.memory_space<vmem>>, vector<1x16xf32>,
      %get3A_472 = vector.shape_cast %get3A_471 : vector<1x16xf32> to vector<16xf32>
      %get3A_473 = arith.index_cast %scan3A_120 : i32 to index
      %get3A_474 = arith.constant 400 : index
      %get3A_475 = tpu.vector_load %arg12[%get3A_473, %get3A_474] {strides = array<i32>} : memref<16x1024xf32, #tpu.memory_space<vmem>>, vector<1x16xf32>,
      %get3A_476 = vector.shape_cast %get3A_475 : vector<1x16xf32> to vector<16xf32>
      %add3A_477 = arith.addf %get3A_472, %get3A_476 : vector<16xf32>
      %swap3A_478 = arith.index_cast %scan3A_120 : i32 to index
      %swap3A_479 = arith.constant 400 : index
      %swap3A_480 = tpu.vector_load %arg14[%swap3A_478, %swap3A_479] {strides = array<i32>} : memref<16x1024xf32, #tpu.memory_space<vmem>>, vector<1x16xf32>,
      %swap3A_481 = vector.shape_cast %swap3A_480 : vector<1x16xf32> to vector<16xf32>
      %swap3A_482 = vector.shape_cast %add3A_477 : vector<16xf32> to vector<1x16xf32>
      tpu.vector_store %arg14[%swap3A_478, %swap3A_479], %swap3A_482 {strides = array<i32>} : memref<16x1024xf32, #tpu.memory_space<vmem>>, vector<1x16xf32>,
      %get3A_483 = arith.index_cast %scan3A_120 : i32 to index
      %get3A_484 = arith.constant 416 : index
      %get3A_485 = tpu.vector_load %arg10[%get3A_483, %get3A_484] {strides = array<i32>} : memref<16x1024xf32, #tpu.memory_space<vmem>>, vector<1x16xf32>,
      %get3A_486 = vector.shape_cast %get3A_485 : vector<1x16xf32> to vector<16xf32>
      %get3A_487 = arith.index_cast %scan3A_120 : i32 to index
      %get3A_488 = arith.constant 416 : index
      %get3A_489 = tpu.vector_load %arg12[%get3A_487, %get3A_488] {strides = array<i32>} : memref<16x1024xf32, #tpu.memory_space<vmem>>, vector<1x16xf32>,
      %get3A_490 = vector.shape_cast %get3A_489 : vector<1x16xf32> to vector<16xf32>
      %add3A_491 = arith.addf %get3A_486, %get3A_490 : vector<16xf32>
      %swap3A_492 = arith.index_cast %scan3A_120 : i32 to index
      %swap3A_493 = arith.constant 416 : index
      %swap3A_494 = tpu.vector_load %arg14[%swap3A_492, %swap3A_493] {strides = array<i32>} : memref<16x1024xf32, #tpu.memory_space<vmem>>, vector<1x16xf32>,
      %swap3A_495 = vector.shape_cast %swap3A_494 : vector<1x16xf32> to vector<16xf32>
      %swap3A_496 = vector.shape_cast %add3A_491 : vector<16xf32> to vector<1x16xf32>
      tpu.vector_store %arg14[%swap3A_492, %swap3A_493], %swap3A_496 {strides = array<i32>} : memref<16x1024xf32, #tpu.memory_space<vmem>>, vector<1x16xf32>,
      %get3A_497 = arith.index_cast %scan3A_120 : i32 to index
      %get3A_498 = arith.constant 432 : index
      %get3A_499 = tpu.vector_load %arg10[%get3A_497, %get3A_498] {strides = array<i32>} : memref<16x1024xf32, #tpu.memory_space<vmem>>, vector<1x16xf32>,
      %get3A_500 = vector.shape_cast %get3A_499 : vector<1x16xf32> to vector<16xf32>
      %get3A_501 = arith.index_cast %scan3A_120 : i32 to index
      %get3A_502 = arith.constant 432 : index
      %get3A_503 = tpu.vector_load %arg12[%get3A_501, %get3A_502] {strides = array<i32>} : memref<16x1024xf32, #tpu.memory_space<vmem>>, vector<1x16xf32>,
      %get3A_504 = vector.shape_cast %get3A_503 : vector<1x16xf32> to vector<16xf32>
      %add3A_505 = arith.addf %get3A_500, %get3A_504 : vector<16xf32>
      %swap3A_506 = arith.index_cast %scan3A_120 : i32 to index
      %swap3A_507 = arith.constant 432 : index
      %swap3A_508 = tpu.vector_load %arg14[%swap3A_506, %swap3A_507] {strides = array<i32>} : memref<16x1024xf32, #tpu.memory_space<vmem>>, vector<1x16xf32>,
      %swap3A_509 = vector.shape_cast %swap3A_508 : vector<1x16xf32> to vector<16xf32>
      %swap3A_510 = vector.shape_cast %add3A_505 : vector<16xf32> to vector<1x16xf32>
      tpu.vector_store %arg14[%swap3A_506, %swap3A_507], %swap3A_510 {strides = array<i32>} : memref<16x1024xf32, #tpu.memory_space<vmem>>, vector<1x16xf32>,
      %get3A_511 = arith.index_cast %scan3A_120 : i32 to index
      %get3A_512 = arith.constant 448 : index
      %get3A_513 = tpu.vector_load %arg10[%get3A_511, %get3A_512] {strides = array<i32>} : memref<16x1024xf32, #tpu.memory_space<vmem>>, vector<1x16xf32>,
      %get3A_514 = vector.shape_cast %get3A_513 : vector<1x16xf32> to vector<16xf32>
      %get3A_515 = arith.index_cast %scan3A_120 : i32 to index
      %get3A_516 = arith.constant 448 : index
      %get3A_517 = tpu.vector_load %arg12[%get3A_515, %get3A_516] {strides = array<i32>} : memref<16x1024xf32, #tpu.memory_space<vmem>>, vector<1x16xf32>,
      %get3A_518 = vector.shape_cast %get3A_517 : vector<1x16xf32> to vector<16xf32>
      %add3A_519 = arith.addf %get3A_514, %get3A_518 : vector<16xf32>
      %swap3A_520 = arith.index_cast %scan3A_120 : i32 to index
      %swap3A_521 = arith.constant 448 : index
      %swap3A_522 = tpu.vector_load %arg14[%swap3A_520, %swap3A_521] {strides = array<i32>} : memref<16x1024xf32, #tpu.memory_space<vmem>>, vector<1x16xf32>,
      %swap3A_523 = vector.shape_cast %swap3A_522 : vector<1x16xf32> to vector<16xf32>
      %swap3A_524 = vector.shape_cast %add3A_519 : vector<16xf32> to vector<1x16xf32>
      tpu.vector_store %arg14[%swap3A_520, %swap3A_521], %swap3A_524 {strides = array<i32>} : memref<16x1024xf32, #tpu.memory_space<vmem>>, vector<1x16xf32>,
      %get3A_525 = arith.index_cast %scan3A_120 : i32 to index
      %get3A_526 = arith.constant 464 : index
      %get3A_527 = tpu.vector_load %arg10[%get3A_525, %get3A_526] {strides = array<i32>} : memref<16x1024xf32, #tpu.memory_space<vmem>>, vector<1x16xf32>,
      %get3A_528 = vector.shape_cast %get3A_527 : vector<1x16xf32> to vector<16xf32>
      %get3A_529 = arith.index_cast %scan3A_120 : i32 to index
      %get3A_530 = arith.constant 464 : index
      %get3A_531 = tpu.vector_load %arg12[%get3A_529, %get3A_530] {strides = array<i32>} : memref<16x1024xf32, #tpu.memory_space<vmem>>, vector<1x16xf32>,
      %get3A_532 = vector.shape_cast %get3A_531 : vector<1x16xf32> to vector<16xf32>
      %add3A_533 = arith.addf %get3A_528, %get3A_532 : vector<16xf32>
      %swap3A_534 = arith.index_cast %scan3A_120 : i32 to index
      %swap3A_535 = arith.constant 464 : index
      %swap3A_536 = tpu.vector_load %arg14[%swap3A_534, %swap3A_535] {strides = array<i32>} : memref<16x1024xf32, #tpu.memory_space<vmem>>, vector<1x16xf32>,
      %swap3A_537 = vector.shape_cast %swap3A_536 : vector<1x16xf32> to vector<16xf32>
      %swap3A_538 = vector.shape_cast %add3A_533 : vector<16xf32> to vector<1x16xf32>
      tpu.vector_store %arg14[%swap3A_534, %swap3A_535], %swap3A_538 {strides = array<i32>} : memref<16x1024xf32, #tpu.memory_space<vmem>>, vector<1x16xf32>,
      %get3A_539 = arith.index_cast %scan3A_120 : i32 to index
      %get3A_540 = arith.constant 480 : index
      %get3A_541 = tpu.vector_load %arg10[%get3A_539, %get3A_540] {strides = array<i32>} : memref<16x1024xf32, #tpu.memory_space<vmem>>, vector<1x16xf32>,
      %get3A_542 = vector.shape_cast %get3A_541 : vector<1x16xf32> to vector<16xf32>
      %get3A_543 = arith.index_cast %scan3A_120 : i32 to index
      %get3A_544 = arith.constant 480 : index
      %get3A_545 = tpu.vector_load %arg12[%get3A_543, %get3A_544] {strides = array<i32>} : memref<16x1024xf32, #tpu.memory_space<vmem>>, vector<1x16xf32>,
      %get3A_546 = vector.shape_cast %get3A_545 : vector<1x16xf32> to vector<16xf32>
      %add3A_547 = arith.addf %get3A_542, %get3A_546 : vector<16xf32>
      %swap3A_548 = arith.index_cast %scan3A_120 : i32 to index
      %swap3A_549 = arith.constant 480 : index
      %swap3A_550 = tpu.vector_load %arg14[%swap3A_548, %swap3A_549] {strides = array<i32>} : memref<16x1024xf32, #tpu.memory_space<vmem>>, vector<1x16xf32>,
      %swap3A_551 = vector.shape_cast %swap3A_550 : vector<1x16xf32> to vector<16xf32>
      %swap3A_552 = vector.shape_cast %add3A_547 : vector<16xf32> to vector<1x16xf32>
      tpu.vector_store %arg14[%swap3A_548, %swap3A_549], %swap3A_552 {strides = array<i32>} : memref<16x1024xf32, #tpu.memory_space<vmem>>, vector<1x16xf32>,
      %get3A_553 = arith.index_cast %scan3A_120 : i32 to index
      %get3A_554 = arith.constant 496 : index
      %get3A_555 = tpu.vector_load %arg10[%get3A_553, %get3A_554] {strides = array<i32>} : memref<16x1024xf32, #tpu.memory_space<vmem>>, vector<1x16xf32>,
      %get3A_556 = vector.shape_cast %get3A_555 : vector<1x16xf32> to vector<16xf32>
      %get3A_557 = arith.index_cast %scan3A_120 : i32 to index
      %get3A_558 = arith.constant 496 : index
      %get3A_559 = tpu.vector_load %arg12[%get3A_557, %get3A_558] {strides = array<i32>} : memref<16x1024xf32, #tpu.memory_space<vmem>>, vector<1x16xf32>,
      %get3A_560 = vector.shape_cast %get3A_559 : vector<1x16xf32> to vector<16xf32>
      %add3A_561 = arith.addf %get3A_556, %get3A_560 : vector<16xf32>
      %swap3A_562 = arith.index_cast %scan3A_120 : i32 to index
      %swap3A_563 = arith.constant 496 : index
      %swap3A_564 = tpu.vector_load %arg14[%swap3A_562, %swap3A_563] {strides = array<i32>} : memref<16x1024xf32, #tpu.memory_space<vmem>>, vector<1x16xf32>,
      %swap3A_565 = vector.shape_cast %swap3A_564 : vector<1x16xf32> to vector<16xf32>
      %swap3A_566 = vector.shape_cast %add3A_561 : vector<16xf32> to vector<1x16xf32>
      tpu.vector_store %arg14[%swap3A_562, %swap3A_563], %swap3A_566 {strides = array<i32>} : memref<16x1024xf32, #tpu.memory_space<vmem>>, vector<1x16xf32>,
      %get3A_567 = arith.index_cast %scan3A_120 : i32 to index
      %get3A_568 = arith.constant 512 : index
      %get3A_569 = tpu.vector_load %arg10[%get3A_567, %get3A_568] {strides = array<i32>} : memref<16x1024xf32, #tpu.memory_space<vmem>>, vector<1x16xf32>,
      %get3A_570 = vector.shape_cast %get3A_569 : vector<1x16xf32> to vector<16xf32>
      %get3A_571 = arith.index_cast %scan3A_120 : i32 to index
      %get3A_572 = arith.constant 512 : index
      %get3A_573 = tpu.vector_load %arg12[%get3A_571, %get3A_572] {strides = array<i32>} : memref<16x1024xf32, #tpu.memory_space<vmem>>, vector<1x16xf32>,
      %get3A_574 = vector.shape_cast %get3A_573 : vector<1x16xf32> to vector<16xf32>
      %add3A_575 = arith.addf %get3A_570, %get3A_574 : vector<16xf32>
      %swap3A_576 = arith.index_cast %scan3A_120 : i32 to index
      %swap3A_577 = arith.constant 512 : index
      %swap3A_578 = tpu.vector_load %arg14[%swap3A_576, %swap3A_577] {strides = array<i32>} : memref<16x1024xf32, #tpu.memory_space<vmem>>, vector<1x16xf32>,
      %swap3A_579 = vector.shape_cast %swap3A_578 : vector<1x16xf32> to vector<16xf32>
      %swap3A_580 = vector.shape_cast %add3A_575 : vector<16xf32> to vector<1x16xf32>
      tpu.vector_store %arg14[%swap3A_576, %swap3A_577], %swap3A_580 {strides = array<i32>} : memref<16x1024xf32, #tpu.memory_space<vmem>>, vector<1x16xf32>,
      %get3A_581 = arith.index_cast %scan3A_120 : i32 to index
      %get3A_582 = arith.constant 528 : index
      %get3A_583 = tpu.vector_load %arg10[%get3A_581, %get3A_582] {strides = array<i32>} : memref<16x1024xf32, #tpu.memory_space<vmem>>, vector<1x16xf32>,
      %get3A_584 = vector.shape_cast %get3A_583 : vector<1x16xf32> to vector<16xf32>
      %get3A_585 = arith.index_cast %scan3A_120 : i32 to index
      %get3A_586 = arith.constant 528 : index
      %get3A_587 = tpu.vector_load %arg12[%get3A_585, %get3A_586] {strides = array<i32>} : memref<16x1024xf32, #tpu.memory_space<vmem>>, vector<1x16xf32>,
      %get3A_588 = vector.shape_cast %get3A_587 : vector<1x16xf32> to vector<16xf32>
      %add3A_589 = arith.addf %get3A_584, %get3A_588 : vector<16xf32>
      %swap3A_590 = arith.index_cast %scan3A_120 : i32 to index
      %swap3A_591 = arith.constant 528 : index
      %swap3A_592 = tpu.vector_load %arg14[%swap3A_590, %swap3A_591] {strides = array<i32>} : memref<16x1024xf32, #tpu.memory_space<vmem>>, vector<1x16xf32>,
      %swap3A_593 = vector.shape_cast %swap3A_592 : vector<1x16xf32> to vector<16xf32>
      %swap3A_594 = vector.shape_cast %add3A_589 : vector<16xf32> to vector<1x16xf32>
      tpu.vector_store %arg14[%swap3A_590, %swap3A_591], %swap3A_594 {strides = array<i32>} : memref<16x1024xf32, #tpu.memory_space<vmem>>, vector<1x16xf32>,
      %get3A_595 = arith.index_cast %scan3A_120 : i32 to index
      %get3A_596 = arith.constant 544 : index
      %get3A_597 = tpu.vector_load %arg10[%get3A_595, %get3A_596] {strides = array<i32>} : memref<16x1024xf32, #tpu.memory_space<vmem>>, vector<1x16xf32>,
      %get3A_598 = vector.shape_cast %get3A_597 : vector<1x16xf32> to vector<16xf32>
      %get3A_599 = arith.index_cast %scan3A_120 : i32 to index
      %get3A_600 = arith.constant 544 : index
      %get3A_601 = tpu.vector_load %arg12[%get3A_599, %get3A_600] {strides = array<i32>} : memref<16x1024xf32, #tpu.memory_space<vmem>>, vector<1x16xf32>,
      %get3A_602 = vector.shape_cast %get3A_601 : vector<1x16xf32> to vector<16xf32>
      %add3A_603 = arith.addf %get3A_598, %get3A_602 : vector<16xf32>
      %swap3A_604 = arith.index_cast %scan3A_120 : i32 to index
      %swap3A_605 = arith.constant 544 : index
      %swap3A_606 = tpu.vector_load %arg14[%swap3A_604, %swap3A_605] {strides = array<i32>} : memref<16x1024xf32, #tpu.memory_space<vmem>>, vector<1x16xf32>,
      %swap3A_607 = vector.shape_cast %swap3A_606 : vector<1x16xf32> to vector<16xf32>
      %swap3A_608 = vector.shape_cast %add3A_603 : vector<16xf32> to vector<1x16xf32>
      tpu.vector_store %arg14[%swap3A_604, %swap3A_605], %swap3A_608 {strides = array<i32>} : memref<16x1024xf32, #tpu.memory_space<vmem>>, vector<1x16xf32>,
      %get3A_609 = arith.index_cast %scan3A_120 : i32 to index
      %get3A_610 = arith.constant 560 : index
      %get3A_611 = tpu.vector_load %arg10[%get3A_609, %get3A_610] {strides = array<i32>} : memref<16x1024xf32, #tpu.memory_space<vmem>>, vector<1x16xf32>,
      %get3A_612 = vector.shape_cast %get3A_611 : vector<1x16xf32> to vector<16xf32>
      %get3A_613 = arith.index_cast %scan3A_120 : i32 to index
      %get3A_614 = arith.constant 560 : index
      %get3A_615 = tpu.vector_load %arg12[%get3A_613, %get3A_614] {strides = array<i32>} : memref<16x1024xf32, #tpu.memory_space<vmem>>, vector<1x16xf32>,
      %get3A_616 = vector.shape_cast %get3A_615 : vector<1x16xf32> to vector<16xf32>
      %add3A_617 = arith.addf %get3A_612, %get3A_616 : vector<16xf32>
      %swap3A_618 = arith.index_cast %scan3A_120 : i32 to index
      %swap3A_619 = arith.constant 560 : index
      %swap3A_620 = tpu.vector_load %arg14[%swap3A_618, %swap3A_619] {strides = array<i32>} : memref<16x1024xf32, #tpu.memory_space<vmem>>, vector<1x16xf32>,
      %swap3A_621 = vector.shape_cast %swap3A_620 : vector<1x16xf32> to vector<16xf32>
      %swap3A_622 = vector.shape_cast %add3A_617 : vector<16xf32> to vector<1x16xf32>
      tpu.vector_store %arg14[%swap3A_618, %swap3A_619], %swap3A_622 {strides = array<i32>} : memref<16x1024xf32, #tpu.memory_space<vmem>>, vector<1x16xf32>,
      %get3A_623 = arith.index_cast %scan3A_120 : i32 to index
      %get3A_624 = arith.constant 576 : index
      %get3A_625 = tpu.vector_load %arg10[%get3A_623, %get3A_624] {strides = array<i32>} : memref<16x1024xf32, #tpu.memory_space<vmem>>, vector<1x16xf32>,
      %get3A_626 = vector.shape_cast %get3A_625 : vector<1x16xf32> to vector<16xf32>
      %get3A_627 = arith.index_cast %scan3A_120 : i32 to index
      %get3A_628 = arith.constant 576 : index
      %get3A_629 = tpu.vector_load %arg12[%get3A_627, %get3A_628] {strides = array<i32>} : memref<16x1024xf32, #tpu.memory_space<vmem>>, vector<1x16xf32>,
      %get3A_630 = vector.shape_cast %get3A_629 : vector<1x16xf32> to vector<16xf32>
      %add3A_631 = arith.addf %get3A_626, %get3A_630 : vector<16xf32>
      %swap3A_632 = arith.index_cast %scan3A_120 : i32 to index
      %swap3A_633 = arith.constant 576 : index
      %swap3A_634 = tpu.vector_load %arg14[%swap3A_632, %swap3A_633] {strides = array<i32>} : memref<16x1024xf32, #tpu.memory_space<vmem>>, vector<1x16xf32>,
      %swap3A_635 = vector.shape_cast %swap3A_634 : vector<1x16xf32> to vector<16xf32>
      %swap3A_636 = vector.shape_cast %add3A_631 : vector<16xf32> to vector<1x16xf32>
      tpu.vector_store %arg14[%swap3A_632, %swap3A_633], %swap3A_636 {strides = array<i32>} : memref<16x1024xf32, #tpu.memory_space<vmem>>, vector<1x16xf32>,
      %get3A_637 = arith.index_cast %scan3A_120 : i32 to index
      %get3A_638 = arith.constant 592 : index
      %get3A_639 = tpu.vector_load %arg10[%get3A_637, %get3A_638] {strides = array<i32>} : memref<16x1024xf32, #tpu.memory_space<vmem>>, vector<1x16xf32>,
      %get3A_640 = vector.shape_cast %get3A_639 : vector<1x16xf32> to vector<16xf32>
      %get3A_641 = arith.index_cast %scan3A_120 : i32 to index
      %get3A_642 = arith.constant 592 : index
      %get3A_643 = tpu.vector_load %arg12[%get3A_641, %get3A_642] {strides = array<i32>} : memref<16x1024xf32, #tpu.memory_space<vmem>>, vector<1x16xf32>,
      %get3A_644 = vector.shape_cast %get3A_643 : vector<1x16xf32> to vector<16xf32>
      %add3A_645 = arith.addf %get3A_640, %get3A_644 : vector<16xf32>
      %swap3A_646 = arith.index_cast %scan3A_120 : i32 to index
      %swap3A_647 = arith.constant 592 : index
      %swap3A_648 = tpu.vector_load %arg14[%swap3A_646, %swap3A_647] {strides = array<i32>} : memref<16x1024xf32, #tpu.memory_space<vmem>>, vector<1x16xf32>,
      %swap3A_649 = vector.shape_cast %swap3A_648 : vector<1x16xf32> to vector<16xf32>
      %swap3A_650 = vector.shape_cast %add3A_645 : vector<16xf32> to vector<1x16xf32>
      tpu.vector_store %arg14[%swap3A_646, %swap3A_647], %swap3A_650 {strides = array<i32>} : memref<16x1024xf32, #tpu.memory_space<vmem>>, vector<1x16xf32>,
      %get3A_651 = arith.index_cast %scan3A_120 : i32 to index
      %get3A_652 = arith.constant 608 : index
      %get3A_653 = tpu.vector_load %arg10[%get3A_651, %get3A_652] {strides = array<i32>} : memref<16x1024xf32, #tpu.memory_space<vmem>>, vector<1x16xf32>,
      %get3A_654 = vector.shape_cast %get3A_653 : vector<1x16xf32> to vector<16xf32>
      %get3A_655 = arith.index_cast %scan3A_120 : i32 to index
      %get3A_656 = arith.constant 608 : index
      %get3A_657 = tpu.vector_load %arg12[%get3A_655, %get3A_656] {strides = array<i32>} : memref<16x1024xf32, #tpu.memory_space<vmem>>, vector<1x16xf32>,
      %get3A_658 = vector.shape_cast %get3A_657 : vector<1x16xf32> to vector<16xf32>
      %add3A_659 = arith.addf %get3A_654, %get3A_658 : vector<16xf32>
      %swap3A_660 = arith.index_cast %scan3A_120 : i32 to index
      %swap3A_661 = arith.constant 608 : index
      %swap3A_662 = tpu.vector_load %arg14[%swap3A_660, %swap3A_661] {strides = array<i32>} : memref<16x1024xf32, #tpu.memory_space<vmem>>, vector<1x16xf32>,
      %swap3A_663 = vector.shape_cast %swap3A_662 : vector<1x16xf32> to vector<16xf32>
      %swap3A_664 = vector.shape_cast %add3A_659 : vector<16xf32> to vector<1x16xf32>
      tpu.vector_store %arg14[%swap3A_660, %swap3A_661], %swap3A_664 {strides = array<i32>} : memref<16x1024xf32, #tpu.memory_space<vmem>>, vector<1x16xf32>,
      %get3A_665 = arith.index_cast %scan3A_120 : i32 to index
      %get3A_666 = arith.constant 624 : index
      %get3A_667 = tpu.vector_load %arg10[%get3A_665, %get3A_666] {strides = array<i32>} : memref<16x1024xf32, #tpu.memory_space<vmem>>, vector<1x16xf32>,
      %get3A_668 = vector.shape_cast %get3A_667 : vector<1x16xf32> to vector<16xf32>
      %get3A_669 = arith.index_cast %scan3A_120 : i32 to index
      %get3A_670 = arith.constant 624 : index
      %get3A_671 = tpu.vector_load %arg12[%get3A_669, %get3A_670] {strides = array<i32>} : memref<16x1024xf32, #tpu.memory_space<vmem>>, vector<1x16xf32>,
      %get3A_672 = vector.shape_cast %get3A_671 : vector<1x16xf32> to vector<16xf32>
      %add3A_673 = arith.addf %get3A_668, %get3A_672 : vector<16xf32>
      %swap3A_674 = arith.index_cast %scan3A_120 : i32 to index
      %swap3A_675 = arith.constant 624 : index
      %swap3A_676 = tpu.vector_load %arg14[%swap3A_674, %swap3A_675] {strides = array<i32>} : memref<16x1024xf32, #tpu.memory_space<vmem>>, vector<1x16xf32>,
      %swap3A_677 = vector.shape_cast %swap3A_676 : vector<1x16xf32> to vector<16xf32>
      %swap3A_678 = vector.shape_cast %add3A_673 : vector<16xf32> to vector<1x16xf32>
      tpu.vector_store %arg14[%swap3A_674, %swap3A_675], %swap3A_678 {strides = array<i32>} : memref<16x1024xf32, #tpu.memory_space<vmem>>, vector<1x16xf32>,
      %get3A_679 = arith.index_cast %scan3A_120 : i32 to index
      %get3A_680 = arith.constant 640 : index
      %get3A_681 = tpu.vector_load %arg10[%get3A_679, %get3A_680] {strides = array<i32>} : memref<16x1024xf32, #tpu.memory_space<vmem>>, vector<1x16xf32>,
      %get3A_682 = vector.shape_cast %get3A_681 : vector<1x16xf32> to vector<16xf32>
      %get3A_683 = arith.index_cast %scan3A_120 : i32 to index
      %get3A_684 = arith.constant 640 : index
      %get3A_685 = tpu.vector_load %arg12[%get3A_683, %get3A_684] {strides = array<i32>} : memref<16x1024xf32, #tpu.memory_space<vmem>>, vector<1x16xf32>,
      %get3A_686 = vector.shape_cast %get3A_685 : vector<1x16xf32> to vector<16xf32>
      %add3A_687 = arith.addf %get3A_682, %get3A_686 : vector<16xf32>
      %swap3A_688 = arith.index_cast %scan3A_120 : i32 to index
      %swap3A_689 = arith.constant 640 : index
      %swap3A_690 = tpu.vector_load %arg14[%swap3A_688, %swap3A_689] {strides = array<i32>} : memref<16x1024xf32, #tpu.memory_space<vmem>>, vector<1x16xf32>,
      %swap3A_691 = vector.shape_cast %swap3A_690 : vector<1x16xf32> to vector<16xf32>
      %swap3A_692 = vector.shape_cast %add3A_687 : vector<16xf32> to vector<1x16xf32>
      tpu.vector_store %arg14[%swap3A_688, %swap3A_689], %swap3A_692 {strides = array<i32>} : memref<16x1024xf32, #tpu.memory_space<vmem>>, vector<1x16xf32>,
      %get3A_693 = arith.index_cast %scan3A_120 : i32 to index
      %get3A_694 = arith.constant 656 : index
      %get3A_695 = tpu.vector_load %arg10[%get3A_693, %get3A_694] {strides = array<i32>} : memref<16x1024xf32, #tpu.memory_space<vmem>>, vector<1x16xf32>,
      %get3A_696 = vector.shape_cast %get3A_695 : vector<1x16xf32> to vector<16xf32>
      %get3A_697 = arith.index_cast %scan3A_120 : i32 to index
      %get3A_698 = arith.constant 656 : index
      %get3A_699 = tpu.vector_load %arg12[%get3A_697, %get3A_698] {strides = array<i32>} : memref<16x1024xf32, #tpu.memory_space<vmem>>, vector<1x16xf32>,
      %get3A_700 = vector.shape_cast %get3A_699 : vector<1x16xf32> to vector<16xf32>
      %add3A_701 = arith.addf %get3A_696, %get3A_700 : vector<16xf32>
      %swap3A_702 = arith.index_cast %scan3A_120 : i32 to index
      %swap3A_703 = arith.constant 656 : index
      %swap3A_704 = tpu.vector_load %arg14[%swap3A_702, %swap3A_703] {strides = array<i32>} : memref<16x1024xf32, #tpu.memory_space<vmem>>, vector<1x16xf32>,
      %swap3A_705 = vector.shape_cast %swap3A_704 : vector<1x16xf32> to vector<16xf32>
      %swap3A_706 = vector.shape_cast %add3A_701 : vector<16xf32> to vector<1x16xf32>
      tpu.vector_store %arg14[%swap3A_702, %swap3A_703], %swap3A_706 {strides = array<i32>} : memref<16x1024xf32, #tpu.memory_space<vmem>>, vector<1x16xf32>,
      %get3A_707 = arith.index_cast %scan3A_120 : i32 to index
      %get3A_708 = arith.constant 672 : index
      %get3A_709 = tpu.vector_load %arg10[%get3A_707, %get3A_708] {strides = array<i32>} : memref<16x1024xf32, #tpu.memory_space<vmem>>, vector<1x16xf32>,
      %get3A_710 = vector.shape_cast %get3A_709 : vector<1x16xf32> to vector<16xf32>
      %get3A_711 = arith.index_cast %scan3A_120 : i32 to index
      %get3A_712 = arith.constant 672 : index
      %get3A_713 = tpu.vector_load %arg12[%get3A_711, %get3A_712] {strides = array<i32>} : memref<16x1024xf32, #tpu.memory_space<vmem>>, vector<1x16xf32>,
      %get3A_714 = vector.shape_cast %get3A_713 : vector<1x16xf32> to vector<16xf32>
      %add3A_715 = arith.addf %get3A_710, %get3A_714 : vector<16xf32>
      %swap3A_716 = arith.index_cast %scan3A_120 : i32 to index
      %swap3A_717 = arith.constant 672 : index
      %swap3A_718 = tpu.vector_load %arg14[%swap3A_716, %swap3A_717] {strides = array<i32>} : memref<16x1024xf32, #tpu.memory_space<vmem>>, vector<1x16xf32>,
      %swap3A_719 = vector.shape_cast %swap3A_718 : vector<1x16xf32> to vector<16xf32>
      %swap3A_720 = vector.shape_cast %add3A_715 : vector<16xf32> to vector<1x16xf32>
      tpu.vector_store %arg14[%swap3A_716, %swap3A_717], %swap3A_720 {strides = array<i32>} : memref<16x1024xf32, #tpu.memory_space<vmem>>, vector<1x16xf32>,
      %get3A_721 = arith.index_cast %scan3A_120 : i32 to index
      %get3A_722 = arith.constant 688 : index
      %get3A_723 = tpu.vector_load %arg10[%get3A_721, %get3A_722] {strides = array<i32>} : memref<16x1024xf32, #tpu.memory_space<vmem>>, vector<1x16xf32>,
      %get3A_724 = vector.shape_cast %get3A_723 : vector<1x16xf32> to vector<16xf32>
      %get3A_725 = arith.index_cast %scan3A_120 : i32 to index
      %get3A_726 = arith.constant 688 : index
      %get3A_727 = tpu.vector_load %arg12[%get3A_725, %get3A_726] {strides = array<i32>} : memref<16x1024xf32, #tpu.memory_space<vmem>>, vector<1x16xf32>,
      %get3A_728 = vector.shape_cast %get3A_727 : vector<1x16xf32> to vector<16xf32>
      %add3A_729 = arith.addf %get3A_724, %get3A_728 : vector<16xf32>
      %swap3A_730 = arith.index_cast %scan3A_120 : i32 to index
      %swap3A_731 = arith.constant 688 : index
      %swap3A_732 = tpu.vector_load %arg14[%swap3A_730, %swap3A_731] {strides = array<i32>} : memref<16x1024xf32, #tpu.memory_space<vmem>>, vector<1x16xf32>,
      %swap3A_733 = vector.shape_cast %swap3A_732 : vector<1x16xf32> to vector<16xf32>
      %swap3A_734 = vector.shape_cast %add3A_729 : vector<16xf32> to vector<1x16xf32>
      tpu.vector_store %arg14[%swap3A_730, %swap3A_731], %swap3A_734 {strides = array<i32>} : memref<16x1024xf32, #tpu.memory_space<vmem>>, vector<1x16xf32>,
      %get3A_735 = arith.index_cast %scan3A_120 : i32 to index
      %get3A_736 = arith.constant 704 : index
      %get3A_737 = tpu.vector_load %arg10[%get3A_735, %get3A_736] {strides = array<i32>} : memref<16x1024xf32, #tpu.memory_space<vmem>>, vector<1x16xf32>,
      %get3A_738 = vector.shape_cast %get3A_737 : vector<1x16xf32> to vector<16xf32>
      %get3A_739 = arith.index_cast %scan3A_120 : i32 to index
      %get3A_740 = arith.constant 704 : index
      %get3A_741 = tpu.vector_load %arg12[%get3A_739, %get3A_740] {strides = array<i32>} : memref<16x1024xf32, #tpu.memory_space<vmem>>, vector<1x16xf32>,
      %get3A_742 = vector.shape_cast %get3A_741 : vector<1x16xf32> to vector<16xf32>
      %add3A_743 = arith.addf %get3A_738, %get3A_742 : vector<16xf32>
      %swap3A_744 = arith.index_cast %scan3A_120 : i32 to index
      %swap3A_745 = arith.constant 704 : index
      %swap3A_746 = tpu.vector_load %arg14[%swap3A_744, %swap3A_745] {strides = array<i32>} : memref<16x1024xf32, #tpu.memory_space<vmem>>, vector<1x16xf32>,
      %swap3A_747 = vector.shape_cast %swap3A_746 : vector<1x16xf32> to vector<16xf32>
      %swap3A_748 = vector.shape_cast %add3A_743 : vector<16xf32> to vector<1x16xf32>
      tpu.vector_store %arg14[%swap3A_744, %swap3A_745], %swap3A_748 {strides = array<i32>} : memref<16x1024xf32, #tpu.memory_space<vmem>>, vector<1x16xf32>,
      %get3A_749 = arith.index_cast %scan3A_120 : i32 to index
      %get3A_750 = arith.constant 720 : index
      %get3A_751 = tpu.vector_load %arg10[%get3A_749, %get3A_750] {strides = array<i32>} : memref<16x1024xf32, #tpu.memory_space<vmem>>, vector<1x16xf32>,
      %get3A_752 = vector.shape_cast %get3A_751 : vector<1x16xf32> to vector<16xf32>
      %get3A_753 = arith.index_cast %scan3A_120 : i32 to index
      %get3A_754 = arith.constant 720 : index
      %get3A_755 = tpu.vector_load %arg12[%get3A_753, %get3A_754] {strides = array<i32>} : memref<16x1024xf32, #tpu.memory_space<vmem>>, vector<1x16xf32>,
      %get3A_756 = vector.shape_cast %get3A_755 : vector<1x16xf32> to vector<16xf32>
      %add3A_757 = arith.addf %get3A_752, %get3A_756 : vector<16xf32>
      %swap3A_758 = arith.index_cast %scan3A_120 : i32 to index
      %swap3A_759 = arith.constant 720 : index
      %swap3A_760 = tpu.vector_load %arg14[%swap3A_758, %swap3A_759] {strides = array<i32>} : memref<16x1024xf32, #tpu.memory_space<vmem>>, vector<1x16xf32>,
      %swap3A_761 = vector.shape_cast %swap3A_760 : vector<1x16xf32> to vector<16xf32>
      %swap3A_762 = vector.shape_cast %add3A_757 : vector<16xf32> to vector<1x16xf32>
      tpu.vector_store %arg14[%swap3A_758, %swap3A_759], %swap3A_762 {strides = array<i32>} : memref<16x1024xf32, #tpu.memory_space<vmem>>, vector<1x16xf32>,
      %get3A_763 = arith.index_cast %scan3A_120 : i32 to index
      %get3A_764 = arith.constant 736 : index
      %get3A_765 = tpu.vector_load %arg10[%get3A_763, %get3A_764] {strides = array<i32>} : memref<16x1024xf32, #tpu.memory_space<vmem>>, vector<1x16xf32>,
      %get3A_766 = vector.shape_cast %get3A_765 : vector<1x16xf32> to vector<16xf32>
      %get3A_767 = arith.index_cast %scan3A_120 : i32 to index
      %get3A_768 = arith.constant 736 : index
      %get3A_769 = tpu.vector_load %arg12[%get3A_767, %get3A_768] {strides = array<i32>} : memref<16x1024xf32, #tpu.memory_space<vmem>>, vector<1x16xf32>,
      %get3A_770 = vector.shape_cast %get3A_769 : vector<1x16xf32> to vector<16xf32>
      %add3A_771 = arith.addf %get3A_766, %get3A_770 : vector<16xf32>
      %swap3A_772 = arith.index_cast %scan3A_120 : i32 to index
      %swap3A_773 = arith.constant 736 : index
      %swap3A_774 = tpu.vector_load %arg14[%swap3A_772, %swap3A_773] {strides = array<i32>} : memref<16x1024xf32, #tpu.memory_space<vmem>>, vector<1x16xf32>,
      %swap3A_775 = vector.shape_cast %swap3A_774 : vector<1x16xf32> to vector<16xf32>
      %swap3A_776 = vector.shape_cast %add3A_771 : vector<16xf32> to vector<1x16xf32>
      tpu.vector_store %arg14[%swap3A_772, %swap3A_773], %swap3A_776 {strides = array<i32>} : memref<16x1024xf32, #tpu.memory_space<vmem>>, vector<1x16xf32>,
      %get3A_777 = arith.index_cast %scan3A_120 : i32 to index
      %get3A_778 = arith.constant 752 : index
      %get3A_779 = tpu.vector_load %arg10[%get3A_777, %get3A_778] {strides = array<i32>} : memref<16x1024xf32, #tpu.memory_space<vmem>>, vector<1x16xf32>,
      %get3A_780 = vector.shape_cast %get3A_779 : vector<1x16xf32> to vector<16xf32>
      %get3A_781 = arith.index_cast %scan3A_120 : i32 to index
      %get3A_782 = arith.constant 752 : index
      %get3A_783 = tpu.vector_load %arg12[%get3A_781, %get3A_782] {strides = array<i32>} : memref<16x1024xf32, #tpu.memory_space<vmem>>, vector<1x16xf32>,
      %get3A_784 = vector.shape_cast %get3A_783 : vector<1x16xf32> to vector<16xf32>
      %add3A_785 = arith.addf %get3A_780, %get3A_784 : vector<16xf32>
      %swap3A_786 = arith.index_cast %scan3A_120 : i32 to index
      %swap3A_787 = arith.constant 752 : index
      %swap3A_788 = tpu.vector_load %arg14[%swap3A_786, %swap3A_787] {strides = array<i32>} : memref<16x1024xf32, #tpu.memory_space<vmem>>, vector<1x16xf32>,
      %swap3A_789 = vector.shape_cast %swap3A_788 : vector<1x16xf32> to vector<16xf32>
      %swap3A_790 = vector.shape_cast %add3A_785 : vector<16xf32> to vector<1x16xf32>
      tpu.vector_store %arg14[%swap3A_786, %swap3A_787], %swap3A_790 {strides = array<i32>} : memref<16x1024xf32, #tpu.memory_space<vmem>>, vector<1x16xf32>,
      %get3A_791 = arith.index_cast %scan3A_120 : i32 to index
      %get3A_792 = arith.constant 768 : index
      %get3A_793 = tpu.vector_load %arg10[%get3A_791, %get3A_792] {strides = array<i32>} : memref<16x1024xf32, #tpu.memory_space<vmem>>, vector<1x16xf32>,
      %get3A_794 = vector.shape_cast %get3A_793 : vector<1x16xf32> to vector<16xf32>
      %get3A_795 = arith.index_cast %scan3A_120 : i32 to index
      %get3A_796 = arith.constant 768 : index
      %get3A_797 = tpu.vector_load %arg12[%get3A_795, %get3A_796] {strides = array<i32>} : memref<16x1024xf32, #tpu.memory_space<vmem>>, vector<1x16xf32>,
      %get3A_798 = vector.shape_cast %get3A_797 : vector<1x16xf32> to vector<16xf32>
      %add3A_799 = arith.addf %get3A_794, %get3A_798 : vector<16xf32>
      %swap3A_800 = arith.index_cast %scan3A_120 : i32 to index
      %swap3A_801 = arith.constant 768 : index
      %swap3A_802 = tpu.vector_load %arg14[%swap3A_800, %swap3A_801] {strides = array<i32>} : memref<16x1024xf32, #tpu.memory_space<vmem>>, vector<1x16xf32>,
      %swap3A_803 = vector.shape_cast %swap3A_802 : vector<1x16xf32> to vector<16xf32>
      %swap3A_804 = vector.shape_cast %add3A_799 : vector<16xf32> to vector<1x16xf32>
      tpu.vector_store %arg14[%swap3A_800, %swap3A_801], %swap3A_804 {strides = array<i32>} : memref<16x1024xf32, #tpu.memory_space<vmem>>, vector<1x16xf32>,
      %get3A_805 = arith.index_cast %scan3A_120 : i32 to index
      %get3A_806 = arith.constant 784 : index
      %get3A_807 = tpu.vector_load %arg10[%get3A_805, %get3A_806] {strides = array<i32>} : memref<16x1024xf32, #tpu.memory_space<vmem>>, vector<1x16xf32>,
      %get3A_808 = vector.shape_cast %get3A_807 : vector<1x16xf32> to vector<16xf32>
      %get3A_809 = arith.index_cast %scan3A_120 : i32 to index
      %get3A_810 = arith.constant 784 : index
      %get3A_811 = tpu.vector_load %arg12[%get3A_809, %get3A_810] {strides = array<i32>} : memref<16x1024xf32, #tpu.memory_space<vmem>>, vector<1x16xf32>,
      %get3A_812 = vector.shape_cast %get3A_811 : vector<1x16xf32> to vector<16xf32>
      %add3A_813 = arith.addf %get3A_808, %get3A_812 : vector<16xf32>
      %swap3A_814 = arith.index_cast %scan3A_120 : i32 to index
      %swap3A_815 = arith.constant 784 : index
      %swap3A_816 = tpu.vector_load %arg14[%swap3A_814, %swap3A_815] {strides = array<i32>} : memref<16x1024xf32, #tpu.memory_space<vmem>>, vector<1x16xf32>,
      %swap3A_817 = vector.shape_cast %swap3A_816 : vector<1x16xf32> to vector<16xf32>
      %swap3A_818 = vector.shape_cast %add3A_813 : vector<16xf32> to vector<1x16xf32>
      tpu.vector_store %arg14[%swap3A_814, %swap3A_815], %swap3A_818 {strides = array<i32>} : memref<16x1024xf32, #tpu.memory_space<vmem>>, vector<1x16xf32>,
      %get3A_819 = arith.index_cast %scan3A_120 : i32 to index
      %get3A_820 = arith.constant 800 : index
      %get3A_821 = tpu.vector_load %arg10[%get3A_819, %get3A_820] {strides = array<i32>} : memref<16x1024xf32, #tpu.memory_space<vmem>>, vector<1x16xf32>,
      %get3A_822 = vector.shape_cast %get3A_821 : vector<1x16xf32> to vector<16xf32>
      %get3A_823 = arith.index_cast %scan3A_120 : i32 to index
      %get3A_824 = arith.constant 800 : index
      %get3A_825 = tpu.vector_load %arg12[%get3A_823, %get3A_824] {strides = array<i32>} : memref<16x1024xf32, #tpu.memory_space<vmem>>, vector<1x16xf32>,
      %get3A_826 = vector.shape_cast %get3A_825 : vector<1x16xf32> to vector<16xf32>
      %add3A_827 = arith.addf %get3A_822, %get3A_826 : vector<16xf32>
      %swap3A_828 = arith.index_cast %scan3A_120 : i32 to index
      %swap3A_829 = arith.constant 800 : index
      %swap3A_830 = tpu.vector_load %arg14[%swap3A_828, %swap3A_829] {strides = array<i32>} : memref<16x1024xf32, #tpu.memory_space<vmem>>, vector<1x16xf32>,
      %swap3A_831 = vector.shape_cast %swap3A_830 : vector<1x16xf32> to vector<16xf32>
      %swap3A_832 = vector.shape_cast %add3A_827 : vector<16xf32> to vector<1x16xf32>
      tpu.vector_store %arg14[%swap3A_828, %swap3A_829], %swap3A_832 {strides = array<i32>} : memref<16x1024xf32, #tpu.memory_space<vmem>>, vector<1x16xf32>,
      %get3A_833 = arith.index_cast %scan3A_120 : i32 to index
      %get3A_834 = arith.constant 816 : index
      %get3A_835 = tpu.vector_load %arg10[%get3A_833, %get3A_834] {strides = array<i32>} : memref<16x1024xf32, #tpu.memory_space<vmem>>, vector<1x16xf32>,
      %get3A_836 = vector.shape_cast %get3A_835 : vector<1x16xf32> to vector<16xf32>
      %get3A_837 = arith.index_cast %scan3A_120 : i32 to index
      %get3A_838 = arith.constant 816 : index
      %get3A_839 = tpu.vector_load %arg12[%get3A_837, %get3A_838] {strides = array<i32>} : memref<16x1024xf32, #tpu.memory_space<vmem>>, vector<1x16xf32>,
      %get3A_840 = vector.shape_cast %get3A_839 : vector<1x16xf32> to vector<16xf32>
      %add3A_841 = arith.addf %get3A_836, %get3A_840 : vector<16xf32>
      %swap3A_842 = arith.index_cast %scan3A_120 : i32 to index
      %swap3A_843 = arith.constant 816 : index
      %swap3A_844 = tpu.vector_load %arg14[%swap3A_842, %swap3A_843] {strides = array<i32>} : memref<16x1024xf32, #tpu.memory_space<vmem>>, vector<1x16xf32>,
      %swap3A_845 = vector.shape_cast %swap3A_844 : vector<1x16xf32> to vector<16xf32>
      %swap3A_846 = vector.shape_cast %add3A_841 : vector<16xf32> to vector<1x16xf32>
      tpu.vector_store %arg14[%swap3A_842, %swap3A_843], %swap3A_846 {strides = array<i32>} : memref<16x1024xf32, #tpu.memory_space<vmem>>, vector<1x16xf32>,
      %get3A_847 = arith.index_cast %scan3A_120 : i32 to index
      %get3A_848 = arith.constant 832 : index
      %get3A_849 = tpu.vector_load %arg10[%get3A_847, %get3A_848] {strides = array<i32>} : memref<16x1024xf32, #tpu.memory_space<vmem>>, vector<1x16xf32>,
      %get3A_850 = vector.shape_cast %get3A_849 : vector<1x16xf32> to vector<16xf32>
      %get3A_851 = arith.index_cast %scan3A_120 : i32 to index
      %get3A_852 = arith.constant 832 : index
      %get3A_853 = tpu.vector_load %arg12[%get3A_851, %get3A_852] {strides = array<i32>} : memref<16x1024xf32, #tpu.memory_space<vmem>>, vector<1x16xf32>,
      %get3A_854 = vector.shape_cast %get3A_853 : vector<1x16xf32> to vector<16xf32>
      %add3A_855 = arith.addf %get3A_850, %get3A_854 : vector<16xf32>
      %swap3A_856 = arith.index_cast %scan3A_120 : i32 to index
      %swap3A_857 = arith.constant 832 : index
      %swap3A_858 = tpu.vector_load %arg14[%swap3A_856, %swap3A_857] {strides = array<i32>} : memref<16x1024xf32, #tpu.memory_space<vmem>>, vector<1x16xf32>,
      %swap3A_859 = vector.shape_cast %swap3A_858 : vector<1x16xf32> to vector<16xf32>
      %swap3A_860 = vector.shape_cast %add3A_855 : vector<16xf32> to vector<1x16xf32>
      tpu.vector_store %arg14[%swap3A_856, %swap3A_857], %swap3A_860 {strides = array<i32>} : memref<16x1024xf32, #tpu.memory_space<vmem>>, vector<1x16xf32>,
      %get3A_861 = arith.index_cast %scan3A_120 : i32 to index
      %get3A_862 = arith.constant 848 : index
      %get3A_863 = tpu.vector_load %arg10[%get3A_861, %get3A_862] {strides = array<i32>} : memref<16x1024xf32, #tpu.memory_space<vmem>>, vector<1x16xf32>,
      %get3A_864 = vector.shape_cast %get3A_863 : vector<1x16xf32> to vector<16xf32>
      %get3A_865 = arith.index_cast %scan3A_120 : i32 to index
      %get3A_866 = arith.constant 848 : index
      %get3A_867 = tpu.vector_load %arg12[%get3A_865, %get3A_866] {strides = array<i32>} : memref<16x1024xf32, #tpu.memory_space<vmem>>, vector<1x16xf32>,
      %get3A_868 = vector.shape_cast %get3A_867 : vector<1x16xf32> to vector<16xf32>
      %add3A_869 = arith.addf %get3A_864, %get3A_868 : vector<16xf32>
      %swap3A_870 = arith.index_cast %scan3A_120 : i32 to index
      %swap3A_871 = arith.constant 848 : index
      %swap3A_872 = tpu.vector_load %arg14[%swap3A_870, %swap3A_871] {strides = array<i32>} : memref<16x1024xf32, #tpu.memory_space<vmem>>, vector<1x16xf32>,
      %swap3A_873 = vector.shape_cast %swap3A_872 : vector<1x16xf32> to vector<16xf32>
      %swap3A_874 = vector.shape_cast %add3A_869 : vector<16xf32> to vector<1x16xf32>
      tpu.vector_store %arg14[%swap3A_870, %swap3A_871], %swap3A_874 {strides = array<i32>} : memref<16x1024xf32, #tpu.memory_space<vmem>>, vector<1x16xf32>,
      %get3A_875 = arith.index_cast %scan3A_120 : i32 to index
      %get3A_876 = arith.constant 864 : index
      %get3A_877 = tpu.vector_load %arg10[%get3A_875, %get3A_876] {strides = array<i32>} : memref<16x1024xf32, #tpu.memory_space<vmem>>, vector<1x16xf32>,
      %get3A_878 = vector.shape_cast %get3A_877 : vector<1x16xf32> to vector<16xf32>
      %get3A_879 = arith.index_cast %scan3A_120 : i32 to index
      %get3A_880 = arith.constant 864 : index
      %get3A_881 = tpu.vector_load %arg12[%get3A_879, %get3A_880] {strides = array<i32>} : memref<16x1024xf32, #tpu.memory_space<vmem>>, vector<1x16xf32>,
      %get3A_882 = vector.shape_cast %get3A_881 : vector<1x16xf32> to vector<16xf32>
      %add3A_883 = arith.addf %get3A_878, %get3A_882 : vector<16xf32>
      %swap3A_884 = arith.index_cast %scan3A_120 : i32 to index
      %swap3A_885 = arith.constant 864 : index
      %swap3A_886 = tpu.vector_load %arg14[%swap3A_884, %swap3A_885] {strides = array<i32>} : memref<16x1024xf32, #tpu.memory_space<vmem>>, vector<1x16xf32>,
      %swap3A_887 = vector.shape_cast %swap3A_886 : vector<1x16xf32> to vector<16xf32>
      %swap3A_888 = vector.shape_cast %add3A_883 : vector<16xf32> to vector<1x16xf32>
      tpu.vector_store %arg14[%swap3A_884, %swap3A_885], %swap3A_888 {strides = array<i32>} : memref<16x1024xf32, #tpu.memory_space<vmem>>, vector<1x16xf32>,
      %get3A_889 = arith.index_cast %scan3A_120 : i32 to index
      %get3A_890 = arith.constant 880 : index
      %get3A_891 = tpu.vector_load %arg10[%get3A_889, %get3A_890] {strides = array<i32>} : memref<16x1024xf32, #tpu.memory_space<vmem>>, vector<1x16xf32>,
      %get3A_892 = vector.shape_cast %get3A_891 : vector<1x16xf32> to vector<16xf32>
      %get3A_893 = arith.index_cast %scan3A_120 : i32 to index
      %get3A_894 = arith.constant 880 : index
      %get3A_895 = tpu.vector_load %arg12[%get3A_893, %get3A_894] {strides = array<i32>} : memref<16x1024xf32, #tpu.memory_space<vmem>>, vector<1x16xf32>,
      %get3A_896 = vector.shape_cast %get3A_895 : vector<1x16xf32> to vector<16xf32>
      %add3A_897 = arith.addf %get3A_892, %get3A_896 : vector<16xf32>
      %swap3A_898 = arith.index_cast %scan3A_120 : i32 to index
      %swap3A_899 = arith.constant 880 : index
      %swap3A_900 = tpu.vector_load %arg14[%swap3A_898, %swap3A_899] {strides = array<i32>} : memref<16x1024xf32, #tpu.memory_space<vmem>>, vector<1x16xf32>,
      %swap3A_901 = vector.shape_cast %swap3A_900 : vector<1x16xf32> to vector<16xf32>
      %swap3A_902 = vector.shape_cast %add3A_897 : vector<16xf32> to vector<1x16xf32>
      tpu.vector_store %arg14[%swap3A_898, %swap3A_899], %swap3A_902 {strides = array<i32>} : memref<16x1024xf32, #tpu.memory_space<vmem>>, vector<1x16xf32>,
      %get3A_903 = arith.index_cast %scan3A_120 : i32 to index
      %get3A_904 = arith.constant 896 : index
      %get3A_905 = tpu.vector_load %arg10[%get3A_903, %get3A_904] {strides = array<i32>} : memref<16x1024xf32, #tpu.memory_space<vmem>>, vector<1x16xf32>,
      %get3A_906 = vector.shape_cast %get3A_905 : vector<1x16xf32> to vector<16xf32>
      %get3A_907 = arith.index_cast %scan3A_120 : i32 to index
      %get3A_908 = arith.constant 896 : index
      %get3A_909 = tpu.vector_load %arg12[%get3A_907, %get3A_908] {strides = array<i32>} : memref<16x1024xf32, #tpu.memory_space<vmem>>, vector<1x16xf32>,
      %get3A_910 = vector.shape_cast %get3A_909 : vector<1x16xf32> to vector<16xf32>
      %add3A_911 = arith.addf %get3A_906, %get3A_910 : vector<16xf32>
      %swap3A_912 = arith.index_cast %scan3A_120 : i32 to index
      %swap3A_913 = arith.constant 896 : index
      %swap3A_914 = tpu.vector_load %arg14[%swap3A_912, %swap3A_913] {strides = array<i32>} : memref<16x1024xf32, #tpu.memory_space<vmem>>, vector<1x16xf32>,
      %swap3A_915 = vector.shape_cast %swap3A_914 : vector<1x16xf32> to vector<16xf32>
      %swap3A_916 = vector.shape_cast %add3A_911 : vector<16xf32> to vector<1x16xf32>
      tpu.vector_store %arg14[%swap3A_912, %swap3A_913], %swap3A_916 {strides = array<i32>} : memref<16x1024xf32, #tpu.memory_space<vmem>>, vector<1x16xf32>,
      %get3A_917 = arith.index_cast %scan3A_120 : i32 to index
      %get3A_918 = arith.constant 912 : index
      %get3A_919 = tpu.vector_load %arg10[%get3A_917, %get3A_918] {strides = array<i32>} : memref<16x1024xf32, #tpu.memory_space<vmem>>, vector<1x16xf32>,
      %get3A_920 = vector.shape_cast %get3A_919 : vector<1x16xf32> to vector<16xf32>
      %get3A_921 = arith.index_cast %scan3A_120 : i32 to index
      %get3A_922 = arith.constant 912 : index
      %get3A_923 = tpu.vector_load %arg12[%get3A_921, %get3A_922] {strides = array<i32>} : memref<16x1024xf32, #tpu.memory_space<vmem>>, vector<1x16xf32>,
      %get3A_924 = vector.shape_cast %get3A_923 : vector<1x16xf32> to vector<16xf32>
      %add3A_925 = arith.addf %get3A_920, %get3A_924 : vector<16xf32>
      %swap3A_926 = arith.index_cast %scan3A_120 : i32 to index
      %swap3A_927 = arith.constant 912 : index
      %swap3A_928 = tpu.vector_load %arg14[%swap3A_926, %swap3A_927] {strides = array<i32>} : memref<16x1024xf32, #tpu.memory_space<vmem>>, vector<1x16xf32>,
      %swap3A_929 = vector.shape_cast %swap3A_928 : vector<1x16xf32> to vector<16xf32>
      %swap3A_930 = vector.shape_cast %add3A_925 : vector<16xf32> to vector<1x16xf32>
      tpu.vector_store %arg14[%swap3A_926, %swap3A_927], %swap3A_930 {strides = array<i32>} : memref<16x1024xf32, #tpu.memory_space<vmem>>, vector<1x16xf32>,
      %get3A_931 = arith.index_cast %scan3A_120 : i32 to index
      %get3A_932 = arith.constant 928 : index
      %get3A_933 = tpu.vector_load %arg10[%get3A_931, %get3A_932] {strides = array<i32>} : memref<16x1024xf32, #tpu.memory_space<vmem>>, vector<1x16xf32>,
      %get3A_934 = vector.shape_cast %get3A_933 : vector<1x16xf32> to vector<16xf32>
      %get3A_935 = arith.index_cast %scan3A_120 : i32 to index
      %get3A_936 = arith.constant 928 : index
      %get3A_937 = tpu.vector_load %arg12[%get3A_935, %get3A_936] {strides = array<i32>} : memref<16x1024xf32, #tpu.memory_space<vmem>>, vector<1x16xf32>,
      %get3A_938 = vector.shape_cast %get3A_937 : vector<1x16xf32> to vector<16xf32>
      %add3A_939 = arith.addf %get3A_934, %get3A_938 : vector<16xf32>
      %swap3A_940 = arith.index_cast %scan3A_120 : i32 to index
      %swap3A_941 = arith.constant 928 : index
      %swap3A_942 = tpu.vector_load %arg14[%swap3A_940, %swap3A_941] {strides = array<i32>} : memref<16x1024xf32, #tpu.memory_space<vmem>>, vector<1x16xf32>,
      %swap3A_943 = vector.shape_cast %swap3A_942 : vector<1x16xf32> to vector<16xf32>
      %swap3A_944 = vector.shape_cast %add3A_939 : vector<16xf32> to vector<1x16xf32>
      tpu.vector_store %arg14[%swap3A_940, %swap3A_941], %swap3A_944 {strides = array<i32>} : memref<16x1024xf32, #tpu.memory_space<vmem>>, vector<1x16xf32>,
      %get3A_945 = arith.index_cast %scan3A_120 : i32 to index
      %get3A_946 = arith.constant 944 : index
      %get3A_947 = tpu.vector_load %arg10[%get3A_945, %get3A_946] {strides = array<i32>} : memref<16x1024xf32, #tpu.memory_space<vmem>>, vector<1x16xf32>,
      %get3A_948 = vector.shape_cast %get3A_947 : vector<1x16xf32> to vector<16xf32>
      %get3A_949 = arith.index_cast %scan3A_120 : i32 to index
      %get3A_950 = arith.constant 944 : index
      %get3A_951 = tpu.vector_load %arg12[%get3A_949, %get3A_950] {strides = array<i32>} : memref<16x1024xf32, #tpu.memory_space<vmem>>, vector<1x16xf32>,
      %get3A_952 = vector.shape_cast %get3A_951 : vector<1x16xf32> to vector<16xf32>
      %add3A_953 = arith.addf %get3A_948, %get3A_952 : vector<16xf32>
      %swap3A_954 = arith.index_cast %scan3A_120 : i32 to index
      %swap3A_955 = arith.constant 944 : index
      %swap3A_956 = tpu.vector_load %arg14[%swap3A_954, %swap3A_955] {strides = array<i32>} : memref<16x1024xf32, #tpu.memory_space<vmem>>, vector<1x16xf32>,
      %swap3A_957 = vector.shape_cast %swap3A_956 : vector<1x16xf32> to vector<16xf32>
      %swap3A_958 = vector.shape_cast %add3A_953 : vector<16xf32> to vector<1x16xf32>
      tpu.vector_store %arg14[%swap3A_954, %swap3A_955], %swap3A_958 {strides = array<i32>} : memref<16x1024xf32, #tpu.memory_space<vmem>>, vector<1x16xf32>,
      %get3A_959 = arith.index_cast %scan3A_120 : i32 to index
      %get3A_960 = arith.constant 960 : index
      %get3A_961 = tpu.vector_load %arg10[%get3A_959, %get3A_960] {strides = array<i32>} : memref<16x1024xf32, #tpu.memory_space<vmem>>, vector<1x16xf32>,
      %get3A_962 = vector.shape_cast %get3A_961 : vector<1x16xf32> to vector<16xf32>
      %get3A_963 = arith.index_cast %scan3A_120 : i32 to index
      %get3A_964 = arith.constant 960 : index
      %get3A_965 = tpu.vector_load %arg12[%get3A_963, %get3A_964] {strides = array<i32>} : memref<16x1024xf32, #tpu.memory_space<vmem>>, vector<1x16xf32>,
      %get3A_966 = vector.shape_cast %get3A_965 : vector<1x16xf32> to vector<16xf32>
      %add3A_967 = arith.addf %get3A_962, %get3A_966 : vector<16xf32>
      %swap3A_968 = arith.index_cast %scan3A_120 : i32 to index
      %swap3A_969 = arith.constant 960 : index
      %swap3A_970 = tpu.vector_load %arg14[%swap3A_968, %swap3A_969] {strides = array<i32>} : memref<16x1024xf32, #tpu.memory_space<vmem>>, vector<1x16xf32>,
      %swap3A_971 = vector.shape_cast %swap3A_970 : vector<1x16xf32> to vector<16xf32>
      %swap3A_972 = vector.shape_cast %add3A_967 : vector<16xf32> to vector<1x16xf32>
      tpu.vector_store %arg14[%swap3A_968, %swap3A_969], %swap3A_972 {strides = array<i32>} : memref<16x1024xf32, #tpu.memory_space<vmem>>, vector<1x16xf32>,
      %get3A_973 = arith.index_cast %scan3A_120 : i32 to index
      %get3A_974 = arith.constant 976 : index
      %get3A_975 = tpu.vector_load %arg10[%get3A_973, %get3A_974] {strides = array<i32>} : memref<16x1024xf32, #tpu.memory_space<vmem>>, vector<1x16xf32>,
      %get3A_976 = vector.shape_cast %get3A_975 : vector<1x16xf32> to vector<16xf32>
      %get3A_977 = arith.index_cast %scan3A_120 : i32 to index
      %get3A_978 = arith.constant 976 : index
      %get3A_979 = tpu.vector_load %arg12[%get3A_977, %get3A_978] {strides = array<i32>} : memref<16x1024xf32, #tpu.memory_space<vmem>>, vector<1x16xf32>,
      %get3A_980 = vector.shape_cast %get3A_979 : vector<1x16xf32> to vector<16xf32>
      %add3A_981 = arith.addf %get3A_976, %get3A_980 : vector<16xf32>
      %swap3A_982 = arith.index_cast %scan3A_120 : i32 to index
      %swap3A_983 = arith.constant 976 : index
      %swap3A_984 = tpu.vector_load %arg14[%swap3A_982, %swap3A_983] {strides = array<i32>} : memref<16x1024xf32, #tpu.memory_space<vmem>>, vector<1x16xf32>,
      %swap3A_985 = vector.shape_cast %swap3A_984 : vector<1x16xf32> to vector<16xf32>
      %swap3A_986 = vector.shape_cast %add3A_981 : vector<16xf32> to vector<1x16xf32>
      tpu.vector_store %arg14[%swap3A_982, %swap3A_983], %swap3A_986 {strides = array<i32>} : memref<16x1024xf32, #tpu.memory_space<vmem>>, vector<1x16xf32>,
      %get3A_987 = arith.index_cast %scan3A_120 : i32 to index
      %get3A_988 = arith.constant 992 : index
      %get3A_989 = tpu.vector_load %arg10[%get3A_987, %get3A_988] {strides = array<i32>} : memref<16x1024xf32, #tpu.memory_space<vmem>>, vector<1x16xf32>,
      %get3A_990 = vector.shape_cast %get3A_989 : vector<1x16xf32> to vector<16xf32>
      %get3A_991 = arith.index_cast %scan3A_120 : i32 to index
      %get3A_992 = arith.constant 992 : index
      %get3A_993 = tpu.vector_load %arg12[%get3A_991, %get3A_992] {strides = array<i32>} : memref<16x1024xf32, #tpu.memory_space<vmem>>, vector<1x16xf32>,
      %get3A_994 = vector.shape_cast %get3A_993 : vector<1x16xf32> to vector<16xf32>
      %add3A_995 = arith.addf %get3A_990, %get3A_994 : vector<16xf32>
      %swap3A_996 = arith.index_cast %scan3A_120 : i32 to index
      %swap3A_997 = arith.constant 992 : index
      %swap3A_998 = tpu.vector_load %arg14[%swap3A_996, %swap3A_997] {strides = array<i32>} : memref<16x1024xf32, #tpu.memory_space<vmem>>, vector<1x16xf32>,
      %swap3A_999 = vector.shape_cast %swap3A_998 : vector<1x16xf32> to vector<16xf32>
      %swap3A_1000 = vector.shape_cast %add3A_995 : vector<16xf32> to vector<1x16xf32>
      tpu.vector_store %arg14[%swap3A_996, %swap3A_997], %swap3A_1000 {strides = array<i32>} : memref<16x1024xf32, #tpu.memory_space<vmem>>, vector<1x16xf32>,
      %get3A_1001 = arith.index_cast %scan3A_120 : i32 to index
      %get3A_1002 = arith.constant 1008 : index
      %get3A_1003 = tpu.vector_load %arg10[%get3A_1001, %get3A_1002] {strides = array<i32>} : memref<16x1024xf32, #tpu.memory_space<vmem>>, vector<1x16xf32>,
      %get3A_1004 = vector.shape_cast %get3A_1003 : vector<1x16xf32> to vector<16xf32>
      %get3A_1005 = arith.index_cast %scan3A_120 : i32 to index
      %get3A_1006 = arith.constant 1008 : index
      %get3A_1007 = tpu.vector_load %arg12[%get3A_1005, %get3A_1006] {strides = array<i32>} : memref<16x1024xf32, #tpu.memory_space<vmem>>, vector<1x16xf32>,
      %get3A_1008 = vector.shape_cast %get3A_1007 : vector<1x16xf32> to vector<16xf32>
      %add3A_1009 = arith.addf %get3A_1004, %get3A_1008 : vector<16xf32>
      %swap3A_1010 = arith.index_cast %scan3A_120 : i32 to index
      %swap3A_1011 = arith.constant 1008 : index
      %swap3A_1012 = tpu.vector_load %arg14[%swap3A_1010, %swap3A_1011] {strides = array<i32>} : memref<16x1024xf32, #tpu.memory_space<vmem>>, vector<1x16xf32>,
      %swap3A_1013 = vector.shape_cast %swap3A_1012 : vector<1x16xf32> to vector<16xf32>
      %swap3A_1014 = vector.shape_cast %add3A_1009 : vector<16xf32> to vector<1x16xf32>
      tpu.vector_store %arg14[%swap3A_1010, %swap3A_1011], %swap3A_1014 {strides = array<i32>} : memref<16x1024xf32, #tpu.memory_space<vmem>>, vector<1x16xf32>,
    }
    %scan3A_83 = arith.constant 16 : i32
    %add3A_84 = arith.constant 32 : i32
    %add3A_85 = arith.addi %mul3A_2, %add3A_84 : i32
    %dma_start3A_86 = arith.constant 0 : i32
    %dma_start3A_87 = tpu.memref_slice %arg5[%add3A_85, %dma_start3A_86] : memref<2048x1024xf32, #tpu.memory_space<hbm>> -> memref<16x1024xf32, #tpu.memory_space<hbm>>
    %dma_start3A_88 = arith.constant 0 : i32
    %dma_start3A_89 = tpu.memref_slice %arg5[%add3A_85, %dma_start3A_88] : memref<2048x1024xf32, #tpu.memory_space<hbm>> -> memref<16x1024xf32, #tpu.memory_space<hbm>>
    tpu.enqueue_dma source(%arg14 : memref<16x1024xf32, #tpu.memory_space<vmem>>) target(%dma_start3A_89 : memref<16x1024xf32, #tpu.memory_space<hbm>>) target_semaphore(%arg20 : memref<!tpu.dma_semaphore, #tpu.memory_space<semaphore_mem>>)
    %dma_wait3A_90 = arith.constant 0 : i32
    %dma_wait3A_91 = arith.constant 0 : i32
    %dma_wait3A_92 = tpu.memref_slice %arg2[%dma_wait3A_90, %dma_wait3A_91] : memref<6144x1024xf32, #tpu.memory_space<hbm>> -> memref<6144x1024xf32, #tpu.memory_space<hbm>>
    tpu.wait_indirect_dma semaphore(%arg17 : memref<!tpu.dma_semaphore, #tpu.memory_space<semaphore_mem>>) src(%dma_wait3A_92 : memref<6144x1024xf32, #tpu.memory_space<hbm>>) dst(%arg11 : memref<16x1024xf32, #tpu.memory_space<vmem>>)
    %dma_wait3A_93 = arith.constant 0 : i32
    %dma_wait3A_94 = arith.constant 0 : i32
    %dma_wait3A_95 = tpu.memref_slice %arg2[%dma_wait3A_93, %dma_wait3A_94] : memref<6144x1024xf32, #tpu.memory_space<hbm>> -> memref<6144x1024xf32, #tpu.memory_space<hbm>>
    tpu.wait_indirect_dma semaphore(%arg19 : memref<!tpu.dma_semaphore, #tpu.memory_space<semaphore_mem>>) src(%dma_wait3A_95 : memref<6144x1024xf32, #tpu.memory_space<hbm>>) dst(%arg13 : memref<16x1024xf32, #tpu.memory_space<vmem>>)
    %dma_wait3A_96 = arith.constant 0 : i32
    %dma_wait3A_97 = tpu.memref_slice %arg5[%add3A_55, %dma_wait3A_96] : memref<2048x1024xf32, #tpu.memory_space<hbm>> -> memref<16x1024xf32, #tpu.memory_space<hbm>>
    %dma_wait3A_98 = arith.constant 0 : i32
    %dma_wait3A_99 = tpu.memref_slice %arg5[%add3A_55, %dma_wait3A_98] : memref<2048x1024xf32, #tpu.memory_space<hbm>> -> memref<16x1024xf32, #tpu.memory_space<hbm>>
    tpu.wait_dma2 semaphore(%arg21 : memref<!tpu.dma_semaphore, #tpu.memory_space<semaphore_mem>>) src(%arg15 : memref<16x1024xf32, #tpu.memory_space<vmem>>) dst(%dma_wait3A_99 : memref<16x1024xf32, #tpu.memory_space<hbm>>)
    %scan3A_100 = arith.constant 0 : i32
    %scan3A_101 = arith.constant 0 : i32
    %scan3A_102 = arith.constant 16 : i32
    %scan3A_103 = arith.addi %scan3A_101, %scan3A_102 : i32
    %scan3A_104 = arith.constant 1 : i32
    scf.for %scan3A_120 = %scan3A_101 to %scan3A_103 step %scan3A_104  : i32 {
      %get3A = arith.index_cast %scan3A_120 : i32 to index
      %get3A_121 = arith.constant 0 : index
      %get3A_122 = tpu.vector_load %arg11[%get3A, %get3A_121] {strides = array<i32>} : memref<16x1024xf32, #tpu.memory_space<vmem>>, vector<1x16xf32>,
      %get3A_123 = vector.shape_cast %get3A_122 : vector<1x16xf32> to vector<16xf32>
      %get3A_124 = arith.index_cast %scan3A_120 : i32 to index
      %get3A_125 = arith.constant 0 : index
      %get3A_126 = tpu.vector_load %arg13[%get3A_124, %get3A_125] {strides = array<i32>} : memref<16x1024xf32, #tpu.memory_space<vmem>>, vector<1x16xf32>,
      %get3A_127 = vector.shape_cast %get3A_126 : vector<1x16xf32> to vector<16xf32>
      %add3A_128 = arith.addf %get3A_123, %get3A_127 : vector<16xf32>
      %swap3A = arith.index_cast %scan3A_120 : i32 to index
      %swap3A_129 = arith.constant 0 : index
      %swap3A_130 = tpu.vector_load %arg15[%swap3A, %swap3A_129] {strides = array<i32>} : memref<16x1024xf32, #tpu.memory_space<vmem>>, vector<1x16xf32>,
      %swap3A_131 = vector.shape_cast %swap3A_130 : vector<1x16xf32> to vector<16xf32>
      %swap3A_132 = vector.shape_cast %add3A_128 : vector<16xf32> to vector<1x16xf32>
      tpu.vector_store %arg15[%swap3A, %swap3A_129], %swap3A_132 {strides = array<i32>} : memref<16x1024xf32, #tpu.memory_space<vmem>>, vector<1x16xf32>,
      %get3A_133 = arith.index_cast %scan3A_120 : i32 to index
      %get3A_134 = arith.constant 16 : index
      %get3A_135 = tpu.vector_load %arg11[%get3A_133, %get3A_134] {strides = array<i32>} : memref<16x1024xf32, #tpu.memory_space<vmem>>, vector<1x16xf32>,
      %get3A_136 = vector.shape_cast %get3A_135 : vector<1x16xf32> to vector<16xf32>
      %get3A_137 = arith.index_cast %scan3A_120 : i32 to index
      %get3A_138 = arith.constant 16 : index
      %get3A_139 = tpu.vector_load %arg13[%get3A_137, %get3A_138] {strides = array<i32>} : memref<16x1024xf32, #tpu.memory_space<vmem>>, vector<1x16xf32>,
      %get3A_140 = vector.shape_cast %get3A_139 : vector<1x16xf32> to vector<16xf32>
      %add3A_141 = arith.addf %get3A_136, %get3A_140 : vector<16xf32>
      %swap3A_142 = arith.index_cast %scan3A_120 : i32 to index
      %swap3A_143 = arith.constant 16 : index
      %swap3A_144 = tpu.vector_load %arg15[%swap3A_142, %swap3A_143] {strides = array<i32>} : memref<16x1024xf32, #tpu.memory_space<vmem>>, vector<1x16xf32>,
      %swap3A_145 = vector.shape_cast %swap3A_144 : vector<1x16xf32> to vector<16xf32>
      %swap3A_146 = vector.shape_cast %add3A_141 : vector<16xf32> to vector<1x16xf32>
      tpu.vector_store %arg15[%swap3A_142, %swap3A_143], %swap3A_146 {strides = array<i32>} : memref<16x1024xf32, #tpu.memory_space<vmem>>, vector<1x16xf32>,
      %get3A_147 = arith.index_cast %scan3A_120 : i32 to index
      %get3A_148 = arith.constant 32 : index
      %get3A_149 = tpu.vector_load %arg11[%get3A_147, %get3A_148] {strides = array<i32>} : memref<16x1024xf32, #tpu.memory_space<vmem>>, vector<1x16xf32>,
      %get3A_150 = vector.shape_cast %get3A_149 : vector<1x16xf32> to vector<16xf32>
      %get3A_151 = arith.index_cast %scan3A_120 : i32 to index
      %get3A_152 = arith.constant 32 : index
      %get3A_153 = tpu.vector_load %arg13[%get3A_151, %get3A_152] {strides = array<i32>} : memref<16x1024xf32, #tpu.memory_space<vmem>>, vector<1x16xf32>,
      %get3A_154 = vector.shape_cast %get3A_153 : vector<1x16xf32> to vector<16xf32>
      %add3A_155 = arith.addf %get3A_150, %get3A_154 : vector<16xf32>
      %swap3A_156 = arith.index_cast %scan3A_120 : i32 to index
      %swap3A_157 = arith.constant 32 : index
      %swap3A_158 = tpu.vector_load %arg15[%swap3A_156, %swap3A_157] {strides = array<i32>} : memref<16x1024xf32, #tpu.memory_space<vmem>>, vector<1x16xf32>,
      %swap3A_159 = vector.shape_cast %swap3A_158 : vector<1x16xf32> to vector<16xf32>
      %swap3A_160 = vector.shape_cast %add3A_155 : vector<16xf32> to vector<1x16xf32>
      tpu.vector_store %arg15[%swap3A_156, %swap3A_157], %swap3A_160 {strides = array<i32>} : memref<16x1024xf32, #tpu.memory_space<vmem>>, vector<1x16xf32>,
      %get3A_161 = arith.index_cast %scan3A_120 : i32 to index
      %get3A_162 = arith.constant 48 : index
      %get3A_163 = tpu.vector_load %arg11[%get3A_161, %get3A_162] {strides = array<i32>} : memref<16x1024xf32, #tpu.memory_space<vmem>>, vector<1x16xf32>,
      %get3A_164 = vector.shape_cast %get3A_163 : vector<1x16xf32> to vector<16xf32>
      %get3A_165 = arith.index_cast %scan3A_120 : i32 to index
      %get3A_166 = arith.constant 48 : index
      %get3A_167 = tpu.vector_load %arg13[%get3A_165, %get3A_166] {strides = array<i32>} : memref<16x1024xf32, #tpu.memory_space<vmem>>, vector<1x16xf32>,
      %get3A_168 = vector.shape_cast %get3A_167 : vector<1x16xf32> to vector<16xf32>
      %add3A_169 = arith.addf %get3A_164, %get3A_168 : vector<16xf32>
      %swap3A_170 = arith.index_cast %scan3A_120 : i32 to index
      %swap3A_171 = arith.constant 48 : index
      %swap3A_172 = tpu.vector_load %arg15[%swap3A_170, %swap3A_171] {strides = array<i32>} : memref<16x1024xf32, #tpu.memory_space<vmem>>, vector<1x16xf32>,
      %swap3A_173 = vector.shape_cast %swap3A_172 : vector<1x16xf32> to vector<16xf32>
      %swap3A_174 = vector.shape_cast %add3A_169 : vector<16xf32> to vector<1x16xf32>
      tpu.vector_store %arg15[%swap3A_170, %swap3A_171], %swap3A_174 {strides = array<i32>} : memref<16x1024xf32, #tpu.memory_space<vmem>>, vector<1x16xf32>,
      %get3A_175 = arith.index_cast %scan3A_120 : i32 to index
      %get3A_176 = arith.constant 64 : index
      %get3A_177 = tpu.vector_load %arg11[%get3A_175, %get3A_176] {strides = array<i32>} : memref<16x1024xf32, #tpu.memory_space<vmem>>, vector<1x16xf32>,
      %get3A_178 = vector.shape_cast %get3A_177 : vector<1x16xf32> to vector<16xf32>
      %get3A_179 = arith.index_cast %scan3A_120 : i32 to index
      %get3A_180 = arith.constant 64 : index
      %get3A_181 = tpu.vector_load %arg13[%get3A_179, %get3A_180] {strides = array<i32>} : memref<16x1024xf32, #tpu.memory_space<vmem>>, vector<1x16xf32>,
      %get3A_182 = vector.shape_cast %get3A_181 : vector<1x16xf32> to vector<16xf32>
      %add3A_183 = arith.addf %get3A_178, %get3A_182 : vector<16xf32>
      %swap3A_184 = arith.index_cast %scan3A_120 : i32 to index
      %swap3A_185 = arith.constant 64 : index
      %swap3A_186 = tpu.vector_load %arg15[%swap3A_184, %swap3A_185] {strides = array<i32>} : memref<16x1024xf32, #tpu.memory_space<vmem>>, vector<1x16xf32>,
      %swap3A_187 = vector.shape_cast %swap3A_186 : vector<1x16xf32> to vector<16xf32>
      %swap3A_188 = vector.shape_cast %add3A_183 : vector<16xf32> to vector<1x16xf32>
      tpu.vector_store %arg15[%swap3A_184, %swap3A_185], %swap3A_188 {strides = array<i32>} : memref<16x1024xf32, #tpu.memory_space<vmem>>, vector<1x16xf32>,
      %get3A_189 = arith.index_cast %scan3A_120 : i32 to index
      %get3A_190 = arith.constant 80 : index
      %get3A_191 = tpu.vector_load %arg11[%get3A_189, %get3A_190] {strides = array<i32>} : memref<16x1024xf32, #tpu.memory_space<vmem>>, vector<1x16xf32>,
      %get3A_192 = vector.shape_cast %get3A_191 : vector<1x16xf32> to vector<16xf32>
      %get3A_193 = arith.index_cast %scan3A_120 : i32 to index
      %get3A_194 = arith.constant 80 : index
      %get3A_195 = tpu.vector_load %arg13[%get3A_193, %get3A_194] {strides = array<i32>} : memref<16x1024xf32, #tpu.memory_space<vmem>>, vector<1x16xf32>,
      %get3A_196 = vector.shape_cast %get3A_195 : vector<1x16xf32> to vector<16xf32>
      %add3A_197 = arith.addf %get3A_192, %get3A_196 : vector<16xf32>
      %swap3A_198 = arith.index_cast %scan3A_120 : i32 to index
      %swap3A_199 = arith.constant 80 : index
      %swap3A_200 = tpu.vector_load %arg15[%swap3A_198, %swap3A_199] {strides = array<i32>} : memref<16x1024xf32, #tpu.memory_space<vmem>>, vector<1x16xf32>,
      %swap3A_201 = vector.shape_cast %swap3A_200 : vector<1x16xf32> to vector<16xf32>
      %swap3A_202 = vector.shape_cast %add3A_197 : vector<16xf32> to vector<1x16xf32>
      tpu.vector_store %arg15[%swap3A_198, %swap3A_199], %swap3A_202 {strides = array<i32>} : memref<16x1024xf32, #tpu.memory_space<vmem>>, vector<1x16xf32>,
      %get3A_203 = arith.index_cast %scan3A_120 : i32 to index
      %get3A_204 = arith.constant 96 : index
      %get3A_205 = tpu.vector_load %arg11[%get3A_203, %get3A_204] {strides = array<i32>} : memref<16x1024xf32, #tpu.memory_space<vmem>>, vector<1x16xf32>,
      %get3A_206 = vector.shape_cast %get3A_205 : vector<1x16xf32> to vector<16xf32>
      %get3A_207 = arith.index_cast %scan3A_120 : i32 to index
      %get3A_208 = arith.constant 96 : index
      %get3A_209 = tpu.vector_load %arg13[%get3A_207, %get3A_208] {strides = array<i32>} : memref<16x1024xf32, #tpu.memory_space<vmem>>, vector<1x16xf32>,
      %get3A_210 = vector.shape_cast %get3A_209 : vector<1x16xf32> to vector<16xf32>
      %add3A_211 = arith.addf %get3A_206, %get3A_210 : vector<16xf32>
      %swap3A_212 = arith.index_cast %scan3A_120 : i32 to index
      %swap3A_213 = arith.constant 96 : index
      %swap3A_214 = tpu.vector_load %arg15[%swap3A_212, %swap3A_213] {strides = array<i32>} : memref<16x1024xf32, #tpu.memory_space<vmem>>, vector<1x16xf32>,
      %swap3A_215 = vector.shape_cast %swap3A_214 : vector<1x16xf32> to vector<16xf32>
      %swap3A_216 = vector.shape_cast %add3A_211 : vector<16xf32> to vector<1x16xf32>
      tpu.vector_store %arg15[%swap3A_212, %swap3A_213], %swap3A_216 {strides = array<i32>} : memref<16x1024xf32, #tpu.memory_space<vmem>>, vector<1x16xf32>,
      %get3A_217 = arith.index_cast %scan3A_120 : i32 to index
      %get3A_218 = arith.constant 112 : index
      %get3A_219 = tpu.vector_load %arg11[%get3A_217, %get3A_218] {strides = array<i32>} : memref<16x1024xf32, #tpu.memory_space<vmem>>, vector<1x16xf32>,
      %get3A_220 = vector.shape_cast %get3A_219 : vector<1x16xf32> to vector<16xf32>
      %get3A_221 = arith.index_cast %scan3A_120 : i32 to index
      %get3A_222 = arith.constant 112 : index
      %get3A_223 = tpu.vector_load %arg13[%get3A_221, %get3A_222] {strides = array<i32>} : memref<16x1024xf32, #tpu.memory_space<vmem>>, vector<1x16xf32>,
      %get3A_224 = vector.shape_cast %get3A_223 : vector<1x16xf32> to vector<16xf32>
      %add3A_225 = arith.addf %get3A_220, %get3A_224 : vector<16xf32>
      %swap3A_226 = arith.index_cast %scan3A_120 : i32 to index
      %swap3A_227 = arith.constant 112 : index
      %swap3A_228 = tpu.vector_load %arg15[%swap3A_226, %swap3A_227] {strides = array<i32>} : memref<16x1024xf32, #tpu.memory_space<vmem>>, vector<1x16xf32>,
      %swap3A_229 = vector.shape_cast %swap3A_228 : vector<1x16xf32> to vector<16xf32>
      %swap3A_230 = vector.shape_cast %add3A_225 : vector<16xf32> to vector<1x16xf32>
      tpu.vector_store %arg15[%swap3A_226, %swap3A_227], %swap3A_230 {strides = array<i32>} : memref<16x1024xf32, #tpu.memory_space<vmem>>, vector<1x16xf32>,
      %get3A_231 = arith.index_cast %scan3A_120 : i32 to index
      %get3A_232 = arith.constant 128 : index
      %get3A_233 = tpu.vector_load %arg11[%get3A_231, %get3A_232] {strides = array<i32>} : memref<16x1024xf32, #tpu.memory_space<vmem>>, vector<1x16xf32>,
      %get3A_234 = vector.shape_cast %get3A_233 : vector<1x16xf32> to vector<16xf32>
      %get3A_235 = arith.index_cast %scan3A_120 : i32 to index
      %get3A_236 = arith.constant 128 : index
      %get3A_237 = tpu.vector_load %arg13[%get3A_235, %get3A_236] {strides = array<i32>} : memref<16x1024xf32, #tpu.memory_space<vmem>>, vector<1x16xf32>,
      %get3A_238 = vector.shape_cast %get3A_237 : vector<1x16xf32> to vector<16xf32>
      %add3A_239 = arith.addf %get3A_234, %get3A_238 : vector<16xf32>
      %swap3A_240 = arith.index_cast %scan3A_120 : i32 to index
      %swap3A_241 = arith.constant 128 : index
      %swap3A_242 = tpu.vector_load %arg15[%swap3A_240, %swap3A_241] {strides = array<i32>} : memref<16x1024xf32, #tpu.memory_space<vmem>>, vector<1x16xf32>,
      %swap3A_243 = vector.shape_cast %swap3A_242 : vector<1x16xf32> to vector<16xf32>
      %swap3A_244 = vector.shape_cast %add3A_239 : vector<16xf32> to vector<1x16xf32>
      tpu.vector_store %arg15[%swap3A_240, %swap3A_241], %swap3A_244 {strides = array<i32>} : memref<16x1024xf32, #tpu.memory_space<vmem>>, vector<1x16xf32>,
      %get3A_245 = arith.index_cast %scan3A_120 : i32 to index
      %get3A_246 = arith.constant 144 : index
      %get3A_247 = tpu.vector_load %arg11[%get3A_245, %get3A_246] {strides = array<i32>} : memref<16x1024xf32, #tpu.memory_space<vmem>>, vector<1x16xf32>,
      %get3A_248 = vector.shape_cast %get3A_247 : vector<1x16xf32> to vector<16xf32>
      %get3A_249 = arith.index_cast %scan3A_120 : i32 to index
      %get3A_250 = arith.constant 144 : index
      %get3A_251 = tpu.vector_load %arg13[%get3A_249, %get3A_250] {strides = array<i32>} : memref<16x1024xf32, #tpu.memory_space<vmem>>, vector<1x16xf32>,
      %get3A_252 = vector.shape_cast %get3A_251 : vector<1x16xf32> to vector<16xf32>
      %add3A_253 = arith.addf %get3A_248, %get3A_252 : vector<16xf32>
      %swap3A_254 = arith.index_cast %scan3A_120 : i32 to index
      %swap3A_255 = arith.constant 144 : index
      %swap3A_256 = tpu.vector_load %arg15[%swap3A_254, %swap3A_255] {strides = array<i32>} : memref<16x1024xf32, #tpu.memory_space<vmem>>, vector<1x16xf32>,
      %swap3A_257 = vector.shape_cast %swap3A_256 : vector<1x16xf32> to vector<16xf32>
      %swap3A_258 = vector.shape_cast %add3A_253 : vector<16xf32> to vector<1x16xf32>
      tpu.vector_store %arg15[%swap3A_254, %swap3A_255], %swap3A_258 {strides = array<i32>} : memref<16x1024xf32, #tpu.memory_space<vmem>>, vector<1x16xf32>,
      %get3A_259 = arith.index_cast %scan3A_120 : i32 to index
      %get3A_260 = arith.constant 160 : index
      %get3A_261 = tpu.vector_load %arg11[%get3A_259, %get3A_260] {strides = array<i32>} : memref<16x1024xf32, #tpu.memory_space<vmem>>, vector<1x16xf32>,
      %get3A_262 = vector.shape_cast %get3A_261 : vector<1x16xf32> to vector<16xf32>
      %get3A_263 = arith.index_cast %scan3A_120 : i32 to index
      %get3A_264 = arith.constant 160 : index
      %get3A_265 = tpu.vector_load %arg13[%get3A_263, %get3A_264] {strides = array<i32>} : memref<16x1024xf32, #tpu.memory_space<vmem>>, vector<1x16xf32>,
      %get3A_266 = vector.shape_cast %get3A_265 : vector<1x16xf32> to vector<16xf32>
      %add3A_267 = arith.addf %get3A_262, %get3A_266 : vector<16xf32>
      %swap3A_268 = arith.index_cast %scan3A_120 : i32 to index
      %swap3A_269 = arith.constant 160 : index
      %swap3A_270 = tpu.vector_load %arg15[%swap3A_268, %swap3A_269] {strides = array<i32>} : memref<16x1024xf32, #tpu.memory_space<vmem>>, vector<1x16xf32>,
      %swap3A_271 = vector.shape_cast %swap3A_270 : vector<1x16xf32> to vector<16xf32>
      %swap3A_272 = vector.shape_cast %add3A_267 : vector<16xf32> to vector<1x16xf32>
      tpu.vector_store %arg15[%swap3A_268, %swap3A_269], %swap3A_272 {strides = array<i32>} : memref<16x1024xf32, #tpu.memory_space<vmem>>, vector<1x16xf32>,
      %get3A_273 = arith.index_cast %scan3A_120 : i32 to index
      %get3A_274 = arith.constant 176 : index
      %get3A_275 = tpu.vector_load %arg11[%get3A_273, %get3A_274] {strides = array<i32>} : memref<16x1024xf32, #tpu.memory_space<vmem>>, vector<1x16xf32>,
      %get3A_276 = vector.shape_cast %get3A_275 : vector<1x16xf32> to vector<16xf32>
      %get3A_277 = arith.index_cast %scan3A_120 : i32 to index
      %get3A_278 = arith.constant 176 : index
      %get3A_279 = tpu.vector_load %arg13[%get3A_277, %get3A_278] {strides = array<i32>} : memref<16x1024xf32, #tpu.memory_space<vmem>>, vector<1x16xf32>,
      %get3A_280 = vector.shape_cast %get3A_279 : vector<1x16xf32> to vector<16xf32>
      %add3A_281 = arith.addf %get3A_276, %get3A_280 : vector<16xf32>
      %swap3A_282 = arith.index_cast %scan3A_120 : i32 to index
      %swap3A_283 = arith.constant 176 : index
      %swap3A_284 = tpu.vector_load %arg15[%swap3A_282, %swap3A_283] {strides = array<i32>} : memref<16x1024xf32, #tpu.memory_space<vmem>>, vector<1x16xf32>,
      %swap3A_285 = vector.shape_cast %swap3A_284 : vector<1x16xf32> to vector<16xf32>
      %swap3A_286 = vector.shape_cast %add3A_281 : vector<16xf32> to vector<1x16xf32>
      tpu.vector_store %arg15[%swap3A_282, %swap3A_283], %swap3A_286 {strides = array<i32>} : memref<16x1024xf32, #tpu.memory_space<vmem>>, vector<1x16xf32>,
      %get3A_287 = arith.index_cast %scan3A_120 : i32 to index
      %get3A_288 = arith.constant 192 : index
      %get3A_289 = tpu.vector_load %arg11[%get3A_287, %get3A_288] {strides = array<i32>} : memref<16x1024xf32, #tpu.memory_space<vmem>>, vector<1x16xf32>,
      %get3A_290 = vector.shape_cast %get3A_289 : vector<1x16xf32> to vector<16xf32>
      %get3A_291 = arith.index_cast %scan3A_120 : i32 to index
      %get3A_292 = arith.constant 192 : index
      %get3A_293 = tpu.vector_load %arg13[%get3A_291, %get3A_292] {strides = array<i32>} : memref<16x1024xf32, #tpu.memory_space<vmem>>, vector<1x16xf32>,
      %get3A_294 = vector.shape_cast %get3A_293 : vector<1x16xf32> to vector<16xf32>
      %add3A_295 = arith.addf %get3A_290, %get3A_294 : vector<16xf32>
      %swap3A_296 = arith.index_cast %scan3A_120 : i32 to index
      %swap3A_297 = arith.constant 192 : index
      %swap3A_298 = tpu.vector_load %arg15[%swap3A_296, %swap3A_297] {strides = array<i32>} : memref<16x1024xf32, #tpu.memory_space<vmem>>, vector<1x16xf32>,
      %swap3A_299 = vector.shape_cast %swap3A_298 : vector<1x16xf32> to vector<16xf32>
      %swap3A_300 = vector.shape_cast %add3A_295 : vector<16xf32> to vector<1x16xf32>
      tpu.vector_store %arg15[%swap3A_296, %swap3A_297], %swap3A_300 {strides = array<i32>} : memref<16x1024xf32, #tpu.memory_space<vmem>>, vector<1x16xf32>,
      %get3A_301 = arith.index_cast %scan3A_120 : i32 to index
      %get3A_302 = arith.constant 208 : index
      %get3A_303 = tpu.vector_load %arg11[%get3A_301, %get3A_302] {strides = array<i32>} : memref<16x1024xf32, #tpu.memory_space<vmem>>, vector<1x16xf32>,
      %get3A_304 = vector.shape_cast %get3A_303 : vector<1x16xf32> to vector<16xf32>
      %get3A_305 = arith.index_cast %scan3A_120 : i32 to index
      %get3A_306 = arith.constant 208 : index
      %get3A_307 = tpu.vector_load %arg13[%get3A_305, %get3A_306] {strides = array<i32>} : memref<16x1024xf32, #tpu.memory_space<vmem>>, vector<1x16xf32>,
      %get3A_308 = vector.shape_cast %get3A_307 : vector<1x16xf32> to vector<16xf32>
      %add3A_309 = arith.addf %get3A_304, %get3A_308 : vector<16xf32>
      %swap3A_310 = arith.index_cast %scan3A_120 : i32 to index
      %swap3A_311 = arith.constant 208 : index
      %swap3A_312 = tpu.vector_load %arg15[%swap3A_310, %swap3A_311] {strides = array<i32>} : memref<16x1024xf32, #tpu.memory_space<vmem>>, vector<1x16xf32>,
      %swap3A_313 = vector.shape_cast %swap3A_312 : vector<1x16xf32> to vector<16xf32>
      %swap3A_314 = vector.shape_cast %add3A_309 : vector<16xf32> to vector<1x16xf32>
      tpu.vector_store %arg15[%swap3A_310, %swap3A_311], %swap3A_314 {strides = array<i32>} : memref<16x1024xf32, #tpu.memory_space<vmem>>, vector<1x16xf32>,
      %get3A_315 = arith.index_cast %scan3A_120 : i32 to index
      %get3A_316 = arith.constant 224 : index
      %get3A_317 = tpu.vector_load %arg11[%get3A_315, %get3A_316] {strides = array<i32>} : memref<16x1024xf32, #tpu.memory_space<vmem>>, vector<1x16xf32>,
      %get3A_318 = vector.shape_cast %get3A_317 : vector<1x16xf32> to vector<16xf32>
      %get3A_319 = arith.index_cast %scan3A_120 : i32 to index
      %get3A_320 = arith.constant 224 : index
      %get3A_321 = tpu.vector_load %arg13[%get3A_319, %get3A_320] {strides = array<i32>} : memref<16x1024xf32, #tpu.memory_space<vmem>>, vector<1x16xf32>,
      %get3A_322 = vector.shape_cast %get3A_321 : vector<1x16xf32> to vector<16xf32>
      %add3A_323 = arith.addf %get3A_318, %get3A_322 : vector<16xf32>
      %swap3A_324 = arith.index_cast %scan3A_120 : i32 to index
      %swap3A_325 = arith.constant 224 : index
      %swap3A_326 = tpu.vector_load %arg15[%swap3A_324, %swap3A_325] {strides = array<i32>} : memref<16x1024xf32, #tpu.memory_space<vmem>>, vector<1x16xf32>,
      %swap3A_327 = vector.shape_cast %swap3A_326 : vector<1x16xf32> to vector<16xf32>
      %swap3A_328 = vector.shape_cast %add3A_323 : vector<16xf32> to vector<1x16xf32>
      tpu.vector_store %arg15[%swap3A_324, %swap3A_325], %swap3A_328 {strides = array<i32>} : memref<16x1024xf32, #tpu.memory_space<vmem>>, vector<1x16xf32>,
      %get3A_329 = arith.index_cast %scan3A_120 : i32 to index
      %get3A_330 = arith.constant 240 : index
      %get3A_331 = tpu.vector_load %arg11[%get3A_329, %get3A_330] {strides = array<i32>} : memref<16x1024xf32, #tpu.memory_space<vmem>>, vector<1x16xf32>,
      %get3A_332 = vector.shape_cast %get3A_331 : vector<1x16xf32> to vector<16xf32>
      %get3A_333 = arith.index_cast %scan3A_120 : i32 to index
      %get3A_334 = arith.constant 240 : index
      %get3A_335 = tpu.vector_load %arg13[%get3A_333, %get3A_334] {strides = array<i32>} : memref<16x1024xf32, #tpu.memory_space<vmem>>, vector<1x16xf32>,
      %get3A_336 = vector.shape_cast %get3A_335 : vector<1x16xf32> to vector<16xf32>
      %add3A_337 = arith.addf %get3A_332, %get3A_336 : vector<16xf32>
      %swap3A_338 = arith.index_cast %scan3A_120 : i32 to index
      %swap3A_339 = arith.constant 240 : index
      %swap3A_340 = tpu.vector_load %arg15[%swap3A_338, %swap3A_339] {strides = array<i32>} : memref<16x1024xf32, #tpu.memory_space<vmem>>, vector<1x16xf32>,
      %swap3A_341 = vector.shape_cast %swap3A_340 : vector<1x16xf32> to vector<16xf32>
      %swap3A_342 = vector.shape_cast %add3A_337 : vector<16xf32> to vector<1x16xf32>
      tpu.vector_store %arg15[%swap3A_338, %swap3A_339], %swap3A_342 {strides = array<i32>} : memref<16x1024xf32, #tpu.memory_space<vmem>>, vector<1x16xf32>,
      %get3A_343 = arith.index_cast %scan3A_120 : i32 to index
      %get3A_344 = arith.constant 256 : index
      %get3A_345 = tpu.vector_load %arg11[%get3A_343, %get3A_344] {strides = array<i32>} : memref<16x1024xf32, #tpu.memory_space<vmem>>, vector<1x16xf32>,
      %get3A_346 = vector.shape_cast %get3A_345 : vector<1x16xf32> to vector<16xf32>
      %get3A_347 = arith.index_cast %scan3A_120 : i32 to index
      %get3A_348 = arith.constant 256 : index
      %get3A_349 = tpu.vector_load %arg13[%get3A_347, %get3A_348] {strides = array<i32>} : memref<16x1024xf32, #tpu.memory_space<vmem>>, vector<1x16xf32>,
      %get3A_350 = vector.shape_cast %get3A_349 : vector<1x16xf32> to vector<16xf32>
      %add3A_351 = arith.addf %get3A_346, %get3A_350 : vector<16xf32>
      %swap3A_352 = arith.index_cast %scan3A_120 : i32 to index
      %swap3A_353 = arith.constant 256 : index
      %swap3A_354 = tpu.vector_load %arg15[%swap3A_352, %swap3A_353] {strides = array<i32>} : memref<16x1024xf32, #tpu.memory_space<vmem>>, vector<1x16xf32>,
      %swap3A_355 = vector.shape_cast %swap3A_354 : vector<1x16xf32> to vector<16xf32>
      %swap3A_356 = vector.shape_cast %add3A_351 : vector<16xf32> to vector<1x16xf32>
      tpu.vector_store %arg15[%swap3A_352, %swap3A_353], %swap3A_356 {strides = array<i32>} : memref<16x1024xf32, #tpu.memory_space<vmem>>, vector<1x16xf32>,
      %get3A_357 = arith.index_cast %scan3A_120 : i32 to index
      %get3A_358 = arith.constant 272 : index
      %get3A_359 = tpu.vector_load %arg11[%get3A_357, %get3A_358] {strides = array<i32>} : memref<16x1024xf32, #tpu.memory_space<vmem>>, vector<1x16xf32>,
      %get3A_360 = vector.shape_cast %get3A_359 : vector<1x16xf32> to vector<16xf32>
      %get3A_361 = arith.index_cast %scan3A_120 : i32 to index
      %get3A_362 = arith.constant 272 : index
      %get3A_363 = tpu.vector_load %arg13[%get3A_361, %get3A_362] {strides = array<i32>} : memref<16x1024xf32, #tpu.memory_space<vmem>>, vector<1x16xf32>,
      %get3A_364 = vector.shape_cast %get3A_363 : vector<1x16xf32> to vector<16xf32>
      %add3A_365 = arith.addf %get3A_360, %get3A_364 : vector<16xf32>
      %swap3A_366 = arith.index_cast %scan3A_120 : i32 to index
      %swap3A_367 = arith.constant 272 : index
      %swap3A_368 = tpu.vector_load %arg15[%swap3A_366, %swap3A_367] {strides = array<i32>} : memref<16x1024xf32, #tpu.memory_space<vmem>>, vector<1x16xf32>,
      %swap3A_369 = vector.shape_cast %swap3A_368 : vector<1x16xf32> to vector<16xf32>
      %swap3A_370 = vector.shape_cast %add3A_365 : vector<16xf32> to vector<1x16xf32>
      tpu.vector_store %arg15[%swap3A_366, %swap3A_367], %swap3A_370 {strides = array<i32>} : memref<16x1024xf32, #tpu.memory_space<vmem>>, vector<1x16xf32>,
      %get3A_371 = arith.index_cast %scan3A_120 : i32 to index
      %get3A_372 = arith.constant 288 : index
      %get3A_373 = tpu.vector_load %arg11[%get3A_371, %get3A_372] {strides = array<i32>} : memref<16x1024xf32, #tpu.memory_space<vmem>>, vector<1x16xf32>,
      %get3A_374 = vector.shape_cast %get3A_373 : vector<1x16xf32> to vector<16xf32>
      %get3A_375 = arith.index_cast %scan3A_120 : i32 to index
      %get3A_376 = arith.constant 288 : index
      %get3A_377 = tpu.vector_load %arg13[%get3A_375, %get3A_376] {strides = array<i32>} : memref<16x1024xf32, #tpu.memory_space<vmem>>, vector<1x16xf32>,
      %get3A_378 = vector.shape_cast %get3A_377 : vector<1x16xf32> to vector<16xf32>
      %add3A_379 = arith.addf %get3A_374, %get3A_378 : vector<16xf32>
      %swap3A_380 = arith.index_cast %scan3A_120 : i32 to index
      %swap3A_381 = arith.constant 288 : index
      %swap3A_382 = tpu.vector_load %arg15[%swap3A_380, %swap3A_381] {strides = array<i32>} : memref<16x1024xf32, #tpu.memory_space<vmem>>, vector<1x16xf32>,
      %swap3A_383 = vector.shape_cast %swap3A_382 : vector<1x16xf32> to vector<16xf32>
      %swap3A_384 = vector.shape_cast %add3A_379 : vector<16xf32> to vector<1x16xf32>
      tpu.vector_store %arg15[%swap3A_380, %swap3A_381], %swap3A_384 {strides = array<i32>} : memref<16x1024xf32, #tpu.memory_space<vmem>>, vector<1x16xf32>,
      %get3A_385 = arith.index_cast %scan3A_120 : i32 to index
      %get3A_386 = arith.constant 304 : index
      %get3A_387 = tpu.vector_load %arg11[%get3A_385, %get3A_386] {strides = array<i32>} : memref<16x1024xf32, #tpu.memory_space<vmem>>, vector<1x16xf32>,
      %get3A_388 = vector.shape_cast %get3A_387 : vector<1x16xf32> to vector<16xf32>
      %get3A_389 = arith.index_cast %scan3A_120 : i32 to index
      %get3A_390 = arith.constant 304 : index
      %get3A_391 = tpu.vector_load %arg13[%get3A_389, %get3A_390] {strides = array<i32>} : memref<16x1024xf32, #tpu.memory_space<vmem>>, vector<1x16xf32>,
      %get3A_392 = vector.shape_cast %get3A_391 : vector<1x16xf32> to vector<16xf32>
      %add3A_393 = arith.addf %get3A_388, %get3A_392 : vector<16xf32>
      %swap3A_394 = arith.index_cast %scan3A_120 : i32 to index
      %swap3A_395 = arith.constant 304 : index
      %swap3A_396 = tpu.vector_load %arg15[%swap3A_394, %swap3A_395] {strides = array<i32>} : memref<16x1024xf32, #tpu.memory_space<vmem>>, vector<1x16xf32>,
      %swap3A_397 = vector.shape_cast %swap3A_396 : vector<1x16xf32> to vector<16xf32>
      %swap3A_398 = vector.shape_cast %add3A_393 : vector<16xf32> to vector<1x16xf32>
      tpu.vector_store %arg15[%swap3A_394, %swap3A_395], %swap3A_398 {strides = array<i32>} : memref<16x1024xf32, #tpu.memory_space<vmem>>, vector<1x16xf32>,
      %get3A_399 = arith.index_cast %scan3A_120 : i32 to index
      %get3A_400 = arith.constant 320 : index
      %get3A_401 = tpu.vector_load %arg11[%get3A_399, %get3A_400] {strides = array<i32>} : memref<16x1024xf32, #tpu.memory_space<vmem>>, vector<1x16xf32>,
      %get3A_402 = vector.shape_cast %get3A_401 : vector<1x16xf32> to vector<16xf32>
      %get3A_403 = arith.index_cast %scan3A_120 : i32 to index
      %get3A_404 = arith.constant 320 : index
      %get3A_405 = tpu.vector_load %arg13[%get3A_403, %get3A_404] {strides = array<i32>} : memref<16x1024xf32, #tpu.memory_space<vmem>>, vector<1x16xf32>,
      %get3A_406 = vector.shape_cast %get3A_405 : vector<1x16xf32> to vector<16xf32>
      %add3A_407 = arith.addf %get3A_402, %get3A_406 : vector<16xf32>
      %swap3A_408 = arith.index_cast %scan3A_120 : i32 to index
      %swap3A_409 = arith.constant 320 : index
      %swap3A_410 = tpu.vector_load %arg15[%swap3A_408, %swap3A_409] {strides = array<i32>} : memref<16x1024xf32, #tpu.memory_space<vmem>>, vector<1x16xf32>,
      %swap3A_411 = vector.shape_cast %swap3A_410 : vector<1x16xf32> to vector<16xf32>
      %swap3A_412 = vector.shape_cast %add3A_407 : vector<16xf32> to vector<1x16xf32>
      tpu.vector_store %arg15[%swap3A_408, %swap3A_409], %swap3A_412 {strides = array<i32>} : memref<16x1024xf32, #tpu.memory_space<vmem>>, vector<1x16xf32>,
      %get3A_413 = arith.index_cast %scan3A_120 : i32 to index
      %get3A_414 = arith.constant 336 : index
      %get3A_415 = tpu.vector_load %arg11[%get3A_413, %get3A_414] {strides = array<i32>} : memref<16x1024xf32, #tpu.memory_space<vmem>>, vector<1x16xf32>,
      %get3A_416 = vector.shape_cast %get3A_415 : vector<1x16xf32> to vector<16xf32>
      %get3A_417 = arith.index_cast %scan3A_120 : i32 to index
      %get3A_418 = arith.constant 336 : index
      %get3A_419 = tpu.vector_load %arg13[%get3A_417, %get3A_418] {strides = array<i32>} : memref<16x1024xf32, #tpu.memory_space<vmem>>, vector<1x16xf32>,
      %get3A_420 = vector.shape_cast %get3A_419 : vector<1x16xf32> to vector<16xf32>
      %add3A_421 = arith.addf %get3A_416, %get3A_420 : vector<16xf32>
      %swap3A_422 = arith.index_cast %scan3A_120 : i32 to index
      %swap3A_423 = arith.constant 336 : index
      %swap3A_424 = tpu.vector_load %arg15[%swap3A_422, %swap3A_423] {strides = array<i32>} : memref<16x1024xf32, #tpu.memory_space<vmem>>, vector<1x16xf32>,
      %swap3A_425 = vector.shape_cast %swap3A_424 : vector<1x16xf32> to vector<16xf32>
      %swap3A_426 = vector.shape_cast %add3A_421 : vector<16xf32> to vector<1x16xf32>
      tpu.vector_store %arg15[%swap3A_422, %swap3A_423], %swap3A_426 {strides = array<i32>} : memref<16x1024xf32, #tpu.memory_space<vmem>>, vector<1x16xf32>,
      %get3A_427 = arith.index_cast %scan3A_120 : i32 to index
      %get3A_428 = arith.constant 352 : index
      %get3A_429 = tpu.vector_load %arg11[%get3A_427, %get3A_428] {strides = array<i32>} : memref<16x1024xf32, #tpu.memory_space<vmem>>, vector<1x16xf32>,
      %get3A_430 = vector.shape_cast %get3A_429 : vector<1x16xf32> to vector<16xf32>
      %get3A_431 = arith.index_cast %scan3A_120 : i32 to index
      %get3A_432 = arith.constant 352 : index
      %get3A_433 = tpu.vector_load %arg13[%get3A_431, %get3A_432] {strides = array<i32>} : memref<16x1024xf32, #tpu.memory_space<vmem>>, vector<1x16xf32>,
      %get3A_434 = vector.shape_cast %get3A_433 : vector<1x16xf32> to vector<16xf32>
      %add3A_435 = arith.addf %get3A_430, %get3A_434 : vector<16xf32>
      %swap3A_436 = arith.index_cast %scan3A_120 : i32 to index
      %swap3A_437 = arith.constant 352 : index
      %swap3A_438 = tpu.vector_load %arg15[%swap3A_436, %swap3A_437] {strides = array<i32>} : memref<16x1024xf32, #tpu.memory_space<vmem>>, vector<1x16xf32>,
      %swap3A_439 = vector.shape_cast %swap3A_438 : vector<1x16xf32> to vector<16xf32>
      %swap3A_440 = vector.shape_cast %add3A_435 : vector<16xf32> to vector<1x16xf32>
      tpu.vector_store %arg15[%swap3A_436, %swap3A_437], %swap3A_440 {strides = array<i32>} : memref<16x1024xf32, #tpu.memory_space<vmem>>, vector<1x16xf32>,
      %get3A_441 = arith.index_cast %scan3A_120 : i32 to index
      %get3A_442 = arith.constant 368 : index
      %get3A_443 = tpu.vector_load %arg11[%get3A_441, %get3A_442] {strides = array<i32>} : memref<16x1024xf32, #tpu.memory_space<vmem>>, vector<1x16xf32>,
      %get3A_444 = vector.shape_cast %get3A_443 : vector<1x16xf32> to vector<16xf32>
      %get3A_445 = arith.index_cast %scan3A_120 : i32 to index
      %get3A_446 = arith.constant 368 : index
      %get3A_447 = tpu.vector_load %arg13[%get3A_445, %get3A_446] {strides = array<i32>} : memref<16x1024xf32, #tpu.memory_space<vmem>>, vector<1x16xf32>,
      %get3A_448 = vector.shape_cast %get3A_447 : vector<1x16xf32> to vector<16xf32>
      %add3A_449 = arith.addf %get3A_444, %get3A_448 : vector<16xf32>
      %swap3A_450 = arith.index_cast %scan3A_120 : i32 to index
      %swap3A_451 = arith.constant 368 : index
      %swap3A_452 = tpu.vector_load %arg15[%swap3A_450, %swap3A_451] {strides = array<i32>} : memref<16x1024xf32, #tpu.memory_space<vmem>>, vector<1x16xf32>,
      %swap3A_453 = vector.shape_cast %swap3A_452 : vector<1x16xf32> to vector<16xf32>
      %swap3A_454 = vector.shape_cast %add3A_449 : vector<16xf32> to vector<1x16xf32>
      tpu.vector_store %arg15[%swap3A_450, %swap3A_451], %swap3A_454 {strides = array<i32>} : memref<16x1024xf32, #tpu.memory_space<vmem>>, vector<1x16xf32>,
      %get3A_455 = arith.index_cast %scan3A_120 : i32 to index
      %get3A_456 = arith.constant 384 : index
      %get3A_457 = tpu.vector_load %arg11[%get3A_455, %get3A_456] {strides = array<i32>} : memref<16x1024xf32, #tpu.memory_space<vmem>>, vector<1x16xf32>,
      %get3A_458 = vector.shape_cast %get3A_457 : vector<1x16xf32> to vector<16xf32>
      %get3A_459 = arith.index_cast %scan3A_120 : i32 to index
      %get3A_460 = arith.constant 384 : index
      %get3A_461 = tpu.vector_load %arg13[%get3A_459, %get3A_460] {strides = array<i32>} : memref<16x1024xf32, #tpu.memory_space<vmem>>, vector<1x16xf32>,
      %get3A_462 = vector.shape_cast %get3A_461 : vector<1x16xf32> to vector<16xf32>
      %add3A_463 = arith.addf %get3A_458, %get3A_462 : vector<16xf32>
      %swap3A_464 = arith.index_cast %scan3A_120 : i32 to index
      %swap3A_465 = arith.constant 384 : index
      %swap3A_466 = tpu.vector_load %arg15[%swap3A_464, %swap3A_465] {strides = array<i32>} : memref<16x1024xf32, #tpu.memory_space<vmem>>, vector<1x16xf32>,
      %swap3A_467 = vector.shape_cast %swap3A_466 : vector<1x16xf32> to vector<16xf32>
      %swap3A_468 = vector.shape_cast %add3A_463 : vector<16xf32> to vector<1x16xf32>
      tpu.vector_store %arg15[%swap3A_464, %swap3A_465], %swap3A_468 {strides = array<i32>} : memref<16x1024xf32, #tpu.memory_space<vmem>>, vector<1x16xf32>,
      %get3A_469 = arith.index_cast %scan3A_120 : i32 to index
      %get3A_470 = arith.constant 400 : index
      %get3A_471 = tpu.vector_load %arg11[%get3A_469, %get3A_470] {strides = array<i32>} : memref<16x1024xf32, #tpu.memory_space<vmem>>, vector<1x16xf32>,
      %get3A_472 = vector.shape_cast %get3A_471 : vector<1x16xf32> to vector<16xf32>
      %get3A_473 = arith.index_cast %scan3A_120 : i32 to index
      %get3A_474 = arith.constant 400 : index
      %get3A_475 = tpu.vector_load %arg13[%get3A_473, %get3A_474] {strides = array<i32>} : memref<16x1024xf32, #tpu.memory_space<vmem>>, vector<1x16xf32>,
      %get3A_476 = vector.shape_cast %get3A_475 : vector<1x16xf32> to vector<16xf32>
      %add3A_477 = arith.addf %get3A_472, %get3A_476 : vector<16xf32>
      %swap3A_478 = arith.index_cast %scan3A_120 : i32 to index
      %swap3A_479 = arith.constant 400 : index
      %swap3A_480 = tpu.vector_load %arg15[%swap3A_478, %swap3A_479] {strides = array<i32>} : memref<16x1024xf32, #tpu.memory_space<vmem>>, vector<1x16xf32>,
      %swap3A_481 = vector.shape_cast %swap3A_480 : vector<1x16xf32> to vector<16xf32>
      %swap3A_482 = vector.shape_cast %add3A_477 : vector<16xf32> to vector<1x16xf32>
      tpu.vector_store %arg15[%swap3A_478, %swap3A_479], %swap3A_482 {strides = array<i32>} : memref<16x1024xf32, #tpu.memory_space<vmem>>, vector<1x16xf32>,
      %get3A_483 = arith.index_cast %scan3A_120 : i32 to index
      %get3A_484 = arith.constant 416 : index
      %get3A_485 = tpu.vector_load %arg11[%get3A_483, %get3A_484] {strides = array<i32>} : memref<16x1024xf32, #tpu.memory_space<vmem>>, vector<1x16xf32>,
      %get3A_486 = vector.shape_cast %get3A_485 : vector<1x16xf32> to vector<16xf32>
      %get3A_487 = arith.index_cast %scan3A_120 : i32 to index
      %get3A_488 = arith.constant 416 : index
      %get3A_489 = tpu.vector_load %arg13[%get3A_487, %get3A_488] {strides = array<i32>} : memref<16x1024xf32, #tpu.memory_space<vmem>>, vector<1x16xf32>,
      %get3A_490 = vector.shape_cast %get3A_489 : vector<1x16xf32> to vector<16xf32>
      %add3A_491 = arith.addf %get3A_486, %get3A_490 : vector<16xf32>
      %swap3A_492 = arith.index_cast %scan3A_120 : i32 to index
      %swap3A_493 = arith.constant 416 : index
      %swap3A_494 = tpu.vector_load %arg15[%swap3A_492, %swap3A_493] {strides = array<i32>} : memref<16x1024xf32, #tpu.memory_space<vmem>>, vector<1x16xf32>,
      %swap3A_495 = vector.shape_cast %swap3A_494 : vector<1x16xf32> to vector<16xf32>
      %swap3A_496 = vector.shape_cast %add3A_491 : vector<16xf32> to vector<1x16xf32>
      tpu.vector_store %arg15[%swap3A_492, %swap3A_493], %swap3A_496 {strides = array<i32>} : memref<16x1024xf32, #tpu.memory_space<vmem>>, vector<1x16xf32>,
      %get3A_497 = arith.index_cast %scan3A_120 : i32 to index
      %get3A_498 = arith.constant 432 : index
      %get3A_499 = tpu.vector_load %arg11[%get3A_497, %get3A_498] {strides = array<i32>} : memref<16x1024xf32, #tpu.memory_space<vmem>>, vector<1x16xf32>,
      %get3A_500 = vector.shape_cast %get3A_499 : vector<1x16xf32> to vector<16xf32>
      %get3A_501 = arith.index_cast %scan3A_120 : i32 to index
      %get3A_502 = arith.constant 432 : index
      %get3A_503 = tpu.vector_load %arg13[%get3A_501, %get3A_502] {strides = array<i32>} : memref<16x1024xf32, #tpu.memory_space<vmem>>, vector<1x16xf32>,
      %get3A_504 = vector.shape_cast %get3A_503 : vector<1x16xf32> to vector<16xf32>
      %add3A_505 = arith.addf %get3A_500, %get3A_504 : vector<16xf32>
      %swap3A_506 = arith.index_cast %scan3A_120 : i32 to index
      %swap3A_507 = arith.constant 432 : index
      %swap3A_508 = tpu.vector_load %arg15[%swap3A_506, %swap3A_507] {strides = array<i32>} : memref<16x1024xf32, #tpu.memory_space<vmem>>, vector<1x16xf32>,
      %swap3A_509 = vector.shape_cast %swap3A_508 : vector<1x16xf32> to vector<16xf32>
      %swap3A_510 = vector.shape_cast %add3A_505 : vector<16xf32> to vector<1x16xf32>
      tpu.vector_store %arg15[%swap3A_506, %swap3A_507], %swap3A_510 {strides = array<i32>} : memref<16x1024xf32, #tpu.memory_space<vmem>>, vector<1x16xf32>,
      %get3A_511 = arith.index_cast %scan3A_120 : i32 to index
      %get3A_512 = arith.constant 448 : index
      %get3A_513 = tpu.vector_load %arg11[%get3A_511, %get3A_512] {strides = array<i32>} : memref<16x1024xf32, #tpu.memory_space<vmem>>, vector<1x16xf32>,
      %get3A_514 = vector.shape_cast %get3A_513 : vector<1x16xf32> to vector<16xf32>
      %get3A_515 = arith.index_cast %scan3A_120 : i32 to index
      %get3A_516 = arith.constant 448 : index
      %get3A_517 = tpu.vector_load %arg13[%get3A_515, %get3A_516] {strides = array<i32>} : memref<16x1024xf32, #tpu.memory_space<vmem>>, vector<1x16xf32>,
      %get3A_518 = vector.shape_cast %get3A_517 : vector<1x16xf32> to vector<16xf32>
      %add3A_519 = arith.addf %get3A_514, %get3A_518 : vector<16xf32>
      %swap3A_520 = arith.index_cast %scan3A_120 : i32 to index
      %swap3A_521 = arith.constant 448 : index
      %swap3A_522 = tpu.vector_load %arg15[%swap3A_520, %swap3A_521] {strides = array<i32>} : memref<16x1024xf32, #tpu.memory_space<vmem>>, vector<1x16xf32>,
      %swap3A_523 = vector.shape_cast %swap3A_522 : vector<1x16xf32> to vector<16xf32>
      %swap3A_524 = vector.shape_cast %add3A_519 : vector<16xf32> to vector<1x16xf32>
      tpu.vector_store %arg15[%swap3A_520, %swap3A_521], %swap3A_524 {strides = array<i32>} : memref<16x1024xf32, #tpu.memory_space<vmem>>, vector<1x16xf32>,
      %get3A_525 = arith.index_cast %scan3A_120 : i32 to index
      %get3A_526 = arith.constant 464 : index
      %get3A_527 = tpu.vector_load %arg11[%get3A_525, %get3A_526] {strides = array<i32>} : memref<16x1024xf32, #tpu.memory_space<vmem>>, vector<1x16xf32>,
      %get3A_528 = vector.shape_cast %get3A_527 : vector<1x16xf32> to vector<16xf32>
      %get3A_529 = arith.index_cast %scan3A_120 : i32 to index
      %get3A_530 = arith.constant 464 : index
      %get3A_531 = tpu.vector_load %arg13[%get3A_529, %get3A_530] {strides = array<i32>} : memref<16x1024xf32, #tpu.memory_space<vmem>>, vector<1x16xf32>,
      %get3A_532 = vector.shape_cast %get3A_531 : vector<1x16xf32> to vector<16xf32>
      %add3A_533 = arith.addf %get3A_528, %get3A_532 : vector<16xf32>
      %swap3A_534 = arith.index_cast %scan3A_120 : i32 to index
      %swap3A_535 = arith.constant 464 : index
      %swap3A_536 = tpu.vector_load %arg15[%swap3A_534, %swap3A_535] {strides = array<i32>} : memref<16x1024xf32, #tpu.memory_space<vmem>>, vector<1x16xf32>,
      %swap3A_537 = vector.shape_cast %swap3A_536 : vector<1x16xf32> to vector<16xf32>
      %swap3A_538 = vector.shape_cast %add3A_533 : vector<16xf32> to vector<1x16xf32>
      tpu.vector_store %arg15[%swap3A_534, %swap3A_535], %swap3A_538 {strides = array<i32>} : memref<16x1024xf32, #tpu.memory_space<vmem>>, vector<1x16xf32>,
      %get3A_539 = arith.index_cast %scan3A_120 : i32 to index
      %get3A_540 = arith.constant 480 : index
      %get3A_541 = tpu.vector_load %arg11[%get3A_539, %get3A_540] {strides = array<i32>} : memref<16x1024xf32, #tpu.memory_space<vmem>>, vector<1x16xf32>,
      %get3A_542 = vector.shape_cast %get3A_541 : vector<1x16xf32> to vector<16xf32>
      %get3A_543 = arith.index_cast %scan3A_120 : i32 to index
      %get3A_544 = arith.constant 480 : index
      %get3A_545 = tpu.vector_load %arg13[%get3A_543, %get3A_544] {strides = array<i32>} : memref<16x1024xf32, #tpu.memory_space<vmem>>, vector<1x16xf32>,
      %get3A_546 = vector.shape_cast %get3A_545 : vector<1x16xf32> to vector<16xf32>
      %add3A_547 = arith.addf %get3A_542, %get3A_546 : vector<16xf32>
      %swap3A_548 = arith.index_cast %scan3A_120 : i32 to index
      %swap3A_549 = arith.constant 480 : index
      %swap3A_550 = tpu.vector_load %arg15[%swap3A_548, %swap3A_549] {strides = array<i32>} : memref<16x1024xf32, #tpu.memory_space<vmem>>, vector<1x16xf32>,
      %swap3A_551 = vector.shape_cast %swap3A_550 : vector<1x16xf32> to vector<16xf32>
      %swap3A_552 = vector.shape_cast %add3A_547 : vector<16xf32> to vector<1x16xf32>
      tpu.vector_store %arg15[%swap3A_548, %swap3A_549], %swap3A_552 {strides = array<i32>} : memref<16x1024xf32, #tpu.memory_space<vmem>>, vector<1x16xf32>,
      %get3A_553 = arith.index_cast %scan3A_120 : i32 to index
      %get3A_554 = arith.constant 496 : index
      %get3A_555 = tpu.vector_load %arg11[%get3A_553, %get3A_554] {strides = array<i32>} : memref<16x1024xf32, #tpu.memory_space<vmem>>, vector<1x16xf32>,
      %get3A_556 = vector.shape_cast %get3A_555 : vector<1x16xf32> to vector<16xf32>
      %get3A_557 = arith.index_cast %scan3A_120 : i32 to index
      %get3A_558 = arith.constant 496 : index
      %get3A_559 = tpu.vector_load %arg13[%get3A_557, %get3A_558] {strides = array<i32>} : memref<16x1024xf32, #tpu.memory_space<vmem>>, vector<1x16xf32>,
      %get3A_560 = vector.shape_cast %get3A_559 : vector<1x16xf32> to vector<16xf32>
      %add3A_561 = arith.addf %get3A_556, %get3A_560 : vector<16xf32>
      %swap3A_562 = arith.index_cast %scan3A_120 : i32 to index
      %swap3A_563 = arith.constant 496 : index
      %swap3A_564 = tpu.vector_load %arg15[%swap3A_562, %swap3A_563] {strides = array<i32>} : memref<16x1024xf32, #tpu.memory_space<vmem>>, vector<1x16xf32>,
      %swap3A_565 = vector.shape_cast %swap3A_564 : vector<1x16xf32> to vector<16xf32>
      %swap3A_566 = vector.shape_cast %add3A_561 : vector<16xf32> to vector<1x16xf32>
      tpu.vector_store %arg15[%swap3A_562, %swap3A_563], %swap3A_566 {strides = array<i32>} : memref<16x1024xf32, #tpu.memory_space<vmem>>, vector<1x16xf32>,
      %get3A_567 = arith.index_cast %scan3A_120 : i32 to index
      %get3A_568 = arith.constant 512 : index
      %get3A_569 = tpu.vector_load %arg11[%get3A_567, %get3A_568] {strides = array<i32>} : memref<16x1024xf32, #tpu.memory_space<vmem>>, vector<1x16xf32>,
      %get3A_570 = vector.shape_cast %get3A_569 : vector<1x16xf32> to vector<16xf32>
      %get3A_571 = arith.index_cast %scan3A_120 : i32 to index
      %get3A_572 = arith.constant 512 : index
      %get3A_573 = tpu.vector_load %arg13[%get3A_571, %get3A_572] {strides = array<i32>} : memref<16x1024xf32, #tpu.memory_space<vmem>>, vector<1x16xf32>,
      %get3A_574 = vector.shape_cast %get3A_573 : vector<1x16xf32> to vector<16xf32>
      %add3A_575 = arith.addf %get3A_570, %get3A_574 : vector<16xf32>
      %swap3A_576 = arith.index_cast %scan3A_120 : i32 to index
      %swap3A_577 = arith.constant 512 : index
      %swap3A_578 = tpu.vector_load %arg15[%swap3A_576, %swap3A_577] {strides = array<i32>} : memref<16x1024xf32, #tpu.memory_space<vmem>>, vector<1x16xf32>,
      %swap3A_579 = vector.shape_cast %swap3A_578 : vector<1x16xf32> to vector<16xf32>
      %swap3A_580 = vector.shape_cast %add3A_575 : vector<16xf32> to vector<1x16xf32>
      tpu.vector_store %arg15[%swap3A_576, %swap3A_577], %swap3A_580 {strides = array<i32>} : memref<16x1024xf32, #tpu.memory_space<vmem>>, vector<1x16xf32>,
      %get3A_581 = arith.index_cast %scan3A_120 : i32 to index
      %get3A_582 = arith.constant 528 : index
      %get3A_583 = tpu.vector_load %arg11[%get3A_581, %get3A_582] {strides = array<i32>} : memref<16x1024xf32, #tpu.memory_space<vmem>>, vector<1x16xf32>,
      %get3A_584 = vector.shape_cast %get3A_583 : vector<1x16xf32> to vector<16xf32>
      %get3A_585 = arith.index_cast %scan3A_120 : i32 to index
      %get3A_586 = arith.constant 528 : index
      %get3A_587 = tpu.vector_load %arg13[%get3A_585, %get3A_586] {strides = array<i32>} : memref<16x1024xf32, #tpu.memory_space<vmem>>, vector<1x16xf32>,
      %get3A_588 = vector.shape_cast %get3A_587 : vector<1x16xf32> to vector<16xf32>
      %add3A_589 = arith.addf %get3A_584, %get3A_588 : vector<16xf32>
      %swap3A_590 = arith.index_cast %scan3A_120 : i32 to index
      %swap3A_591 = arith.constant 528 : index
      %swap3A_592 = tpu.vector_load %arg15[%swap3A_590, %swap3A_591] {strides = array<i32>} : memref<16x1024xf32, #tpu.memory_space<vmem>>, vector<1x16xf32>,
      %swap3A_593 = vector.shape_cast %swap3A_592 : vector<1x16xf32> to vector<16xf32>
      %swap3A_594 = vector.shape_cast %add3A_589 : vector<16xf32> to vector<1x16xf32>
      tpu.vector_store %arg15[%swap3A_590, %swap3A_591], %swap3A_594 {strides = array<i32>} : memref<16x1024xf32, #tpu.memory_space<vmem>>, vector<1x16xf32>,
      %get3A_595 = arith.index_cast %scan3A_120 : i32 to index
      %get3A_596 = arith.constant 544 : index
      %get3A_597 = tpu.vector_load %arg11[%get3A_595, %get3A_596] {strides = array<i32>} : memref<16x1024xf32, #tpu.memory_space<vmem>>, vector<1x16xf32>,
      %get3A_598 = vector.shape_cast %get3A_597 : vector<1x16xf32> to vector<16xf32>
      %get3A_599 = arith.index_cast %scan3A_120 : i32 to index
      %get3A_600 = arith.constant 544 : index
      %get3A_601 = tpu.vector_load %arg13[%get3A_599, %get3A_600] {strides = array<i32>} : memref<16x1024xf32, #tpu.memory_space<vmem>>, vector<1x16xf32>,
      %get3A_602 = vector.shape_cast %get3A_601 : vector<1x16xf32> to vector<16xf32>
      %add3A_603 = arith.addf %get3A_598, %get3A_602 : vector<16xf32>
      %swap3A_604 = arith.index_cast %scan3A_120 : i32 to index
      %swap3A_605 = arith.constant 544 : index
      %swap3A_606 = tpu.vector_load %arg15[%swap3A_604, %swap3A_605] {strides = array<i32>} : memref<16x1024xf32, #tpu.memory_space<vmem>>, vector<1x16xf32>,
      %swap3A_607 = vector.shape_cast %swap3A_606 : vector<1x16xf32> to vector<16xf32>
      %swap3A_608 = vector.shape_cast %add3A_603 : vector<16xf32> to vector<1x16xf32>
      tpu.vector_store %arg15[%swap3A_604, %swap3A_605], %swap3A_608 {strides = array<i32>} : memref<16x1024xf32, #tpu.memory_space<vmem>>, vector<1x16xf32>,
      %get3A_609 = arith.index_cast %scan3A_120 : i32 to index
      %get3A_610 = arith.constant 560 : index
      %get3A_611 = tpu.vector_load %arg11[%get3A_609, %get3A_610] {strides = array<i32>} : memref<16x1024xf32, #tpu.memory_space<vmem>>, vector<1x16xf32>,
      %get3A_612 = vector.shape_cast %get3A_611 : vector<1x16xf32> to vector<16xf32>
      %get3A_613 = arith.index_cast %scan3A_120 : i32 to index
      %get3A_614 = arith.constant 560 : index
      %get3A_615 = tpu.vector_load %arg13[%get3A_613, %get3A_614] {strides = array<i32>} : memref<16x1024xf32, #tpu.memory_space<vmem>>, vector<1x16xf32>,
      %get3A_616 = vector.shape_cast %get3A_615 : vector<1x16xf32> to vector<16xf32>
      %add3A_617 = arith.addf %get3A_612, %get3A_616 : vector<16xf32>
      %swap3A_618 = arith.index_cast %scan3A_120 : i32 to index
      %swap3A_619 = arith.constant 560 : index
      %swap3A_620 = tpu.vector_load %arg15[%swap3A_618, %swap3A_619] {strides = array<i32>} : memref<16x1024xf32, #tpu.memory_space<vmem>>, vector<1x16xf32>,
      %swap3A_621 = vector.shape_cast %swap3A_620 : vector<1x16xf32> to vector<16xf32>
      %swap3A_622 = vector.shape_cast %add3A_617 : vector<16xf32> to vector<1x16xf32>
      tpu.vector_store %arg15[%swap3A_618, %swap3A_619], %swap3A_622 {strides = array<i32>} : memref<16x1024xf32, #tpu.memory_space<vmem>>, vector<1x16xf32>,
      %get3A_623 = arith.index_cast %scan3A_120 : i32 to index
      %get3A_624 = arith.constant 576 : index
      %get3A_625 = tpu.vector_load %arg11[%get3A_623, %get3A_624] {strides = array<i32>} : memref<16x1024xf32, #tpu.memory_space<vmem>>, vector<1x16xf32>,
      %get3A_626 = vector.shape_cast %get3A_625 : vector<1x16xf32> to vector<16xf32>
      %get3A_627 = arith.index_cast %scan3A_120 : i32 to index
      %get3A_628 = arith.constant 576 : index
      %get3A_629 = tpu.vector_load %arg13[%get3A_627, %get3A_628] {strides = array<i32>} : memref<16x1024xf32, #tpu.memory_space<vmem>>, vector<1x16xf32>,
      %get3A_630 = vector.shape_cast %get3A_629 : vector<1x16xf32> to vector<16xf32>
      %add3A_631 = arith.addf %get3A_626, %get3A_630 : vector<16xf32>
      %swap3A_632 = arith.index_cast %scan3A_120 : i32 to index
      %swap3A_633 = arith.constant 576 : index
      %swap3A_634 = tpu.vector_load %arg15[%swap3A_632, %swap3A_633] {strides = array<i32>} : memref<16x1024xf32, #tpu.memory_space<vmem>>, vector<1x16xf32>,
      %swap3A_635 = vector.shape_cast %swap3A_634 : vector<1x16xf32> to vector<16xf32>
      %swap3A_636 = vector.shape_cast %add3A_631 : vector<16xf32> to vector<1x16xf32>
      tpu.vector_store %arg15[%swap3A_632, %swap3A_633], %swap3A_636 {strides = array<i32>} : memref<16x1024xf32, #tpu.memory_space<vmem>>, vector<1x16xf32>,
      %get3A_637 = arith.index_cast %scan3A_120 : i32 to index
      %get3A_638 = arith.constant 592 : index
      %get3A_639 = tpu.vector_load %arg11[%get3A_637, %get3A_638] {strides = array<i32>} : memref<16x1024xf32, #tpu.memory_space<vmem>>, vector<1x16xf32>,
      %get3A_640 = vector.shape_cast %get3A_639 : vector<1x16xf32> to vector<16xf32>
      %get3A_641 = arith.index_cast %scan3A_120 : i32 to index
      %get3A_642 = arith.constant 592 : index
      %get3A_643 = tpu.vector_load %arg13[%get3A_641, %get3A_642] {strides = array<i32>} : memref<16x1024xf32, #tpu.memory_space<vmem>>, vector<1x16xf32>,
      %get3A_644 = vector.shape_cast %get3A_643 : vector<1x16xf32> to vector<16xf32>
      %add3A_645 = arith.addf %get3A_640, %get3A_644 : vector<16xf32>
      %swap3A_646 = arith.index_cast %scan3A_120 : i32 to index
      %swap3A_647 = arith.constant 592 : index
      %swap3A_648 = tpu.vector_load %arg15[%swap3A_646, %swap3A_647] {strides = array<i32>} : memref<16x1024xf32, #tpu.memory_space<vmem>>, vector<1x16xf32>,
      %swap3A_649 = vector.shape_cast %swap3A_648 : vector<1x16xf32> to vector<16xf32>
      %swap3A_650 = vector.shape_cast %add3A_645 : vector<16xf32> to vector<1x16xf32>
      tpu.vector_store %arg15[%swap3A_646, %swap3A_647], %swap3A_650 {strides = array<i32>} : memref<16x1024xf32, #tpu.memory_space<vmem>>, vector<1x16xf32>,
      %get3A_651 = arith.index_cast %scan3A_120 : i32 to index
      %get3A_652 = arith.constant 608 : index
      %get3A_653 = tpu.vector_load %arg11[%get3A_651, %get3A_652] {strides = array<i32>} : memref<16x1024xf32, #tpu.memory_space<vmem>>, vector<1x16xf32>,
      %get3A_654 = vector.shape_cast %get3A_653 : vector<1x16xf32> to vector<16xf32>
      %get3A_655 = arith.index_cast %scan3A_120 : i32 to index
      %get3A_656 = arith.constant 608 : index
      %get3A_657 = tpu.vector_load %arg13[%get3A_655, %get3A_656] {strides = array<i32>} : memref<16x1024xf32, #tpu.memory_space<vmem>>, vector<1x16xf32>,
      %get3A_658 = vector.shape_cast %get3A_657 : vector<1x16xf32> to vector<16xf32>
      %add3A_659 = arith.addf %get3A_654, %get3A_658 : vector<16xf32>
      %swap3A_660 = arith.index_cast %scan3A_120 : i32 to index
      %swap3A_661 = arith.constant 608 : index
      %swap3A_662 = tpu.vector_load %arg15[%swap3A_660, %swap3A_661] {strides = array<i32>} : memref<16x1024xf32, #tpu.memory_space<vmem>>, vector<1x16xf32>,
      %swap3A_663 = vector.shape_cast %swap3A_662 : vector<1x16xf32> to vector<16xf32>
      %swap3A_664 = vector.shape_cast %add3A_659 : vector<16xf32> to vector<1x16xf32>
      tpu.vector_store %arg15[%swap3A_660, %swap3A_661], %swap3A_664 {strides = array<i32>} : memref<16x1024xf32, #tpu.memory_space<vmem>>, vector<1x16xf32>,
      %get3A_665 = arith.index_cast %scan3A_120 : i32 to index
      %get3A_666 = arith.constant 624 : index
      %get3A_667 = tpu.vector_load %arg11[%get3A_665, %get3A_666] {strides = array<i32>} : memref<16x1024xf32, #tpu.memory_space<vmem>>, vector<1x16xf32>,
      %get3A_668 = vector.shape_cast %get3A_667 : vector<1x16xf32> to vector<16xf32>
      %get3A_669 = arith.index_cast %scan3A_120 : i32 to index
      %get3A_670 = arith.constant 624 : index
      %get3A_671 = tpu.vector_load %arg13[%get3A_669, %get3A_670] {strides = array<i32>} : memref<16x1024xf32, #tpu.memory_space<vmem>>, vector<1x16xf32>,
      %get3A_672 = vector.shape_cast %get3A_671 : vector<1x16xf32> to vector<16xf32>
      %add3A_673 = arith.addf %get3A_668, %get3A_672 : vector<16xf32>
      %swap3A_674 = arith.index_cast %scan3A_120 : i32 to index
      %swap3A_675 = arith.constant 624 : index
      %swap3A_676 = tpu.vector_load %arg15[%swap3A_674, %swap3A_675] {strides = array<i32>} : memref<16x1024xf32, #tpu.memory_space<vmem>>, vector<1x16xf32>,
      %swap3A_677 = vector.shape_cast %swap3A_676 : vector<1x16xf32> to vector<16xf32>
      %swap3A_678 = vector.shape_cast %add3A_673 : vector<16xf32> to vector<1x16xf32>
      tpu.vector_store %arg15[%swap3A_674, %swap3A_675], %swap3A_678 {strides = array<i32>} : memref<16x1024xf32, #tpu.memory_space<vmem>>, vector<1x16xf32>,
      %get3A_679 = arith.index_cast %scan3A_120 : i32 to index
      %get3A_680 = arith.constant 640 : index
      %get3A_681 = tpu.vector_load %arg11[%get3A_679, %get3A_680] {strides = array<i32>} : memref<16x1024xf32, #tpu.memory_space<vmem>>, vector<1x16xf32>,
      %get3A_682 = vector.shape_cast %get3A_681 : vector<1x16xf32> to vector<16xf32>
      %get3A_683 = arith.index_cast %scan3A_120 : i32 to index
      %get3A_684 = arith.constant 640 : index
      %get3A_685 = tpu.vector_load %arg13[%get3A_683, %get3A_684] {strides = array<i32>} : memref<16x1024xf32, #tpu.memory_space<vmem>>, vector<1x16xf32>,
      %get3A_686 = vector.shape_cast %get3A_685 : vector<1x16xf32> to vector<16xf32>
      %add3A_687 = arith.addf %get3A_682, %get3A_686 : vector<16xf32>
      %swap3A_688 = arith.index_cast %scan3A_120 : i32 to index
      %swap3A_689 = arith.constant 640 : index
      %swap3A_690 = tpu.vector_load %arg15[%swap3A_688, %swap3A_689] {strides = array<i32>} : memref<16x1024xf32, #tpu.memory_space<vmem>>, vector<1x16xf32>,
      %swap3A_691 = vector.shape_cast %swap3A_690 : vector<1x16xf32> to vector<16xf32>
      %swap3A_692 = vector.shape_cast %add3A_687 : vector<16xf32> to vector<1x16xf32>
      tpu.vector_store %arg15[%swap3A_688, %swap3A_689], %swap3A_692 {strides = array<i32>} : memref<16x1024xf32, #tpu.memory_space<vmem>>, vector<1x16xf32>,
      %get3A_693 = arith.index_cast %scan3A_120 : i32 to index
      %get3A_694 = arith.constant 656 : index
      %get3A_695 = tpu.vector_load %arg11[%get3A_693, %get3A_694] {strides = array<i32>} : memref<16x1024xf32, #tpu.memory_space<vmem>>, vector<1x16xf32>,
      %get3A_696 = vector.shape_cast %get3A_695 : vector<1x16xf32> to vector<16xf32>
      %get3A_697 = arith.index_cast %scan3A_120 : i32 to index
      %get3A_698 = arith.constant 656 : index
      %get3A_699 = tpu.vector_load %arg13[%get3A_697, %get3A_698] {strides = array<i32>} : memref<16x1024xf32, #tpu.memory_space<vmem>>, vector<1x16xf32>,
      %get3A_700 = vector.shape_cast %get3A_699 : vector<1x16xf32> to vector<16xf32>
      %add3A_701 = arith.addf %get3A_696, %get3A_700 : vector<16xf32>
      %swap3A_702 = arith.index_cast %scan3A_120 : i32 to index
      %swap3A_703 = arith.constant 656 : index
      %swap3A_704 = tpu.vector_load %arg15[%swap3A_702, %swap3A_703] {strides = array<i32>} : memref<16x1024xf32, #tpu.memory_space<vmem>>, vector<1x16xf32>,
      %swap3A_705 = vector.shape_cast %swap3A_704 : vector<1x16xf32> to vector<16xf32>
      %swap3A_706 = vector.shape_cast %add3A_701 : vector<16xf32> to vector<1x16xf32>
      tpu.vector_store %arg15[%swap3A_702, %swap3A_703], %swap3A_706 {strides = array<i32>} : memref<16x1024xf32, #tpu.memory_space<vmem>>, vector<1x16xf32>,
      %get3A_707 = arith.index_cast %scan3A_120 : i32 to index
      %get3A_708 = arith.constant 672 : index
      %get3A_709 = tpu.vector_load %arg11[%get3A_707, %get3A_708] {strides = array<i32>} : memref<16x1024xf32, #tpu.memory_space<vmem>>, vector<1x16xf32>,
      %get3A_710 = vector.shape_cast %get3A_709 : vector<1x16xf32> to vector<16xf32>
      %get3A_711 = arith.index_cast %scan3A_120 : i32 to index
      %get3A_712 = arith.constant 672 : index
      %get3A_713 = tpu.vector_load %arg13[%get3A_711, %get3A_712] {strides = array<i32>} : memref<16x1024xf32, #tpu.memory_space<vmem>>, vector<1x16xf32>,
      %get3A_714 = vector.shape_cast %get3A_713 : vector<1x16xf32> to vector<16xf32>
      %add3A_715 = arith.addf %get3A_710, %get3A_714 : vector<16xf32>
      %swap3A_716 = arith.index_cast %scan3A_120 : i32 to index
      %swap3A_717 = arith.constant 672 : index
      %swap3A_718 = tpu.vector_load %arg15[%swap3A_716, %swap3A_717] {strides = array<i32>} : memref<16x1024xf32, #tpu.memory_space<vmem>>, vector<1x16xf32>,
      %swap3A_719 = vector.shape_cast %swap3A_718 : vector<1x16xf32> to vector<16xf32>
      %swap3A_720 = vector.shape_cast %add3A_715 : vector<16xf32> to vector<1x16xf32>
      tpu.vector_store %arg15[%swap3A_716, %swap3A_717], %swap3A_720 {strides = array<i32>} : memref<16x1024xf32, #tpu.memory_space<vmem>>, vector<1x16xf32>,
      %get3A_721 = arith.index_cast %scan3A_120 : i32 to index
      %get3A_722 = arith.constant 688 : index
      %get3A_723 = tpu.vector_load %arg11[%get3A_721, %get3A_722] {strides = array<i32>} : memref<16x1024xf32, #tpu.memory_space<vmem>>, vector<1x16xf32>,
      %get3A_724 = vector.shape_cast %get3A_723 : vector<1x16xf32> to vector<16xf32>
      %get3A_725 = arith.index_cast %scan3A_120 : i32 to index
      %get3A_726 = arith.constant 688 : index
      %get3A_727 = tpu.vector_load %arg13[%get3A_725, %get3A_726] {strides = array<i32>} : memref<16x1024xf32, #tpu.memory_space<vmem>>, vector<1x16xf32>,
      %get3A_728 = vector.shape_cast %get3A_727 : vector<1x16xf32> to vector<16xf32>
      %add3A_729 = arith.addf %get3A_724, %get3A_728 : vector<16xf32>
      %swap3A_730 = arith.index_cast %scan3A_120 : i32 to index
      %swap3A_731 = arith.constant 688 : index
      %swap3A_732 = tpu.vector_load %arg15[%swap3A_730, %swap3A_731] {strides = array<i32>} : memref<16x1024xf32, #tpu.memory_space<vmem>>, vector<1x16xf32>,
      %swap3A_733 = vector.shape_cast %swap3A_732 : vector<1x16xf32> to vector<16xf32>
      %swap3A_734 = vector.shape_cast %add3A_729 : vector<16xf32> to vector<1x16xf32>
      tpu.vector_store %arg15[%swap3A_730, %swap3A_731], %swap3A_734 {strides = array<i32>} : memref<16x1024xf32, #tpu.memory_space<vmem>>, vector<1x16xf32>,
      %get3A_735 = arith.index_cast %scan3A_120 : i32 to index
      %get3A_736 = arith.constant 704 : index
      %get3A_737 = tpu.vector_load %arg11[%get3A_735, %get3A_736] {strides = array<i32>} : memref<16x1024xf32, #tpu.memory_space<vmem>>, vector<1x16xf32>,
      %get3A_738 = vector.shape_cast %get3A_737 : vector<1x16xf32> to vector<16xf32>
      %get3A_739 = arith.index_cast %scan3A_120 : i32 to index
      %get3A_740 = arith.constant 704 : index
      %get3A_741 = tpu.vector_load %arg13[%get3A_739, %get3A_740] {strides = array<i32>} : memref<16x1024xf32, #tpu.memory_space<vmem>>, vector<1x16xf32>,
      %get3A_742 = vector.shape_cast %get3A_741 : vector<1x16xf32> to vector<16xf32>
      %add3A_743 = arith.addf %get3A_738, %get3A_742 : vector<16xf32>
      %swap3A_744 = arith.index_cast %scan3A_120 : i32 to index
      %swap3A_745 = arith.constant 704 : index
      %swap3A_746 = tpu.vector_load %arg15[%swap3A_744, %swap3A_745] {strides = array<i32>} : memref<16x1024xf32, #tpu.memory_space<vmem>>, vector<1x16xf32>,
      %swap3A_747 = vector.shape_cast %swap3A_746 : vector<1x16xf32> to vector<16xf32>
      %swap3A_748 = vector.shape_cast %add3A_743 : vector<16xf32> to vector<1x16xf32>
      tpu.vector_store %arg15[%swap3A_744, %swap3A_745], %swap3A_748 {strides = array<i32>} : memref<16x1024xf32, #tpu.memory_space<vmem>>, vector<1x16xf32>,
      %get3A_749 = arith.index_cast %scan3A_120 : i32 to index
      %get3A_750 = arith.constant 720 : index
      %get3A_751 = tpu.vector_load %arg11[%get3A_749, %get3A_750] {strides = array<i32>} : memref<16x1024xf32, #tpu.memory_space<vmem>>, vector<1x16xf32>,
      %get3A_752 = vector.shape_cast %get3A_751 : vector<1x16xf32> to vector<16xf32>
      %get3A_753 = arith.index_cast %scan3A_120 : i32 to index
      %get3A_754 = arith.constant 720 : index
      %get3A_755 = tpu.vector_load %arg13[%get3A_753, %get3A_754] {strides = array<i32>} : memref<16x1024xf32, #tpu.memory_space<vmem>>, vector<1x16xf32>,
      %get3A_756 = vector.shape_cast %get3A_755 : vector<1x16xf32> to vector<16xf32>
      %add3A_757 = arith.addf %get3A_752, %get3A_756 : vector<16xf32>
      %swap3A_758 = arith.index_cast %scan3A_120 : i32 to index
      %swap3A_759 = arith.constant 720 : index
      %swap3A_760 = tpu.vector_load %arg15[%swap3A_758, %swap3A_759] {strides = array<i32>} : memref<16x1024xf32, #tpu.memory_space<vmem>>, vector<1x16xf32>,
      %swap3A_761 = vector.shape_cast %swap3A_760 : vector<1x16xf32> to vector<16xf32>
      %swap3A_762 = vector.shape_cast %add3A_757 : vector<16xf32> to vector<1x16xf32>
      tpu.vector_store %arg15[%swap3A_758, %swap3A_759], %swap3A_762 {strides = array<i32>} : memref<16x1024xf32, #tpu.memory_space<vmem>>, vector<1x16xf32>,
      %get3A_763 = arith.index_cast %scan3A_120 : i32 to index
      %get3A_764 = arith.constant 736 : index
      %get3A_765 = tpu.vector_load %arg11[%get3A_763, %get3A_764] {strides = array<i32>} : memref<16x1024xf32, #tpu.memory_space<vmem>>, vector<1x16xf32>,
      %get3A_766 = vector.shape_cast %get3A_765 : vector<1x16xf32> to vector<16xf32>
      %get3A_767 = arith.index_cast %scan3A_120 : i32 to index
      %get3A_768 = arith.constant 736 : index
      %get3A_769 = tpu.vector_load %arg13[%get3A_767, %get3A_768] {strides = array<i32>} : memref<16x1024xf32, #tpu.memory_space<vmem>>, vector<1x16xf32>,
      %get3A_770 = vector.shape_cast %get3A_769 : vector<1x16xf32> to vector<16xf32>
      %add3A_771 = arith.addf %get3A_766, %get3A_770 : vector<16xf32>
      %swap3A_772 = arith.index_cast %scan3A_120 : i32 to index
      %swap3A_773 = arith.constant 736 : index
      %swap3A_774 = tpu.vector_load %arg15[%swap3A_772, %swap3A_773] {strides = array<i32>} : memref<16x1024xf32, #tpu.memory_space<vmem>>, vector<1x16xf32>,
      %swap3A_775 = vector.shape_cast %swap3A_774 : vector<1x16xf32> to vector<16xf32>
      %swap3A_776 = vector.shape_cast %add3A_771 : vector<16xf32> to vector<1x16xf32>
      tpu.vector_store %arg15[%swap3A_772, %swap3A_773], %swap3A_776 {strides = array<i32>} : memref<16x1024xf32, #tpu.memory_space<vmem>>, vector<1x16xf32>,
      %get3A_777 = arith.index_cast %scan3A_120 : i32 to index
      %get3A_778 = arith.constant 752 : index
      %get3A_779 = tpu.vector_load %arg11[%get3A_777, %get3A_778] {strides = array<i32>} : memref<16x1024xf32, #tpu.memory_space<vmem>>, vector<1x16xf32>,
      %get3A_780 = vector.shape_cast %get3A_779 : vector<1x16xf32> to vector<16xf32>
      %get3A_781 = arith.index_cast %scan3A_120 : i32 to index
      %get3A_782 = arith.constant 752 : index
      %get3A_783 = tpu.vector_load %arg13[%get3A_781, %get3A_782] {strides = array<i32>} : memref<16x1024xf32, #tpu.memory_space<vmem>>, vector<1x16xf32>,
      %get3A_784 = vector.shape_cast %get3A_783 : vector<1x16xf32> to vector<16xf32>
      %add3A_785 = arith.addf %get3A_780, %get3A_784 : vector<16xf32>
      %swap3A_786 = arith.index_cast %scan3A_120 : i32 to index
      %swap3A_787 = arith.constant 752 : index
      %swap3A_788 = tpu.vector_load %arg15[%swap3A_786, %swap3A_787] {strides = array<i32>} : memref<16x1024xf32, #tpu.memory_space<vmem>>, vector<1x16xf32>,
      %swap3A_789 = vector.shape_cast %swap3A_788 : vector<1x16xf32> to vector<16xf32>
      %swap3A_790 = vector.shape_cast %add3A_785 : vector<16xf32> to vector<1x16xf32>
      tpu.vector_store %arg15[%swap3A_786, %swap3A_787], %swap3A_790 {strides = array<i32>} : memref<16x1024xf32, #tpu.memory_space<vmem>>, vector<1x16xf32>,
      %get3A_791 = arith.index_cast %scan3A_120 : i32 to index
      %get3A_792 = arith.constant 768 : index
      %get3A_793 = tpu.vector_load %arg11[%get3A_791, %get3A_792] {strides = array<i32>} : memref<16x1024xf32, #tpu.memory_space<vmem>>, vector<1x16xf32>,
      %get3A_794 = vector.shape_cast %get3A_793 : vector<1x16xf32> to vector<16xf32>
      %get3A_795 = arith.index_cast %scan3A_120 : i32 to index
      %get3A_796 = arith.constant 768 : index
      %get3A_797 = tpu.vector_load %arg13[%get3A_795, %get3A_796] {strides = array<i32>} : memref<16x1024xf32, #tpu.memory_space<vmem>>, vector<1x16xf32>,
      %get3A_798 = vector.shape_cast %get3A_797 : vector<1x16xf32> to vector<16xf32>
      %add3A_799 = arith.addf %get3A_794, %get3A_798 : vector<16xf32>
      %swap3A_800 = arith.index_cast %scan3A_120 : i32 to index
      %swap3A_801 = arith.constant 768 : index
      %swap3A_802 = tpu.vector_load %arg15[%swap3A_800, %swap3A_801] {strides = array<i32>} : memref<16x1024xf32, #tpu.memory_space<vmem>>, vector<1x16xf32>,
      %swap3A_803 = vector.shape_cast %swap3A_802 : vector<1x16xf32> to vector<16xf32>
      %swap3A_804 = vector.shape_cast %add3A_799 : vector<16xf32> to vector<1x16xf32>
      tpu.vector_store %arg15[%swap3A_800, %swap3A_801], %swap3A_804 {strides = array<i32>} : memref<16x1024xf32, #tpu.memory_space<vmem>>, vector<1x16xf32>,
      %get3A_805 = arith.index_cast %scan3A_120 : i32 to index
      %get3A_806 = arith.constant 784 : index
      %get3A_807 = tpu.vector_load %arg11[%get3A_805, %get3A_806] {strides = array<i32>} : memref<16x1024xf32, #tpu.memory_space<vmem>>, vector<1x16xf32>,
      %get3A_808 = vector.shape_cast %get3A_807 : vector<1x16xf32> to vector<16xf32>
      %get3A_809 = arith.index_cast %scan3A_120 : i32 to index
      %get3A_810 = arith.constant 784 : index
      %get3A_811 = tpu.vector_load %arg13[%get3A_809, %get3A_810] {strides = array<i32>} : memref<16x1024xf32, #tpu.memory_space<vmem>>, vector<1x16xf32>,
      %get3A_812 = vector.shape_cast %get3A_811 : vector<1x16xf32> to vector<16xf32>
      %add3A_813 = arith.addf %get3A_808, %get3A_812 : vector<16xf32>
      %swap3A_814 = arith.index_cast %scan3A_120 : i32 to index
      %swap3A_815 = arith.constant 784 : index
      %swap3A_816 = tpu.vector_load %arg15[%swap3A_814, %swap3A_815] {strides = array<i32>} : memref<16x1024xf32, #tpu.memory_space<vmem>>, vector<1x16xf32>,
      %swap3A_817 = vector.shape_cast %swap3A_816 : vector<1x16xf32> to vector<16xf32>
      %swap3A_818 = vector.shape_cast %add3A_813 : vector<16xf32> to vector<1x16xf32>
      tpu.vector_store %arg15[%swap3A_814, %swap3A_815], %swap3A_818 {strides = array<i32>} : memref<16x1024xf32, #tpu.memory_space<vmem>>, vector<1x16xf32>,
      %get3A_819 = arith.index_cast %scan3A_120 : i32 to index
      %get3A_820 = arith.constant 800 : index
      %get3A_821 = tpu.vector_load %arg11[%get3A_819, %get3A_820] {strides = array<i32>} : memref<16x1024xf32, #tpu.memory_space<vmem>>, vector<1x16xf32>,
      %get3A_822 = vector.shape_cast %get3A_821 : vector<1x16xf32> to vector<16xf32>
      %get3A_823 = arith.index_cast %scan3A_120 : i32 to index
      %get3A_824 = arith.constant 800 : index
      %get3A_825 = tpu.vector_load %arg13[%get3A_823, %get3A_824] {strides = array<i32>} : memref<16x1024xf32, #tpu.memory_space<vmem>>, vector<1x16xf32>,
      %get3A_826 = vector.shape_cast %get3A_825 : vector<1x16xf32> to vector<16xf32>
      %add3A_827 = arith.addf %get3A_822, %get3A_826 : vector<16xf32>
      %swap3A_828 = arith.index_cast %scan3A_120 : i32 to index
      %swap3A_829 = arith.constant 800 : index
      %swap3A_830 = tpu.vector_load %arg15[%swap3A_828, %swap3A_829] {strides = array<i32>} : memref<16x1024xf32, #tpu.memory_space<vmem>>, vector<1x16xf32>,
      %swap3A_831 = vector.shape_cast %swap3A_830 : vector<1x16xf32> to vector<16xf32>
      %swap3A_832 = vector.shape_cast %add3A_827 : vector<16xf32> to vector<1x16xf32>
      tpu.vector_store %arg15[%swap3A_828, %swap3A_829], %swap3A_832 {strides = array<i32>} : memref<16x1024xf32, #tpu.memory_space<vmem>>, vector<1x16xf32>,
      %get3A_833 = arith.index_cast %scan3A_120 : i32 to index
      %get3A_834 = arith.constant 816 : index
      %get3A_835 = tpu.vector_load %arg11[%get3A_833, %get3A_834] {strides = array<i32>} : memref<16x1024xf32, #tpu.memory_space<vmem>>, vector<1x16xf32>,
      %get3A_836 = vector.shape_cast %get3A_835 : vector<1x16xf32> to vector<16xf32>
      %get3A_837 = arith.index_cast %scan3A_120 : i32 to index
      %get3A_838 = arith.constant 816 : index
      %get3A_839 = tpu.vector_load %arg13[%get3A_837, %get3A_838] {strides = array<i32>} : memref<16x1024xf32, #tpu.memory_space<vmem>>, vector<1x16xf32>,
      %get3A_840 = vector.shape_cast %get3A_839 : vector<1x16xf32> to vector<16xf32>
      %add3A_841 = arith.addf %get3A_836, %get3A_840 : vector<16xf32>
      %swap3A_842 = arith.index_cast %scan3A_120 : i32 to index
      %swap3A_843 = arith.constant 816 : index
      %swap3A_844 = tpu.vector_load %arg15[%swap3A_842, %swap3A_843] {strides = array<i32>} : memref<16x1024xf32, #tpu.memory_space<vmem>>, vector<1x16xf32>,
      %swap3A_845 = vector.shape_cast %swap3A_844 : vector<1x16xf32> to vector<16xf32>
      %swap3A_846 = vector.shape_cast %add3A_841 : vector<16xf32> to vector<1x16xf32>
      tpu.vector_store %arg15[%swap3A_842, %swap3A_843], %swap3A_846 {strides = array<i32>} : memref<16x1024xf32, #tpu.memory_space<vmem>>, vector<1x16xf32>,
      %get3A_847 = arith.index_cast %scan3A_120 : i32 to index
      %get3A_848 = arith.constant 832 : index
      %get3A_849 = tpu.vector_load %arg11[%get3A_847, %get3A_848] {strides = array<i32>} : memref<16x1024xf32, #tpu.memory_space<vmem>>, vector<1x16xf32>,
      %get3A_850 = vector.shape_cast %get3A_849 : vector<1x16xf32> to vector<16xf32>
      %get3A_851 = arith.index_cast %scan3A_120 : i32 to index
      %get3A_852 = arith.constant 832 : index
      %get3A_853 = tpu.vector_load %arg13[%get3A_851, %get3A_852] {strides = array<i32>} : memref<16x1024xf32, #tpu.memory_space<vmem>>, vector<1x16xf32>,
      %get3A_854 = vector.shape_cast %get3A_853 : vector<1x16xf32> to vector<16xf32>
      %add3A_855 = arith.addf %get3A_850, %get3A_854 : vector<16xf32>
      %swap3A_856 = arith.index_cast %scan3A_120 : i32 to index
      %swap3A_857 = arith.constant 832 : index
      %swap3A_858 = tpu.vector_load %arg15[%swap3A_856, %swap3A_857] {strides = array<i32>} : memref<16x1024xf32, #tpu.memory_space<vmem>>, vector<1x16xf32>,
      %swap3A_859 = vector.shape_cast %swap3A_858 : vector<1x16xf32> to vector<16xf32>
      %swap3A_860 = vector.shape_cast %add3A_855 : vector<16xf32> to vector<1x16xf32>
      tpu.vector_store %arg15[%swap3A_856, %swap3A_857], %swap3A_860 {strides = array<i32>} : memref<16x1024xf32, #tpu.memory_space<vmem>>, vector<1x16xf32>,
      %get3A_861 = arith.index_cast %scan3A_120 : i32 to index
      %get3A_862 = arith.constant 848 : index
      %get3A_863 = tpu.vector_load %arg11[%get3A_861, %get3A_862] {strides = array<i32>} : memref<16x1024xf32, #tpu.memory_space<vmem>>, vector<1x16xf32>,
      %get3A_864 = vector.shape_cast %get3A_863 : vector<1x16xf32> to vector<16xf32>
      %get3A_865 = arith.index_cast %scan3A_120 : i32 to index
      %get3A_866 = arith.constant 848 : index
      %get3A_867 = tpu.vector_load %arg13[%get3A_865, %get3A_866] {strides = array<i32>} : memref<16x1024xf32, #tpu.memory_space<vmem>>, vector<1x16xf32>,
      %get3A_868 = vector.shape_cast %get3A_867 : vector<1x16xf32> to vector<16xf32>
      %add3A_869 = arith.addf %get3A_864, %get3A_868 : vector<16xf32>
      %swap3A_870 = arith.index_cast %scan3A_120 : i32 to index
      %swap3A_871 = arith.constant 848 : index
      %swap3A_872 = tpu.vector_load %arg15[%swap3A_870, %swap3A_871] {strides = array<i32>} : memref<16x1024xf32, #tpu.memory_space<vmem>>, vector<1x16xf32>,
      %swap3A_873 = vector.shape_cast %swap3A_872 : vector<1x16xf32> to vector<16xf32>
      %swap3A_874 = vector.shape_cast %add3A_869 : vector<16xf32> to vector<1x16xf32>
      tpu.vector_store %arg15[%swap3A_870, %swap3A_871], %swap3A_874 {strides = array<i32>} : memref<16x1024xf32, #tpu.memory_space<vmem>>, vector<1x16xf32>,
      %get3A_875 = arith.index_cast %scan3A_120 : i32 to index
      %get3A_876 = arith.constant 864 : index
      %get3A_877 = tpu.vector_load %arg11[%get3A_875, %get3A_876] {strides = array<i32>} : memref<16x1024xf32, #tpu.memory_space<vmem>>, vector<1x16xf32>,
      %get3A_878 = vector.shape_cast %get3A_877 : vector<1x16xf32> to vector<16xf32>
      %get3A_879 = arith.index_cast %scan3A_120 : i32 to index
      %get3A_880 = arith.constant 864 : index
      %get3A_881 = tpu.vector_load %arg13[%get3A_879, %get3A_880] {strides = array<i32>} : memref<16x1024xf32, #tpu.memory_space<vmem>>, vector<1x16xf32>,
      %get3A_882 = vector.shape_cast %get3A_881 : vector<1x16xf32> to vector<16xf32>
      %add3A_883 = arith.addf %get3A_878, %get3A_882 : vector<16xf32>
      %swap3A_884 = arith.index_cast %scan3A_120 : i32 to index
      %swap3A_885 = arith.constant 864 : index
      %swap3A_886 = tpu.vector_load %arg15[%swap3A_884, %swap3A_885] {strides = array<i32>} : memref<16x1024xf32, #tpu.memory_space<vmem>>, vector<1x16xf32>,
      %swap3A_887 = vector.shape_cast %swap3A_886 : vector<1x16xf32> to vector<16xf32>
      %swap3A_888 = vector.shape_cast %add3A_883 : vector<16xf32> to vector<1x16xf32>
      tpu.vector_store %arg15[%swap3A_884, %swap3A_885], %swap3A_888 {strides = array<i32>} : memref<16x1024xf32, #tpu.memory_space<vmem>>, vector<1x16xf32>,
      %get3A_889 = arith.index_cast %scan3A_120 : i32 to index
      %get3A_890 = arith.constant 880 : index
      %get3A_891 = tpu.vector_load %arg11[%get3A_889, %get3A_890] {strides = array<i32>} : memref<16x1024xf32, #tpu.memory_space<vmem>>, vector<1x16xf32>,
      %get3A_892 = vector.shape_cast %get3A_891 : vector<1x16xf32> to vector<16xf32>
      %get3A_893 = arith.index_cast %scan3A_120 : i32 to index
      %get3A_894 = arith.constant 880 : index
      %get3A_895 = tpu.vector_load %arg13[%get3A_893, %get3A_894] {strides = array<i32>} : memref<16x1024xf32, #tpu.memory_space<vmem>>, vector<1x16xf32>,
      %get3A_896 = vector.shape_cast %get3A_895 : vector<1x16xf32> to vector<16xf32>
      %add3A_897 = arith.addf %get3A_892, %get3A_896 : vector<16xf32>
      %swap3A_898 = arith.index_cast %scan3A_120 : i32 to index
      %swap3A_899 = arith.constant 880 : index
      %swap3A_900 = tpu.vector_load %arg15[%swap3A_898, %swap3A_899] {strides = array<i32>} : memref<16x1024xf32, #tpu.memory_space<vmem>>, vector<1x16xf32>,
      %swap3A_901 = vector.shape_cast %swap3A_900 : vector<1x16xf32> to vector<16xf32>
      %swap3A_902 = vector.shape_cast %add3A_897 : vector<16xf32> to vector<1x16xf32>
      tpu.vector_store %arg15[%swap3A_898, %swap3A_899], %swap3A_902 {strides = array<i32>} : memref<16x1024xf32, #tpu.memory_space<vmem>>, vector<1x16xf32>,
      %get3A_903 = arith.index_cast %scan3A_120 : i32 to index
      %get3A_904 = arith.constant 896 : index
      %get3A_905 = tpu.vector_load %arg11[%get3A_903, %get3A_904] {strides = array<i32>} : memref<16x1024xf32, #tpu.memory_space<vmem>>, vector<1x16xf32>,
      %get3A_906 = vector.shape_cast %get3A_905 : vector<1x16xf32> to vector<16xf32>
      %get3A_907 = arith.index_cast %scan3A_120 : i32 to index
      %get3A_908 = arith.constant 896 : index
      %get3A_909 = tpu.vector_load %arg13[%get3A_907, %get3A_908] {strides = array<i32>} : memref<16x1024xf32, #tpu.memory_space<vmem>>, vector<1x16xf32>,
      %get3A_910 = vector.shape_cast %get3A_909 : vector<1x16xf32> to vector<16xf32>
      %add3A_911 = arith.addf %get3A_906, %get3A_910 : vector<16xf32>
      %swap3A_912 = arith.index_cast %scan3A_120 : i32 to index
      %swap3A_913 = arith.constant 896 : index
      %swap3A_914 = tpu.vector_load %arg15[%swap3A_912, %swap3A_913] {strides = array<i32>} : memref<16x1024xf32, #tpu.memory_space<vmem>>, vector<1x16xf32>,
      %swap3A_915 = vector.shape_cast %swap3A_914 : vector<1x16xf32> to vector<16xf32>
      %swap3A_916 = vector.shape_cast %add3A_911 : vector<16xf32> to vector<1x16xf32>
      tpu.vector_store %arg15[%swap3A_912, %swap3A_913], %swap3A_916 {strides = array<i32>} : memref<16x1024xf32, #tpu.memory_space<vmem>>, vector<1x16xf32>,
      %get3A_917 = arith.index_cast %scan3A_120 : i32 to index
      %get3A_918 = arith.constant 912 : index
      %get3A_919 = tpu.vector_load %arg11[%get3A_917, %get3A_918] {strides = array<i32>} : memref<16x1024xf32, #tpu.memory_space<vmem>>, vector<1x16xf32>,
      %get3A_920 = vector.shape_cast %get3A_919 : vector<1x16xf32> to vector<16xf32>
      %get3A_921 = arith.index_cast %scan3A_120 : i32 to index
      %get3A_922 = arith.constant 912 : index
      %get3A_923 = tpu.vector_load %arg13[%get3A_921, %get3A_922] {strides = array<i32>} : memref<16x1024xf32, #tpu.memory_space<vmem>>, vector<1x16xf32>,
      %get3A_924 = vector.shape_cast %get3A_923 : vector<1x16xf32> to vector<16xf32>
      %add3A_925 = arith.addf %get3A_920, %get3A_924 : vector<16xf32>
      %swap3A_926 = arith.index_cast %scan3A_120 : i32 to index
      %swap3A_927 = arith.constant 912 : index
      %swap3A_928 = tpu.vector_load %arg15[%swap3A_926, %swap3A_927] {strides = array<i32>} : memref<16x1024xf32, #tpu.memory_space<vmem>>, vector<1x16xf32>,
      %swap3A_929 = vector.shape_cast %swap3A_928 : vector<1x16xf32> to vector<16xf32>
      %swap3A_930 = vector.shape_cast %add3A_925 : vector<16xf32> to vector<1x16xf32>
      tpu.vector_store %arg15[%swap3A_926, %swap3A_927], %swap3A_930 {strides = array<i32>} : memref<16x1024xf32, #tpu.memory_space<vmem>>, vector<1x16xf32>,
      %get3A_931 = arith.index_cast %scan3A_120 : i32 to index
      %get3A_932 = arith.constant 928 : index
      %get3A_933 = tpu.vector_load %arg11[%get3A_931, %get3A_932] {strides = array<i32>} : memref<16x1024xf32, #tpu.memory_space<vmem>>, vector<1x16xf32>,
      %get3A_934 = vector.shape_cast %get3A_933 : vector<1x16xf32> to vector<16xf32>
      %get3A_935 = arith.index_cast %scan3A_120 : i32 to index
      %get3A_936 = arith.constant 928 : index
      %get3A_937 = tpu.vector_load %arg13[%get3A_935, %get3A_936] {strides = array<i32>} : memref<16x1024xf32, #tpu.memory_space<vmem>>, vector<1x16xf32>,
      %get3A_938 = vector.shape_cast %get3A_937 : vector<1x16xf32> to vector<16xf32>
      %add3A_939 = arith.addf %get3A_934, %get3A_938 : vector<16xf32>
      %swap3A_940 = arith.index_cast %scan3A_120 : i32 to index
      %swap3A_941 = arith.constant 928 : index
      %swap3A_942 = tpu.vector_load %arg15[%swap3A_940, %swap3A_941] {strides = array<i32>} : memref<16x1024xf32, #tpu.memory_space<vmem>>, vector<1x16xf32>,
      %swap3A_943 = vector.shape_cast %swap3A_942 : vector<1x16xf32> to vector<16xf32>
      %swap3A_944 = vector.shape_cast %add3A_939 : vector<16xf32> to vector<1x16xf32>
      tpu.vector_store %arg15[%swap3A_940, %swap3A_941], %swap3A_944 {strides = array<i32>} : memref<16x1024xf32, #tpu.memory_space<vmem>>, vector<1x16xf32>,
      %get3A_945 = arith.index_cast %scan3A_120 : i32 to index
      %get3A_946 = arith.constant 944 : index
      %get3A_947 = tpu.vector_load %arg11[%get3A_945, %get3A_946] {strides = array<i32>} : memref<16x1024xf32, #tpu.memory_space<vmem>>, vector<1x16xf32>,
      %get3A_948 = vector.shape_cast %get3A_947 : vector<1x16xf32> to vector<16xf32>
      %get3A_949 = arith.index_cast %scan3A_120 : i32 to index
      %get3A_950 = arith.constant 944 : index
      %get3A_951 = tpu.vector_load %arg13[%get3A_949, %get3A_950] {strides = array<i32>} : memref<16x1024xf32, #tpu.memory_space<vmem>>, vector<1x16xf32>,
      %get3A_952 = vector.shape_cast %get3A_951 : vector<1x16xf32> to vector<16xf32>
      %add3A_953 = arith.addf %get3A_948, %get3A_952 : vector<16xf32>
      %swap3A_954 = arith.index_cast %scan3A_120 : i32 to index
      %swap3A_955 = arith.constant 944 : index
      %swap3A_956 = tpu.vector_load %arg15[%swap3A_954, %swap3A_955] {strides = array<i32>} : memref<16x1024xf32, #tpu.memory_space<vmem>>, vector<1x16xf32>,
      %swap3A_957 = vector.shape_cast %swap3A_956 : vector<1x16xf32> to vector<16xf32>
      %swap3A_958 = vector.shape_cast %add3A_953 : vector<16xf32> to vector<1x16xf32>
      tpu.vector_store %arg15[%swap3A_954, %swap3A_955], %swap3A_958 {strides = array<i32>} : memref<16x1024xf32, #tpu.memory_space<vmem>>, vector<1x16xf32>,
      %get3A_959 = arith.index_cast %scan3A_120 : i32 to index
      %get3A_960 = arith.constant 960 : index
      %get3A_961 = tpu.vector_load %arg11[%get3A_959, %get3A_960] {strides = array<i32>} : memref<16x1024xf32, #tpu.memory_space<vmem>>, vector<1x16xf32>,
      %get3A_962 = vector.shape_cast %get3A_961 : vector<1x16xf32> to vector<16xf32>
      %get3A_963 = arith.index_cast %scan3A_120 : i32 to index
      %get3A_964 = arith.constant 960 : index
      %get3A_965 = tpu.vector_load %arg13[%get3A_963, %get3A_964] {strides = array<i32>} : memref<16x1024xf32, #tpu.memory_space<vmem>>, vector<1x16xf32>,
      %get3A_966 = vector.shape_cast %get3A_965 : vector<1x16xf32> to vector<16xf32>
      %add3A_967 = arith.addf %get3A_962, %get3A_966 : vector<16xf32>
      %swap3A_968 = arith.index_cast %scan3A_120 : i32 to index
      %swap3A_969 = arith.constant 960 : index
      %swap3A_970 = tpu.vector_load %arg15[%swap3A_968, %swap3A_969] {strides = array<i32>} : memref<16x1024xf32, #tpu.memory_space<vmem>>, vector<1x16xf32>,
      %swap3A_971 = vector.shape_cast %swap3A_970 : vector<1x16xf32> to vector<16xf32>
      %swap3A_972 = vector.shape_cast %add3A_967 : vector<16xf32> to vector<1x16xf32>
      tpu.vector_store %arg15[%swap3A_968, %swap3A_969], %swap3A_972 {strides = array<i32>} : memref<16x1024xf32, #tpu.memory_space<vmem>>, vector<1x16xf32>,
      %get3A_973 = arith.index_cast %scan3A_120 : i32 to index
      %get3A_974 = arith.constant 976 : index
      %get3A_975 = tpu.vector_load %arg11[%get3A_973, %get3A_974] {strides = array<i32>} : memref<16x1024xf32, #tpu.memory_space<vmem>>, vector<1x16xf32>,
      %get3A_976 = vector.shape_cast %get3A_975 : vector<1x16xf32> to vector<16xf32>
      %get3A_977 = arith.index_cast %scan3A_120 : i32 to index
      %get3A_978 = arith.constant 976 : index
      %get3A_979 = tpu.vector_load %arg13[%get3A_977, %get3A_978] {strides = array<i32>} : memref<16x1024xf32, #tpu.memory_space<vmem>>, vector<1x16xf32>,
      %get3A_980 = vector.shape_cast %get3A_979 : vector<1x16xf32> to vector<16xf32>
      %add3A_981 = arith.addf %get3A_976, %get3A_980 : vector<16xf32>
      %swap3A_982 = arith.index_cast %scan3A_120 : i32 to index
      %swap3A_983 = arith.constant 976 : index
      %swap3A_984 = tpu.vector_load %arg15[%swap3A_982, %swap3A_983] {strides = array<i32>} : memref<16x1024xf32, #tpu.memory_space<vmem>>, vector<1x16xf32>,
      %swap3A_985 = vector.shape_cast %swap3A_984 : vector<1x16xf32> to vector<16xf32>
      %swap3A_986 = vector.shape_cast %add3A_981 : vector<16xf32> to vector<1x16xf32>
      tpu.vector_store %arg15[%swap3A_982, %swap3A_983], %swap3A_986 {strides = array<i32>} : memref<16x1024xf32, #tpu.memory_space<vmem>>, vector<1x16xf32>,
      %get3A_987 = arith.index_cast %scan3A_120 : i32 to index
      %get3A_988 = arith.constant 992 : index
      %get3A_989 = tpu.vector_load %arg11[%get3A_987, %get3A_988] {strides = array<i32>} : memref<16x1024xf32, #tpu.memory_space<vmem>>, vector<1x16xf32>,
      %get3A_990 = vector.shape_cast %get3A_989 : vector<1x16xf32> to vector<16xf32>
      %get3A_991 = arith.index_cast %scan3A_120 : i32 to index
      %get3A_992 = arith.constant 992 : index
      %get3A_993 = tpu.vector_load %arg13[%get3A_991, %get3A_992] {strides = array<i32>} : memref<16x1024xf32, #tpu.memory_space<vmem>>, vector<1x16xf32>,
      %get3A_994 = vector.shape_cast %get3A_993 : vector<1x16xf32> to vector<16xf32>
      %add3A_995 = arith.addf %get3A_990, %get3A_994 : vector<16xf32>
      %swap3A_996 = arith.index_cast %scan3A_120 : i32 to index
      %swap3A_997 = arith.constant 992 : index
      %swap3A_998 = tpu.vector_load %arg15[%swap3A_996, %swap3A_997] {strides = array<i32>} : memref<16x1024xf32, #tpu.memory_space<vmem>>, vector<1x16xf32>,
      %swap3A_999 = vector.shape_cast %swap3A_998 : vector<1x16xf32> to vector<16xf32>
      %swap3A_1000 = vector.shape_cast %add3A_995 : vector<16xf32> to vector<1x16xf32>
      tpu.vector_store %arg15[%swap3A_996, %swap3A_997], %swap3A_1000 {strides = array<i32>} : memref<16x1024xf32, #tpu.memory_space<vmem>>, vector<1x16xf32>,
      %get3A_1001 = arith.index_cast %scan3A_120 : i32 to index
      %get3A_1002 = arith.constant 1008 : index
      %get3A_1003 = tpu.vector_load %arg11[%get3A_1001, %get3A_1002] {strides = array<i32>} : memref<16x1024xf32, #tpu.memory_space<vmem>>, vector<1x16xf32>,
      %get3A_1004 = vector.shape_cast %get3A_1003 : vector<1x16xf32> to vector<16xf32>
      %get3A_1005 = arith.index_cast %scan3A_120 : i32 to index
      %get3A_1006 = arith.constant 1008 : index
      %get3A_1007 = tpu.vector_load %arg13[%get3A_1005, %get3A_1006] {strides = array<i32>} : memref<16x1024xf32, #tpu.memory_space<vmem>>, vector<1x16xf32>,
      %get3A_1008 = vector.shape_cast %get3A_1007 : vector<1x16xf32> to vector<16xf32>
      %add3A_1009 = arith.addf %get3A_1004, %get3A_1008 : vector<16xf32>
      %swap3A_1010 = arith.index_cast %scan3A_120 : i32 to index
      %swap3A_1011 = arith.constant 1008 : index
      %swap3A_1012 = tpu.vector_load %arg15[%swap3A_1010, %swap3A_1011] {strides = array<i32>} : memref<16x1024xf32, #tpu.memory_space<vmem>>, vector<1x16xf32>,
      %swap3A_1013 = vector.shape_cast %swap3A_1012 : vector<1x16xf32> to vector<16xf32>
      %swap3A_1014 = vector.shape_cast %add3A_1009 : vector<16xf32> to vector<1x16xf32>
      tpu.vector_store %arg15[%swap3A_1010, %swap3A_1011], %swap3A_1014 {strides = array<i32>} : memref<16x1024xf32, #tpu.memory_space<vmem>>, vector<1x16xf32>,
    }
    %scan3A_105 = arith.constant 16 : i32
    %add3A_106 = arith.constant 48 : i32
    %add3A_107 = arith.addi %mul3A_2, %add3A_106 : i32
    %dma_start3A_108 = arith.constant 0 : i32
    %dma_start3A_109 = tpu.memref_slice %arg5[%add3A_107, %dma_start3A_108] : memref<2048x1024xf32, #tpu.memory_space<hbm>> -> memref<16x1024xf32, #tpu.memory_space<hbm>>
    %dma_start3A_110 = arith.constant 0 : i32
    %dma_start3A_111 = tpu.memref_slice %arg5[%add3A_107, %dma_start3A_110] : memref<2048x1024xf32, #tpu.memory_space<hbm>> -> memref<16x1024xf32, #tpu.memory_space<hbm>>
    tpu.enqueue_dma source(%arg15 : memref<16x1024xf32, #tpu.memory_space<vmem>>) target(%dma_start3A_111 : memref<16x1024xf32, #tpu.memory_space<hbm>>) target_semaphore(%arg21 : memref<!tpu.dma_semaphore, #tpu.memory_space<semaphore_mem>>)
    %dma_wait3A_112 = arith.constant 0 : i32
    %dma_wait3A_113 = tpu.memref_slice %arg5[%add3A_107, %dma_wait3A_112] : memref<2048x1024xf32, #tpu.memory_space<hbm>> -> memref<16x1024xf32, #tpu.memory_space<hbm>>
    %dma_wait3A_114 = arith.constant 0 : i32
    %dma_wait3A_115 = tpu.memref_slice %arg5[%add3A_107, %dma_wait3A_114] : memref<2048x1024xf32, #tpu.memory_space<hbm>> -> memref<16x1024xf32, #tpu.memory_space<hbm>>
    tpu.wait_dma2 semaphore(%arg21 : memref<!tpu.dma_semaphore, #tpu.memory_space<semaphore_mem>>) src(%arg15 : memref<16x1024xf32, #tpu.memory_space<vmem>>) dst(%dma_wait3A_115 : memref<16x1024xf32, #tpu.memory_space<hbm>>)
    %dma_wait3A_116 = arith.constant 0 : i32
    %dma_wait3A_117 = tpu.memref_slice %arg5[%add3A_85, %dma_wait3A_116] : memref<2048x1024xf32, #tpu.memory_space<hbm>> -> memref<16x1024xf32, #tpu.memory_space<hbm>>
    %dma_wait3A_118 = arith.constant 0 : i32
    %dma_wait3A_119 = tpu.memref_slice %arg5[%add3A_85, %dma_wait3A_118] : memref<2048x1024xf32, #tpu.memory_space<hbm>> -> memref<16x1024xf32, #tpu.memory_space<hbm>>
    tpu.wait_dma2 semaphore(%arg20 : memref<!tpu.dma_semaphore, #tpu.memory_space<semaphore_mem>>) src(%arg14 : memref<16x1024xf32, #tpu.memory_space<vmem>>) dst(%dma_wait3A_119 : memref<16x1024xf32, #tpu.memory_space<hbm>>)
    return
  }
}

#map = affine_map<(d0, d1) -> (0, 0)>
#map1 = affine_map<(d0, d1) -> (0, 0, 0)>
module attributes {stable_mosaic.version = 14 : i64} {
  func.func @k(%arg0: i32, %arg1: i32, %arg2: memref<2048x1024xf32, #tpu.memory_space<hbm>>, %arg3: memref<32x2x64xi32, #tpu.memory_space<hbm>>, %arg4: memref<4096x128xf32, #tpu.memory_space<hbm>>, %arg5: memref<6144x1024xf32, #tpu.memory_space<hbm>>, %arg6: memref<6144x128xf32, #tpu.memory_space<hbm>>, %arg7: memref<64xi32, #tpu.memory_space<vmem>>, %arg8: memref<64x1024xf32, #tpu.memory_space<vmem>>, %arg9: memref<64x128xf32, #tpu.memory_space<vmem>>, %arg10: memref<!tpu.dma_semaphore, #tpu.memory_space<semaphore_mem>>, %arg11: memref<!tpu.dma_semaphore, #tpu.memory_space<semaphore_mem>>) attributes {dimension_semantics = [#tpu.dimension_semantics<core_parallel>, #tpu.dimension_semantics<subcore_parallel>], iteration_bounds = array<i64: 2, 16>, scalar_prefetch = 0 : i64, scratch_operands = 5 : i64, tpu.core_type = #tpu.core_type<sc_vector_subcore>, window_params = [{transform_indices = #map}, {transform_indices = #map1}, {transform_indices = #map}, {transform_indices = #map}, {transform_indices = #map}]} {
    %mul3A = arith.constant 2 : i32
    %mul3A_0 = arith.muli %arg1, %mul3A : i32
    %add3A = arith.addi %mul3A_0, %arg0 : i32
    %mul3A_1 = arith.constant 128 : i32
    %mul3A_2 = arith.muli %add3A, %mul3A_1 : i32
    %jit3A = arith.constant 2048 : i32
    %div3A = arith.divsi %mul3A_2, %jit3A : i32
    %sign3A = arith.constant 0 : i32
    %sign3A_3 = arith.cmpi sgt, %mul3A_2, %sign3A : i32
    %sign3A_4 = arith.extui %sign3A_3 : i1 to i32
    %sign3A_5 = arith.constant 0 : i32
    %sign3A_6 = arith.cmpi slt, %mul3A_2, %sign3A_5 : i32
    %sign3A_7 = arith.extui %sign3A_6 : i1 to i32
    %sign3A_8 = arith.subi %sign3A_4, %sign3A_7 : i32
    %sign3A_9 = arith.constant 0 : i32
    %sign3A_10 = arith.cmpi sgt, %jit3A, %sign3A_9 : i32
    %sign3A_11 = arith.extui %sign3A_10 : i1 to i32
    %sign3A_12 = arith.constant 0 : i32
    %sign3A_13 = arith.cmpi slt, %jit3A, %sign3A_12 : i32
    %sign3A_14 = arith.extui %sign3A_13 : i1 to i32
    %sign3A_15 = arith.subi %sign3A_11, %sign3A_14 : i32
    %ne3A = arith.cmpi ne, %sign3A_8, %sign3A_15 : i32
    %rem3A = arith.remsi %mul3A_2, %jit3A : i32
    %ne3A_16 = arith.constant 0 : i32
    %ne3A_17 = arith.cmpi ne, %rem3A, %ne3A_16 : i32
    %and3A = arith.andi %ne3A, %ne3A_17 : i1
    %sub3A = arith.constant 1 : i32
    %sub3A_18 = arith.subi %div3A, %sub3A : i32
    %select_n3A = arith.select %and3A, %sub3A_18, %div3A : i32
    %mul3A_19 = arith.constant 2048 : i32
    %mul3A_20 = arith.muli %select_n3A, %mul3A_19 : i32
    %sub3A_21 = arith.subi %mul3A_2, %mul3A_20 : i32
    %run_scoped3A = arith.constant 0 : i32
    "tpu.region"() ({
      %run_scoped3A_53 = tpu.sem_alloc : memref<!tpu.dma_semaphore, #tpu.memory_space<semaphore_mem>>
      %dma_start3A_54 = arith.constant 0 : i32
      %dma_start3A_55 = tpu.memref_slice %arg3[%add3A, %run_scoped3A, %dma_start3A_54] : memref<32x2x64xi32, #tpu.memory_space<hbm>> -> memref<1x1x64xi32, #tpu.memory_space<hbm>>
      %dma_start3A_56 = tpu.memref_squeeze %dma_start3A_55 : memref<1x1x64xi32, #tpu.memory_space<hbm>> -> memref<64xi32, #tpu.memory_space<hbm>>
      %dma_start3A_57 = arith.constant 0 : i32
      %dma_start3A_58 = tpu.memref_slice %arg3[%add3A, %run_scoped3A, %dma_start3A_57] : memref<32x2x64xi32, #tpu.memory_space<hbm>> -> memref<1x1x64xi32, #tpu.memory_space<hbm>>
      %dma_start3A_59 = tpu.memref_squeeze %dma_start3A_58 : memref<1x1x64xi32, #tpu.memory_space<hbm>> -> memref<64xi32, #tpu.memory_space<hbm>>
      tpu.enqueue_dma source(%dma_start3A_59 : memref<64xi32, #tpu.memory_space<hbm>>) target(%arg7 : memref<64xi32, #tpu.memory_space<vmem>>) target_semaphore(%run_scoped3A_53 : memref<!tpu.dma_semaphore, #tpu.memory_space<semaphore_mem>>)
      %dma_wait3A_60 = arith.constant 0 : i32
      %dma_wait3A_61 = tpu.memref_slice %arg3[%add3A, %run_scoped3A, %dma_wait3A_60] : memref<32x2x64xi32, #tpu.memory_space<hbm>> -> memref<1x1x64xi32, #tpu.memory_space<hbm>>
      %dma_wait3A_62 = tpu.memref_squeeze %dma_wait3A_61 : memref<1x1x64xi32, #tpu.memory_space<hbm>> -> memref<64xi32, #tpu.memory_space<hbm>>
      %dma_wait3A_63 = arith.constant 0 : i32
      %dma_wait3A_64 = tpu.memref_slice %arg3[%add3A, %run_scoped3A, %dma_wait3A_63] : memref<32x2x64xi32, #tpu.memory_space<hbm>> -> memref<1x1x64xi32, #tpu.memory_space<hbm>>
      %dma_wait3A_65 = tpu.memref_squeeze %dma_wait3A_64 : memref<1x1x64xi32, #tpu.memory_space<hbm>> -> memref<64xi32, #tpu.memory_space<hbm>>
      tpu.wait_dma2 semaphore(%run_scoped3A_53 : memref<!tpu.dma_semaphore, #tpu.memory_space<semaphore_mem>>) src(%dma_wait3A_65 : memref<64xi32, #tpu.memory_space<hbm>>) dst(%arg7 : memref<64xi32, #tpu.memory_space<vmem>>)
      tpu.yield
    }) : () -> ()
    %add3A_22 = arith.constant 0 : i32
    %add3A_23 = arith.addi %sub3A_21, %add3A_22 : i32
    "tpu.region"() ({
      %run_scoped3A_53 = tpu.sem_alloc : memref<!tpu.dma_semaphore, #tpu.memory_space<semaphore_mem>>
      %dma_start3A_54 = arith.constant 0 : i32
      %dma_start3A_55 = tpu.memref_slice %arg2[%add3A_23, %dma_start3A_54] : memref<2048x1024xf32, #tpu.memory_space<hbm>> -> memref<64x1024xf32, #tpu.memory_space<hbm>>
      %dma_start3A_56 = arith.constant 0 : i32
      %dma_start3A_57 = tpu.memref_slice %arg2[%add3A_23, %dma_start3A_56] : memref<2048x1024xf32, #tpu.memory_space<hbm>> -> memref<64x1024xf32, #tpu.memory_space<hbm>>
      tpu.enqueue_dma source(%dma_start3A_57 : memref<64x1024xf32, #tpu.memory_space<hbm>>) target(%arg8 : memref<64x1024xf32, #tpu.memory_space<vmem>>) target_semaphore(%run_scoped3A_53 : memref<!tpu.dma_semaphore, #tpu.memory_space<semaphore_mem>>)
      %dma_wait3A_58 = arith.constant 0 : i32
      %dma_wait3A_59 = tpu.memref_slice %arg2[%add3A_23, %dma_wait3A_58] : memref<2048x1024xf32, #tpu.memory_space<hbm>> -> memref<64x1024xf32, #tpu.memory_space<hbm>>
      %dma_wait3A_60 = arith.constant 0 : i32
      %dma_wait3A_61 = tpu.memref_slice %arg2[%add3A_23, %dma_wait3A_60] : memref<2048x1024xf32, #tpu.memory_space<hbm>> -> memref<64x1024xf32, #tpu.memory_space<hbm>>
      tpu.wait_dma2 semaphore(%run_scoped3A_53 : memref<!tpu.dma_semaphore, #tpu.memory_space<semaphore_mem>>) src(%dma_wait3A_61 : memref<64x1024xf32, #tpu.memory_space<hbm>>) dst(%arg8 : memref<64x1024xf32, #tpu.memory_space<vmem>>)
      tpu.yield
    }) : () -> ()
    %add3A_24 = arith.constant 0 : i32
    %add3A_25 = arith.addi %mul3A_2, %add3A_24 : i32
    "tpu.region"() ({
      %run_scoped3A_53 = tpu.sem_alloc : memref<!tpu.dma_semaphore, #tpu.memory_space<semaphore_mem>>
      %dma_start3A_54 = arith.constant 0 : i32
      %dma_start3A_55 = tpu.memref_slice %arg4[%add3A_25, %dma_start3A_54] : memref<4096x128xf32, #tpu.memory_space<hbm>> -> memref<64x128xf32, #tpu.memory_space<hbm>>
      %dma_start3A_56 = arith.constant 0 : i32
      %dma_start3A_57 = tpu.memref_slice %arg4[%add3A_25, %dma_start3A_56] : memref<4096x128xf32, #tpu.memory_space<hbm>> -> memref<64x128xf32, #tpu.memory_space<hbm>>
      tpu.enqueue_dma source(%dma_start3A_57 : memref<64x128xf32, #tpu.memory_space<hbm>>) target(%arg9 : memref<64x128xf32, #tpu.memory_space<vmem>>) target_semaphore(%run_scoped3A_53 : memref<!tpu.dma_semaphore, #tpu.memory_space<semaphore_mem>>)
      %dma_wait3A_58 = arith.constant 0 : i32
      %dma_wait3A_59 = tpu.memref_slice %arg4[%add3A_25, %dma_wait3A_58] : memref<4096x128xf32, #tpu.memory_space<hbm>> -> memref<64x128xf32, #tpu.memory_space<hbm>>
      %dma_wait3A_60 = arith.constant 0 : i32
      %dma_wait3A_61 = tpu.memref_slice %arg4[%add3A_25, %dma_wait3A_60] : memref<4096x128xf32, #tpu.memory_space<hbm>> -> memref<64x128xf32, #tpu.memory_space<hbm>>
      tpu.wait_dma2 semaphore(%run_scoped3A_53 : memref<!tpu.dma_semaphore, #tpu.memory_space<semaphore_mem>>) src(%dma_wait3A_61 : memref<64x128xf32, #tpu.memory_space<hbm>>) dst(%arg9 : memref<64x128xf32, #tpu.memory_space<vmem>>)
      tpu.yield
    }) : () -> ()
    %dma_start3A = arith.constant 0 : i32
    %dma_start3A_26 = arith.constant 0 : i32
    %dma_start3A_27 = tpu.memref_slice %arg5[%dma_start3A, %dma_start3A_26] : memref<6144x1024xf32, #tpu.memory_space<hbm>> -> memref<6144x1024xf32, #tpu.memory_space<hbm>>
    tpu.enqueue_indirect_dma source(%arg8 : memref<64x1024xf32, #tpu.memory_space<vmem>>) target(%dma_start3A_27 : memref<6144x1024xf32, #tpu.memory_space<hbm>>) offsets(%arg7 : memref<64xi32, #tpu.memory_space<vmem>>) semaphore(%arg10 : memref<!tpu.dma_semaphore, #tpu.memory_space<semaphore_mem>>)
    %dma_start3A_28 = arith.constant 0 : i32
    %dma_start3A_29 = arith.constant 0 : i32
    %dma_start3A_30 = tpu.memref_slice %arg6[%dma_start3A_28, %dma_start3A_29] : memref<6144x128xf32, #tpu.memory_space<hbm>> -> memref<6144x128xf32, #tpu.memory_space<hbm>>
    tpu.enqueue_indirect_dma source(%arg9 : memref<64x128xf32, #tpu.memory_space<vmem>>) target(%dma_start3A_30 : memref<6144x128xf32, #tpu.memory_space<hbm>>) offsets(%arg7 : memref<64xi32, #tpu.memory_space<vmem>>) semaphore(%arg11 : memref<!tpu.dma_semaphore, #tpu.memory_space<semaphore_mem>>)
    %dma_wait3A = arith.constant 0 : i32
    %dma_wait3A_31 = arith.constant 0 : i32
    %dma_wait3A_32 = tpu.memref_slice %arg5[%dma_wait3A, %dma_wait3A_31] : memref<6144x1024xf32, #tpu.memory_space<hbm>> -> memref<6144x1024xf32, #tpu.memory_space<hbm>>
    tpu.wait_indirect_dma semaphore(%arg10 : memref<!tpu.dma_semaphore, #tpu.memory_space<semaphore_mem>>) src(%arg8 : memref<64x1024xf32, #tpu.memory_space<vmem>>) dst(%dma_wait3A_32 : memref<6144x1024xf32, #tpu.memory_space<hbm>>)
    %dma_wait3A_33 = arith.constant 0 : i32
    %dma_wait3A_34 = arith.constant 0 : i32
    %dma_wait3A_35 = tpu.memref_slice %arg6[%dma_wait3A_33, %dma_wait3A_34] : memref<6144x128xf32, #tpu.memory_space<hbm>> -> memref<6144x128xf32, #tpu.memory_space<hbm>>
    tpu.wait_indirect_dma semaphore(%arg11 : memref<!tpu.dma_semaphore, #tpu.memory_space<semaphore_mem>>) src(%arg9 : memref<64x128xf32, #tpu.memory_space<vmem>>) dst(%dma_wait3A_35 : memref<6144x128xf32, #tpu.memory_space<hbm>>)
    %run_scoped3A_36 = arith.constant 1 : i32
    "tpu.region"() ({
      %run_scoped3A_53 = tpu.sem_alloc : memref<!tpu.dma_semaphore, #tpu.memory_space<semaphore_mem>>
      %dma_start3A_54 = arith.constant 0 : i32
      %dma_start3A_55 = tpu.memref_slice %arg3[%add3A, %run_scoped3A_36, %dma_start3A_54] : memref<32x2x64xi32, #tpu.memory_space<hbm>> -> memref<1x1x64xi32, #tpu.memory_space<hbm>>
      %dma_start3A_56 = tpu.memref_squeeze %dma_start3A_55 : memref<1x1x64xi32, #tpu.memory_space<hbm>> -> memref<64xi32, #tpu.memory_space<hbm>>
      %dma_start3A_57 = arith.constant 0 : i32
      %dma_start3A_58 = tpu.memref_slice %arg3[%add3A, %run_scoped3A_36, %dma_start3A_57] : memref<32x2x64xi32, #tpu.memory_space<hbm>> -> memref<1x1x64xi32, #tpu.memory_space<hbm>>
      %dma_start3A_59 = tpu.memref_squeeze %dma_start3A_58 : memref<1x1x64xi32, #tpu.memory_space<hbm>> -> memref<64xi32, #tpu.memory_space<hbm>>
      tpu.enqueue_dma source(%dma_start3A_59 : memref<64xi32, #tpu.memory_space<hbm>>) target(%arg7 : memref<64xi32, #tpu.memory_space<vmem>>) target_semaphore(%run_scoped3A_53 : memref<!tpu.dma_semaphore, #tpu.memory_space<semaphore_mem>>)
      %dma_wait3A_60 = arith.constant 0 : i32
      %dma_wait3A_61 = tpu.memref_slice %arg3[%add3A, %run_scoped3A_36, %dma_wait3A_60] : memref<32x2x64xi32, #tpu.memory_space<hbm>> -> memref<1x1x64xi32, #tpu.memory_space<hbm>>
      %dma_wait3A_62 = tpu.memref_squeeze %dma_wait3A_61 : memref<1x1x64xi32, #tpu.memory_space<hbm>> -> memref<64xi32, #tpu.memory_space<hbm>>
      %dma_wait3A_63 = arith.constant 0 : i32
      %dma_wait3A_64 = tpu.memref_slice %arg3[%add3A, %run_scoped3A_36, %dma_wait3A_63] : memref<32x2x64xi32, #tpu.memory_space<hbm>> -> memref<1x1x64xi32, #tpu.memory_space<hbm>>
      %dma_wait3A_65 = tpu.memref_squeeze %dma_wait3A_64 : memref<1x1x64xi32, #tpu.memory_space<hbm>> -> memref<64xi32, #tpu.memory_space<hbm>>
      tpu.wait_dma2 semaphore(%run_scoped3A_53 : memref<!tpu.dma_semaphore, #tpu.memory_space<semaphore_mem>>) src(%dma_wait3A_65 : memref<64xi32, #tpu.memory_space<hbm>>) dst(%arg7 : memref<64xi32, #tpu.memory_space<vmem>>)
      tpu.yield
    }) : () -> ()
    %add3A_37 = arith.constant 64 : i32
    %add3A_38 = arith.addi %sub3A_21, %add3A_37 : i32
    "tpu.region"() ({
      %run_scoped3A_53 = tpu.sem_alloc : memref<!tpu.dma_semaphore, #tpu.memory_space<semaphore_mem>>
      %dma_start3A_54 = arith.constant 0 : i32
      %dma_start3A_55 = tpu.memref_slice %arg2[%add3A_38, %dma_start3A_54] : memref<2048x1024xf32, #tpu.memory_space<hbm>> -> memref<64x1024xf32, #tpu.memory_space<hbm>>
      %dma_start3A_56 = arith.constant 0 : i32
      %dma_start3A_57 = tpu.memref_slice %arg2[%add3A_38, %dma_start3A_56] : memref<2048x1024xf32, #tpu.memory_space<hbm>> -> memref<64x1024xf32, #tpu.memory_space<hbm>>
      tpu.enqueue_dma source(%dma_start3A_57 : memref<64x1024xf32, #tpu.memory_space<hbm>>) target(%arg8 : memref<64x1024xf32, #tpu.memory_space<vmem>>) target_semaphore(%run_scoped3A_53 : memref<!tpu.dma_semaphore, #tpu.memory_space<semaphore_mem>>)
      %dma_wait3A_58 = arith.constant 0 : i32
      %dma_wait3A_59 = tpu.memref_slice %arg2[%add3A_38, %dma_wait3A_58] : memref<2048x1024xf32, #tpu.memory_space<hbm>> -> memref<64x1024xf32, #tpu.memory_space<hbm>>
      %dma_wait3A_60 = arith.constant 0 : i32
      %dma_wait3A_61 = tpu.memref_slice %arg2[%add3A_38, %dma_wait3A_60] : memref<2048x1024xf32, #tpu.memory_space<hbm>> -> memref<64x1024xf32, #tpu.memory_space<hbm>>
      tpu.wait_dma2 semaphore(%run_scoped3A_53 : memref<!tpu.dma_semaphore, #tpu.memory_space<semaphore_mem>>) src(%dma_wait3A_61 : memref<64x1024xf32, #tpu.memory_space<hbm>>) dst(%arg8 : memref<64x1024xf32, #tpu.memory_space<vmem>>)
      tpu.yield
    }) : () -> ()
    %add3A_39 = arith.constant 64 : i32
    %add3A_40 = arith.addi %mul3A_2, %add3A_39 : i32
    "tpu.region"() ({
      %run_scoped3A_53 = tpu.sem_alloc : memref<!tpu.dma_semaphore, #tpu.memory_space<semaphore_mem>>
      %dma_start3A_54 = arith.constant 0 : i32
      %dma_start3A_55 = tpu.memref_slice %arg4[%add3A_40, %dma_start3A_54] : memref<4096x128xf32, #tpu.memory_space<hbm>> -> memref<64x128xf32, #tpu.memory_space<hbm>>
      %dma_start3A_56 = arith.constant 0 : i32
      %dma_start3A_57 = tpu.memref_slice %arg4[%add3A_40, %dma_start3A_56] : memref<4096x128xf32, #tpu.memory_space<hbm>> -> memref<64x128xf32, #tpu.memory_space<hbm>>
      tpu.enqueue_dma source(%dma_start3A_57 : memref<64x128xf32, #tpu.memory_space<hbm>>) target(%arg9 : memref<64x128xf32, #tpu.memory_space<vmem>>) target_semaphore(%run_scoped3A_53 : memref<!tpu.dma_semaphore, #tpu.memory_space<semaphore_mem>>)
      %dma_wait3A_58 = arith.constant 0 : i32
      %dma_wait3A_59 = tpu.memref_slice %arg4[%add3A_40, %dma_wait3A_58] : memref<4096x128xf32, #tpu.memory_space<hbm>> -> memref<64x128xf32, #tpu.memory_space<hbm>>
      %dma_wait3A_60 = arith.constant 0 : i32
      %dma_wait3A_61 = tpu.memref_slice %arg4[%add3A_40, %dma_wait3A_60] : memref<4096x128xf32, #tpu.memory_space<hbm>> -> memref<64x128xf32, #tpu.memory_space<hbm>>
      tpu.wait_dma2 semaphore(%run_scoped3A_53 : memref<!tpu.dma_semaphore, #tpu.memory_space<semaphore_mem>>) src(%dma_wait3A_61 : memref<64x128xf32, #tpu.memory_space<hbm>>) dst(%arg9 : memref<64x128xf32, #tpu.memory_space<vmem>>)
      tpu.yield
    }) : () -> ()
    %dma_start3A_41 = arith.constant 0 : i32
    %dma_start3A_42 = arith.constant 0 : i32
    %dma_start3A_43 = tpu.memref_slice %arg5[%dma_start3A_41, %dma_start3A_42] : memref<6144x1024xf32, #tpu.memory_space<hbm>> -> memref<6144x1024xf32, #tpu.memory_space<hbm>>
    tpu.enqueue_indirect_dma source(%arg8 : memref<64x1024xf32, #tpu.memory_space<vmem>>) target(%dma_start3A_43 : memref<6144x1024xf32, #tpu.memory_space<hbm>>) offsets(%arg7 : memref<64xi32, #tpu.memory_space<vmem>>) semaphore(%arg10 : memref<!tpu.dma_semaphore, #tpu.memory_space<semaphore_mem>>)
    %dma_start3A_44 = arith.constant 0 : i32
    %dma_start3A_45 = arith.constant 0 : i32
    %dma_start3A_46 = tpu.memref_slice %arg6[%dma_start3A_44, %dma_start3A_45] : memref<6144x128xf32, #tpu.memory_space<hbm>> -> memref<6144x128xf32, #tpu.memory_space<hbm>>
    tpu.enqueue_indirect_dma source(%arg9 : memref<64x128xf32, #tpu.memory_space<vmem>>) target(%dma_start3A_46 : memref<6144x128xf32, #tpu.memory_space<hbm>>) offsets(%arg7 : memref<64xi32, #tpu.memory_space<vmem>>) semaphore(%arg11 : memref<!tpu.dma_semaphore, #tpu.memory_space<semaphore_mem>>)
    %dma_wait3A_47 = arith.constant 0 : i32
    %dma_wait3A_48 = arith.constant 0 : i32
    %dma_wait3A_49 = tpu.memref_slice %arg5[%dma_wait3A_47, %dma_wait3A_48] : memref<6144x1024xf32, #tpu.memory_space<hbm>> -> memref<6144x1024xf32, #tpu.memory_space<hbm>>
    tpu.wait_indirect_dma semaphore(%arg10 : memref<!tpu.dma_semaphore, #tpu.memory_space<semaphore_mem>>) src(%arg8 : memref<64x1024xf32, #tpu.memory_space<vmem>>) dst(%dma_wait3A_49 : memref<6144x1024xf32, #tpu.memory_space<hbm>>)
    %dma_wait3A_50 = arith.constant 0 : i32
    %dma_wait3A_51 = arith.constant 0 : i32
    %dma_wait3A_52 = tpu.memref_slice %arg6[%dma_wait3A_50, %dma_wait3A_51] : memref<6144x128xf32, #tpu.memory_space<hbm>> -> memref<6144x128xf32, #tpu.memory_space<hbm>>
    tpu.wait_indirect_dma semaphore(%arg11 : memref<!tpu.dma_semaphore, #tpu.memory_space<semaphore_mem>>) src(%arg9 : memref<64x128xf32, #tpu.memory_space<vmem>>) dst(%dma_wait3A_52 : memref<6144x128xf32, #tpu.memory_space<hbm>>)
    return
  }
}

module attributes {stable_mosaic.version = 14 : i64} {
  func.func @_router_body(%arg0: i32, %arg1: memref<8x1024xf32, #tpu.memory_space<vmem>>, %arg2: memref<256x1024xf32, #tpu.memory_space<vmem>>, %arg3: memref<8x256xf32, #tpu.memory_space<vmem>>, %arg4: memref<2x256xi32, #tpu.memory_space<vmem>>, %arg5: memref<2x256x128xf32, #tpu.memory_space<vmem>>) attributes {dimension_semantics = [#tpu.dimension_semantics<arbitrary>], iteration_bounds = array<i64: 8>, scalar_prefetch = 0 : i64, scratch_operands = 0 : i64, tpu.core_type = #tpu.core_type<tc>, window_params = [{pipeline_mode = #tpu.pipeline_mode<synchronous>, transform_indices = @transform_0, window_bounds = array<i64: 8, 1024>}, {transform_indices = @transform_1, window_bounds = array<i64: 256, 1024>}, {transform_indices = @transform_2, window_bounds = array<i64: 8, 256>}, {transform_indices = @transform_3, window_bounds = array<i64: 2, 256>}, {transform_indices = @transform_4, window_bounds = array<i64: 2, 256, 128>}]} {
    %get3A = arith.constant 0 : index
    %get3A_0 = arith.constant 0 : index
    %get3A_1 = vector.load %arg2[%get3A, %get3A_0] : memref<256x1024xf32, #tpu.memory_space<vmem>>, vector<256x1024xf32>
    %get3A_2 = arith.constant 0 : index
    %get3A_3 = arith.constant 0 : index
    %get3A_4 = vector.load %arg1[%get3A_2, %get3A_3] : memref<8x1024xf32, #tpu.memory_space<vmem>>, vector<8x1024xf32>
    %dot_general3A = arith.constant dense<0.000000e+00> : vector<8x256xf32>
    %dot_general3A_5 = tpu.matmul %get3A_4, %get3A_1, %dot_general3A {dimension_numbers = #tpu.dot_dimension_numbers<[1], [1], [0], [0], [0, 0, 1, 0], [], []>, transpose_lhs_hint = false} : vector<8x1024xf32>, vector<256x1024xf32>, vector<8x256xf32> -> vector<8x256xf32>
    %iota3A = tpu.iota {dimensions = array<i32: 0>} : vector<8x256xi32>
    %reduce_max3A = arith.constant dense<0xFF800000> : vector<256xf32>
    %reduce_max3A_6 = vector.multi_reduction <maximumf>, %dot_general3A_5, %reduce_max3A [0] : vector<8x256xf32> to vector<256xf32>
    %broadcast_in_dim3A = vector.shape_cast %reduce_max3A_6 : vector<256xf32> to vector<1x256xf32>
    %eq3A = vector.broadcast %broadcast_in_dim3A : vector<1x256xf32> to vector<8x256xf32>
    %eq3A_7 = arith.cmpf oeq, %dot_general3A_5, %eq3A : vector<8x256xf32>
    %jit3A = arith.constant 8 : i32
    %broadcast_in_dim3A_8 = vector.broadcast %jit3A : i32 to vector<8x256xi32>
    %select_n3A = arith.select %eq3A_7, %iota3A, %broadcast_in_dim3A_8 : vector<8x256xi1>, vector<8x256xi32>
    %reduce_min3A = arith.constant dense<2147483647> : vector<256xi32>
    %reduce_min3A_9 = vector.multi_reduction <minsi>, %select_n3A, %reduce_min3A [0] : vector<8x256xi32> to vector<256xi32>
    %broadcast_in_dim3A_10 = vector.shape_cast %reduce_min3A_9 : vector<256xi32> to vector<1x256xi32>
    %eq3A_11 = vector.broadcast %broadcast_in_dim3A_10 : vector<1x256xi32> to vector<8x256xi32>
    %eq3A_12 = arith.cmpi eq, %iota3A, %eq3A_11 : vector<8x256xi32>
    %jit3A_13 = arith.constant -1.000000e+30 : f32
    %broadcast_in_dim3A_14 = vector.broadcast %jit3A_13 : f32 to vector<8x256xf32>
    %select_n3A_15 = arith.select %eq3A_12, %broadcast_in_dim3A_14, %dot_general3A_5 : vector<8x256xi1>, vector<8x256xf32>
    %reduce_max3A_16 = arith.constant dense<0xFF800000> : vector<256xf32>
    %reduce_max3A_17 = vector.multi_reduction <maximumf>, %select_n3A_15, %reduce_max3A_16 [0] : vector<8x256xf32> to vector<256xf32>
    %broadcast_in_dim3A_18 = vector.shape_cast %reduce_max3A_17 : vector<256xf32> to vector<1x256xf32>
    %eq3A_19 = vector.broadcast %broadcast_in_dim3A_18 : vector<1x256xf32> to vector<8x256xf32>
    %eq3A_20 = arith.cmpf oeq, %select_n3A_15, %eq3A_19 : vector<8x256xf32>
    %jit3A_21 = arith.constant 8 : i32
    %broadcast_in_dim3A_22 = vector.broadcast %jit3A_21 : i32 to vector<8x256xi32>
    %select_n3A_23 = arith.select %eq3A_20, %iota3A, %broadcast_in_dim3A_22 : vector<8x256xi1>, vector<8x256xi32>
    %reduce_min3A_24 = arith.constant dense<2147483647> : vector<256xi32>
    %reduce_min3A_25 = vector.multi_reduction <minsi>, %select_n3A_23, %reduce_min3A_24 [0] : vector<8x256xi32> to vector<256xi32>
    %broadcast_in_dim3A_26 = vector.shape_cast %reduce_min3A_25 : vector<256xi32> to vector<1x256xi32>
    %sub3A = arith.subf %broadcast_in_dim3A_18, %broadcast_in_dim3A : vector<1x256xf32>
    %exp3A = math.exp %sub3A : vector<1x256xf32>
    %add3A = arith.constant 1.000000e+00 : f32
    %add3A_27 = vector.broadcast %add3A : f32 to vector<1x256xf32>
    %add3A_28 = arith.addf %add3A_27, %exp3A : vector<1x256xf32>
    %swap3A = arith.constant 0 : index
    %swap3A_29 = arith.constant 0 : index
    %swap3A_30 = vector.load %arg3[%swap3A, %swap3A_29] : memref<8x256xf32, #tpu.memory_space<vmem>>, vector<8x256xf32>
    tpu.vector_store %arg3[%swap3A, %swap3A_29], %dot_general3A_5 {strides = array<i32>} : memref<8x256xf32, #tpu.memory_space<vmem>>, vector<8x256xf32>,
    %concatenate3A = tpu.concatenate %broadcast_in_dim3A_10, %broadcast_in_dim3A_26 in 0 : vector<1x256xi32>, vector<1x256xi32> -> vector<2x256xi32>
    %swap3A_31 = arith.constant 0 : index
    %swap3A_32 = arith.constant 0 : index
    %swap3A_33 = vector.load %arg4[%swap3A_31, %swap3A_32] : memref<2x256xi32, #tpu.memory_space<vmem>>, vector<2x256xi32>
    tpu.vector_store %arg4[%swap3A_31, %swap3A_32], %concatenate3A {strides = array<i32>} : memref<2x256xi32, #tpu.memory_space<vmem>>, vector<2x256xi32>,
    %div3A = arith.constant 1.000000e+00 : f32
    %div3A_34 = vector.broadcast %div3A : f32 to vector<1x256xf32>
    %div3A_35 = arith.divf %div3A_34, %add3A_28 : vector<1x256xf32>
    %div3A_36 = arith.divf %exp3A, %add3A_28 : vector<1x256xf32>
    %concatenate3A_37 = tpu.concatenate %div3A_35, %div3A_36 in 0 : vector<1x256xf32>, vector<1x256xf32> -> vector<2x256xf32>
    %broadcast_in_dim3A_38 = vector.shape_cast %concatenate3A_37 : vector<2x256xf32> to vector<2x256x1xf32>
    %broadcast_in_dim3A_39 = vector.shape_cast %broadcast_in_dim3A_38 : vector<2x256x1xf32> to vector<2x256x1xf32>
    %broadcast_in_dim3A_40 = vector.broadcast %broadcast_in_dim3A_39 : vector<2x256x1xf32> to vector<2x256x128xf32>
    %swap3A_41 = arith.constant 0 : index
    %swap3A_42 = arith.constant 0 : index
    %swap3A_43 = arith.constant 0 : index
    %swap3A_44 = vector.load %arg5[%swap3A_41, %swap3A_42, %swap3A_43] : memref<2x256x128xf32, #tpu.memory_space<vmem>>, vector<2x256x128xf32>
    tpu.vector_store %arg5[%swap3A_41, %swap3A_42, %swap3A_43], %broadcast_in_dim3A_40 {strides = array<i32>} : memref<2x256x128xf32, #tpu.memory_space<vmem>>, vector<2x256x128xf32>,
    return
  }
  func.func @transform_0(%arg0: i32) -> (i32, i32) {
    %c0_i32 = arith.constant 0 : i32
    %c0_i32_0 = arith.constant 0 : i32
    %c0_i32_1 = arith.constant 0 : i32
    return %c0_i32, %c0_i32_0 : i32, i32
  }
  func.func @transform_1(%arg0: i32) -> (i32, i32) {
    %c0_i32 = arith.constant 0 : i32
    %c0_i32_0 = arith.constant 0 : i32
    return %arg0, %c0_i32 : i32, i32
  }
  func.func @transform_2(%arg0: i32) -> (i32, i32) {
    %c0_i32 = arith.constant 0 : i32
    %c0_i32_0 = arith.constant 0 : i32
    return %c0_i32, %arg0 : i32, i32
  }
  func.func @transform_3(%arg0: i32) -> (i32, i32) {
    %c0_i32 = arith.constant 0 : i32
    %c0_i32_0 = arith.constant 0 : i32
    return %c0_i32, %arg0 : i32, i32
  }
  func.func @transform_4(%arg0: i32) -> (i32, i32, i32) {
    %c0_i32 = arith.constant 0 : i32
    %c0_i32_0 = arith.constant 0 : i32
    %c0_i32_1 = arith.constant 0 : i32
    return %c0_i32, %arg0, %c0_i32_0 : i32, i32, i32
  }
}

module attributes {stable_mosaic.version = 14 : i64} {
  func.func @_expert_body(%arg0: i32, %arg1: memref<24xi32, #tpu.memory_space<smem>>, %arg2: memref<24xi32, #tpu.memory_space<smem>>, %arg3: memref<256x1024xf32, #tpu.memory_space<vmem>>, %arg4: memref<1x2x1024x1024xf32, #tpu.memory_space<vmem>>, %arg5: memref<1x1024x1024xf32, #tpu.memory_space<vmem>>, %arg6: memref<256x128xf32, #tpu.memory_space<vmem>>, %arg7: memref<256x1024xf32, #tpu.memory_space<vmem>>) attributes {dimension_semantics = [#tpu.dimension_semantics<arbitrary>], iteration_bounds = array<i64: 24>, scalar_prefetch = 2 : i64, scratch_operands = 0 : i64, tpu.core_type = #tpu.core_type<tc>, window_params = [{transform_indices = @transform_0, window_bounds = array<i64: 256, 1024>}, {transform_indices = @transform_1, window_bounds = array<i64: 1, 2, 1024, 1024>}, {transform_indices = @transform_2, window_bounds = array<i64: 1, 1024, 1024>}, {transform_indices = @transform_3, window_bounds = array<i64: 256, 128>}, {transform_indices = @transform_4, window_bounds = array<i64: 256, 1024>}]} {
    %get3A = arith.index_cast %arg0 : i32 to index
    %get3A_0 = memref.load %arg2[%get3A] : memref<24xi32, #tpu.memory_space<smem>>
    %eq3A = arith.constant 1 : i32
    %eq3A_1 = arith.cmpi eq, %get3A_0, %eq3A : i32
    %convert_element_type3A = arith.extui %eq3A_1 : i1 to i32
    %cond3A = arith.constant 0 : i32
    %cond3A_2 = arith.cmpi ne, %convert_element_type3A, %cond3A : i32
    scf.if %cond3A_2 {
      %get3A_10 = arith.constant 0 : index
      %get3A_11 = arith.constant 0 : index
      %get3A_12 = vector.load %arg3[%get3A_10, %get3A_11] : memref<256x1024xf32, #tpu.memory_space<vmem>>, vector<256x1024xf32>
      %get3A_13 = arith.constant 0 : index
      %get3A_14 = arith.constant 0 : index
      %get3A_15 = arith.constant 0 : index
      %get3A_16 = arith.constant 0 : index
      %get3A_17 = vector.load %arg4[%get3A_13, %get3A_14, %get3A_15, %get3A_16] : memref<1x2x1024x1024xf32, #tpu.memory_space<vmem>>, vector<1x1x1024x1024xf32>
      %get3A_18 = vector.shape_cast %get3A_17 : vector<1x1x1024x1024xf32> to vector<1024x1024xf32>
      %dot_general3A = arith.constant dense<0.000000e+00> : vector<256x1024xf32>
      %dot_general3A_19 = tpu.matmul %get3A_12, %get3A_18, %dot_general3A {dimension_numbers = #tpu.dot_dimension_numbers<[1], [1], [0], [0], [0, 0, 1, 0], [], []>, transpose_lhs_hint = false} : vector<256x1024xf32>, vector<1024x1024xf32>, vector<256x1024xf32> -> vector<256x1024xf32>
      %get3A_20 = arith.constant 0 : index
      %get3A_21 = arith.constant 1 : index
      %get3A_22 = arith.constant 0 : index
      %get3A_23 = arith.constant 0 : index
      %get3A_24 = vector.load %arg4[%get3A_20, %get3A_21, %get3A_22, %get3A_23] : memref<1x2x1024x1024xf32, #tpu.memory_space<vmem>>, vector<1x1x1024x1024xf32>
      %get3A_25 = vector.shape_cast %get3A_24 : vector<1x1x1024x1024xf32> to vector<1024x1024xf32>
      %dot_general3A_26 = arith.constant dense<0.000000e+00> : vector<256x1024xf32>
      %dot_general3A_27 = tpu.matmul %get3A_12, %get3A_25, %dot_general3A_26 {dimension_numbers = #tpu.dot_dimension_numbers<[1], [1], [0], [0], [0, 0, 1, 0], [], []>, transpose_lhs_hint = false} : vector<256x1024xf32>, vector<1024x1024xf32>, vector<256x1024xf32> -> vector<256x1024xf32>
      %logistic3A = arith.negf %dot_general3A_19 : vector<256x1024xf32>
      %logistic3A_28 = math.exp %logistic3A : vector<256x1024xf32>
      %logistic3A_29 = arith.constant 1.000000e+00 : f32
      %logistic3A_30 = vector.broadcast %logistic3A_29 : f32 to vector<256x1024xf32>
      %logistic3A_31 = arith.addf %logistic3A_30, %logistic3A_28 : vector<256x1024xf32>
      %logistic3A_32 = arith.divf %logistic3A_30, %logistic3A_31 : vector<256x1024xf32>
      %mul3A = arith.mulf %dot_general3A_19, %logistic3A_32 : vector<256x1024xf32>
      %mul3A_33 = arith.mulf %mul3A, %dot_general3A_27 : vector<256x1024xf32>
      %get3A_34 = arith.constant 0 : index
      %get3A_35 = arith.constant 0 : index
      %get3A_36 = arith.constant 0 : index
      %get3A_37 = vector.load %arg5[%get3A_34, %get3A_35, %get3A_36] : memref<1x1024x1024xf32, #tpu.memory_space<vmem>>, vector<1x1024x1024xf32>
      %get3A_38 = vector.shape_cast %get3A_37 : vector<1x1024x1024xf32> to vector<1024x1024xf32>
      %dot_general3A_39 = arith.constant dense<0.000000e+00> : vector<256x1024xf32>
      %dot_general3A_40 = tpu.matmul %mul3A_33, %get3A_38, %dot_general3A_39 {dimension_numbers = #tpu.dot_dimension_numbers<[1], [1], [0], [0], [0, 0, 1, 0], [], []>, transpose_lhs_hint = false} : vector<256x1024xf32>, vector<1024x1024xf32>, vector<256x1024xf32> -> vector<256x1024xf32>
      %get3A_41 = arith.constant 0 : index
      %get3A_42 = arith.constant 0 : index
      %get3A_43 = vector.load %arg6[%get3A_41, %get3A_42] : memref<256x128xf32, #tpu.memory_space<vmem>>, vector<256x1xf32>
      %mul3A_44 = vector.broadcast %get3A_43 : vector<256x1xf32> to vector<256x1024xf32>
      %mul3A_45 = arith.mulf %mul3A_44, %dot_general3A_40 : vector<256x1024xf32>
      %swap3A = arith.constant 0 : index
      %swap3A_46 = arith.constant 0 : index
      %swap3A_47 = vector.load %arg7[%swap3A, %swap3A_46] : memref<256x1024xf32, #tpu.memory_space<vmem>>, vector<256x1024xf32>
      tpu.vector_store %arg7[%swap3A, %swap3A_46], %mul3A_45 {strides = array<i32>} : memref<256x1024xf32, #tpu.memory_space<vmem>>, vector<256x1024xf32>,
    } else {
    }
    %get3A_3 = arith.index_cast %arg0 : i32 to index
    %get3A_4 = memref.load %arg2[%get3A_3] : memref<24xi32, #tpu.memory_space<smem>>
    %eq3A_5 = arith.constant 0 : i32
    %eq3A_6 = arith.cmpi eq, %get3A_4, %eq3A_5 : i32
    %convert_element_type3A_7 = arith.extui %eq3A_6 : i1 to i32
    %cond3A_8 = arith.constant 0 : i32
    %cond3A_9 = arith.cmpi ne, %convert_element_type3A_7, %cond3A_8 : i32
    scf.if %cond3A_9 {
      %broadcast_in_dim3A = arith.constant 0.000000e+00 : f32
      %broadcast_in_dim3A_10 = vector.broadcast %broadcast_in_dim3A : f32 to vector<256x1024xf32>
      %swap3A = arith.constant 0 : index
      %swap3A_11 = arith.constant 0 : index
      %swap3A_12 = vector.load %arg7[%swap3A, %swap3A_11] : memref<256x1024xf32, #tpu.memory_space<vmem>>, vector<256x1024xf32>
      tpu.vector_store %arg7[%swap3A, %swap3A_11], %broadcast_in_dim3A_10 {strides = array<i32>} : memref<256x1024xf32, #tpu.memory_space<vmem>>, vector<256x1024xf32>,
    } else {
    }
    return
  }
  func.func @transform_0(%arg0: i32, %arg1: memref<24xi32, #tpu.memory_space<smem>>, %arg2: memref<24xi32, #tpu.memory_space<smem>>) -> (i32, i32) {
    %c0_i32 = arith.constant 0 : i32
    %c0_i32_0 = arith.constant 0 : i32
    return %arg0, %c0_i32 : i32, i32
  }
  func.func @transform_1(%arg0: i32, %arg1: memref<24xi32, #tpu.memory_space<smem>>, %arg2: memref<24xi32, #tpu.memory_space<smem>>) -> (i32, i32, i32, i32) {
    %get3A = arith.index_cast %arg0 : i32 to index
    %get3A_0 = memref.load %arg1[%get3A] : memref<24xi32, #tpu.memory_space<smem>>
    %c0_i32 = arith.constant 0 : i32
    %c0_i32_1 = arith.constant 0 : i32
    %c0_i32_2 = arith.constant 0 : i32
    %c0_i32_3 = arith.constant 0 : i32
    return %get3A_0, %c0_i32, %c0_i32_1, %c0_i32_2 : i32, i32, i32, i32
  }
  func.func @transform_2(%arg0: i32, %arg1: memref<24xi32, #tpu.memory_space<smem>>, %arg2: memref<24xi32, #tpu.memory_space<smem>>) -> (i32, i32, i32) {
    %get3A = arith.index_cast %arg0 : i32 to index
    %get3A_0 = memref.load %arg1[%get3A] : memref<24xi32, #tpu.memory_space<smem>>
    %c0_i32 = arith.constant 0 : i32
    %c0_i32_1 = arith.constant 0 : i32
    %c0_i32_2 = arith.constant 0 : i32
    return %get3A_0, %c0_i32, %c0_i32_1 : i32, i32, i32
  }
  func.func @transform_3(%arg0: i32, %arg1: memref<24xi32, #tpu.memory_space<smem>>, %arg2: memref<24xi32, #tpu.memory_space<smem>>) -> (i32, i32) {
    %c0_i32 = arith.constant 0 : i32
    %c0_i32_0 = arith.constant 0 : i32
    return %arg0, %c0_i32 : i32, i32
  }
  func.func @transform_4(%arg0: i32, %arg1: memref<24xi32, #tpu.memory_space<smem>>, %arg2: memref<24xi32, #tpu.memory_space<smem>>) -> (i32, i32) {
    %c0_i32 = arith.constant 0 : i32
    %c0_i32_0 = arith.constant 0 : i32
    return %arg0, %c0_i32 : i32, i32
  }
}

</mosaic_0001>

<sc_bundles>
// kernel: kernel.6.cloned.1.call-start
scs
__scs_entry_jumppad:
0x0: {  	(pc) =	sbr.rel $0x88, $3  }
0x1: {  	(tag) =	ssettag $0x0;
	lr =	simm.s32 $0x1  }
0x2: {  	[smem:$0x3F9D] =	sst lr;
	_ =	strace $0xD0000000  }
0x3: {  	_ = 	snop  }
0x4: {  	_ = 	snop  }
0x5: {  	_ = 	snop  }
0x6: {  	_ = 	snop  }
0x7: {  	_ = 	snop  }
__scs_overlays_trampoline_lowered:
0x8: {  	[smem:$0x3FAC] =	sst s0  }
0x9: {  	[smem:$0x3FAD] =	sst s1  }
0xa: {  	[smem:$0x3FAE] =	sst s2  }
0xb: {  	[smem:$0x3FAF] =	sst s3  }
0xc: {  	[smem:$0x3FB0] =	sst s4  }
0xd: {  	[smem:$0x3FB1] =	sst s5  }
0xe: {  	[smem:$0x3FB2] =	sst s6  }
0xf: {  	[smem:$0x3FB3] =	sst s7  }
0x10: {  	[smem:$0x3FB4] =	sst s8  }
0x11: {  	[smem:$0x3FB5] =	sst s9;
	s0 =	simm.s32 @!p0 $0x0  }
0x12: {  	s1 =	sld [smem:$0x3F9B];
	s0 =	simm.s32 @p0 $0x1  }
0x13: {  	[smem:$0x3FB6] =	sst s0;
	s0 =	simm.s32 @!p1 $0x0  }
0x14: {  	s2 =	sld [smem:$0x3F9A];
	s0 =	simm.s32 @p1 $0x1  }
0x15: {  	[smem:$0x3FB7] =	sst s0;
	s0 =	simm.s32 @!p2 $0x0  }
0x16: {  	s3 =	sld [smem:$0x3FDB];
	s0 =	simm.s32 @p2 $0x1  }
0x17: {  	s4 =	simm.s32 $0x1BF5;
	[smem:$0x3FB9] =	sst s0  }
0x18: {  	s0 =	sld [smem:$0x3F9C];
	_ =	swait.ge [sflag:s4], $0x0  }
0x19: {  	s7 =	sld [smem:$0x3F9D]  }
0x1a: {  	s8 =	sadd.s32 $0xFFFFE003, lr  }
0x1b: {  	s9 =	sadd.s32 $0xFFFFFEF7, lr;
	s5 =	simm.s32 $0xFFFFFFFF;
	p2 =	slt.u32 s8, $0xFFFFF086  }
0x1c: {  	p1 =	slt.u32 s9, $0xF7A;
	s5 =	simm.s32 @!p2 $0x0  }
0x1d: {  	s5 =	simm.s32 @p1 $0x1;
	p0 =	seq.s32 s7, s2  }
0x1e: {  	s7 =	smul.u32 @!p0 $0xF7A, s2;
	p2 =	seq.s32 @!p0 s5, $0x0  }
0x1f: {  	s9 =	smul.u32 $0xF7A, s1;
	s8 =	simm.s32 @!p0 $0x1BF5;
	p2 =	por !p2, p0  }
0x20: {  	[sflag:s8] =	ssyncset.s32 @!p0 $0xFFFFF086;
	s6 =	sadd.s32 @!p0 s3, s7;
	s7 =	simm.s32 @!p0 $0x108  }
0x21: {  	s3 =	sadd.s32 s3, s9;
	s6 =	sadd.s32 @!p0 $0x88, s6;
	s7 =	simm.s32 @p2 $0x1082  }
0x22: {  	[simem:s7], [sflag:s8] =	dma.local @!p0 [hbm:s6], $0xF7A  }
0x23: {  	s9 =	sor.u32 $0xD0000000, s2;
	s6 =	simm.s32 $0x108;
	_ =	swait.ge @!p0 [sflag:s8], $0x0  }
0x24: {  	s3 =	sadd.s32 $0x88, s3;
	s6 =	simm.s32 @!p1 $0x1082;
	[sflag:s4] =	ssyncset.s32 $0xFFFFF086  }
0x25: {  	[simem:s6], [sflag:s4] =	dma.local [hbm:s3], $0xF7A  }
0x26: {  	[smem:$0x3F9D] =	sst s1;
	(tag) =	ssettag s2;
	_ =	strace s9  }
0x27: {  	s1 =	sld [smem:$0x3FAD]  }
0x28: {  	s2 =	sld [smem:$0x3FAE]  }
0x29: {  	s4 =	sld [smem:$0x3FB0]  }
0x2a: {  	p0 =	seq.s32 s5, $0x0;
	s5 =	sld [smem:$0x3FB1]  }
0x2b: {  	s6 =	sld [smem:$0x3FB2]  }
0x2c: {  	s7 =	sld [smem:$0x3FB3]  }
0x2d: {  	s3 =	simm.s32 $0x108;
	s8 =	sld [smem:$0x3FB4]  }
0x2e: {  	s3 =	simm.s32 @!p0 $0x1082;
	s9 =	sld [smem:$0x3FB5]  }
0x2f: {  	lr =	sadd.s32 s0, s3;
	s0 =	sld [smem:$0x3FAC]  }
0x30: {  	s3 =	sld [smem:$0x3FAF]  }
0x31: {  	[smem:$0x3FB8] =	sst s10  }
0x32: {  	s10 =	sld [smem:$0x3FB6];
	_ =	sdelay $0x3  }
0x33: {  	p0 =	seq.s32 s10, $0x1;
	s10 =	sld [smem:$0x3FB8];
	_ =	sdelay $0x3  }
0x34: {  	[smem:$0x3FB8] =	sst s10  }
0x35: {  	s10 =	sld [smem:$0x3FB7];
	_ =	sdelay $0x3  }
0x36: {  	p1 =	seq.s32 s10, $0x1;
	s10 =	sld [smem:$0x3FB8];
	_ =	sdelay $0x3  }
0x37: {  	[smem:$0x3FB8] =	sst s10  }
0x38: {  	s10 =	sld [smem:$0x3FB9]  }
0x39: {  	_ = 	snop;
	(pc) =	sbr.ind lr, $3  }
0x3a: {  	_ = 	snop  }
0x3b: {  	_ = 	snop  }
0x3c: {  	p2 =	seq.s32 s10, $0x1;
	s10 =	sld [smem:$0x3FB8]  }
0x3d: {  	_ =	shalt  }
0x3e: {  	_ =	shalt  }
0x3f: {  	_ =	shalt  }
0x40: {  	_ =	shalt  }
0x41: {  	_ =	shalt  }
0x42: {  	_ =	shalt  }
0x43: {  	_ =	shalt  }
0x44: {  	_ =	shalt  }
0x45: {  	_ =	shalt  }
0x46: {  	_ =	shalt  }
0x47: {  	_ =	shalt  }
0x48: {  	_ =	shalt  }
0x49: {  	_ =	shalt  }
0x4a: {  	_ =	shalt  }
0x4b: {  	_ =	shalt  }
0x4c: {  	_ =	shalt  }
0x4d: {  	_ =	shalt  }
0x4e: {  	_ =	shalt  }
0x4f: {  	_ =	shalt  }
0x50: {  	_ =	shalt  }
0x51: {  	_ =	shalt  }
0x52: {  	_ =	shalt  }
0x53: {  	_ =	shalt  }
0x54: {  	_ =	shalt  }
0x55: {  	_ =	shalt  }
0x56: {  	_ =	shalt  }
0x57: {  	_ =	shalt  }
0x58: {  	_ =	shalt  }
0x59: {  	_ =	shalt  }
0x5a: {  	_ =	shalt  }
0x5b: {  	_ =	shalt  }
0x5c: {  	_ =	shalt  }
0x5d: {  	_ =	shalt  }
0x5e: {  	_ =	shalt  }
0x5f: {  	_ =	shalt  }
0x60: {  	_ =	shalt  }
0x61: {  	_ =	shalt  }
0x62: {  	_ =	shalt  }
0x63: {  	_ =	shalt  }
0x64: {  	_ =	shalt  }
0x65: {  	_ =	shalt  }
0x66: {  	_ =	shalt  }
0x67: {  	_ =	shalt  }
0x68: {  	_ =	shalt  }
0x69: {  	_ =	shalt  }
0x6a: {  	_ =	shalt  }
0x6b: {  	_ =	shalt  }
0x6c: {  	_ =	shalt  }
0x6d: {  	_ =	shalt  }
0x6e: {  	_ =	shalt  }
0x6f: {  	_ =	shalt  }
0x70: {  	_ =	shalt  }
0x71: {  	_ =	shalt  }
0x72: {  	_ =	shalt  }
0x73: {  	_ =	shalt  }
0x74: {  	_ =	shalt  }
0x75: {  	_ =	shalt  }
0x76: {  	_ =	shalt  }
0x77: {  	_ =	shalt  }
0x78: {  	_ =	shalt  }
0x79: {  	_ =	shalt  }
0x7a: {  	_ =	shalt  }
0x7b: {  	_ =	shalt  }
0x7c: {  	_ =	shalt  }
0x7d: {  	_ =	shalt  }
0x7e: {  	_ =	shalt  }
0x7f: {  	_ =	shalt  }
0x80: {  	_ =	shalt  }
0x81: {  	_ =	shalt  }
0x82: {  	_ =	shalt  }
0x83: {  	_ =	shalt  }
0x84: {  	_ =	shalt  }
0x85: {  	_ =	shalt  }
0x86: {  	_ =	shalt  }
0x87: {  	_ =	shalt  }
.Lfunc_end0:
.L_simem_size_0:
called_computation_lowered:
.L_overlay_start_0:
0x88: {  	s2 =	sld [smem:$0x3FD9]  }
0x89: {  	s3 =	sld [smem:$0x3FFE];
	_ =	sdelay $0x1  }
0x8a: {  	s1 =	srdreg.scid  }
0x8b: {  	s0 =	sand.u32 $0x1, s1  }
0x8c: {  	s14 =	sshll.u32 s0, $0xA;
	s2 =	sadd.s32 s3, s2  }
0x8d: {  	s2 =	sadd.s32 s2, s14  }
0x8e: {  	[smem:$0x3FC4] =	sst s2  }
0x8f: {  	_ = 	snop  }
0x90: {  	s2 =	sld [smem:$0x3FD0];
	_ =	sdelay $0x2  }
0x91: {  	s4 =	simm.s32 $0xA;
	s5 =	simm.s32 $0x10;
	s15 =	sld [smem:$0x3FC9]  }
0x92: {  	[smem:s5], [sflag:s4] =	dma.local [hbm:s2], $0x1  }
0x93: {  	_ =	swait.eq [sflag:s4], $0x1  }
0x94: {  	[sflag:s4] =	ssyncset.done $0x0  }
0x95: {  	[sflag:s4] =	ssyncadd.s32 $0xFFFFFFFF  }
0x96: {  	s16 =	sld [smem:$0x10];
	(tm) =	ssettm $0x1  }
0x97: {  	s17 =	sld [smem:$0x3FFB];
	_ =	sdelay $0x3  }
0x98: {  	_ =	strace s17  }
0x99: {  	s4 =	sld [smem:$0x3FFC];
	_ =	sdelay $0x3  }
0x9a: {  	_ =	strace s4  }
0x9b: {  	s4 =	sld [smem:$0x3FFD];
	_ =	sdelay $0x3  }
0x9c: {  	_ =	strace s4  }
0x9d: {  	_ =	strace $0x8FFFFFFF  }
0x9e: {  	s18 =	sld [smem:$0x3FDB];
	_ =	sdelay $0x1  }
0x9f: {  	s19 =	simm.s32 $_scs_section_size  }
0xa0: {  	s6 =	simm.s32 $_size__tile_overlayer_lowered;
	s7 =	simm.s32 $_tile_overlayer_lowered  }
0xa1: {  	s22 =	simm.s32 $0x1BFF;
	s21 =	sshll.u32 s7, $0x1;
	s4 =	sadd.s32 s19, s18  }
0xa2: {  	s8 =	simm.s32 $0x0;
	s20 =	sshll.u32 s6, $0x1;
	s6 =	sadd.s32 s21, s4  }
0xa3: {  	[timem:s8], [sflag:s22] =	dma.local [hbm:s6], s20  }
0xa4: {  	_ =	swait.ge [sflag:s22], s20  }
0xa5: {  	s5 =	ssub.s32 $0x0, s20;
	[sflag:s22] =	ssyncset.done $0x0  }
0xa6: {  	[sflag:s22] =	ssyncadd.s32 s5;
	_ =	sdelay $0x1  }
0xa7: {  	s23 =	simm.s32 $0x1B8B  }
0xa8: {  	_ =	swait.ge [sflag:s23], $0x1  }
0xa9: {  	[sflag:s23] =	ssyncset.done $0x0  }
0xaa: {  	s25 =	simm.s32 $0x1B8E;
	s24 =	sld [smem:$0x3FFE];
	[sflag:s23] =	ssyncadd.s32 $0xFFFFFFFF  }
0xab: {  	s26 =	simm.s32 $execute0_lowered;
	[smem:$0x3FD2] =	sst s25  }
0xac: {  	s6 =	sshll.u32 s26, $0x1;
	_ =	strace $0x80000046;
	[dreg:$0x1] =	wrdreg $0xFFFFFFFF  }
0xad: {  	s28 =	simm.s32 $_size_execute0_lowered;
	s4 =	sadd.s32 s4, s6;
	[dreg:$0x0] =	wrdreg $0x0  }
0xae: {  	s6 =	sshll.u32 s28, $0x1;
	[dreg:$0x2] =	wrdreg s4  }
0xaf: {  	[dreg:$0x3] =	wrdreg s6  }
0xb0: {  	[dreg:$0x4] =	wrdreg $0xC0  }
0xb1: {  	_ =	task [dreg:s8], $0x5FFFF  }
0xb2: {  	[dreg:$0x1] =	wrdreg $0xFFFFFFFF  }
0xb3: {  	[dreg:$0x0] =	wrdreg $0x60  }
0xb4: {  	[dreg:$0x2] =	wrdreg s15  }
0xb5: {  	[dreg:$0x3] =	wrdreg s24  }
0xb6: {  	[dreg:$0x4] =	wrdreg s16  }
0xb7: {  	[dreg:$0x5] =	wrdreg $0x9  }
0xb8: {  	_ =	task.clear_ibuf [dreg:s8], $0x6FFFF;
	_ =	strace $0x90000046  }
0xb9: {  	s29 =	simm.s32 $0x9;
	_ =	strace $0x80000048  }
0xba: {  	_ =	swait.ge [sflag:s29], $0x1  }
0xbb: {  	[sflag:s29] =	ssyncadd.s32 $0xFFFFFFFF  }
0xbc: {  	_ =	strace $0x90000048  }
0xbd: {  	_ =	sfence  }
0xbe: {  	s30 =	sld [smem:$0x0];
	_ =	sdelay $0x2  }
0xbf: {  	s31 =	sshll.u32 s1, $0xD;
	s1 =	sshrl.u32 s1, $0x2  }
0xc0: {  	s3 =	sand.u32 $0x4000, s31;
	s1 =	sadd.s32 s1, s30  }
0xc1: {  	s0 =	sor.u32 s3, s0;
	s1 =	sshll.u32 s1, $0x11  }
0xc2: {  	s0 =	sor.u32 s1, s0  }
0xc3: {  	s0 =	sadd.s32 $0x8F2B, s0  }
0xc4: {  	[sflag:s0] =	ssyncadd.remote.s32 $0x1  }
0xc5: {  	_ =	sfence.sel $0xFFFF  }
0xc6: {  	[dreg:$0x0] =	wrdreg $0xFFFFFFFF;
	(pc) =	sbr.abs _section_cstart, $3  }
0xc7: {  	[dreg:$0x1] =	wrdreg $0xFFFFFFFF  }
0xc8: {  	_ =	task.clear_ibuf [dreg:s8], $0x2FFFF;
	_ =	strace $0x9FFFFFFF  }
0xc9: {  	(tm) =	ssettm $0x7FFFFFFF  }
tec
execute0_lowered:
.L_overlay_start_1:
0x0: {  	(tag) =	ssettag $0x1  }
0x1: {  	s0 =	rddreg [dreg:$0x0]  }
0x2: {  	s1 =	rddreg [dreg:$0x1];
	s2 =	srdreg.scid  }
0x3: {  	s6 =	stileid.u32;
	s3 =	simm.s32 $0x0;
	s10 =	simm.s32 $0x3  }
0x4: {  	s12 =	simm.s32 $0x80;
	s28 =	simm.s32 $0x880;
	s29 =	simm.s32 $0x1080  }
0x5: {  	s30 =	simm.s32 $0x1880;
	s31 =	simm.s32 $0x2080;
	s13 =	simm.s32 $0x4880  }
0x6: {  	s14 =	simm.s32 $0x5080;
	s15 =	simm.s32 $0x5880;
	s16 =	simm.s32 $0x6080  }
0x7: {  	s17 =	simm.s32 $0x6880;
	s18 =	simm.s32 $0x7080;
	s19 =	simm.s32 $0x7880  }
0x8: {  	s20 =	simm.s32 $0x8080;
	s11 =	simm.s32 $0x9880;
	s2 =	sand.u32 $0x1, s2  }
0x9: {  	s4 =	sshll.u32 s6, $0x1;
	[smem:$0x7FF] =	sst s3;
	s6 =	sshll.u32 s6, $0xF  }
0xa: {  	s5 =	sor.u32 s2, s4;
	_ =	strace $0x80000047;
	s2 =	ssub.s32 $0x2, s2  }
0xb: {  	s6 =	sand.u32 $0x40000, s6;
	s4 =	sshll.u32 s5, $0x5;
	s8 =	sshrl.u32 s2, $0x1  }
0xc: {  	s9 =	sshll.u32 s5, $0xE;
	s5 =	sshll.u32 s5, $0xB;
	s7 =	sadd.s32 s4, s1  }
0xd: {  	s4 =	sadd.s32 $0x10400, s1;
	s2 =	ssub.s32 s2, s8;
	s6 =	ssub.s32 s9, s6  }
0xe: {  	s23 =	sadd.s32 s1, s5;
	s8 =	sadd.s32 $0x10700, s1;
	s5 =	simm.s32 $0x4080  }
0xf: {  	s21 =	sadd.s32 $0x10000, s7;
	s22 =	sadd.s32 s0, s6;
	[dreg:$0x9] =	wrdreg s23  }
0x10: {  	s24 =	sand.u32 $0x1FFFC000, s6;
	s6 =	sadd.s32 $0x10500, s1;
	[dreg:$0x4] =	wrdreg s21  }
0x11: {  	s25 =	sadd.s32 $0x10010, s7;
	s7 =	sadd.s32 $0x10600, s1;
	[dreg:$0x5] =	wrdreg s22  }
0x12: {  	s26 =	sadd.s32 $0x400, s23;
	s9 =	smax.u32 s2, $0x1;
	[dreg:$0x6] =	wrdreg s25  }
0x13: {  	v2 =	vlaneseq.u32;
	s23 =	simm.s32 $0x1;
	s0 =	sadd.s32 s24, s0;
	[dreg:$0x8] =	wrdreg s26  }
0x14: {  	vm0 =	vmmov $0xffff;
	v1 =	vshrl.u32 v2, $0x3;
	s24 =	simm.s32 $0x2;
	s21 =	simm.s32 $0x8880;
	s0 =	sadd.s32 $0x2000, s0  }
0x15: {  	v0 =	vand.u32 $0x7, v2;
	v2 =	vor.u32 $0x8, v2;
	v1 =	vmul.u32 $0x8, v1;
	s22 =	simm.s32 $0x9080;
	[dreg:$0x7] =	wrdreg s0;
	s0 =	simm.s32 $0x10080  }
.LBB2_1:
0x16: {  	s25 =	rddreg [dreg:$0x4]  }
0x17: {  	[tilespmem:s3], [sflag:$0x3] =	stream.linear.gather [hbm4b:s25+s3], $0x80, $0x38;
	[tilespmem:$0x12080] =	vst v63  }
0x18: {  	_ =	swait.ge [sflag:s10], $0x80  }
0x19: {  	[sflag:s10] =	ssyncset.done $0x0  }
0x1a: {  	s1 =	rddreg [dreg:$0x5];
	[sflag:s10] =	ssyncadd.s32 $0xFFFFFF80  }
0x1b: {  	[tilespmem:s12], [sflag:$0x3] =	stream.linear.gather [hbm4b:s1+s3], $0x10000, $0x38;
	[tilespmem:$0x12080] =	vst v63  }
0x1c: {  	_ =	swait.ge [sflag:s10], $0x10000  }
0x1d: {  	[sflag:s10] =	ssyncset.done $0x0  }
0x1e: {  	s2 =	rddreg [dreg:$0x9];
	[sflag:s10] =	ssyncadd.s32 $0xFFFF0000  }
0x1f: {  	[tilespmem:s0], [sflag:$0x3] =	stream.linear.gather [hbm4b:s2+s3], $0x2000, $0x38;
	[tilespmem:$0x12080] =	vst v63  }
0x20: {  	_ =	swait.ge [sflag:s10], $0x2000  }
0x21: {  	[sflag:s10] =	ssyncset.done $0x0  }
0x22: {  	[sflag:s10] =	ssyncadd.s32 $0xFFFFE000  }
0x23: {  	v3 =	vld [tilespmem:$0x0];
	_ =	sdelay $0x4  }
0x24: {  	v4 =	vshll.u32 v3, $0x3  }
0x25: {  	v3 =	vand.u32 $0x7, v3;
	v4 =	vand.u32 $0xFFFFFFC0, v4  }
0x26: {  	v3 =	vor.u32 v3, v4  }
0x27: {  	v4 =	vperm.xlane v3, v0;
	_ =	sdelay $0x1  }
0x28: {  	v4 =	vadd.s32 v1, v4;
	_ =	sdelay $0x4  }
0x29: {  	[hbm4b:s4+s3] =	stream.indirect_vreg.scatter [tilespmem:s12], [sflag:$0x1], $0x80, v4, vm0, $0xb8;
	[tilespmem:$0x12080] =	vst v63  }
0x2a: {  	v3 =	vperm.xlane v3, v2  }
0x2b: {  	[hbm4b:s6+s3] =	stream.indirect_vreg.scatter [tilespmem:s28], [sflag:$0x1], $0x80, v4, vm0, $0xb8;
	[tilespmem:$0x12080] =	vst v63  }
0x2c: {  	v3 =	vadd.s32 v1, v3  }
0x2d: {  	[hbm4b:s7+s3] =	stream.indirect_vreg.scatter [tilespmem:s29], [sflag:$0x1], $0x80, v4, vm0, $0xb8;
	[tilespmem:$0x12080] =	vst v63  }
0x2e: {  	_ = 	snop  }
0x2f: {  	[hbm4b:s8+s3] =	stream.indirect_vreg.scatter [tilespmem:s30], [sflag:$0x1], $0x80, v4, vm0, $0xb8;
	[tilespmem:$0x12080] =	vst v63  }
0x30: {  	_ = 	snop  }
0x31: {  	[hbm4b:s4+s3] =	stream.indirect_vreg.scatter [tilespmem:s31], [sflag:$0x1], $0x80, v3, vm0, $0xb8;
	[tilespmem:$0x12080] =	vst v63  }
0x32: {  	s1 =	simm.s32 $0x2880  }
0x33: {  	[hbm4b:s6+s3] =	stream.indirect_vreg.scatter [tilespmem:s1], [sflag:$0x1], $0x80, v3, vm0, $0xb8;
	[tilespmem:$0x12080] =	vst v63  }
0x34: {  	s2 =	simm.s32 $0x3080  }
0x35: {  	[hbm4b:s7+s3] =	stream.indirect_vreg.scatter [tilespmem:s2], [sflag:$0x1], $0x80, v3, vm0, $0xb8;
	[tilespmem:$0x12080] =	vst v63  }
0x36: {  	s2 =	simm.s32 $0x3880  }
0x37: {  	[hbm4b:s8+s3] =	stream.indirect_vreg.scatter [tilespmem:s2], [sflag:$0x1], $0x80, v3, vm0, $0xb8;
	[tilespmem:$0x12080] =	vst v63  }
0x38: {  	v3 =	vld [tilespmem:$0x10];
	_ =	sdelay $0x4  }
0x39: {  	v57 =	vshll.u32 v3, $0x3  }
0x3a: {  	v3 =	vand.u32 $0x7, v3;
	v4 =	vand.u32 $0xFFFFFFC0, v57  }
0x3b: {  	v3 =	vor.u32 v3, v4  }
0x3c: {  	v4 =	vperm.xlane v3, v0;
	_ =	sdelay $0x1  }
0x3d: {  	v4 =	vadd.s32 v1, v4;
	_ =	sdelay $0x4  }
0x3e: {  	[hbm4b:s4+s3] =	stream.indirect_vreg.scatter [tilespmem:s5], [sflag:$0x1], $0x80, v4, vm0, $0xb8;
	[tilespmem:$0x12080] =	vst v63  }
0x3f: {  	v3 =	vperm.xlane v3, v2  }
0x40: {  	[hbm4b:s6+s3] =	stream.indirect_vreg.scatter [tilespmem:s13], [sflag:$0x1], $0x80, v4, vm0, $0xb8;
	[tilespmem:$0x12080] =	vst v63  }
0x41: {  	v3 =	vadd.s32 v1, v3  }
0x42: {  	[hbm4b:s7+s3] =	stream.indirect_vreg.scatter [tilespmem:s14], [sflag:$0x1], $0x80, v4, vm0, $0xb8;
	[tilespmem:$0x12080] =	vst v63  }
0x43: {  	_ = 	snop  }
0x44: {  	[hbm4b:s8+s3] =	stream.indirect_vreg.scatter [tilespmem:s15], [sflag:$0x1], $0x80, v4, vm0, $0xb8;
	[tilespmem:$0x12080] =	vst v63  }
0x45: {  	_ = 	snop  }
0x46: {  	[hbm4b:s4+s3] =	stream.indirect_vreg.scatter [tilespmem:s16], [sflag:$0x1], $0x80, v3, vm0, $0xb8;
	[tilespmem:$0x12080] =	vst v63  }
0x47: {  	_ = 	snop  }
0x48: {  	[hbm4b:s6+s3] =	stream.indirect_vreg.scatter [tilespmem:s17], [sflag:$0x1], $0x80, v3, vm0, $0xb8;
	[tilespmem:$0x12080] =	vst v63  }
0x49: {  	_ = 	snop  }
0x4a: {  	[hbm4b:s7+s3] =	stream.indirect_vreg.scatter [tilespmem:s18], [sflag:$0x1], $0x80, v3, vm0, $0xb8;
	[tilespmem:$0x12080] =	vst v63  }
0x4b: {  	_ = 	snop  }
0x4c: {  	[hbm4b:s8+s3] =	stream.indirect_vreg.scatter [tilespmem:s19], [sflag:$0x1], $0x80, v3, vm0, $0xb8;
	[tilespmem:$0x12080] =	vst v63  }
0x4d: {  	v3 =	vld [tilespmem:$0x20];
	_ =	sdelay $0x4  }
0x4e: {  	v58 =	vshll.u32 v3, $0x3  }
0x4f: {  	v3 =	vand.u32 $0x7, v3;
	v4 =	vand.u32 $0xFFFFFFC0, v58  }
0x50: {  	v3 =	vor.u32 v3, v4  }
0x51: {  	v4 =	vperm.xlane v3, v0;
	_ =	sdelay $0x1  }
0x52: {  	v4 =	vadd.s32 v1, v4;
	_ =	sdelay $0x4  }
0x53: {  	[hbm4b:s4+s3] =	stream.indirect_vreg.scatter [tilespmem:s20], [sflag:$0x1], $0x80, v4, vm0, $0xb8;
	[tilespmem:$0x12080] =	vst v63  }
0x54: {  	v3 =	vperm.xlane v3, v2  }
0x55: {  	[hbm4b:s6+s3] =	stream.indirect_vreg.scatter [tilespmem:s21], [sflag:$0x1], $0x80, v4, vm0, $0xb8;
	[tilespmem:$0x12080] =	vst v63  }
0x56: {  	v3 =	vadd.s32 v1, v3  }
0x57: {  	[hbm4b:s7+s3] =	stream.indirect_vreg.scatter [tilespmem:s22], [sflag:$0x1], $0x80, v4, vm0, $0xb8;
	[tilespmem:$0x12080] =	vst v63  }
0x58: {  	_ = 	snop  }
0x59: {  	[hbm4b:s8+s3] =	stream.indirect_vreg.scatter [tilespmem:s11], [sflag:$0x1], $0x80, v4, vm0, $0xb8;
	[tilespmem:$0x12080] =	vst v63  }
0x5a: {  	s26 =	simm.s32 $0xA080  }
0x5b: {  	[hbm4b:s4+s3] =	stream.indirect_vreg.scatter [tilespmem:s26], [sflag:$0x1], $0x80, v3, vm0, $0xb8;
	[tilespmem:$0x12080] =	vst v63  }
0x5c: {  	s26 =	simm.s32 $0xA880  }
0x5d: {  	[hbm4b:s6+s3] =	stream.indirect_vreg.scatter [tilespmem:s26], [sflag:$0x1], $0x80, v3, vm0, $0xb8;
	[tilespmem:$0x12080] =	vst v63  }
0x5e: {  	s26 =	simm.s32 $0xB080  }
0x5f: {  	[hbm4b:s7+s3] =	stream.indirect_vreg.scatter [tilespmem:s26], [sflag:$0x1], $0x80, v3, vm0, $0xb8;
	[tilespmem:$0x12080] =	vst v63  }
0x60: {  	s26 =	simm.s32 $0xB880  }
0x61: {  	[hbm4b:s8+s3] =	stream.indirect_vreg.scatter [tilespmem:s26], [sflag:$0x1], $0x80, v3, vm0, $0xb8;
	[tilespmem:$0x12080] =	vst v63  }
0x62: {  	v3 =	vld [tilespmem:$0x30];
	_ =	sdelay $0x4  }
0x63: {  	v59 =	vshll.u32 v3, $0x3  }
0x64: {  	v3 =	vand.u32 $0x7, v3;
	v4 =	vand.u32 $0xFFFFFFC0, v59  }
0x65: {  	v3 =	vor.u32 v3, v4  }
0x66: {  	v4 =	vperm.xlane v3, v0;
	_ =	sdelay $0x1  }
0x67: {  	v4 =	vadd.s32 v1, v4;
	_ =	sdelay $0x3  }
0x68: {  	s26 =	simm.s32 $0xC080  }
0x69: {  	[hbm4b:s4+s3] =	stream.indirect_vreg.scatter [tilespmem:s26], [sflag:$0x1], $0x80, v4, vm0, $0xb8;
	[tilespmem:$0x12080] =	vst v63  }
0x6a: {  	v3 =	vperm.xlane v3, v2;
	s26 =	simm.s32 $0xC880  }
0x6b: {  	[hbm4b:s6+s3] =	stream.indirect_vreg.scatter [tilespmem:s26], [sflag:$0x1], $0x80, v4, vm0, $0xb8;
	[tilespmem:$0x12080] =	vst v63  }
0x6c: {  	v3 =	vadd.s32 v1, v3;
	s26 =	simm.s32 $0xD080  }
0x6d: {  	[hbm4b:s7+s3] =	stream.indirect_vreg.scatter [tilespmem:s26], [sflag:$0x1], $0x80, v4, vm0, $0xb8;
	[tilespmem:$0x12080] =	vst v63  }
0x6e: {  	s26 =	simm.s32 $0xD880  }
0x6f: {  	[hbm4b:s8+s3] =	stream.indirect_vreg.scatter [tilespmem:s26], [sflag:$0x1], $0x80, v4, vm0, $0xb8;
	[tilespmem:$0x12080] =	vst v63  }
0x70: {  	s26 =	simm.s32 $0xE080  }
0x71: {  	[hbm4b:s4+s3] =	stream.indirect_vreg.scatter [tilespmem:s26], [sflag:$0x1], $0x80, v3, vm0, $0xb8;
	[tilespmem:$0x12080] =	vst v63  }
0x72: {  	s26 =	simm.s32 $0xE880  }
0x73: {  	[hbm4b:s6+s3] =	stream.indirect_vreg.scatter [tilespmem:s26], [sflag:$0x1], $0x80, v3, vm0, $0xb8;
	[tilespmem:$0x12080] =	vst v63  }
0x74: {  	s26 =	simm.s32 $0xF080  }
0x75: {  	[hbm4b:s7+s3] =	stream.indirect_vreg.scatter [tilespmem:s26], [sflag:$0x1], $0x80, v3, vm0, $0xb8;
	[tilespmem:$0x12080] =	vst v63  }
0x76: {  	s26 =	simm.s32 $0xF880  }
0x77: {  	[hbm4b:s8+s3] =	stream.indirect_vreg.scatter [tilespmem:s26], [sflag:$0x1], $0x80, v3, vm0, $0xb8;
	[tilespmem:$0x12080] =	vst v63  }
0x78: {  	s25 =	simm.s32 $0x40;
	s26 =	rddreg [dreg:$0x2]  }
0x79: {  	[hbm4b:s26+s25] =	stream.indirect.scatter [tilespmem:s0], [sflag:$0x2], $0x80, s3, s25, $0xb8;
	[tilespmem:$0x12080] =	vst v63  }
0x7a: {  	_ =	swait.ge [sflag:s23], $0x10000  }
0x7b: {  	[sflag:s23] =	ssyncset.done $0x0  }
0x7c: {  	[sflag:s23] =	ssyncadd.s32 $0xFFFF0000  }
0x7d: {  	_ =	swait.ge [sflag:s24], $0x2000  }
0x7e: {  	[sflag:s24] =	ssyncset.done $0x0  }
0x7f: {  	s25 =	rddreg [dreg:$0x6];
	[sflag:s24] =	ssyncadd.s32 $0xFFFFE000  }
0x80: {  	[tilespmem:s3], [sflag:$0x3] =	stream.linear.gather [hbm4b:s25+s3], $0x80, $0x38;
	[tilespmem:$0x12080] =	vst v63  }
0x81: {  	_ =	swait.ge [sflag:s10], $0x80  }
0x82: {  	[sflag:s10] =	ssyncset.done $0x0  }
0x83: {  	s25 =	rddreg [dreg:$0x7];
	[sflag:s10] =	ssyncadd.s32 $0xFFFFFF80  }
0x84: {  	[tilespmem:s12], [sflag:$0x3] =	stream.linear.gather [hbm4b:s25+s3], $0x10000, $0x38;
	[tilespmem:$0x12080] =	vst v63  }
0x85: {  	_ =	swait.ge [sflag:s10], $0x10000  }
0x86: {  	[sflag:s10] =	ssyncset.done $0x0  }
0x87: {  	s25 =	rddreg [dreg:$0x8];
	[sflag:s10] =	ssyncadd.s32 $0xFFFF0000  }
0x88: {  	[tilespmem:s0], [sflag:$0x3] =	stream.linear.gather [hbm4b:s25+s3], $0x2000, $0x38;
	[tilespmem:$0x12080] =	vst v63  }
0x89: {  	_ =	swait.ge [sflag:s10], $0x2000  }
0x8a: {  	[sflag:s10] =	ssyncset.done $0x0  }
0x8b: {  	[sflag:s10] =	ssyncadd.s32 $0xFFFFE000  }
0x8c: {  	v3 =	vld [tilespmem:$0x0];
	_ =	sdelay $0x4  }
0x8d: {  	v60 =	vshll.u32 v3, $0x3  }
0x8e: {  	v3 =	vand.u32 $0x7, v3;
	v4 =	vand.u32 $0xFFFFFFC0, v60  }
0x8f: {  	v3 =	vor.u32 v3, v4  }
0x90: {  	v4 =	vperm.xlane v3, v0;
	_ =	sdelay $0x1  }
0x91: {  	v4 =	vadd.s32 v1, v4;
	_ =	sdelay $0x4  }
0x92: {  	[hbm4b:s4+s3] =	stream.indirect_vreg.scatter [tilespmem:s12], [sflag:$0x1], $0x80, v4, vm0, $0xb8;
	[tilespmem:$0x12080] =	vst v63  }
0x93: {  	v3 =	vperm.xlane v3, v2  }
0x94: {  	[hbm4b:s6+s3] =	stream.indirect_vreg.scatter [tilespmem:s28], [sflag:$0x1], $0x80, v4, vm0, $0xb8;
	[tilespmem:$0x12080] =	vst v63  }
0x95: {  	v3 =	vadd.s32 v1, v3  }
0x96: {  	[hbm4b:s7+s3] =	stream.indirect_vreg.scatter [tilespmem:s29], [sflag:$0x1], $0x80, v4, vm0, $0xb8;
	[tilespmem:$0x12080] =	vst v63  }
0x97: {  	_ = 	snop  }
0x98: {  	[hbm4b:s8+s3] =	stream.indirect_vreg.scatter [tilespmem:s30], [sflag:$0x1], $0x80, v4, vm0, $0xb8;
	[tilespmem:$0x12080] =	vst v63  }
0x99: {  	_ = 	snop  }
0x9a: {  	[hbm4b:s4+s3] =	stream.indirect_vreg.scatter [tilespmem:s31], [sflag:$0x1], $0x80, v3, vm0, $0xb8;
	[tilespmem:$0x12080] =	vst v63  }
0x9b: {  	_ = 	snop  }
0x9c: {  	[hbm4b:s6+s3] =	stream.indirect_vreg.scatter [tilespmem:s1], [sflag:$0x1], $0x80, v3, vm0, $0xb8;
	[tilespmem:$0x12080] =	vst v63  }
0x9d: {  	s25 =	simm.s32 $0x3080  }
0x9e: {  	[hbm4b:s7+s3] =	stream.indirect_vreg.scatter [tilespmem:s25], [sflag:$0x1], $0x80, v3, vm0, $0xb8;
	[tilespmem:$0x12080] =	vst v63  }
0x9f: {  	_ = 	snop  }
0xa0: {  	[hbm4b:s8+s3] =	stream.indirect_vreg.scatter [tilespmem:s2], [sflag:$0x1], $0x80, v3, vm0, $0xb8;
	[tilespmem:$0x12080] =	vst v63  }
0xa1: {  	v3 =	vld [tilespmem:$0x10];
	_ =	sdelay $0x4  }
0xa2: {  	v61 =	vshll.u32 v3, $0x3  }
0xa3: {  	v3 =	vand.u32 $0x7, v3;
	v4 =	vand.u32 $0xFFFFFFC0, v61  }
0xa4: {  	v3 =	vor.u32 v3, v4  }
0xa5: {  	v4 =	vperm.xlane v3, v0;
	_ =	sdelay $0x1  }
0xa6: {  	v4 =	vadd.s32 v1, v4;
	_ =	sdelay $0x4  }
0xa7: {  	[hbm4b:s4+s3] =	stream.indirect_vreg.scatter [tilespmem:s5], [sflag:$0x1], $0x80, v4, vm0, $0xb8;
	[tilespmem:$0x12080] =	vst v63  }
0xa8: {  	v3 =	vperm.xlane v3, v2  }
0xa9: {  	[hbm4b:s6+s3] =	stream.indirect_vreg.scatter [tilespmem:s13], [sflag:$0x1], $0x80, v4, vm0, $0xb8;
	[tilespmem:$0x12080] =	vst v63  }
0xaa: {  	v3 =	vadd.s32 v1, v3  }
0xab: {  	[hbm4b:s7+s3] =	stream.indirect_vreg.scatter [tilespmem:s14], [sflag:$0x1], $0x80, v4, vm0, $0xb8;
	[tilespmem:$0x12080] =	vst v63  }
0xac: {  	_ = 	snop  }
0xad: {  	[hbm4b:s8+s3] =	stream.indirect_vreg.scatter [tilespmem:s15], [sflag:$0x1], $0x80, v4, vm0, $0xb8;
	[tilespmem:$0x12080] =	vst v63  }
0xae: {  	_ = 	snop  }
0xaf: {  	[hbm4b:s4+s3] =	stream.indirect_vreg.scatter [tilespmem:s16], [sflag:$0x1], $0x80, v3, vm0, $0xb8;
	[tilespmem:$0x12080] =	vst v63  }
0xb0: {  	_ = 	snop  }
0xb1: {  	[hbm4b:s6+s3] =	stream.indirect_vreg.scatter [tilespmem:s17], [sflag:$0x1], $0x80, v3, vm0, $0xb8;
	[tilespmem:$0x12080] =	vst v63  }
0xb2: {  	_ = 	snop  }
0xb3: {  	[hbm4b:s7+s3] =	stream.indirect_vreg.scatter [tilespmem:s18], [sflag:$0x1], $0x80, v3, vm0, $0xb8;
	[tilespmem:$0x12080] =	vst v63  }
0xb4: {  	_ = 	snop  }
0xb5: {  	[hbm4b:s8+s3] =	stream.indirect_vreg.scatter [tilespmem:s19], [sflag:$0x1], $0x80, v3, vm0, $0xb8;
	[tilespmem:$0x12080] =	vst v63  }
0xb6: {  	v3 =	vld [tilespmem:$0x20];
	_ =	sdelay $0x4  }
0xb7: {  	v62 =	vshll.u32 v3, $0x3  }
0xb8: {  	v3 =	vand.u32 $0x7, v3;
	v4 =	vand.u32 $0xFFFFFFC0, v62  }
0xb9: {  	v3 =	vor.u32 v3, v4  }
0xba: {  	v4 =	vperm.xlane v3, v0;
	_ =	sdelay $0x1  }
0xbb: {  	v4 =	vadd.s32 v1, v4;
	_ =	sdelay $0x4  }
0xbc: {  	[hbm4b:s4+s3] =	stream.indirect_vreg.scatter [tilespmem:s20], [sflag:$0x1], $0x80, v4, vm0, $0xb8;
	[tilespmem:$0x12080] =	vst v63  }
0xbd: {  	v3 =	vperm.xlane v3, v2  }
0xbe: {  	[hbm4b:s6+s3] =	stream.indirect_vreg.scatter [tilespmem:s21], [sflag:$0x1], $0x80, v4, vm0, $0xb8;
	[tilespmem:$0x12080] =	vst v63  }
0xbf: {  	v3 =	vadd.s32 v1, v3  }
0xc0: {  	[hbm4b:s7+s3] =	stream.indirect_vreg.scatter [tilespmem:s22], [sflag:$0x1], $0x80, v4, vm0, $0xb8;
	[tilespmem:$0x12080] =	vst v63  }
0xc1: {  	_ = 	snop  }
0xc2: {  	[hbm4b:s8+s3] =	stream.indirect_vreg.scatter [tilespmem:s11], [sflag:$0x1], $0x80, v4, vm0, $0xb8;
	[tilespmem:$0x12080] =	vst v63  }
0xc3: {  	s25 =	simm.s32 $0xA080  }
0xc4: {  	[hbm4b:s4+s3] =	stream.indirect_vreg.scatter [tilespmem:s25], [sflag:$0x1], $0x80, v3, vm0, $0xb8;
	[tilespmem:$0x12080] =	vst v63  }
0xc5: {  	s2 =	simm.s32 $0xA880  }
0xc6: {  	[hbm4b:s6+s3] =	stream.indirect_vreg.scatter [tilespmem:s2], [sflag:$0x1], $0x80, v3, vm0, $0xb8;
	[tilespmem:$0x12080] =	vst v63  }
0xc7: {  	s25 =	simm.s32 $0xB080  }
0xc8: {  	[hbm4b:s7+s3] =	stream.indirect_vreg.scatter [tilespmem:s25], [sflag:$0x1], $0x80, v3, vm0, $0xb8;
	[tilespmem:$0x12080] =	vst v63  }
0xc9: {  	s2 =	simm.s32 $0xB880  }
0xca: {  	[hbm4b:s8+s3] =	stream.indirect_vreg.scatter [tilespmem:s2], [sflag:$0x1], $0x80, v3, vm0, $0xb8;
	[tilespmem:$0x12080] =	vst v63  }
0xcb: {  	v3 =	vld [tilespmem:$0x30];
	_ =	sdelay $0x4  }
0xcc: {  	v63 =	vshll.u32 v3, $0x3  }
0xcd: {  	v3 =	vand.u32 $0x7, v3;
	v4 =	vand.u32 $0xFFFFFFC0, v63  }
0xce: {  	v3 =	vor.u32 v3, v4  }
0xcf: {  	v4 =	vperm.xlane v3, v0;
	_ =	sdelay $0x1  }
0xd0: {  	v4 =	vadd.s32 v1, v4;
	_ =	sdelay $0x3  }
0xd1: {  	s25 =	simm.s32 $0xC080  }
0xd2: {  	[hbm4b:s4+s3] =	stream.indirect_vreg.scatter [tilespmem:s25], [sflag:$0x1], $0x80, v4, vm0, $0xb8;
	[tilespmem:$0x12080] =	vst v63  }
0xd3: {  	s2 =	simm.s32 $0xC880;
	v3 =	vperm.xlane v3, v2  }
0xd4: {  	[hbm4b:s6+s3] =	stream.indirect_vreg.scatter [tilespmem:s2], [sflag:$0x1], $0x80, v4, vm0, $0xb8;
	[tilespmem:$0x12080] =	vst v63  }
0xd5: {  	v3 =	vadd.s32 v1, v3;
	s25 =	simm.s32 $0xD080  }
0xd6: {  	[hbm4b:s7+s3] =	stream.indirect_vreg.scatter [tilespmem:s25], [sflag:$0x1], $0x80, v4, vm0, $0xb8;
	[tilespmem:$0x12080] =	vst v63  }
0xd7: {  	s2 =	simm.s32 $0xD880  }
0xd8: {  	[hbm4b:s8+s3] =	stream.indirect_vreg.scatter [tilespmem:s2], [sflag:$0x1], $0x80, v4, vm0, $0xb8;
	[tilespmem:$0x12080] =	vst v63  }
0xd9: {  	s25 =	simm.s32 $0xE080  }
0xda: {  	[hbm4b:s4+s3] =	stream.indirect_vreg.scatter [tilespmem:s25], [sflag:$0x1], $0x80, v3, vm0, $0xb8;
	[tilespmem:$0x12080] =	vst v63  }
0xdb: {  	s2 =	simm.s32 $0xE880  }
0xdc: {  	[hbm4b:s6+s3] =	stream.indirect_vreg.scatter [tilespmem:s2], [sflag:$0x1], $0x80, v3, vm0, $0xb8;
	[tilespmem:$0x12080] =	vst v63  }
0xdd: {  	s25 =	simm.s32 $0xF080  }
0xde: {  	[hbm4b:s7+s3] =	stream.indirect_vreg.scatter [tilespmem:s25], [sflag:$0x1], $0x80, v3, vm0, $0xb8;
	[tilespmem:$0x12080] =	vst v63  }
0xdf: {  	s2 =	simm.s32 $0xF880  }
0xe0: {  	[hbm4b:s8+s3] =	stream.indirect_vreg.scatter [tilespmem:s2], [sflag:$0x1], $0x80, v3, vm0, $0xb8;
	[tilespmem:$0x12080] =	vst v63  }
0xe1: {  	s25 =	simm.s32 $0x40  }
0xe2: {  	[hbm4b:s26+s25] =	stream.indirect.scatter [tilespmem:s0], [sflag:$0x2], $0x80, s3, s25, $0xb8;
	[tilespmem:$0x12080] =	vst v63  }
0xe3: {  	p0 =	sne.s32 s9, $0x1;
	_ =	swait.ge [sflag:s23], $0x10000  }
.Ltmp0:
0xe4: {  	[sflag:s23] =	ssyncset.done $0x0;
	(pc) =	sbr.rel @p0 .LBB2_1-.Ltmp0, $4  }
0xe5: {  	[sflag:s23] =	ssyncadd.s32 $0xFFFF0000  }
0xe6: {  	_ =	swait.ge [sflag:s24], $0x2000  }
0xe7: {  	[sflag:s24] =	ssyncset.done $0x0  }
0xe8: {  	s9 =	sadd.s32 $0xFFFFFFFF, s9;
	[sflag:s24] =	ssyncadd.s32 $0xFFFFE000  }
0xe9: {  	_ =	sfence.sel $0x180000  }
0xea: {  	[bflag:$0x0] =	sbarrier.arrive $0xFFFF  }
0xeb: {  	_ =	strace $0x90000047  }
0xec: {  	s0 =	stileid.u32;
	[bflag:$0x2] =	sbarrier.arrive $0xFFFF  }
0xed: {  	p0 =	sne.s32 s0, $0x0;
	s0 =	rddreg [dreg:$0x3]  }
0xee: {  	s0 =	sadd.s32 @!p0 $0x100000, s0  }
0xef: {  	[sflag:s0] =	ssyncadd.tile.s32 @!p0 $0x1;
	_ =	shalt  }
.Lfunc_end2:
_tile_overlayer_lowered:
.L_overlay_start_2:
0xf0: {  	(tag) =	ssettag $0x2  }
0xf1: {  	s0 =	rddreg [dreg:$0x0];
	s2 =	stileid.u32  }
0xf2: {  	s1 =	rddreg [dreg:$0x1];
	p0 =	sne.s32 s2, $0x0  }
0xf3: {  	s3 =	rddreg [dreg:$0x2];
	[bflag:$0x3] =	sbarrier.arrive $0xFFFF;
	s2 =	simm.s32 @!p0 $0x1C03  }
0xf4: {  	[timem:s3], [sflag:s2] =	dma.local @!p0 [hbm:s0], s1  }
0xf5: {  	s0 =	simm.s32 @!p0 $0x3  }
0xf6: {  	_ =	swait.ge @!p0 [sflag:s0], s1  }
0xf7: {  	s1 =	ssub.s32 @!p0 $0x0, s1;
	[sflag:s0] =	ssyncset.done @!p0 $0x0  }
0xf8: {  	[sflag:s0] =	ssyncadd.s32 @!p0 s1  }
0xf9: {  	[bflag:$0x3] =	sbarrier.arrive $0xFFFF  }
0xfa: {  	_ =	shalt  }

// kernel: kernel.9.cloned.1.call-start
scs
__scs_entry_jumppad:
0x0: {  	(pc) =	sbr.rel $0x88, $3  }
0x1: {  	(tag) =	ssettag $0x0;
	lr =	simm.s32 $0x1  }
0x2: {  	[smem:$0x3F9D] =	sst lr;
	_ =	strace $0xD0000000  }
0x3: {  	_ = 	snop  }
0x4: {  	_ = 	snop  }
0x5: {  	_ = 	snop  }
0x6: {  	_ = 	snop  }
0x7: {  	_ = 	snop  }
__scs_overlays_trampoline_lowered:
0x8: {  	[smem:$0x3FAC] =	sst s0  }
0x9: {  	[smem:$0x3FAD] =	sst s1  }
0xa: {  	[smem:$0x3FAE] =	sst s2  }
0xb: {  	[smem:$0x3FAF] =	sst s3  }
0xc: {  	[smem:$0x3FB0] =	sst s4  }
0xd: {  	[smem:$0x3FB1] =	sst s5  }
0xe: {  	[smem:$0x3FB2] =	sst s6  }
0xf: {  	[smem:$0x3FB3] =	sst s7  }
0x10: {  	[smem:$0x3FB4] =	sst s8  }
0x11: {  	[smem:$0x3FB5] =	sst s9;
	s0 =	simm.s32 @!p0 $0x0  }
0x12: {  	s1 =	sld [smem:$0x3F9B];
	s0 =	simm.s32 @p0 $0x1  }
0x13: {  	[smem:$0x3FB6] =	sst s0;
	s0 =	simm.s32 @!p1 $0x0  }
0x14: {  	s2 =	sld [smem:$0x3F9A];
	s0 =	simm.s32 @p1 $0x1  }
0x15: {  	[smem:$0x3FB7] =	sst s0;
	s0 =	simm.s32 @!p2 $0x0  }
0x16: {  	s3 =	sld [smem:$0x3FDB];
	s0 =	simm.s32 @p2 $0x1  }
0x17: {  	s4 =	simm.s32 $0x1BF5;
	[smem:$0x3FB9] =	sst s0  }
0x18: {  	s0 =	sld [smem:$0x3F9C];
	_ =	swait.ge [sflag:s4], $0x0  }
0x19: {  	s7 =	sld [smem:$0x3F9D]  }
0x1a: {  	s8 =	sadd.s32 $0xFFFFE003, lr  }
0x1b: {  	s9 =	sadd.s32 $0xFFFFFEF7, lr;
	s5 =	simm.s32 $0xFFFFFFFF;
	p2 =	slt.u32 s8, $0xFFFFF086  }
0x1c: {  	p1 =	slt.u32 s9, $0xF7A;
	s5 =	simm.s32 @!p2 $0x0  }
0x1d: {  	s5 =	simm.s32 @p1 $0x1;
	p0 =	seq.s32 s7, s2  }
0x1e: {  	s7 =	smul.u32 @!p0 $0xF7A, s2;
	p2 =	seq.s32 @!p0 s5, $0x0  }
0x1f: {  	s9 =	smul.u32 $0xF7A, s1;
	s8 =	simm.s32 @!p0 $0x1BF5;
	p2 =	por !p2, p0  }
0x20: {  	[sflag:s8] =	ssyncset.s32 @!p0 $0xFFFFF086;
	s6 =	sadd.s32 @!p0 s3, s7;
	s7 =	simm.s32 @!p0 $0x108  }
0x21: {  	s3 =	sadd.s32 s3, s9;
	s6 =	sadd.s32 @!p0 $0x88, s6;
	s7 =	simm.s32 @p2 $0x1082  }
0x22: {  	[simem:s7], [sflag:s8] =	dma.local @!p0 [hbm:s6], $0xF7A  }
0x23: {  	s9 =	sor.u32 $0xD0000000, s2;
	s6 =	simm.s32 $0x108;
	_ =	swait.ge @!p0 [sflag:s8], $0x0  }
0x24: {  	s3 =	sadd.s32 $0x88, s3;
	s6 =	simm.s32 @!p1 $0x1082;
	[sflag:s4] =	ssyncset.s32 $0xFFFFF086  }
0x25: {  	[simem:s6], [sflag:s4] =	dma.local [hbm:s3], $0xF7A  }
0x26: {  	[smem:$0x3F9D] =	sst s1;
	(tag) =	ssettag s2;
	_ =	strace s9  }
0x27: {  	s1 =	sld [smem:$0x3FAD]  }
0x28: {  	s2 =	sld [smem:$0x3FAE]  }
0x29: {  	s4 =	sld [smem:$0x3FB0]  }
0x2a: {  	p0 =	seq.s32 s5, $0x0;
	s5 =	sld [smem:$0x3FB1]  }
0x2b: {  	s6 =	sld [smem:$0x3FB2]  }
0x2c: {  	s7 =	sld [smem:$0x3FB3]  }
0x2d: {  	s3 =	simm.s32 $0x108;
	s8 =	sld [smem:$0x3FB4]  }
0x2e: {  	s3 =	simm.s32 @!p0 $0x1082;
	s9 =	sld [smem:$0x3FB5]  }
0x2f: {  	lr =	sadd.s32 s0, s3;
	s0 =	sld [smem:$0x3FAC]  }
0x30: {  	s3 =	sld [smem:$0x3FAF]  }
0x31: {  	[smem:$0x3FB8] =	sst s10  }
0x32: {  	s10 =	sld [smem:$0x3FB6];
	_ =	sdelay $0x3  }
0x33: {  	p0 =	seq.s32 s10, $0x1;
	s10 =	sld [smem:$0x3FB8];
	_ =	sdelay $0x3  }
0x34: {  	[smem:$0x3FB8] =	sst s10  }
0x35: {  	s10 =	sld [smem:$0x3FB7];
	_ =	sdelay $0x3  }
0x36: {  	p1 =	seq.s32 s10, $0x1;
	s10 =	sld [smem:$0x3FB8];
	_ =	sdelay $0x3  }
0x37: {  	[smem:$0x3FB8] =	sst s10  }
0x38: {  	s10 =	sld [smem:$0x3FB9]  }
0x39: {  	_ = 	snop;
	(pc) =	sbr.ind lr, $3  }
0x3a: {  	_ = 	snop  }
0x3b: {  	_ = 	snop  }
0x3c: {  	p2 =	seq.s32 s10, $0x1;
	s10 =	sld [smem:$0x3FB8]  }
0x3d: {  	_ =	shalt  }
0x3e: {  	_ =	shalt  }
0x3f: {  	_ =	shalt  }
0x40: {  	_ =	shalt  }
0x41: {  	_ =	shalt  }
0x42: {  	_ =	shalt  }
0x43: {  	_ =	shalt  }
0x44: {  	_ =	shalt  }
0x45: {  	_ =	shalt  }
0x46: {  	_ =	shalt  }
0x47: {  	_ =	shalt  }
0x48: {  	_ =	shalt  }
0x49: {  	_ =	shalt  }
0x4a: {  	_ =	shalt  }
0x4b: {  	_ =	shalt  }
0x4c: {  	_ =	shalt  }
0x4d: {  	_ =	shalt  }
0x4e: {  	_ =	shalt  }
0x4f: {  	_ =	shalt  }
0x50: {  	_ =	shalt  }
0x51: {  	_ =	shalt  }
0x52: {  	_ =	shalt  }
0x53: {  	_ =	shalt  }
0x54: {  	_ =	shalt  }
0x55: {  	_ =	shalt  }
0x56: {  	_ =	shalt  }
0x57: {  	_ =	shalt  }
0x58: {  	_ =	shalt  }
0x59: {  	_ =	shalt  }
0x5a: {  	_ =	shalt  }
0x5b: {  	_ =	shalt  }
0x5c: {  	_ =	shalt  }
0x5d: {  	_ =	shalt  }
0x5e: {  	_ =	shalt  }
0x5f: {  	_ =	shalt  }
0x60: {  	_ =	shalt  }
0x61: {  	_ =	shalt  }
0x62: {  	_ =	shalt  }
0x63: {  	_ =	shalt  }
0x64: {  	_ =	shalt  }
0x65: {  	_ =	shalt  }
0x66: {  	_ =	shalt  }
0x67: {  	_ =	shalt  }
0x68: {  	_ =	shalt  }
0x69: {  	_ =	shalt  }
0x6a: {  	_ =	shalt  }
0x6b: {  	_ =	shalt  }
0x6c: {  	_ =	shalt  }
0x6d: {  	_ =	shalt  }
0x6e: {  	_ =	shalt  }
0x6f: {  	_ =	shalt  }
0x70: {  	_ =	shalt  }
0x71: {  	_ =	shalt  }
0x72: {  	_ =	shalt  }
0x73: {  	_ =	shalt  }
0x74: {  	_ =	shalt  }
0x75: {  	_ =	shalt  }
0x76: {  	_ =	shalt  }
0x77: {  	_ =	shalt  }
0x78: {  	_ =	shalt  }
0x79: {  	_ =	shalt  }
0x7a: {  	_ =	shalt  }
0x7b: {  	_ =	shalt  }
0x7c: {  	_ =	shalt  }
0x7d: {  	_ =	shalt  }
0x7e: {  	_ =	shalt  }
0x7f: {  	_ =	shalt  }
0x80: {  	_ =	shalt  }
0x81: {  	_ =	shalt  }
0x82: {  	_ =	shalt  }
0x83: {  	_ =	shalt  }
0x84: {  	_ =	shalt  }
0x85: {  	_ =	shalt  }
0x86: {  	_ =	shalt  }
0x87: {  	_ =	shalt  }
.Lfunc_end0:
.L_simem_size_0:
called_computation.1_lowered:
.L_overlay_start_0:
0x88: {  	s2 =	sld [smem:$0x3FD9]  }
0x89: {  	s3 =	sld [smem:$0x3FFE];
	_ =	sdelay $0x1  }
0x8a: {  	s1 =	srdreg.scid  }
0x8b: {  	s0 =	sand.u32 $0x1, s1  }
0x8c: {  	s14 =	sshll.u32 s0, $0xA;
	s2 =	sadd.s32 s3, s2  }
0x8d: {  	s2 =	sadd.s32 s2, s14  }
0x8e: {  	[smem:$0x3FC4] =	sst s2  }
0x8f: {  	_ = 	snop  }
0x90: {  	s2 =	sld [smem:$0x3FD0];
	_ =	sdelay $0x2  }
0x91: {  	s15 =	simm.s32 $0xA;
	s4 =	simm.s32 $0x10  }
0x92: {  	[smem:s4], [sflag:s15] =	dma.local [hbm:s2], $0x1  }
0x93: {  	_ =	swait.eq [sflag:s15], $0x1  }
0x94: {  	[sflag:s15] =	ssyncset.done $0x0  }
0x95: {  	[sflag:s15] =	ssyncadd.s32 $0xFFFFFFFF  }
0x96: {  	s16 =	sld [smem:$0x10];
	(tm) =	ssettm $0x1  }
0x97: {  	s17 =	sld [smem:$0x3FFB];
	_ =	sdelay $0x3  }
0x98: {  	_ =	strace s17  }
0x99: {  	s3 =	sld [smem:$0x3FFC];
	_ =	sdelay $0x3  }
0x9a: {  	_ =	strace s3  }
0x9b: {  	s3 =	sld [smem:$0x3FFD];
	_ =	sdelay $0x3  }
0x9c: {  	_ =	strace s3  }
0x9d: {  	_ =	strace $0x8FFFFFFF  }
0x9e: {  	s18 =	sld [smem:$0x3FDB];
	_ =	sdelay $0x1  }
0x9f: {  	s19 =	simm.s32 $_scs_section_size  }
0xa0: {  	s5 =	simm.s32 $_size__tile_overlayer_lowered;
	s6 =	simm.s32 $_tile_overlayer_lowered  }
0xa1: {  	s22 =	simm.s32 $0x1BFF;
	s21 =	sshll.u32 s6, $0x1;
	s3 =	sadd.s32 s19, s18  }
0xa2: {  	s7 =	simm.s32 $0x0;
	s20 =	sshll.u32 s5, $0x1;
	s5 =	sadd.s32 s21, s3  }
0xa3: {  	[timem:s7], [sflag:s22] =	dma.local [hbm:s5], s20  }
0xa4: {  	_ =	swait.ge [sflag:s22], s20  }
0xa5: {  	s4 =	ssub.s32 $0x0, s20;
	[sflag:s22] =	ssyncset.done $0x0  }
0xa6: {  	[sflag:s22] =	ssyncadd.s32 s4;
	_ =	sdelay $0x1  }
0xa7: {  	s23 =	simm.s32 $0x1B8B  }
0xa8: {  	_ =	swait.ge [sflag:s23], $0x1  }
0xa9: {  	[sflag:s23] =	ssyncset.done $0x0  }
0xaa: {  	s25 =	simm.s32 $0x1B8E;
	s24 =	sld [smem:$0x3FFE];
	[sflag:s23] =	ssyncadd.s32 $0xFFFFFFFF  }
0xab: {  	s26 =	simm.s32 $execute0_lowered;
	[smem:$0x3FD2] =	sst s25  }
0xac: {  	s5 =	sshll.u32 s26, $0x1;
	_ =	strace $0x80000049;
	[dreg:$0x1] =	wrdreg $0xFFFFFFFF  }
0xad: {  	s28 =	simm.s32 $_size_execute0_lowered;
	s3 =	sadd.s32 s3, s5;
	[dreg:$0x0] =	wrdreg $0x0  }
0xae: {  	s5 =	sshll.u32 s28, $0x1;
	[dreg:$0x2] =	wrdreg s3  }
0xaf: {  	[dreg:$0x3] =	wrdreg s5  }
0xb0: {  	[dreg:$0x4] =	wrdreg $0xC0  }
0xb1: {  	_ =	task [dreg:s7], $0x5FFFF  }
0xb2: {  	[dreg:$0x1] =	wrdreg $0xFFFFFFFF  }
0xb3: {  	[dreg:$0x0] =	wrdreg $0x60  }
0xb4: {  	[dreg:$0x2] =	wrdreg s24  }
0xb5: {  	[dreg:$0x3] =	wrdreg s16  }
0xb6: {  	[dreg:$0x4] =	wrdreg $0x9  }
0xb7: {  	_ =	task.clear_ibuf [dreg:s7], $0x5FFFF;
	_ =	strace $0x90000049  }
0xb8: {  	s29 =	simm.s32 $0x9;
	_ =	strace $0x8000004B  }
0xb9: {  	_ =	swait.ge [sflag:s29], $0x1  }
0xba: {  	[sflag:s29] =	ssyncadd.s32 $0xFFFFFFFF  }
0xbb: {  	_ =	strace $0x9000004B  }
0xbc: {  	_ =	sfence  }
0xbd: {  	s30 =	sld [smem:$0x0];
	_ =	sdelay $0x2  }
0xbe: {  	s31 =	sshll.u32 s1, $0xD;
	s1 =	sshrl.u32 s1, $0x2  }
0xbf: {  	s3 =	sand.u32 $0x4000, s31;
	s1 =	sadd.s32 s1, s30  }
0xc0: {  	s0 =	sor.u32 s3, s0;
	s1 =	sshll.u32 s1, $0x11  }
0xc1: {  	s0 =	sor.u32 s1, s0  }
0xc2: {  	s0 =	sadd.s32 $0x8F2B, s0  }
0xc3: {  	[sflag:s0] =	ssyncadd.remote.s32 $0x1  }
0xc4: {  	_ =	sfence.sel $0xFFFF  }
0xc5: {  	[dreg:$0x0] =	wrdreg $0xFFFFFFFF;
	(pc) =	sbr.abs _section_cstart, $3  }
0xc6: {  	[dreg:$0x1] =	wrdreg $0xFFFFFFFF  }
0xc7: {  	_ =	task.clear_ibuf [dreg:s7], $0x2FFFF;
	_ =	strace $0x9FFFFFFF  }
0xc8: {  	(tm) =	ssettm $0x7FFFFFFF  }
0xc9: {  	_ =	shalt  }
tec
execute0_lowered:
.L_overlay_start_1:
0x0: {  	(tag) =	ssettag $0x1  }
0x1: {  	s0 =	rddreg [dreg:$0x0]  }
0x2: {  	s1 =	rddreg [dreg:$0x1]  }
0x3: {  	s2 =	simm.s32 $0x0;
	s3 =	srdreg.scid;
	s5 =	stileid.u32  }
0x4: {  	s30 =	simm.s32 $0x7200;
	s31 =	simm.s32 $0xC200;
	[smem:$0x7FF] =	sst s2  }
0x5: {  	s4 =	sand.u32 $0x1, s3;
	s3 =	sadd.s32 $0xD0A00, s0;
	s5 =	sshll.u32 s5, $0x7  }
0x6: {  	s9 =	sadd.s32 $0xD0400, s0;
	s10 =	sadd.s32 $0xD0800, s0;
	s8 =	sadd.s32 $0xD0D00, s0  }
0x7: {  	_ =	strace $0x8000004A;
	s6 =	sshll.u32 s4, $0x6;
	s4 =	ssub.s32 $0x2, s4  }
0x8: {  	s5 =	sor.u32 s6, s5;
	s14 =	sshrl.u32 s4, $0x1;
	s6 =	sadd.s32 $0xD0B00, s0  }
0x9: {  	s7 =	sshrl.u32 s5, $0x3;
	s4 =	ssub.s32 s4, s14;
	s11 =	sor.u32 $0x10, s5  }
0xa: {  	s19 =	sshll.u32 s5, $0x7;
	s20 =	sor.u32 $0x20, s5;
	s5 =	sor.u32 $0x30, s5  }
0xb: {  	s14 =	simm.s32 $0xEA00;
	s15 =	sadd.s32 s9, s7;
	s16 =	sadd.s32 s10, s7  }
0xc: {  	s12 =	sshrl.u32 s11, $0x3;
	s7 =	sadd.s32 $0xD0C00, s0;
	s0 =	sadd.s32 s1, s19  }
0xd: {  	s21 =	sshrl.u32 s20, $0x3;
	s11 =	sshll.u32 s11, $0x7;
	s22 =	sshrl.u32 s5, $0x3  }
0xe: {  	s26 =	sshll.u32 s20, $0x7;
	s5 =	sshll.u32 s5, $0x7;
	[dreg:$0x3] =	wrdreg s15  }
0xf: {  	s29 =	smax.u32 s4, $0x1;
	s20 =	simm.s32 $0x7;
	[dreg:$0x4] =	wrdreg s16  }
0x10: {  	s4 =	simm.s32 $0xE200;
	s17 =	sadd.s32 s9, s12;
	[dreg:$0x7] =	wrdreg s0  }
0x11: {  	s18 =	sadd.s32 s10, s12;
	s13 =	sadd.s32 s9, s21;
	[dreg:$0xf] =	wrdreg s29  }
0x12: {  	s0 =	sadd.s32 s10, s21;
	s23 =	sadd.s32 s1, s11;
	[dreg:$0x5] =	wrdreg s17  }
0x13: {  	s24 =	sadd.s32 s9, s22;
	s25 =	sadd.s32 s10, s22;
	[dreg:$0x6] =	wrdreg s18  }
0x14: {  	s28 =	sadd.s32 s1, s5;
	s12 =	simm.s32 $0x7A00;
	[dreg:$0x8] =	wrdreg s13  }
0x15: {  	s5 =	simm.s32 $0xF200;
	s15 =	simm.s32 $0xFA00;
	[dreg:$0x9] =	wrdreg s0  }
0x16: {  	s21 =	simm.s32 $0x1;
	s16 =	simm.s32 $0x3;
	[dreg:$0xa] =	wrdreg s23  }
0x17: {  	s22 =	simm.s32 $0x10200;
	s9 =	simm.s32 $0x2;
	[dreg:$0xb] =	wrdreg s24  }
0x18: {  	s10 =	simm.s32 $0x5;
	[dreg:$0xc] =	wrdreg s25;
	s0 =	sadd.s32 s1, s26  }
0x19: {  	v2 =	vlaneseq.u32;
	[dreg:$0xe] =	wrdreg s28;
	s1 =	simm.s32 $0xD200;
	s13 =	simm.s32 $0xDA00  }
0x1a: {  	vm0 =	vmmov $0xffff;
	v1 =	vshrl.u32 v2, $0x3;
	s23 =	simm.s32 $0x4;
	s17 =	simm.s32 $0x14200;
	s18 =	simm.s32 $0x6  }
0x1b: {  	v0 =	vand.u32 $0x7, v2;
	v2 =	vor.u32 $0x8, v2;
	v1 =	vmul.u32 $0x8, v1;
	s24 =	simm.s32 $0x0;
	[dreg:$0xd] =	wrdreg s0;
	s0 =	simm.s32 $0xCA00  }
.LBB2_1:
0x1c: {  	s11 =	rddreg [dreg:$0x3]  }
0x1d: {  	[tilespmem:s2], [sflag:$0x7] =	stream.linear.gather [hbm4b:s11+s2], $0x10, $0x38;
	[tilespmem:$0x18200] =	vst v63  }
0x1e: {  	_ =	swait.ge [sflag:s20], $0x10  }
0x1f: {  	[sflag:s20] =	ssyncset.done $0x0  }
0x20: {  	s19 =	simm.s32 $0x100;
	s28 =	rddreg [dreg:$0x4];
	[sflag:s20] =	ssyncadd.s32 $0xFFFFFFF0  }
0x21: {  	[tilespmem:s19], [sflag:$0x7] =	stream.linear.gather [hbm4b:s28+s2], $0x10, $0x38;
	[tilespmem:$0x18200] =	vst v63  }
0x22: {  	_ =	swait.ge [sflag:s20], $0x10  }
0x23: {  	[sflag:s20] =	ssyncset.done $0x0  }
0x24: {  	[sflag:s20] =	ssyncadd.s32 $0xFFFFFFF0  }
0x25: {  	v3 =	vld [tilespmem:$0x0];
	_ =	sdelay $0x4  }
0x26: {  	v4 =	vshll.u32 v3, $0x3  }
0x27: {  	v3 =	vand.u32 $0x7, v3;
	v4 =	vand.u32 $0xFFFFFFC0, v4  }
0x28: {  	v3 =	vor.u32 v3, v4  }
0x29: {  	v4 =	vperm.xlane v3, v0;
	_ =	sdelay $0x1  }
0x2a: {  	v4 =	vadd.s32 v1, v4;
	_ =	sdelay $0x3  }
0x2b: {  	s29 =	simm.s32 $0x200  }
0x2c: {  	[tilespmem:s29], [sflag:$0x1] =	stream.indirect_vreg.gather [hbm4b:s3+s2], $0x80, v4, vm0, $0xb8;
	[tilespmem:$0x18200] =	vst v63  }
0x2d: {  	s19 =	simm.s32 $0xA00;
	v3 =	vperm.xlane v3, v2  }
0x2e: {  	[tilespmem:s19], [sflag:$0x1] =	stream.indirect_vreg.gather [hbm4b:s6+s2], $0x80, v4, vm0, $0xb8;
	[tilespmem:$0x18200] =	vst v63  }
0x2f: {  	s25 =	simm.s32 $0x1200;
	v3 =	vadd.s32 v1, v3  }
0x30: {  	[tilespmem:s25], [sflag:$0x1] =	stream.indirect_vreg.gather [hbm4b:s7+s2], $0x80, v4, vm0, $0xb8;
	[tilespmem:$0x18200] =	vst v63  }
0x31: {  	s26 =	simm.s32 $0x1A00  }
0x32: {  	[tilespmem:s26], [sflag:$0x1] =	stream.indirect_vreg.gather [hbm4b:s8+s2], $0x80, v4, vm0, $0xb8;
	[tilespmem:$0x18200] =	vst v63  }
0x33: {  	s28 =	simm.s32 $0x2200  }
0x34: {  	[tilespmem:s28], [sflag:$0x1] =	stream.indirect_vreg.gather [hbm4b:s3+s2], $0x80, v3, vm0, $0xb8;
	[tilespmem:$0x18200] =	vst v63  }
0x35: {  	s29 =	simm.s32 $0x2A00  }
0x36: {  	[tilespmem:s29], [sflag:$0x1] =	stream.indirect_vreg.gather [hbm4b:s6+s2], $0x80, v3, vm0, $0xb8;
	[tilespmem:$0x18200] =	vst v63  }
0x37: {  	s19 =	simm.s32 $0x3200  }
0x38: {  	[tilespmem:s19], [sflag:$0x1] =	stream.indirect_vreg.gather [hbm4b:s7+s2], $0x80, v3, vm0, $0xb8;
	[tilespmem:$0x18200] =	vst v63  }
0x39: {  	s25 =	simm.s32 $0x3A00  }
0x3a: {  	[tilespmem:s25], [sflag:$0x1] =	stream.indirect_vreg.gather [hbm4b:s8+s2], $0x80, v3, vm0, $0xb8;
	[tilespmem:$0x18200] =	vst v63  }
0x3b: {  	v3 =	vld [tilespmem:$0x100];
	_ =	sdelay $0x4  }
0x3c: {  	v61 =	vshll.u32 v3, $0x3  }
0x3d: {  	v3 =	vand.u32 $0x7, v3;
	v4 =	vand.u32 $0xFFFFFFC0, v61  }
0x3e: {  	v3 =	vor.u32 v3, v4  }
0x3f: {  	v4 =	vperm.xlane v3, v0;
	_ =	sdelay $0x1  }
0x40: {  	v4 =	vadd.s32 v1, v4;
	_ =	sdelay $0x3  }
0x41: {  	s26 =	simm.s32 $0x8200  }
0x42: {  	[tilespmem:s26], [sflag:$0x3] =	stream.indirect_vreg.gather [hbm4b:s3+s2], $0x80, v4, vm0, $0xb8;
	[tilespmem:$0x18200] =	vst v63  }
0x43: {  	s28 =	simm.s32 $0x8A00;
	v3 =	vperm.xlane v3, v2  }
0x44: {  	[tilespmem:s28], [sflag:$0x3] =	stream.indirect_vreg.gather [hbm4b:s6+s2], $0x80, v4, vm0, $0xb8;
	[tilespmem:$0x18200] =	vst v63  }
0x45: {  	s29 =	simm.s32 $0x9200;
	v3 =	vadd.s32 v1, v3  }
0x46: {  	[tilespmem:s29], [sflag:$0x3] =	stream.indirect_vreg.gather [hbm4b:s7+s2], $0x80, v4, vm0, $0xb8;
	[tilespmem:$0x18200] =	vst v63  }
0x47: {  	s19 =	simm.s32 $0x9A00  }
0x48: {  	[tilespmem:s19], [sflag:$0x3] =	stream.indirect_vreg.gather [hbm4b:s8+s2], $0x80, v4, vm0, $0xb8;
	[tilespmem:$0x18200] =	vst v63  }
0x49: {  	s25 =	simm.s32 $0xA200  }
0x4a: {  	[tilespmem:s25], [sflag:$0x3] =	stream.indirect_vreg.gather [hbm4b:s3+s2], $0x80, v3, vm0, $0xb8;
	[tilespmem:$0x18200] =	vst v63  }
0x4b: {  	s26 =	simm.s32 $0xAA00  }
0x4c: {  	[tilespmem:s26], [sflag:$0x3] =	stream.indirect_vreg.gather [hbm4b:s6+s2], $0x80, v3, vm0, $0xb8;
	[tilespmem:$0x18200] =	vst v63  }
0x4d: {  	s28 =	simm.s32 $0xB200  }
0x4e: {  	[tilespmem:s28], [sflag:$0x3] =	stream.indirect_vreg.gather [hbm4b:s7+s2], $0x80, v3, vm0, $0xb8;
	[tilespmem:$0x18200] =	vst v63  }
0x4f: {  	s29 =	simm.s32 $0xBA00  }
0x50: {  	[tilespmem:s29], [sflag:$0x3] =	stream.indirect_vreg.gather [hbm4b:s8+s2], $0x80, v3, vm0, $0xb8;
	[tilespmem:$0x18200] =	vst v63  }
0x51: {  	s19 =	rddreg [dreg:$0x5];
	s25 =	simm.s32 $0x80  }
0x52: {  	[tilespmem:s25], [sflag:$0x7] =	stream.linear.gather [hbm4b:s19+s2], $0x10, $0x38;
	[tilespmem:$0x18200] =	vst v63  }
0x53: {  	_ =	swait.ge [sflag:s20], $0x10  }
0x54: {  	[sflag:s20] =	ssyncset.done $0x0  }
0x55: {  	s28 =	simm.s32 $0x180;
	s26 =	rddreg [dreg:$0x6];
	[sflag:s20] =	ssyncadd.s32 $0xFFFFFFF0  }
0x56: {  	[tilespmem:s28], [sflag:$0x7] =	stream.linear.gather [hbm4b:s26+s2], $0x10, $0x38;
	[tilespmem:$0x18200] =	vst v63  }
0x57: {  	_ =	swait.ge [sflag:s20], $0x10  }
0x58: {  	[sflag:s20] =	ssyncset.done $0x0  }
0x59: {  	[sflag:s20] =	ssyncadd.s32 $0xFFFFFFF0  }
0x5a: {  	v3 =	vld [tilespmem:$0x80];
	_ =	sdelay $0x4  }
0x5b: {  	v62 =	vshll.u32 v3, $0x3  }
0x5c: {  	v3 =	vand.u32 $0x7, v3;
	v4 =	vand.u32 $0xFFFFFFC0, v62  }
0x5d: {  	v3 =	vor.u32 v3, v4  }
0x5e: {  	v4 =	vperm.xlane v3, v0;
	_ =	sdelay $0x1  }
0x5f: {  	v4 =	vadd.s32 v1, v4;
	_ =	sdelay $0x3  }
0x60: {  	s29 =	simm.s32 $0x4200  }
0x61: {  	[tilespmem:s29], [sflag:$0x2] =	stream.indirect_vreg.gather [hbm4b:s3+s2], $0x80, v4, vm0, $0xb8;
	[tilespmem:$0x18200] =	vst v63  }
0x62: {  	s19 =	simm.s32 $0x4A00;
	v3 =	vperm.xlane v3, v2  }
0x63: {  	[tilespmem:s19], [sflag:$0x2] =	stream.indirect_vreg.gather [hbm4b:s6+s2], $0x80, v4, vm0, $0xb8;
	[tilespmem:$0x18200] =	vst v63  }
0x64: {  	s25 =	simm.s32 $0x5200;
	v3 =	vadd.s32 v1, v3  }
0x65: {  	[tilespmem:s25], [sflag:$0x2] =	stream.indirect_vreg.gather [hbm4b:s7+s2], $0x80, v4, vm0, $0xb8;
	[tilespmem:$0x18200] =	vst v63  }
0x66: {  	s26 =	simm.s32 $0x5A00  }
0x67: {  	[tilespmem:s26], [sflag:$0x2] =	stream.indirect_vreg.gather [hbm4b:s8+s2], $0x80, v4, vm0, $0xb8;
	[tilespmem:$0x18200] =	vst v63  }
0x68: {  	s28 =	simm.s32 $0x6200  }
0x69: {  	[tilespmem:s28], [sflag:$0x2] =	stream.indirect_vreg.gather [hbm4b:s3+s2], $0x80, v3, vm0, $0xb8;
	[tilespmem:$0x18200] =	vst v63  }
0x6a: {  	s29 =	simm.s32 $0x6A00  }
0x6b: {  	[tilespmem:s29], [sflag:$0x2] =	stream.indirect_vreg.gather [hbm4b:s6+s2], $0x80, v3, vm0, $0xb8;
	[tilespmem:$0x18200] =	vst v63  }
0x6c: {  	_ = 	snop  }
0x6d: {  	[tilespmem:s30], [sflag:$0x2] =	stream.indirect_vreg.gather [hbm4b:s7+s2], $0x80, v3, vm0, $0xb8;
	[tilespmem:$0x18200] =	vst v63  }
0x6e: {  	_ = 	snop  }
0x6f: {  	[tilespmem:s12], [sflag:$0x2] =	stream.indirect_vreg.gather [hbm4b:s8+s2], $0x80, v3, vm0, $0xb8;
	[tilespmem:$0x18200] =	vst v63  }
0x70: {  	v3 =	vld [tilespmem:$0x180];
	_ =	sdelay $0x4  }
0x71: {  	v63 =	vshll.u32 v3, $0x3  }
0x72: {  	v3 =	vand.u32 $0x7, v3;
	v4 =	vand.u32 $0xFFFFFFC0, v63  }
0x73: {  	v3 =	vor.u32 v3, v4  }
0x74: {  	v4 =	vperm.xlane v3, v0;
	_ =	sdelay $0x1  }
0x75: {  	v4 =	vadd.s32 v1, v4;
	_ =	sdelay $0x4  }
0x76: {  	[tilespmem:s31], [sflag:$0x4] =	stream.indirect_vreg.gather [hbm4b:s3+s2], $0x80, v4, vm0, $0xb8;
	[tilespmem:$0x18200] =	vst v63  }
0x77: {  	v3 =	vperm.xlane v3, v2  }
0x78: {  	[tilespmem:s0], [sflag:$0x4] =	stream.indirect_vreg.gather [hbm4b:s6+s2], $0x80, v4, vm0, $0xb8;
	[tilespmem:$0x18200] =	vst v63  }
0x79: {  	v3 =	vadd.s32 v1, v3  }
0x7a: {  	[tilespmem:s1], [sflag:$0x4] =	stream.indirect_vreg.gather [hbm4b:s7+s2], $0x80, v4, vm0, $0xb8;
	[tilespmem:$0x18200] =	vst v63  }
0x7b: {  	_ = 	snop  }
0x7c: {  	[tilespmem:s13], [sflag:$0x4] =	stream.indirect_vreg.gather [hbm4b:s8+s2], $0x80, v4, vm0, $0xb8;
	[tilespmem:$0x18200] =	vst v63  }
0x7d: {  	_ = 	snop  }
0x7e: {  	[tilespmem:s4], [sflag:$0x4] =	stream.indirect_vreg.gather [hbm4b:s3+s2], $0x80, v3, vm0, $0xb8;
	[tilespmem:$0x18200] =	vst v63  }
0x7f: {  	_ = 	snop  }
0x80: {  	[tilespmem:s14], [sflag:$0x4] =	stream.indirect_vreg.gather [hbm4b:s6+s2], $0x80, v3, vm0, $0xb8;
	[tilespmem:$0x18200] =	vst v63  }
0x81: {  	_ = 	snop  }
0x82: {  	[tilespmem:s5], [sflag:$0x4] =	stream.indirect_vreg.gather [hbm4b:s7+s2], $0x80, v3, vm0, $0xb8;
	[tilespmem:$0x18200] =	vst v63  }
0x83: {  	_ = 	snop  }
0x84: {  	[tilespmem:s15], [sflag:$0x4] =	stream.indirect_vreg.gather [hbm4b:s8+s2], $0x80, v3, vm0, $0xb8;
	[tilespmem:$0x18200] =	vst v63  }
0x85: {  	_ =	swait.ge [sflag:s21], $0x4000  }
0x86: {  	[sflag:s21] =	ssyncset.done $0x0  }
0x87: {  	[sflag:s21] =	ssyncadd.s32 $0xFFFFC000  }
0x88: {  	_ =	swait.ge [sflag:s16], $0x4000  }
0x89: {  	s11 =	simm.s32 $0x0;
	s19 =	simm.s32 $0xFFFFC000;
	[sflag:s16] =	ssyncset.done $0x0  }
0x8a: {  	s25 =	simm.s32 $0x0;
	s26 =	simm.s32 $0x0;
	[sflag:s16] =	ssyncadd.s32 $0xFFFFC000  }
.LBB2_2:
0x8b: {  	s28 =	sadd.s32 $0x4000, s19  }
0x8c: {  	s29 =	sand.u32 $0x380, s11;
	s28 =	sand.u32 $0x2000, s28  }
0x8d: {  	s28 =	sor.u32 s29, s28  }
0x8e: {  	v3 =	vld [tilespmem:s28+$0x200]  }
0x8f: {  	v4 =	vld [tilespmem:s28+$0x8200]  }
0x90: {  	v5 =	vld [tilespmem:s28+$0x210]  }
0x91: {  	v6 =	vld [tilespmem:s28+$0x8210]  }
0x92: {  	v7 =	vld [tilespmem:s28+$0x220]  }
0x93: {  	v8 =	vld [tilespmem:s28+$0x8220]  }
0x94: {  	v9 =	vld [tilespmem:s28+$0x230]  }
0x95: {  	v10 =	vld [tilespmem:s28+$0x8230]  }
0x96: {  	v11 =	vld [tilespmem:s28+$0x240]  }
0x97: {  	v12 =	vld [tilespmem:s28+$0x8240]  }
0x98: {  	v13 =	vld [tilespmem:s28+$0x250]  }
0x99: {  	v14 =	vld [tilespmem:s28+$0x8250]  }
0x9a: {  	v15 =	vld [tilespmem:s28+$0x260]  }
0x9b: {  	v16 =	vld [tilespmem:s28+$0x8260]  }
0x9c: {  	v17 =	vld [tilespmem:s28+$0x270]  }
0x9d: {  	v18 =	vld [tilespmem:s28+$0x8270]  }
0x9e: {  	v19 =	vld [tilespmem:s28+$0x600]  }
0x9f: {  	v20 =	vld [tilespmem:s28+$0x8600]  }
0xa0: {  	v21 =	vld [tilespmem:s28+$0x610]  }
0xa1: {  	v22 =	vld [tilespmem:s28+$0x8610]  }
0xa2: {  	v23 =	vld [tilespmem:s28+$0x620]  }
0xa3: {  	v24 =	vld [tilespmem:s28+$0x8620]  }
0xa4: {  	v25 =	vld [tilespmem:s28+$0x630]  }
0xa5: {  	v26 =	vld [tilespmem:s28+$0x8630]  }
0xa6: {  	v27 =	vld [tilespmem:s28+$0x640]  }
0xa7: {  	v28 =	vld [tilespmem:s28+$0x8640]  }
0xa8: {  	v29 =	vld [tilespmem:s28+$0x650]  }
0xa9: {  	v30 =	vld [tilespmem:s28+$0x8650]  }
0xaa: {  	v31 =	vld [tilespmem:s28+$0x660]  }
0xab: {  	v32 =	vld [tilespmem:s28+$0x8660]  }
0xac: {  	v33 =	vld [tilespmem:s28+$0x670]  }
0xad: {  	v34 =	vld [tilespmem:s28+$0x8670]  }
0xae: {  	v35 =	vld [tilespmem:s28+$0xA00]  }
0xaf: {  	v36 =	vld [tilespmem:s28+$0x8A00]  }
0xb0: {  	v37 =	vld [tilespmem:s28+$0xA10]  }
0xb1: {  	v38 =	vld [tilespmem:s28+$0x8A10]  }
0xb2: {  	v39 =	vld [tilespmem:s28+$0xA20]  }
0xb3: {  	v40 =	vld [tilespmem:s28+$0x8A20]  }
0xb4: {  	v41 =	vld [tilespmem:s28+$0xA30]  }
0xb5: {  	v42 =	vld [tilespmem:s28+$0x8A30]  }
0xb6: {  	v43 =	vld [tilespmem:s28+$0xA40]  }
0xb7: {  	v44 =	vld [tilespmem:s28+$0x8A40]  }
0xb8: {  	v45 =	vld [tilespmem:s28+$0xA50]  }
0xb9: {  	v46 =	vld [tilespmem:s28+$0x8A50]  }
0xba: {  	v47 =	vld [tilespmem:s28+$0xA60]  }
0xbb: {  	v48 =	vld [tilespmem:s28+$0x8A60]  }
0xbc: {  	v49 =	vld [tilespmem:s28+$0xA70]  }
0xbd: {  	v50 =	vld [tilespmem:s28+$0x8A70]  }
0xbe: {  	v51 =	vld [tilespmem:s28+$0xE00]  }
0xbf: {  	v52 =	vld [tilespmem:s28+$0x8E00]  }
0xc0: {  	v53 =	vld [tilespmem:s28+$0xE10]  }
0xc1: {  	v54 =	vld [tilespmem:s28+$0x8E10]  }
0xc2: {  	v55 =	vld [tilespmem:s28+$0xE20]  }
0xc3: {  	v56 =	vld [tilespmem:s28+$0x8E20]  }
0xc4: {  	v57 =	vld [tilespmem:s28+$0xE30]  }
0xc5: {  	v58 =	vld [tilespmem:s28+$0x8E30]  }
0xc6: {  	v59 =	vld [tilespmem:s28+$0xE40]  }
0xc7: {  	v60 =	vld [tilespmem:s28+$0x8E40]  }
0xc8: {  	v61 =	vld [tilespmem:s28+$0xE50]  }
0xc9: {  	v62 =	vld [tilespmem:s28+$0x8E50]  }
0xca: {  	v63 =	vld [tilespmem:s28+$0xE60]  }
0xcb: {  	v3 =	vadd.f32 v4, v3;
	v4 =	vld [tilespmem:s28+$0x8E60]  }
0xcc: {  	v5 =	vadd.f32 v6, v5;
	v6 =	vld [tilespmem:s28+$0xE70]  }
0xcd: {  	v14 =	vadd.f32 v14, v13;
	v13 =	vld [tilespmem:s28+$0x9220];
	[tilespmem:s28+$0x10200] =	vst v3  }
0xce: {  	v18 =	vadd.f32 v18, v17;
	v17 =	vld [tilespmem:s28+$0x9240];
	v3 =	vadd.f32 v8, v7;
	[tilespmem:s28+$0x10210] =	vst v5  }
0xcf: {  	v22 =	vadd.f32 v22, v21;
	v21 =	vld [tilespmem:s28+$0x9260];
	[tilespmem:s28+$0x10250] =	vst v14  }
0xd0: {  	v7 =	vld [tilespmem:s28+$0x8E70];
	[tilespmem:s28+$0x10220] =	vst v3;
	v3 =	vadd.f32 v12, v11  }
0xd1: {  	v8 =	vld [tilespmem:s28+$0x1200];
	[tilespmem:s28+$0x10270] =	vst v18  }
0xd2: {  	v5 =	vadd.f32 v10, v9;
	v9 =	vld [tilespmem:s28+$0x9200];
	[tilespmem:s28+$0x10240] =	vst v3;
	v3 =	vadd.f32 v16, v15  }
0xd3: {  	v26 =	vadd.f32 v26, v25;
	v10 =	vld [tilespmem:s28+$0x1210];
	[tilespmem:s28+$0x10610] =	vst v22  }
0xd4: {  	v14 =	vld [tilespmem:s28+$0x1230];
	[tilespmem:s28+$0x10260] =	vst v3;
	v3 =	vadd.f32 v20, v19  }
0xd5: {  	v30 =	vadd.f32 v30, v29;
	[tilespmem:s28+$0x10630] =	vst v26;
	v18 =	vld [tilespmem:s28+$0x1250]  }
0xd6: {  	v19 =	vld [tilespmem:s28+$0x9250];
	[tilespmem:s28+$0x10600] =	vst v3;
	v3 =	vadd.f32 v24, v23  }
0xd7: {  	v34 =	vadd.f32 v34, v33;
	[tilespmem:s28+$0x10650] =	vst v30;
	v22 =	vld [tilespmem:s28+$0x1270]  }
0xd8: {  	v11 =	vld [tilespmem:s28+$0x9210];
	[tilespmem:s28+$0x10620] =	vst v3;
	v3 =	vadd.f32 v28, v27  }
0xd9: {  	[tilespmem:s28+$0x10670] =	vst v34;
	v12 =	vld [tilespmem:s28+$0x1220]  }
0xda: {  	v15 =	vld [tilespmem:s28+$0x9230];
	[tilespmem:s28+$0x10640] =	vst v3;
	v3 =	vadd.f32 v32, v31  }
0xdb: {  	[tilespmem:s28+$0x10230] =	vst v5;
	v16 =	vld [tilespmem:s28+$0x1240];
	v19 =	vadd.f32 v19, v18  }
0xdc: {  	v20 =	vld [tilespmem:s28+$0x1260];
	[tilespmem:s28+$0x10660] =	vst v3;
	v3 =	vadd.f32 v36, v35  }
0xdd: {  	v24 =	vld [tilespmem:s28+$0x1600];
	[tilespmem:s28+$0x11250] =	vst v19;
	v36 =	vadd.f32 v38, v37  }
0xde: {  	v37 =	vld [tilespmem:s28+$0x9270];
	[tilespmem:s28+$0x10A00] =	vst v3;
	v3 =	vadd.f32 v40, v39  }
0xdf: {  	v38 =	vadd.f32 v42, v41;
	v41 =	vld [tilespmem:s28+$0x1610];
	[tilespmem:s28+$0x10A10] =	vst v36  }
0xe0: {  	v42 =	vld [tilespmem:s28+$0x9610];
	[tilespmem:s28+$0x10A20] =	vst v3;
	v3 =	vadd.f32 v44, v43  }
0xe1: {  	v35 =	vld [tilespmem:s28+$0x1A10];
	[tilespmem:s28+$0x10A30] =	vst v38;
	v40 =	vadd.f32 v46, v45  }
0xe2: {  	v39 =	vld [tilespmem:s28+$0x9600];
	[tilespmem:s28+$0x10A40] =	vst v3;
	v3 =	vadd.f32 v48, v47  }
0xe3: {  	v45 =	vld [tilespmem:s28+$0x9620];
	v46 =	vadd.f32 v54, v53;
	[tilespmem:s28+$0x10A50] =	vst v40  }
0xe4: {  	v53 =	vld [tilespmem:s28+$0x1650];
	[tilespmem:s28+$0x10A60] =	vst v3;
	v3 =	vadd.f32 v52, v51  }
0xe5: {  	v54 =	vld [tilespmem:s28+$0x9650];
	v43 =	vadd.f32 v50, v49;
	[tilespmem:s28+$0x10E10] =	vst v46  }
0xe6: {  	v36 =	vld [tilespmem:s28+$0x9A10];
	[tilespmem:s28+$0x10E00] =	vst v3;
	v3 =	vadd.f32 v56, v55  }
0xe7: {  	v38 =	vld [tilespmem:s28+$0x1A20];
	v49 =	vadd.f32 v58, v57;
	[tilespmem:s28+$0x10A70] =	vst v43  }
0xe8: {  	v44 =	vld [tilespmem:s28+$0x1620];
	[tilespmem:s28+$0x10E20] =	vst v3;
	v3 =	vadd.f32 v60, v59  }
0xe9: {  	v50 =	vld [tilespmem:s28+$0x1640];
	v58 =	vadd.f32 v11, v10;
	[tilespmem:s28+$0x10E30] =	vst v49  }
0xea: {  	v57 =	vld [tilespmem:s28+$0x9660];
	[tilespmem:s28+$0x10E40] =	vst v3;
	v3 =	vadd.f32 v4, v63  }
0xeb: {  	v46 =	vld [tilespmem:s28+$0x1A50];
	v37 =	vadd.f32 v37, v22;
	[tilespmem:s28+$0x11210] =	vst v58  }
0xec: {  	v40 =	vadd.f32 v42, v41;
	v41 =	vld [tilespmem:s28+$0x1A30];
	[tilespmem:s28+$0x10E60] =	vst v3;
	v3 =	vadd.f32 v9, v8  }
0xed: {  	v42 =	vld [tilespmem:s28+$0x9A30];
	[tilespmem:s28+$0x11270] =	vst v37  }
0xee: {  	v47 =	vld [tilespmem:s28+$0x1630];
	[tilespmem:s28+$0x11200] =	vst v3;
	v3 =	vadd.f32 v13, v12  }
0xef: {  	v48 =	vld [tilespmem:s28+$0x9630];
	[tilespmem:s28+$0x11610] =	vst v40;
	v52 =	vadd.f32 v62, v61  }
0xf0: {  	v49 =	vld [tilespmem:s28+$0x1A60];
	[tilespmem:s28+$0x11220] =	vst v3;
	v3 =	vadd.f32 v17, v16  }
0xf1: {  	v51 =	vld [tilespmem:s28+$0x9640];
	v61 =	vadd.f32 v15, v14;
	[tilespmem:s28+$0x10E50] =	vst v52  }
0xf2: {  	v62 =	vld [tilespmem:s28+$0x1A00];
	[tilespmem:s28+$0x11240] =	vst v3;
	v3 =	vadd.f32 v21, v20  }
0xf3: {  	v55 =	vadd.f32 v7, v6;
	v56 =	vld [tilespmem:s28+$0x1660];
	[tilespmem:s28+$0x11230] =	vst v61  }
0xf4: {  	v52 =	vld [tilespmem:s28+$0x1A70];
	[tilespmem:s28+$0x11260] =	vst v3;
	v3 =	vadd.f32 v39, v24  }
0xf5: {  	v43 =	vadd.f32 v48, v47;
	v47 =	vld [tilespmem:s28+$0x9A50];
	[tilespmem:s28+$0x10E70] =	vst v55  }
0xf6: {  	v59 =	vld [tilespmem:s28+$0x1670];
	[tilespmem:s28+$0x11600] =	vst v3;
	v3 =	vadd.f32 v45, v44  }
0xf7: {  	[tilespmem:s28+$0x11630] =	vst v43;
	v63 =	vld [tilespmem:s28+$0x9A00];
	v4 =	vadd.f32 v54, v53  }
0xf8: {  	v60 =	vld [tilespmem:s28+$0x9670];
	[tilespmem:s28+$0x11620] =	vst v3;
	v3 =	vadd.f32 v51, v50  }
0xf9: {  	v54 =	vadd.f32 v42, v41;
	[tilespmem:s28+$0x11650] =	vst v4;
	v39 =	vld [tilespmem:s28+$0x9A20]  }
0xfa: {  	v44 =	vld [tilespmem:s28+$0x1A40];
	[tilespmem:s28+$0x11640] =	vst v3;
	v3 =	vadd.f32 v57, v56  }
0xfb: {  	[tilespmem:s28+$0x11A30] =	vst v54;
	v55 =	vadd.f32 v47, v46;
	v45 =	vld [tilespmem:s28+$0x9A40]  }
0xfc: {  	v53 =	vld [tilespmem:s28+$0x9A70];
	[tilespmem:s28+$0x11660] =	vst v3;
	v3 =	vadd.f32 v63, v62  }
0xfd: {  	v48 =	vadd.f32 v60, v59;
	[tilespmem:s28+$0x11A50] =	vst v55;
	v50 =	vld [tilespmem:s28+$0x9A60]  }
0xfe: {  	[tilespmem:s28+$0x11A00] =	vst v3;
	v3 =	vadd.f32 v39, v38  }
0xff: {  	[tilespmem:s28+$0x11670] =	vst v48;
	v51 =	vadd.f32 v36, v35  }
0x100: {  	[tilespmem:s28+$0x11A20] =	vst v3;
	v3 =	vadd.f32 v45, v44  }
0x101: {  	s29 =	sand.u32 $0x7, s25;
	[tilespmem:s28+$0x11A10] =	vst v51;
	v56 =	vadd.f32 v53, v52  }
0x102: {  	s29 =	sshll.u32 s29, $0x7;
	[tilespmem:s28+$0x11A40] =	vst v3;
	v3 =	vadd.f32 v50, v49  }
0x103: {  	s29 =	sadd.s32 s29, s26;
	[tilespmem:s28+$0x11A70] =	vst v56  }
0x104: {  	[tilespmem:s28+$0x11A60] =	vst v3;
	s28 =	sor.u32 $0x1C00, s29  }
0x105: {  	v3 =	vld [tilespmem:s28+$0x200]  }
0x106: {  	v4 =	vld [tilespmem:s28+$0x8200];
	_ =	sdelay $0x4  }
0x107: {  	v3 =	vadd.f32 v4, v3;
	_ =	sdelay $0x1  }
0x108: {  	[tilespmem:s28+$0x10200] =	vst v3;
	s28 =	sor.u32 $0x1C10, s29  }
0x109: {  	v3 =	vld [tilespmem:s28+$0x200]  }
0x10a: {  	v57 =	vld [tilespmem:s28+$0x8200];
	_ =	sdelay $0x4  }
0x10b: {  	v3 =	vadd.f32 v57, v3;
	_ =	sdelay $0x1  }
0x10c: {  	[tilespmem:s28+$0x10200] =	vst v3;
	s28 =	sor.u32 $0x1C20, s29  }
0x10d: {  	v3 =	vld [tilespmem:s28+$0x200]  }
0x10e: {  	v58 =	vld [tilespmem:s28+$0x8200];
	_ =	sdelay $0x4  }
0x10f: {  	v3 =	vadd.f32 v58, v3;
	_ =	sdelay $0x1  }
0x110: {  	[tilespmem:s28+$0x10200] =	vst v3;
	s28 =	sor.u32 $0x1C30, s29  }
0x111: {  	v3 =	vld [tilespmem:s28+$0x200]  }
0x112: {  	v59 =	vld [tilespmem:s28+$0x8200];
	_ =	sdelay $0x4  }
0x113: {  	v3 =	vadd.f32 v59, v3;
	_ =	sdelay $0x1  }
0x114: {  	[tilespmem:s28+$0x10200] =	vst v3;
	s28 =	sor.u32 $0x1C40, s29  }
0x115: {  	v3 =	vld [tilespmem:s28+$0x200]  }
0x116: {  	v60 =	vld [tilespmem:s28+$0x8200];
	_ =	sdelay $0x4  }
0x117: {  	v3 =	vadd.f32 v60, v3;
	_ =	sdelay $0x1  }
0x118: {  	[tilespmem:s28+$0x10200] =	vst v3;
	s28 =	sor.u32 $0x1C50, s29  }
0x119: {  	v3 =	vld [tilespmem:s28+$0x200]  }
0x11a: {  	v61 =	vld [tilespmem:s28+$0x8200];
	_ =	sdelay $0x4  }
0x11b: {  	v3 =	vadd.f32 v61, v3;
	_ =	sdelay $0x1  }
0x11c: {  	[tilespmem:s28+$0x10200] =	vst v3;
	s28 =	sor.u32 $0x1C60, s29  }
0x11d: {  	v3 =	vld [tilespmem:s28+$0x200]  }
0x11e: {  	v62 =	vld [tilespmem:s28+$0x8200];
	_ =	sdelay $0x4  }
0x11f: {  	v3 =	vadd.f32 v62, v3;
	_ =	sdelay $0x1  }
0x120: {  	s29 =	sor.u32 $0x1C70, s29;
	[tilespmem:s28+$0x10200] =	vst v3  }
0x121: {  	v3 =	vld [tilespmem:s29+$0x200]  }
0x122: {  	v63 =	vld [tilespmem:s29+$0x8200];
	_ =	sdelay $0x1  }
0x123: {  	p0 =	sne.s32 s11, $0x780  }
.Ltmp0:
0x124: {  	_ = 	snop;
	(pc) =	sbr.rel @p0 .LBB2_2-.Ltmp0, $4  }
0x125: {  	_ = 	snop  }
0x126: {  	v3 =	vadd.f32 v63, v3  }
0x127: {  	s19 =	sadd.s32 $0x400, s19  }
0x128: {  	s11 =	sadd.s32 $0x80, s11;
	s25 =	sadd.s32 $0x1, s25;
	s26 =	sadd.s32 $0x400, s26;
	[tilespmem:s29+$0x10200] =	vst v3  }
0x129: {  	s19 =	simm.s32 $0x0;
	s11 =	rddreg [dreg:$0x7]  }
0x12a: {  	[hbm4b:s11+s19] =	stream.linear.scatter [tilespmem:s22], [sflag:$0x5], $0x4000, $0x38;
	[tilespmem:$0x18200] =	vst v63  }
0x12b: {  	s28 =	rddreg [dreg:$0x8]  }
0x12c: {  	[tilespmem:s19], [sflag:$0x7] =	stream.linear.gather [hbm4b:s28+s19], $0x10, $0x38;
	[tilespmem:$0x18200] =	vst v63  }
0x12d: {  	_ =	swait.ge [sflag:s20], $0x10  }
0x12e: {  	[sflag:s20] =	ssyncset.done $0x0  }
0x12f: {  	s25 =	simm.s32 $0x100;
	s29 =	rddreg [dreg:$0x9];
	[sflag:s20] =	ssyncadd.s32 $0xFFFFFFF0  }
0x130: {  	[tilespmem:s25], [sflag:$0x7] =	stream.linear.gather [hbm4b:s29+s19], $0x10, $0x38;
	[tilespmem:$0x18200] =	vst v63  }
0x131: {  	_ =	swait.ge [sflag:s20], $0x10  }
0x132: {  	[sflag:s20] =	ssyncset.done $0x0  }
0x133: {  	[sflag:s20] =	ssyncadd.s32 $0xFFFFFFF0  }
0x134: {  	v3 =	vld [tilespmem:$0x0];
	_ =	sdelay $0x4  }
0x135: {  	v4 =	vshll.u32 v3, $0x3  }
0x136: {  	v3 =	vand.u32 $0x7, v3;
	v4 =	vand.u32 $0xFFFFFFC0, v4  }
0x137: {  	v3 =	vor.u32 v3, v4  }
0x138: {  	v4 =	vperm.xlane v3, v0;
	_ =	sdelay $0x1  }
0x139: {  	v4 =	vadd.s32 v1, v4;
	_ =	sdelay $0x3  }
0x13a: {  	s25 =	simm.s32 $0x200  }
0x13b: {  	[tilespmem:s25], [sflag:$0x1] =	stream.indirect_vreg.gather [hbm4b:s3+s19], $0x80, v4, vm0, $0xb8;
	[tilespmem:$0x18200] =	vst v63  }
0x13c: {  	s26 =	simm.s32 $0xA00;
	v3 =	vperm.xlane v3, v2  }
0x13d: {  	[tilespmem:s26], [sflag:$0x1] =	stream.indirect_vreg.gather [hbm4b:s6+s19], $0x80, v4, vm0, $0xb8;
	[tilespmem:$0x18200] =	vst v63  }
0x13e: {  	s28 =	simm.s32 $0x1200;
	v3 =	vadd.s32 v1, v3  }
0x13f: {  	[tilespmem:s28], [sflag:$0x1] =	stream.indirect_vreg.gather [hbm4b:s7+s19], $0x80, v4, vm0, $0xb8;
	[tilespmem:$0x18200] =	vst v63  }
0x140: {  	s29 =	simm.s32 $0x1A00  }
0x141: {  	[tilespmem:s29], [sflag:$0x1] =	stream.indirect_vreg.gather [hbm4b:s8+s19], $0x80, v4, vm0, $0xb8;
	[tilespmem:$0x18200] =	vst v63  }
0x142: {  	s25 =	simm.s32 $0x2200  }
0x143: {  	[tilespmem:s25], [sflag:$0x1] =	stream.indirect_vreg.gather [hbm4b:s3+s19], $0x80, v3, vm0, $0xb8;
	[tilespmem:$0x18200] =	vst v63  }
0x144: {  	s26 =	simm.s32 $0x2A00  }
0x145: {  	[tilespmem:s26], [sflag:$0x1] =	stream.indirect_vreg.gather [hbm4b:s6+s19], $0x80, v3, vm0, $0xb8;
	[tilespmem:$0x18200] =	vst v63  }
0x146: {  	s28 =	simm.s32 $0x3200  }
0x147: {  	[tilespmem:s28], [sflag:$0x1] =	stream.indirect_vreg.gather [hbm4b:s7+s19], $0x80, v3, vm0, $0xb8;
	[tilespmem:$0x18200] =	vst v63  }
0x148: {  	s29 =	simm.s32 $0x3A00  }
0x149: {  	[tilespmem:s29], [sflag:$0x1] =	stream.indirect_vreg.gather [hbm4b:s8+s19], $0x80, v3, vm0, $0xb8;
	[tilespmem:$0x18200] =	vst v63  }
0x14a: {  	v3 =	vld [tilespmem:$0x100];
	_ =	sdelay $0x4  }
0x14b: {  	v63 =	vshll.u32 v3, $0x3  }
0x14c: {  	v3 =	vand.u32 $0x7, v3;
	v4 =	vand.u32 $0xFFFFFFC0, v63  }
0x14d: {  	v3 =	vor.u32 v3, v4  }
0x14e: {  	v4 =	vperm.xlane v3, v0;
	_ =	sdelay $0x1  }
0x14f: {  	v4 =	vadd.s32 v1, v4;
	_ =	sdelay $0x3  }
0x150: {  	s25 =	simm.s32 $0x8200  }
0x151: {  	[tilespmem:s25], [sflag:$0x3] =	stream.indirect_vreg.gather [hbm4b:s3+s19], $0x80, v4, vm0, $0xb8;
	[tilespmem:$0x18200] =	vst v63  }
0x152: {  	s26 =	simm.s32 $0x8A00;
	v3 =	vperm.xlane v3, v2  }
0x153: {  	[tilespmem:s26], [sflag:$0x3] =	stream.indirect_vreg.gather [hbm4b:s6+s19], $0x80, v4, vm0, $0xb8;
	[tilespmem:$0x18200] =	vst v63  }
0x154: {  	s28 =	simm.s32 $0x9200;
	v3 =	vadd.s32 v1, v3  }
0x155: {  	[tilespmem:s28], [sflag:$0x3] =	stream.indirect_vreg.gather [hbm4b:s7+s19], $0x80, v4, vm0, $0xb8;
	[tilespmem:$0x18200] =	vst v63  }
0x156: {  	s29 =	simm.s32 $0x9A00  }
0x157: {  	[tilespmem:s29], [sflag:$0x3] =	stream.indirect_vreg.gather [hbm4b:s8+s19], $0x80, v4, vm0, $0xb8;
	[tilespmem:$0x18200] =	vst v63  }
0x158: {  	s25 =	simm.s32 $0xA200  }
0x159: {  	[tilespmem:s25], [sflag:$0x3] =	stream.indirect_vreg.gather [hbm4b:s3+s19], $0x80, v3, vm0, $0xb8;
	[tilespmem:$0x18200] =	vst v63  }
0x15a: {  	s26 =	simm.s32 $0xAA00  }
0x15b: {  	[tilespmem:s26], [sflag:$0x3] =	stream.indirect_vreg.gather [hbm4b:s6+s19], $0x80, v3, vm0, $0xb8;
	[tilespmem:$0x18200] =	vst v63  }
0x15c: {  	s28 =	simm.s32 $0xB200  }
0x15d: {  	[tilespmem:s28], [sflag:$0x3] =	stream.indirect_vreg.gather [hbm4b:s7+s19], $0x80, v3, vm0, $0xb8;
	[tilespmem:$0x18200] =	vst v63  }
0x15e: {  	s29 =	simm.s32 $0xBA00  }
0x15f: {  	[tilespmem:s29], [sflag:$0x3] =	stream.indirect_vreg.gather [hbm4b:s8+s19], $0x80, v3, vm0, $0xb8;
	[tilespmem:$0x18200] =	vst v63  }
0x160: {  	_ =	swait.ge [sflag:s9], $0x4000  }
0x161: {  	[sflag:s9] =	ssyncset.done $0x0  }
0x162: {  	[sflag:s9] =	ssyncadd.s32 $0xFFFFC000  }
0x163: {  	_ =	swait.ge [sflag:s23], $0x4000  }
0x164: {  	s11 =	simm.s32 $0x0;
	[sflag:s23] =	ssyncset.done $0x0  }
0x165: {  	s25 =	simm.s32 $0xFFFFC000;
	s26 =	simm.s32 $0x0;
	[sflag:s23] =	ssyncadd.s32 $0xFFFFC000  }
.LBB2_4:
0x166: {  	s28 =	sadd.s32 $0x4000, s25  }
0x167: {  	s29 =	sand.u32 $0x380, s11;
	s28 =	sand.u32 $0x2000, s28  }
0x168: {  	s28 =	sor.u32 s29, s28  }
0x169: {  	v3 =	vld [tilespmem:s28+$0x4200]  }
0x16a: {  	v4 =	vld [tilespmem:s28+$0xC200]  }
0x16b: {  	v5 =	vld [tilespmem:s28+$0x4210]  }
0x16c: {  	v6 =	vld [tilespmem:s28+$0xC210]  }
0x16d: {  	v7 =	vld [tilespmem:s28+$0x4220]  }
0x16e: {  	v8 =	vld [tilespmem:s28+$0xC220]  }
0x16f: {  	v9 =	vld [tilespmem:s28+$0x4230]  }
0x170: {  	v10 =	vld [tilespmem:s28+$0xC230]  }
0x171: {  	v11 =	vld [tilespmem:s28+$0x4240]  }
0x172: {  	v12 =	vld [tilespmem:s28+$0xC240]  }
0x173: {  	v13 =	vld [tilespmem:s28+$0x4250]  }
0x174: {  	v14 =	vld [tilespmem:s28+$0xC250]  }
0x175: {  	v15 =	vld [tilespmem:s28+$0x4260]  }
0x176: {  	v16 =	vld [tilespmem:s28+$0xC260]  }
0x177: {  	v17 =	vld [tilespmem:s28+$0x4270]  }
0x178: {  	v18 =	vld [tilespmem:s28+$0xC270]  }
0x179: {  	v19 =	vld [tilespmem:s28+$0x4600]  }
0x17a: {  	v20 =	vld [tilespmem:s28+$0xC600]  }
0x17b: {  	v21 =	vld [tilespmem:s28+$0x4610]  }
0x17c: {  	v22 =	vld [tilespmem:s28+$0xC610]  }
0x17d: {  	v23 =	vld [tilespmem:s28+$0x4620]  }
0x17e: {  	v24 =	vld [tilespmem:s28+$0xC620]  }
0x17f: {  	v25 =	vld [tilespmem:s28+$0x4630]  }
0x180: {  	v26 =	vld [tilespmem:s28+$0xC630]  }
0x181: {  	v27 =	vld [tilespmem:s28+$0x4640]  }
0x182: {  	v28 =	vld [tilespmem:s28+$0xC640]  }
0x183: {  	v29 =	vld [tilespmem:s28+$0x4650]  }
0x184: {  	v30 =	vld [tilespmem:s28+$0xC650]  }
0x185: {  	v31 =	vld [tilespmem:s28+$0x4660]  }
0x186: {  	v32 =	vld [tilespmem:s28+$0xC660]  }
0x187: {  	v33 =	vld [tilespmem:s28+$0x4670]  }
0x188: {  	v34 =	vld [tilespmem:s28+$0xC670]  }
0x189: {  	v35 =	vld [tilespmem:s28+$0x4A00]  }
0x18a: {  	v36 =	vld [tilespmem:s28+$0xCA00]  }
0x18b: {  	v37 =	vld [tilespmem:s28+$0x4A10]  }
0x18c: {  	v38 =	vld [tilespmem:s28+$0xCA10]  }
0x18d: {  	v39 =	vld [tilespmem:s28+$0x4A20]  }
0x18e: {  	v40 =	vld [tilespmem:s28+$0xCA20]  }
0x18f: {  	v41 =	vld [tilespmem:s28+$0x4A30]  }
0x190: {  	v42 =	vld [tilespmem:s28+$0xCA30]  }
0x191: {  	v43 =	vld [tilespmem:s28+$0x4A40]  }
0x192: {  	v44 =	vld [tilespmem:s28+$0xCA40]  }
0x193: {  	v45 =	vld [tilespmem:s28+$0x4A50]  }
0x194: {  	v46 =	vld [tilespmem:s28+$0xCA50]  }
0x195: {  	v47 =	vld [tilespmem:s28+$0x4A60]  }
0x196: {  	v48 =	vld [tilespmem:s28+$0xCA60]  }
0x197: {  	v49 =	vld [tilespmem:s28+$0x4A70]  }
0x198: {  	v50 =	vld [tilespmem:s28+$0xCA70]  }
0x199: {  	v51 =	vld [tilespmem:s28+$0x4E00]  }
0x19a: {  	v52 =	vld [tilespmem:s28+$0xCE00]  }
0x19b: {  	v53 =	vld [tilespmem:s28+$0x4E10]  }
0x19c: {  	v54 =	vld [tilespmem:s28+$0xCE10]  }
0x19d: {  	v55 =	vld [tilespmem:s28+$0x4E20]  }
0x19e: {  	v56 =	vld [tilespmem:s28+$0xCE20]  }
0x19f: {  	v57 =	vld [tilespmem:s28+$0x4E30]  }
0x1a0: {  	v58 =	vld [tilespmem:s28+$0xCE30]  }
0x1a1: {  	v59 =	vld [tilespmem:s28+$0x4E40]  }
0x1a2: {  	v60 =	vld [tilespmem:s28+$0xCE40]  }
0x1a3: {  	v61 =	vld [tilespmem:s28+$0x4E50]  }
0x1a4: {  	v62 =	vld [tilespmem:s28+$0xCE50]  }
0x1a5: {  	v63 =	vld [tilespmem:s28+$0x4E60]  }
0x1a6: {  	v3 =	vadd.f32 v4, v3;
	v4 =	vld [tilespmem:s28+$0xCE60]  }
0x1a7: {  	v5 =	vadd.f32 v6, v5;
	v6 =	vld [tilespmem:s28+$0x4E70]  }
0x1a8: {  	v14 =	vadd.f32 v14, v13;
	v13 =	vld [tilespmem:s28+$0xD220];
	[tilespmem:s28+$0x14200] =	vst v3  }
0x1a9: {  	v18 =	vadd.f32 v18, v17;
	v17 =	vld [tilespmem:s28+$0xD240];
	v3 =	vadd.f32 v8, v7;
	[tilespmem:s28+$0x14210] =	vst v5  }
0x1aa: {  	v22 =	vadd.f32 v22, v21;
	v21 =	vld [tilespmem:s28+$0xD260];
	[tilespmem:s28+$0x14250] =	vst v14  }
0x1ab: {  	v7 =	vld [tilespmem:s28+$0xCE70];
	[tilespmem:s28+$0x14220] =	vst v3;
	v3 =	vadd.f32 v12, v11  }
0x1ac: {  	v8 =	vld [tilespmem:s28+$0x5200];
	[tilespmem:s28+$0x14270] =	vst v18  }
0x1ad: {  	v5 =	vadd.f32 v10, v9;
	v9 =	vld [tilespmem:s28+$0xD200];
	[tilespmem:s28+$0x14240] =	vst v3;
	v3 =	vadd.f32 v16, v15  }
0x1ae: {  	v26 =	vadd.f32 v26, v25;
	v10 =	vld [tilespmem:s28+$0x5210];
	[tilespmem:s28+$0x14610] =	vst v22  }
0x1af: {  	v14 =	vld [tilespmem:s28+$0x5230];
	[tilespmem:s28+$0x14260] =	vst v3;
	v3 =	vadd.f32 v20, v19  }
0x1b0: {  	v30 =	vadd.f32 v30, v29;
	[tilespmem:s28+$0x14630] =	vst v26;
	v18 =	vld [tilespmem:s28+$0x5250]  }
0x1b1: {  	v19 =	vld [tilespmem:s28+$0xD250];
	[tilespmem:s28+$0x14600] =	vst v3;
	v3 =	vadd.f32 v24, v23  }
0x1b2: {  	v34 =	vadd.f32 v34, v33;
	[tilespmem:s28+$0x14650] =	vst v30;
	v22 =	vld [tilespmem:s28+$0x5270]  }
0x1b3: {  	v11 =	vld [tilespmem:s28+$0xD210];
	[tilespmem:s28+$0x14620] =	vst v3;
	v3 =	vadd.f32 v28, v27  }
0x1b4: {  	[tilespmem:s28+$0x14670] =	vst v34;
	v12 =	vld [tilespmem:s28+$0x5220]  }
0x1b5: {  	v15 =	vld [tilespmem:s28+$0xD230];
	[tilespmem:s28+$0x14640] =	vst v3;
	v3 =	vadd.f32 v32, v31  }
0x1b6: {  	[tilespmem:s28+$0x14230] =	vst v5;
	v16 =	vld [tilespmem:s28+$0x5240];
	v19 =	vadd.f32 v19, v18  }
0x1b7: {  	v20 =	vld [tilespmem:s28+$0x5260];
	[tilespmem:s28+$0x14660] =	vst v3;
	v3 =	vadd.f32 v36, v35  }
0x1b8: {  	v24 =	vld [tilespmem:s28+$0x5600];
	[tilespmem:s28+$0x15250] =	vst v19;
	v36 =	vadd.f32 v38, v37  }
0x1b9: {  	v37 =	vld [tilespmem:s28+$0xD270];
	[tilespmem:s28+$0x14A00] =	vst v3;
	v3 =	vadd.f32 v40, v39  }
0x1ba: {  	v38 =	vadd.f32 v42, v41;
	v41 =	vld [tilespmem:s28+$0x5610];
	[tilespmem:s28+$0x14A10] =	vst v36  }
0x1bb: {  	v42 =	vld [tilespmem:s28+$0xD610];
	[tilespmem:s28+$0x14A20] =	vst v3;
	v3 =	vadd.f32 v44, v43  }
0x1bc: {  	v35 =	vld [tilespmem:s28+$0x5A10];
	[tilespmem:s28+$0x14A30] =	vst v38;
	v40 =	vadd.f32 v46, v45  }
0x1bd: {  	v39 =	vld [tilespmem:s28+$0xD600];
	[tilespmem:s28+$0x14A40] =	vst v3;
	v3 =	vadd.f32 v48, v47  }
0x1be: {  	v45 =	vld [tilespmem:s28+$0xD620];
	v46 =	vadd.f32 v54, v53;
	[tilespmem:s28+$0x14A50] =	vst v40  }
0x1bf: {  	v53 =	vld [tilespmem:s28+$0x5650];
	[tilespmem:s28+$0x14A60] =	vst v3;
	v3 =	vadd.f32 v52, v51  }
0x1c0: {  	v54 =	vld [tilespmem:s28+$0xD650];
	v43 =	vadd.f32 v50, v49;
	[tilespmem:s28+$0x14E10] =	vst v46  }
0x1c1: {  	v36 =	vld [tilespmem:s28+$0xDA10];
	[tilespmem:s28+$0x14E00] =	vst v3;
	v3 =	vadd.f32 v56, v55  }
0x1c2: {  	v38 =	vld [tilespmem:s28+$0x5A20];
	v49 =	vadd.f32 v58, v57;
	[tilespmem:s28+$0x14A70] =	vst v43  }
0x1c3: {  	v44 =	vld [tilespmem:s28+$0x5620];
	[tilespmem:s28+$0x14E20] =	vst v3;
	v3 =	vadd.f32 v60, v59  }
0x1c4: {  	v50 =	vld [tilespmem:s28+$0x5640];
	v58 =	vadd.f32 v11, v10;
	[tilespmem:s28+$0x14E30] =	vst v49  }
0x1c5: {  	v57 =	vld [tilespmem:s28+$0xD660];
	[tilespmem:s28+$0x14E40] =	vst v3;
	v3 =	vadd.f32 v4, v63  }
0x1c6: {  	v46 =	vld [tilespmem:s28+$0x5A50];
	v37 =	vadd.f32 v37, v22;
	[tilespmem:s28+$0x15210] =	vst v58  }
0x1c7: {  	v40 =	vadd.f32 v42, v41;
	v41 =	vld [tilespmem:s28+$0x5A30];
	[tilespmem:s28+$0x14E60] =	vst v3;
	v3 =	vadd.f32 v9, v8  }
0x1c8: {  	v42 =	vld [tilespmem:s28+$0xDA30];
	[tilespmem:s28+$0x15270] =	vst v37  }
0x1c9: {  	v47 =	vld [tilespmem:s28+$0x5630];
	[tilespmem:s28+$0x15200] =	vst v3;
	v3 =	vadd.f32 v13, v12  }
0x1ca: {  	v48 =	vld [tilespmem:s28+$0xD630];
	[tilespmem:s28+$0x15610] =	vst v40;
	v52 =	vadd.f32 v62, v61  }
0x1cb: {  	v49 =	vld [tilespmem:s28+$0x5A60];
	[tilespmem:s28+$0x15220] =	vst v3;
	v3 =	vadd.f32 v17, v16  }
0x1cc: {  	v51 =	vld [tilespmem:s28+$0xD640];
	v61 =	vadd.f32 v15, v14;
	[tilespmem:s28+$0x14E50] =	vst v52  }
0x1cd: {  	v62 =	vld [tilespmem:s28+$0x5A00];
	[tilespmem:s28+$0x15240] =	vst v3;
	v3 =	vadd.f32 v21, v20  }
0x1ce: {  	v55 =	vadd.f32 v7, v6;
	v56 =	vld [tilespmem:s28+$0x5660];
	[tilespmem:s28+$0x15230] =	vst v61  }
0x1cf: {  	v52 =	vld [tilespmem:s28+$0x5A70];
	[tilespmem:s28+$0x15260] =	vst v3;
	v3 =	vadd.f32 v39, v24  }
0x1d0: {  	v43 =	vadd.f32 v48, v47;
	v47 =	vld [tilespmem:s28+$0xDA50];
	[tilespmem:s28+$0x14E70] =	vst v55  }
0x1d1: {  	v59 =	vld [tilespmem:s28+$0x5670];
	[tilespmem:s28+$0x15600] =	vst v3;
	v3 =	vadd.f32 v45, v44  }
0x1d2: {  	[tilespmem:s28+$0x15630] =	vst v43;
	v63 =	vld [tilespmem:s28+$0xDA00];
	v4 =	vadd.f32 v54, v53  }
0x1d3: {  	v60 =	vld [tilespmem:s28+$0xD670];
	[tilespmem:s28+$0x15620] =	vst v3;
	v3 =	vadd.f32 v51, v50  }
0x1d4: {  	v54 =	vadd.f32 v42, v41;
	[tilespmem:s28+$0x15650] =	vst v4;
	v39 =	vld [tilespmem:s28+$0xDA20]  }
0x1d5: {  	v44 =	vld [tilespmem:s28+$0x5A40];
	[tilespmem:s28+$0x15640] =	vst v3;
	v3 =	vadd.f32 v57, v56  }
0x1d6: {  	[tilespmem:s28+$0x15A30] =	vst v54;
	v55 =	vadd.f32 v47, v46;
	v45 =	vld [tilespmem:s28+$0xDA40]  }
0x1d7: {  	v53 =	vld [tilespmem:s28+$0xDA70];
	[tilespmem:s28+$0x15660] =	vst v3;
	v3 =	vadd.f32 v63, v62  }
0x1d8: {  	v48 =	vadd.f32 v60, v59;
	[tilespmem:s28+$0x15A50] =	vst v55;
	v50 =	vld [tilespmem:s28+$0xDA60]  }
0x1d9: {  	[tilespmem:s28+$0x15A00] =	vst v3;
	v3 =	vadd.f32 v39, v38  }
0x1da: {  	[tilespmem:s28+$0x15670] =	vst v48;
	v51 =	vadd.f32 v36, v35  }
0x1db: {  	[tilespmem:s28+$0x15A20] =	vst v3;
	v3 =	vadd.f32 v45, v44  }
0x1dc: {  	s29 =	sand.u32 $0x7, s19;
	[tilespmem:s28+$0x15A10] =	vst v51;
	v56 =	vadd.f32 v53, v52  }
0x1dd: {  	s29 =	sshll.u32 s29, $0x7;
	[tilespmem:s28+$0x15A40] =	vst v3;
	v3 =	vadd.f32 v50, v49  }
0x1de: {  	s29 =	sadd.s32 s29, s26;
	[tilespmem:s28+$0x15A70] =	vst v56  }
0x1df: {  	[tilespmem:s28+$0x15A60] =	vst v3;
	s28 =	sor.u32 $0x1C00, s29  }
0x1e0: {  	v3 =	vld [tilespmem:s28+$0x4200]  }
0x1e1: {  	v4 =	vld [tilespmem:s28+$0xC200];
	_ =	sdelay $0x4  }
0x1e2: {  	v3 =	vadd.f32 v4, v3;
	_ =	sdelay $0x1  }
0x1e3: {  	[tilespmem:s28+$0x14200] =	vst v3;
	s28 =	sor.u32 $0x1C10, s29  }
0x1e4: {  	v3 =	vld [tilespmem:s28+$0x4200]  }
0x1e5: {  	v57 =	vld [tilespmem:s28+$0xC200];
	_ =	sdelay $0x4  }
0x1e6: {  	v3 =	vadd.f32 v57, v3;
	_ =	sdelay $0x1  }
0x1e7: {  	[tilespmem:s28+$0x14200] =	vst v3;
	s28 =	sor.u32 $0x1C20, s29  }
0x1e8: {  	v3 =	vld [tilespmem:s28+$0x4200]  }
0x1e9: {  	v58 =	vld [tilespmem:s28+$0xC200];
	_ =	sdelay $0x4  }
0x1ea: {  	v3 =	vadd.f32 v58, v3;
	_ =	sdelay $0x1  }
0x1eb: {  	[tilespmem:s28+$0x14200] =	vst v3;
	s28 =	sor.u32 $0x1C30, s29  }
0x1ec: {  	v3 =	vld [tilespmem:s28+$0x4200]  }
0x1ed: {  	v59 =	vld [tilespmem:s28+$0xC200];
	_ =	sdelay $0x4  }
0x1ee: {  	v3 =	vadd.f32 v59, v3;
	_ =	sdelay $0x1  }
0x1ef: {  	[tilespmem:s28+$0x14200] =	vst v3;
	s28 =	sor.u32 $0x1C40, s29  }
0x1f0: {  	v3 =	vld [tilespmem:s28+$0x4200]  }
0x1f1: {  	v60 =	vld [tilespmem:s28+$0xC200];
	_ =	sdelay $0x4  }
0x1f2: {  	v3 =	vadd.f32 v60, v3;
	_ =	sdelay $0x1  }
0x1f3: {  	[tilespmem:s28+$0x14200] =	vst v3;
	s28 =	sor.u32 $0x1C50, s29  }
0x1f4: {  	v3 =	vld [tilespmem:s28+$0x4200]  }
0x1f5: {  	v61 =	vld [tilespmem:s28+$0xC200];
	_ =	sdelay $0x4  }
0x1f6: {  	v3 =	vadd.f32 v61, v3;
	_ =	sdelay $0x1  }
0x1f7: {  	[tilespmem:s28+$0x14200] =	vst v3;
	s28 =	sor.u32 $0x1C60, s29  }
0x1f8: {  	v3 =	vld [tilespmem:s28+$0x4200]  }
0x1f9: {  	v62 =	vld [tilespmem:s28+$0xC200];
	_ =	sdelay $0x4  }
0x1fa: {  	v3 =	vadd.f32 v62, v3;
	_ =	sdelay $0x1  }
0x1fb: {  	s29 =	sor.u32 $0x1C70, s29;
	[tilespmem:s28+$0x14200] =	vst v3  }
0x1fc: {  	v3 =	vld [tilespmem:s29+$0x4200]  }
0x1fd: {  	v63 =	vld [tilespmem:s29+$0xC200];
	_ =	sdelay $0x1  }
0x1fe: {  	p0 =	sne.s32 s11, $0x780  }
.Ltmp1:
0x1ff: {  	_ = 	snop;
	(pc) =	sbr.rel @p0 .LBB2_4-.Ltmp1, $4  }
0x200: {  	_ = 	snop  }
0x201: {  	v3 =	vadd.f32 v63, v3  }
0x202: {  	s25 =	sadd.s32 $0x400, s25  }
0x203: {  	s11 =	sadd.s32 $0x80, s11;
	s19 =	sadd.s32 $0x1, s19;
	s26 =	sadd.s32 $0x400, s26;
	[tilespmem:s29+$0x14200] =	vst v3  }
0x204: {  	s19 =	simm.s32 $0x0;
	s11 =	rddreg [dreg:$0xa]  }
0x205: {  	[hbm4b:s11+s19] =	stream.linear.scatter [tilespmem:s17], [sflag:$0x6], $0x4000, $0x38;
	[tilespmem:$0x18200] =	vst v63  }
0x206: {  	s29 =	rddreg [dreg:$0xb];
	s25 =	simm.s32 $0x80  }
0x207: {  	[tilespmem:s25], [sflag:$0x7] =	stream.linear.gather [hbm4b:s29+s19], $0x10, $0x38;
	[tilespmem:$0x18200] =	vst v63  }
0x208: {  	_ =	swait.ge [sflag:s20], $0x10  }
0x209: {  	[sflag:s20] =	ssyncset.done $0x0  }
0x20a: {  	s26 =	simm.s32 $0x180;
	s25 =	rddreg [dreg:$0xc];
	[sflag:s20] =	ssyncadd.s32 $0xFFFFFFF0  }
0x20b: {  	[tilespmem:s26], [sflag:$0x7] =	stream.linear.gather [hbm4b:s25+s19], $0x10, $0x38;
	[tilespmem:$0x18200] =	vst v63  }
0x20c: {  	_ =	swait.ge [sflag:s20], $0x10  }
0x20d: {  	[sflag:s20] =	ssyncset.done $0x0  }
0x20e: {  	[sflag:s20] =	ssyncadd.s32 $0xFFFFFFF0  }
0x20f: {  	v3 =	vld [tilespmem:$0x80];
	_ =	sdelay $0x4  }
0x210: {  	v4 =	vshll.u32 v3, $0x3  }
0x211: {  	v3 =	vand.u32 $0x7, v3;
	v4 =	vand.u32 $0xFFFFFFC0, v4  }
0x212: {  	v3 =	vor.u32 v3, v4  }
0x213: {  	v4 =	vperm.xlane v3, v0;
	_ =	sdelay $0x1  }
0x214: {  	v4 =	vadd.s32 v1, v4;
	_ =	sdelay $0x3  }
0x215: {  	s28 =	simm.s32 $0x4200  }
0x216: {  	[tilespmem:s28], [sflag:$0x2] =	stream.indirect_vreg.gather [hbm4b:s3+s19], $0x80, v4, vm0, $0xb8;
	[tilespmem:$0x18200] =	vst v63  }
0x217: {  	s29 =	simm.s32 $0x4A00;
	v3 =	vperm.xlane v3, v2  }
0x218: {  	[tilespmem:s29], [sflag:$0x2] =	stream.indirect_vreg.gather [hbm4b:s6+s19], $0x80, v4, vm0, $0xb8;
	[tilespmem:$0x18200] =	vst v63  }
0x219: {  	s25 =	simm.s32 $0x5200;
	v3 =	vadd.s32 v1, v3  }
0x21a: {  	[tilespmem:s25], [sflag:$0x2] =	stream.indirect_vreg.gather [hbm4b:s7+s19], $0x80, v4, vm0, $0xb8;
	[tilespmem:$0x18200] =	vst v63  }
0x21b: {  	s26 =	simm.s32 $0x5A00  }
0x21c: {  	[tilespmem:s26], [sflag:$0x2] =	stream.indirect_vreg.gather [hbm4b:s8+s19], $0x80, v4, vm0, $0xb8;
	[tilespmem:$0x18200] =	vst v63  }
0x21d: {  	s28 =	simm.s32 $0x6200  }
0x21e: {  	[tilespmem:s28], [sflag:$0x2] =	stream.indirect_vreg.gather [hbm4b:s3+s19], $0x80, v3, vm0, $0xb8;
	[tilespmem:$0x18200] =	vst v63  }
0x21f: {  	s29 =	simm.s32 $0x6A00  }
0x220: {  	[tilespmem:s29], [sflag:$0x2] =	stream.indirect_vreg.gather [hbm4b:s6+s19], $0x80, v3, vm0, $0xb8;
	[tilespmem:$0x18200] =	vst v63  }
0x221: {  	_ = 	snop  }
0x222: {  	[tilespmem:s30], [sflag:$0x2] =	stream.indirect_vreg.gather [hbm4b:s7+s19], $0x80, v3, vm0, $0xb8;
	[tilespmem:$0x18200] =	vst v63  }
0x223: {  	_ = 	snop  }
0x224: {  	[tilespmem:s12], [sflag:$0x2] =	stream.indirect_vreg.gather [hbm4b:s8+s19], $0x80, v3, vm0, $0xb8;
	[tilespmem:$0x18200] =	vst v63  }
0x225: {  	v3 =	vld [tilespmem:$0x180];
	_ =	sdelay $0x4  }
0x226: {  	v63 =	vshll.u32 v3, $0x3  }
0x227: {  	v3 =	vand.u32 $0x7, v3;
	v4 =	vand.u32 $0xFFFFFFC0, v63  }
0x228: {  	v3 =	vor.u32 v3, v4  }
0x229: {  	v4 =	vperm.xlane v3, v0;
	_ =	sdelay $0x1  }
0x22a: {  	v4 =	vadd.s32 v1, v4;
	_ =	sdelay $0x4  }
0x22b: {  	[tilespmem:s31], [sflag:$0x4] =	stream.indirect_vreg.gather [hbm4b:s3+s19], $0x80, v4, vm0, $0xb8;
	[tilespmem:$0x18200] =	vst v63  }
0x22c: {  	v3 =	vperm.xlane v3, v2  }
0x22d: {  	[tilespmem:s0], [sflag:$0x4] =	stream.indirect_vreg.gather [hbm4b:s6+s19], $0x80, v4, vm0, $0xb8;
	[tilespmem:$0x18200] =	vst v63  }
0x22e: {  	v3 =	vadd.s32 v1, v3  }
0x22f: {  	[tilespmem:s1], [sflag:$0x4] =	stream.indirect_vreg.gather [hbm4b:s7+s19], $0x80, v4, vm0, $0xb8;
	[tilespmem:$0x18200] =	vst v63  }
0x230: {  	_ = 	snop  }
0x231: {  	[tilespmem:s13], [sflag:$0x4] =	stream.indirect_vreg.gather [hbm4b:s8+s19], $0x80, v4, vm0, $0xb8;
	[tilespmem:$0x18200] =	vst v63  }
0x232: {  	_ = 	snop  }
0x233: {  	[tilespmem:s4], [sflag:$0x4] =	stream.indirect_vreg.gather [hbm4b:s3+s19], $0x80, v3, vm0, $0xb8;
	[tilespmem:$0x18200] =	vst v63  }
0x234: {  	_ = 	snop  }
0x235: {  	[tilespmem:s14], [sflag:$0x4] =	stream.indirect_vreg.gather [hbm4b:s6+s19], $0x80, v3, vm0, $0xb8;
	[tilespmem:$0x18200] =	vst v63  }
0x236: {  	_ = 	snop  }
0x237: {  	[tilespmem:s5], [sflag:$0x4] =	stream.indirect_vreg.gather [hbm4b:s7+s19], $0x80, v3, vm0, $0xb8;
	[tilespmem:$0x18200] =	vst v63  }
0x238: {  	_ = 	snop  }
0x239: {  	[tilespmem:s15], [sflag:$0x4] =	stream.indirect_vreg.gather [hbm4b:s8+s19], $0x80, v3, vm0, $0xb8;
	[tilespmem:$0x18200] =	vst v63  }
0x23a: {  	_ =	swait.ge [sflag:s21], $0x4000  }
0x23b: {  	[sflag:s21] =	ssyncset.done $0x0  }
0x23c: {  	[sflag:s21] =	ssyncadd.s32 $0xFFFFC000  }
0x23d: {  	_ =	swait.ge [sflag:s16], $0x4000  }
0x23e: {  	[sflag:s16] =	ssyncset.done $0x0  }
0x23f: {  	[sflag:s16] =	ssyncadd.s32 $0xFFFFC000  }
0x240: {  	_ =	swait.ge [sflag:s10], $0x4000  }
0x241: {  	s11 =	simm.s32 $0x0;
	[sflag:s10] =	ssyncset.done $0x0  }
0x242: {  	s25 =	simm.s32 $0xFFFFC000;
	s26 =	simm.s32 $0x0;
	[sflag:s10] =	ssyncadd.s32 $0xFFFFC000  }
.LBB2_6:
0x243: {  	s28 =	sadd.s32 $0x4000, s25  }
0x244: {  	s29 =	sand.u32 $0x380, s11;
	s28 =	sand.u32 $0x2000, s28  }
0x245: {  	s28 =	sor.u32 s29, s28  }
0x246: {  	v3 =	vld [tilespmem:s28+$0x200]  }
0x247: {  	v4 =	vld [tilespmem:s28+$0x8200]  }
0x248: {  	v5 =	vld [tilespmem:s28+$0x210]  }
0x249: {  	v6 =	vld [tilespmem:s28+$0x8210]  }
0x24a: {  	v7 =	vld [tilespmem:s28+$0x220]  }
0x24b: {  	v8 =	vld [tilespmem:s28+$0x8220]  }
0x24c: {  	v9 =	vld [tilespmem:s28+$0x230]  }
0x24d: {  	v10 =	vld [tilespmem:s28+$0x8230]  }
0x24e: {  	v11 =	vld [tilespmem:s28+$0x240]  }
0x24f: {  	v12 =	vld [tilespmem:s28+$0x8240]  }
0x250: {  	v13 =	vld [tilespmem:s28+$0x250]  }
0x251: {  	v14 =	vld [tilespmem:s28+$0x8250]  }
0x252: {  	v15 =	vld [tilespmem:s28+$0x260]  }
0x253: {  	v16 =	vld [tilespmem:s28+$0x8260]  }
0x254: {  	v17 =	vld [tilespmem:s28+$0x270]  }
0x255: {  	v18 =	vld [tilespmem:s28+$0x8270]  }
0x256: {  	v19 =	vld [tilespmem:s28+$0x600]  }
0x257: {  	v20 =	vld [tilespmem:s28+$0x8600]  }
0x258: {  	v21 =	vld [tilespmem:s28+$0x610]  }
0x259: {  	v22 =	vld [tilespmem:s28+$0x8610]  }
0x25a: {  	v23 =	vld [tilespmem:s28+$0x620]  }
0x25b: {  	v24 =	vld [tilespmem:s28+$0x8620]  }
0x25c: {  	v25 =	vld [tilespmem:s28+$0x630]  }
0x25d: {  	v26 =	vld [tilespmem:s28+$0x8630]  }
0x25e: {  	v27 =	vld [tilespmem:s28+$0x640]  }
0x25f: {  	v28 =	vld [tilespmem:s28+$0x8640]  }
0x260: {  	v29 =	vld [tilespmem:s28+$0x650]  }
0x261: {  	v30 =	vld [tilespmem:s28+$0x8650]  }
0x262: {  	v31 =	vld [tilespmem:s28+$0x660]  }
0x263: {  	v32 =	vld [tilespmem:s28+$0x8660]  }
0x264: {  	v33 =	vld [tilespmem:s28+$0x670]  }
0x265: {  	v34 =	vld [tilespmem:s28+$0x8670]  }
0x266: {  	v35 =	vld [tilespmem:s28+$0xA00]  }
0x267: {  	v36 =	vld [tilespmem:s28+$0x8A00]  }
0x268: {  	v37 =	vld [tilespmem:s28+$0xA10]  }
0x269: {  	v38 =	vld [tilespmem:s28+$0x8A10]  }
0x26a: {  	v39 =	vld [tilespmem:s28+$0xA20]  }
0x26b: {  	v40 =	vld [tilespmem:s28+$0x8A20]  }
0x26c: {  	v41 =	vld [tilespmem:s28+$0xA30]  }
0x26d: {  	v42 =	vld [tilespmem:s28+$0x8A30]  }
0x26e: {  	v43 =	vld [tilespmem:s28+$0xA40]  }
0x26f: {  	v44 =	vld [tilespmem:s28+$0x8A40]  }
0x270: {  	v45 =	vld [tilespmem:s28+$0xA50]  }
0x271: {  	v46 =	vld [tilespmem:s28+$0x8A50]  }
0x272: {  	v47 =	vld [tilespmem:s28+$0xA60]  }
0x273: {  	v48 =	vld [tilespmem:s28+$0x8A60]  }
0x274: {  	v49 =	vld [tilespmem:s28+$0xA70]  }
0x275: {  	v50 =	vld [tilespmem:s28+$0x8A70]  }
0x276: {  	v51 =	vld [tilespmem:s28+$0xE00]  }
0x277: {  	v52 =	vld [tilespmem:s28+$0x8E00]  }
0x278: {  	v53 =	vld [tilespmem:s28+$0xE10]  }
0x279: {  	v54 =	vld [tilespmem:s28+$0x8E10]  }
0x27a: {  	v55 =	vld [tilespmem:s28+$0xE20]  }
0x27b: {  	v56 =	vld [tilespmem:s28+$0x8E20]  }
0x27c: {  	v57 =	vld [tilespmem:s28+$0xE30]  }
0x27d: {  	v58 =	vld [tilespmem:s28+$0x8E30]  }
0x27e: {  	v59 =	vld [tilespmem:s28+$0xE40]  }
0x27f: {  	v60 =	vld [tilespmem:s28+$0x8E40]  }
0x280: {  	v61 =	vld [tilespmem:s28+$0xE50]  }
0x281: {  	v62 =	vld [tilespmem:s28+$0x8E50]  }
0x282: {  	v63 =	vld [tilespmem:s28+$0xE60]  }
0x283: {  	v3 =	vadd.f32 v4, v3;
	v4 =	vld [tilespmem:s28+$0x8E60]  }
0x284: {  	v5 =	vadd.f32 v6, v5;
	v6 =	vld [tilespmem:s28+$0xE70]  }
0x285: {  	v14 =	vadd.f32 v14, v13;
	v13 =	vld [tilespmem:s28+$0x9220];
	[tilespmem:s28+$0x10200] =	vst v3  }
0x286: {  	v18 =	vadd.f32 v18, v17;
	v17 =	vld [tilespmem:s28+$0x9240];
	v3 =	vadd.f32 v8, v7;
	[tilespmem:s28+$0x10210] =	vst v5  }
0x287: {  	v22 =	vadd.f32 v22, v21;
	v21 =	vld [tilespmem:s28+$0x9260];
	[tilespmem:s28+$0x10250] =	vst v14  }
0x288: {  	v7 =	vld [tilespmem:s28+$0x8E70];
	[tilespmem:s28+$0x10220] =	vst v3;
	v3 =	vadd.f32 v12, v11  }
0x289: {  	v8 =	vld [tilespmem:s28+$0x1200];
	[tilespmem:s28+$0x10270] =	vst v18  }
0x28a: {  	v5 =	vadd.f32 v10, v9;
	v9 =	vld [tilespmem:s28+$0x9200];
	[tilespmem:s28+$0x10240] =	vst v3;
	v3 =	vadd.f32 v16, v15  }
0x28b: {  	v26 =	vadd.f32 v26, v25;
	v10 =	vld [tilespmem:s28+$0x1210];
	[tilespmem:s28+$0x10610] =	vst v22  }
0x28c: {  	v14 =	vld [tilespmem:s28+$0x1230];
	[tilespmem:s28+$0x10260] =	vst v3;
	v3 =	vadd.f32 v20, v19  }
0x28d: {  	v30 =	vadd.f32 v30, v29;
	[tilespmem:s28+$0x10630] =	vst v26;
	v18 =	vld [tilespmem:s28+$0x1250]  }
0x28e: {  	v19 =	vld [tilespmem:s28+$0x9250];
	[tilespmem:s28+$0x10600] =	vst v3;
	v3 =	vadd.f32 v24, v23  }
0x28f: {  	v34 =	vadd.f32 v34, v33;
	[tilespmem:s28+$0x10650] =	vst v30;
	v22 =	vld [tilespmem:s28+$0x1270]  }
0x290: {  	v11 =	vld [tilespmem:s28+$0x9210];
	[tilespmem:s28+$0x10620] =	vst v3;
	v3 =	vadd.f32 v28, v27  }
0x291: {  	[tilespmem:s28+$0x10670] =	vst v34;
	v12 =	vld [tilespmem:s28+$0x1220]  }
0x292: {  	v15 =	vld [tilespmem:s28+$0x9230];
	[tilespmem:s28+$0x10640] =	vst v3;
	v3 =	vadd.f32 v32, v31  }
0x293: {  	[tilespmem:s28+$0x10230] =	vst v5;
	v16 =	vld [tilespmem:s28+$0x1240];
	v19 =	vadd.f32 v19, v18  }
0x294: {  	v20 =	vld [tilespmem:s28+$0x1260];
	[tilespmem:s28+$0x10660] =	vst v3;
	v3 =	vadd.f32 v36, v35  }
0x295: {  	v24 =	vld [tilespmem:s28+$0x1600];
	[tilespmem:s28+$0x11250] =	vst v19;
	v36 =	vadd.f32 v38, v37  }
0x296: {  	v37 =	vld [tilespmem:s28+$0x9270];
	[tilespmem:s28+$0x10A00] =	vst v3;
	v3 =	vadd.f32 v40, v39  }
0x297: {  	v38 =	vadd.f32 v42, v41;
	v41 =	vld [tilespmem:s28+$0x1610];
	[tilespmem:s28+$0x10A10] =	vst v36  }
0x298: {  	v42 =	vld [tilespmem:s28+$0x9610];
	[tilespmem:s28+$0x10A20] =	vst v3;
	v3 =	vadd.f32 v44, v43  }
0x299: {  	v35 =	vld [tilespmem:s28+$0x1A10];
	[tilespmem:s28+$0x10A30] =	vst v38;
	v40 =	vadd.f32 v46, v45  }
0x29a: {  	v39 =	vld [tilespmem:s28+$0x9600];
	[tilespmem:s28+$0x10A40] =	vst v3;
	v3 =	vadd.f32 v48, v47  }
0x29b: {  	v45 =	vld [tilespmem:s28+$0x9620];
	v46 =	vadd.f32 v54, v53;
	[tilespmem:s28+$0x10A50] =	vst v40  }
0x29c: {  	v53 =	vld [tilespmem:s28+$0x1650];
	[tilespmem:s28+$0x10A60] =	vst v3;
	v3 =	vadd.f32 v52, v51  }
0x29d: {  	v54 =	vld [tilespmem:s28+$0x9650];
	v43 =	vadd.f32 v50, v49;
	[tilespmem:s28+$0x10E10] =	vst v46  }
0x29e: {  	v36 =	vld [tilespmem:s28+$0x9A10];
	[tilespmem:s28+$0x10E00] =	vst v3;
	v3 =	vadd.f32 v56, v55  }
0x29f: {  	v38 =	vld [tilespmem:s28+$0x1A20];
	v49 =	vadd.f32 v58, v57;
	[tilespmem:s28+$0x10A70] =	vst v43  }
0x2a0: {  	v44 =	vld [tilespmem:s28+$0x1620];
	[tilespmem:s28+$0x10E20] =	vst v3;
	v3 =	vadd.f32 v60, v59  }
0x2a1: {  	v50 =	vld [tilespmem:s28+$0x1640];
	v58 =	vadd.f32 v11, v10;
	[tilespmem:s28+$0x10E30] =	vst v49  }
0x2a2: {  	v57 =	vld [tilespmem:s28+$0x9660];
	[tilespmem:s28+$0x10E40] =	vst v3;
	v3 =	vadd.f32 v4, v63  }
0x2a3: {  	v46 =	vld [tilespmem:s28+$0x1A50];
	v37 =	vadd.f32 v37, v22;
	[tilespmem:s28+$0x11210] =	vst v58  }
0x2a4: {  	v40 =	vadd.f32 v42, v41;
	v41 =	vld [tilespmem:s28+$0x1A30];
	[tilespmem:s28+$0x10E60] =	vst v3;
	v3 =	vadd.f32 v9, v8  }
0x2a5: {  	v42 =	vld [tilespmem:s28+$0x9A30];
	[tilespmem:s28+$0x11270] =	vst v37  }
0x2a6: {  	v47 =	vld [tilespmem:s28+$0x1630];
	[tilespmem:s28+$0x11200] =	vst v3;
	v3 =	vadd.f32 v13, v12  }
0x2a7: {  	v48 =	vld [tilespmem:s28+$0x9630];
	[tilespmem:s28+$0x11610] =	vst v40;
	v52 =	vadd.f32 v62, v61  }
0x2a8: {  	v49 =	vld [tilespmem:s28+$0x1A60];
	[tilespmem:s28+$0x11220] =	vst v3;
	v3 =	vadd.f32 v17, v16  }
0x2a9: {  	v51 =	vld [tilespmem:s28+$0x9640];
	v61 =	vadd.f32 v15, v14;
	[tilespmem:s28+$0x10E50] =	vst v52  }
0x2aa: {  	v62 =	vld [tilespmem:s28+$0x1A00];
	[tilespmem:s28+$0x11240] =	vst v3;
	v3 =	vadd.f32 v21, v20  }
0x2ab: {  	v55 =	vadd.f32 v7, v6;
	v56 =	vld [tilespmem:s28+$0x1660];
	[tilespmem:s28+$0x11230] =	vst v61  }
0x2ac: {  	v52 =	vld [tilespmem:s28+$0x1A70];
	[tilespmem:s28+$0x11260] =	vst v3;
	v3 =	vadd.f32 v39, v24  }
0x2ad: {  	v43 =	vadd.f32 v48, v47;
	v47 =	vld [tilespmem:s28+$0x9A50];
	[tilespmem:s28+$0x10E70] =	vst v55  }
0x2ae: {  	v59 =	vld [tilespmem:s28+$0x1670];
	[tilespmem:s28+$0x11600] =	vst v3;
	v3 =	vadd.f32 v45, v44  }
0x2af: {  	[tilespmem:s28+$0x11630] =	vst v43;
	v63 =	vld [tilespmem:s28+$0x9A00];
	v4 =	vadd.f32 v54, v53  }
0x2b0: {  	v60 =	vld [tilespmem:s28+$0x9670];
	[tilespmem:s28+$0x11620] =	vst v3;
	v3 =	vadd.f32 v51, v50  }
0x2b1: {  	v54 =	vadd.f32 v42, v41;
	[tilespmem:s28+$0x11650] =	vst v4;
	v39 =	vld [tilespmem:s28+$0x9A20]  }
0x2b2: {  	v44 =	vld [tilespmem:s28+$0x1A40];
	[tilespmem:s28+$0x11640] =	vst v3;
	v3 =	vadd.f32 v57, v56  }
0x2b3: {  	[tilespmem:s28+$0x11A30] =	vst v54;
	v55 =	vadd.f32 v47, v46;
	v45 =	vld [tilespmem:s28+$0x9A40]  }
0x2b4: {  	v53 =	vld [tilespmem:s28+$0x9A70];
	[tilespmem:s28+$0x11660] =	vst v3;
	v3 =	vadd.f32 v63, v62  }
0x2b5: {  	v48 =	vadd.f32 v60, v59;
	[tilespmem:s28+$0x11A50] =	vst v55;
	v50 =	vld [tilespmem:s28+$0x9A60]  }
0x2b6: {  	[tilespmem:s28+$0x11A00] =	vst v3;
	v3 =	vadd.f32 v39, v38  }
0x2b7: {  	[tilespmem:s28+$0x11670] =	vst v48;
	v51 =	vadd.f32 v36, v35  }
0x2b8: {  	[tilespmem:s28+$0x11A20] =	vst v3;
	v3 =	vadd.f32 v45, v44  }
0x2b9: {  	s29 =	sand.u32 $0x7, s19;
	[tilespmem:s28+$0x11A10] =	vst v51;
	v56 =	vadd.f32 v53, v52  }
0x2ba: {  	s29 =	sshll.u32 s29, $0x7;
	[tilespmem:s28+$0x11A40] =	vst v3;
	v3 =	vadd.f32 v50, v49  }
0x2bb: {  	s29 =	sadd.s32 s29, s26;
	[tilespmem:s28+$0x11A70] =	vst v56  }
0x2bc: {  	[tilespmem:s28+$0x11A60] =	vst v3;
	s28 =	sor.u32 $0x1C00, s29  }
0x2bd: {  	v3 =	vld [tilespmem:s28+$0x200]  }
0x2be: {  	v4 =	vld [tilespmem:s28+$0x8200];
	_ =	sdelay $0x4  }
0x2bf: {  	v3 =	vadd.f32 v4, v3;
	_ =	sdelay $0x1  }
0x2c0: {  	[tilespmem:s28+$0x10200] =	vst v3;
	s28 =	sor.u32 $0x1C10, s29  }
0x2c1: {  	v3 =	vld [tilespmem:s28+$0x200]  }
0x2c2: {  	v57 =	vld [tilespmem:s28+$0x8200];
	_ =	sdelay $0x4  }
0x2c3: {  	v3 =	vadd.f32 v57, v3;
	_ =	sdelay $0x1  }
0x2c4: {  	[tilespmem:s28+$0x10200] =	vst v3;
	s28 =	sor.u32 $0x1C20, s29  }
0x2c5: {  	v3 =	vld [tilespmem:s28+$0x200]  }
0x2c6: {  	v58 =	vld [tilespmem:s28+$0x8200];
	_ =	sdelay $0x4  }
0x2c7: {  	v3 =	vadd.f32 v58, v3;
	_ =	sdelay $0x1  }
0x2c8: {  	[tilespmem:s28+$0x10200] =	vst v3;
	s28 =	sor.u32 $0x1C30, s29  }
0x2c9: {  	v3 =	vld [tilespmem:s28+$0x200]  }
0x2ca: {  	v59 =	vld [tilespmem:s28+$0x8200];
	_ =	sdelay $0x4  }
0x2cb: {  	v3 =	vadd.f32 v59, v3;
	_ =	sdelay $0x1  }
0x2cc: {  	[tilespmem:s28+$0x10200] =	vst v3;
	s28 =	sor.u32 $0x1C40, s29  }
0x2cd: {  	v3 =	vld [tilespmem:s28+$0x200]  }
0x2ce: {  	v60 =	vld [tilespmem:s28+$0x8200];
	_ =	sdelay $0x4  }
0x2cf: {  	v3 =	vadd.f32 v60, v3;
	_ =	sdelay $0x1  }
0x2d0: {  	[tilespmem:s28+$0x10200] =	vst v3;
	s28 =	sor.u32 $0x1C50, s29  }
0x2d1: {  	v3 =	vld [tilespmem:s28+$0x200]  }
0x2d2: {  	v61 =	vld [tilespmem:s28+$0x8200];
	_ =	sdelay $0x4  }
0x2d3: {  	v3 =	vadd.f32 v61, v3;
	_ =	sdelay $0x1  }
0x2d4: {  	[tilespmem:s28+$0x10200] =	vst v3;
	s28 =	sor.u32 $0x1C60, s29  }
0x2d5: {  	v3 =	vld [tilespmem:s28+$0x200]  }
0x2d6: {  	v62 =	vld [tilespmem:s28+$0x8200];
	_ =	sdelay $0x4  }
0x2d7: {  	v3 =	vadd.f32 v62, v3;
	_ =	sdelay $0x1  }
0x2d8: {  	s29 =	sor.u32 $0x1C70, s29;
	[tilespmem:s28+$0x10200] =	vst v3  }
0x2d9: {  	v3 =	vld [tilespmem:s29+$0x200]  }
0x2da: {  	v63 =	vld [tilespmem:s29+$0x8200];
	_ =	sdelay $0x1  }
0x2db: {  	p0 =	sne.s32 s11, $0x780  }
.Ltmp2:
0x2dc: {  	_ = 	snop;
	(pc) =	sbr.rel @p0 .LBB2_6-.Ltmp2, $4  }
0x2dd: {  	_ = 	snop  }
0x2de: {  	v3 =	vadd.f32 v63, v3  }
0x2df: {  	s25 =	sadd.s32 $0x400, s25  }
0x2e0: {  	s11 =	sadd.s32 $0x80, s11;
	s19 =	sadd.s32 $0x1, s19;
	s26 =	sadd.s32 $0x400, s26;
	[tilespmem:s29+$0x10200] =	vst v3  }
0x2e1: {  	s19 =	simm.s32 $0x0;
	s11 =	rddreg [dreg:$0xd]  }
0x2e2: {  	[hbm4b:s11+s19] =	stream.linear.scatter [tilespmem:s22], [sflag:$0x5], $0x4000, $0x38;
	[tilespmem:$0x18200] =	vst v63  }
0x2e3: {  	_ =	swait.ge [sflag:s9], $0x4000  }
0x2e4: {  	[sflag:s9] =	ssyncset.done $0x0  }
0x2e5: {  	[sflag:s9] =	ssyncadd.s32 $0xFFFFC000  }
0x2e6: {  	_ =	swait.ge [sflag:s23], $0x4000  }
0x2e7: {  	[sflag:s23] =	ssyncset.done $0x0  }
0x2e8: {  	[sflag:s23] =	ssyncadd.s32 $0xFFFFC000  }
0x2e9: {  	_ =	swait.ge [sflag:s18], $0x4000  }
0x2ea: {  	s25 =	simm.s32 $0xFFFFC000;
	[sflag:s18] =	ssyncset.done $0x0  }
0x2eb: {  	s26 =	simm.s32 $0x0;
	s11 =	simm.s32 $0x0;
	[sflag:s18] =	ssyncadd.s32 $0xFFFFC000  }
.LBB2_8:
0x2ec: {  	s28 =	sadd.s32 $0x4000, s25  }
0x2ed: {  	s29 =	sand.u32 $0x380, s11;
	s28 =	sand.u32 $0x2000, s28  }
0x2ee: {  	s28 =	sor.u32 s29, s28  }
0x2ef: {  	v3 =	vld [tilespmem:s28+$0x4200]  }
0x2f0: {  	v4 =	vld [tilespmem:s28+$0xC200]  }
0x2f1: {  	v5 =	vld [tilespmem:s28+$0x4210]  }
0x2f2: {  	v6 =	vld [tilespmem:s28+$0xC210]  }
0x2f3: {  	v7 =	vld [tilespmem:s28+$0x4220]  }
0x2f4: {  	v8 =	vld [tilespmem:s28+$0xC220]  }
0x2f5: {  	v9 =	vld [tilespmem:s28+$0x4230]  }
0x2f6: {  	v10 =	vld [tilespmem:s28+$0xC230]  }
0x2f7: {  	v11 =	vld [tilespmem:s28+$0x4240]  }
0x2f8: {  	v12 =	vld [tilespmem:s28+$0xC240]  }
0x2f9: {  	v13 =	vld [tilespmem:s28+$0x4250]  }
0x2fa: {  	v14 =	vld [tilespmem:s28+$0xC250]  }
0x2fb: {  	v15 =	vld [tilespmem:s28+$0x4260]  }
0x2fc: {  	v16 =	vld [tilespmem:s28+$0xC260]  }
0x2fd: {  	v17 =	vld [tilespmem:s28+$0x4270]  }
0x2fe: {  	v18 =	vld [tilespmem:s28+$0xC270]  }
0x2ff: {  	v19 =	vld [tilespmem:s28+$0x4600]  }
0x300: {  	v20 =	vld [tilespmem:s28+$0xC600]  }
0x301: {  	v21 =	vld [tilespmem:s28+$0x4610]  }
0x302: {  	v22 =	vld [tilespmem:s28+$0xC610]  }
0x303: {  	v23 =	vld [tilespmem:s28+$0x4620]  }
0x304: {  	v24 =	vld [tilespmem:s28+$0xC620]  }
0x305: {  	v25 =	vld [tilespmem:s28+$0x4630]  }
0x306: {  	v26 =	vld [tilespmem:s28+$0xC630]  }
0x307: {  	v27 =	vld [tilespmem:s28+$0x4640]  }
0x308: {  	v28 =	vld [tilespmem:s28+$0xC640]  }
0x309: {  	v29 =	vld [tilespmem:s28+$0x4650]  }
0x30a: {  	v30 =	vld [tilespmem:s28+$0xC650]  }
0x30b: {  	v31 =	vld [tilespmem:s28+$0x4660]  }
0x30c: {  	v32 =	vld [tilespmem:s28+$0xC660]  }
0x30d: {  	v33 =	vld [tilespmem:s28+$0x4670]  }
0x30e: {  	v34 =	vld [tilespmem:s28+$0xC670]  }
0x30f: {  	v35 =	vld [tilespmem:s28+$0x4A00]  }
0x310: {  	v36 =	vld [tilespmem:s28+$0xCA00]  }
0x311: {  	v37 =	vld [tilespmem:s28+$0x4A10]  }
0x312: {  	v38 =	vld [tilespmem:s28+$0xCA10]  }
0x313: {  	v39 =	vld [tilespmem:s28+$0x4A20]  }
0x314: {  	v40 =	vld [tilespmem:s28+$0xCA20]  }
0x315: {  	v41 =	vld [tilespmem:s28+$0x4A30]  }
0x316: {  	v42 =	vld [tilespmem:s28+$0xCA30]  }
0x317: {  	v43 =	vld [tilespmem:s28+$0x4A40]  }
0x318: {  	v44 =	vld [tilespmem:s28+$0xCA40]  }
0x319: {  	v45 =	vld [tilespmem:s28+$0x4A50]  }
0x31a: {  	v46 =	vld [tilespmem:s28+$0xCA50]  }
0x31b: {  	v47 =	vld [tilespmem:s28+$0x4A60]  }
0x31c: {  	v48 =	vld [tilespmem:s28+$0xCA60]  }
0x31d: {  	v49 =	vld [tilespmem:s28+$0x4A70]  }
0x31e: {  	v50 =	vld [tilespmem:s28+$0xCA70]  }
0x31f: {  	v51 =	vld [tilespmem:s28+$0x4E00]  }
0x320: {  	v52 =	vld [tilespmem:s28+$0xCE00]  }
0x321: {  	v53 =	vld [tilespmem:s28+$0x4E10]  }
0x322: {  	v54 =	vld [tilespmem:s28+$0xCE10]  }
0x323: {  	v55 =	vld [tilespmem:s28+$0x4E20]  }
0x324: {  	v56 =	vld [tilespmem:s28+$0xCE20]  }
0x325: {  	v57 =	vld [tilespmem:s28+$0x4E30]  }
0x326: {  	v58 =	vld [tilespmem:s28+$0xCE30]  }
0x327: {  	v59 =	vld [tilespmem:s28+$0x4E40]  }
0x328: {  	v60 =	vld [tilespmem:s28+$0xCE40]  }
0x329: {  	v61 =	vld [tilespmem:s28+$0x4E50]  }
0x32a: {  	v62 =	vld [tilespmem:s28+$0xCE50]  }
0x32b: {  	v63 =	vld [tilespmem:s28+$0x4E60]  }
0x32c: {  	v3 =	vadd.f32 v4, v3;
	v4 =	vld [tilespmem:s28+$0xCE60]  }
0x32d: {  	v5 =	vadd.f32 v6, v5;
	v6 =	vld [tilespmem:s28+$0x4E70]  }
0x32e: {  	v14 =	vadd.f32 v14, v13;
	v13 =	vld [tilespmem:s28+$0xD220];
	[tilespmem:s28+$0x14200] =	vst v3  }
0x32f: {  	v18 =	vadd.f32 v18, v17;
	v17 =	vld [tilespmem:s28+$0xD240];
	v3 =	vadd.f32 v8, v7;
	[tilespmem:s28+$0x14210] =	vst v5  }
0x330: {  	v22 =	vadd.f32 v22, v21;
	v21 =	vld [tilespmem:s28+$0xD260];
	[tilespmem:s28+$0x14250] =	vst v14  }
0x331: {  	v7 =	vld [tilespmem:s28+$0xCE70];
	[tilespmem:s28+$0x14220] =	vst v3;
	v3 =	vadd.f32 v12, v11  }
0x332: {  	v8 =	vld [tilespmem:s28+$0x5200];
	[tilespmem:s28+$0x14270] =	vst v18  }
0x333: {  	v5 =	vadd.f32 v10, v9;
	v9 =	vld [tilespmem:s28+$0xD200];
	[tilespmem:s28+$0x14240] =	vst v3;
	v3 =	vadd.f32 v16, v15  }
0x334: {  	v26 =	vadd.f32 v26, v25;
	v10 =	vld [tilespmem:s28+$0x5210];
	[tilespmem:s28+$0x14610] =	vst v22  }
0x335: {  	v14 =	vld [tilespmem:s28+$0x5230];
	[tilespmem:s28+$0x14260] =	vst v3;
	v3 =	vadd.f32 v20, v19  }
0x336: {  	v30 =	vadd.f32 v30, v29;
	[tilespmem:s28+$0x14630] =	vst v26;
	v18 =	vld [tilespmem:s28+$0x5250]  }
0x337: {  	v19 =	vld [tilespmem:s28+$0xD250];
	[tilespmem:s28+$0x14600] =	vst v3;
	v3 =	vadd.f32 v24, v23  }
0x338: {  	v34 =	vadd.f32 v34, v33;
	[tilespmem:s28+$0x14650] =	vst v30;
	v22 =	vld [tilespmem:s28+$0x5270]  }
0x339: {  	v11 =	vld [tilespmem:s28+$0xD210];
	[tilespmem:s28+$0x14620] =	vst v3;
	v3 =	vadd.f32 v28, v27  }
0x33a: {  	[tilespmem:s28+$0x14670] =	vst v34;
	v12 =	vld [tilespmem:s28+$0x5220]  }
0x33b: {  	v15 =	vld [tilespmem:s28+$0xD230];
	[tilespmem:s28+$0x14640] =	vst v3;
	v3 =	vadd.f32 v32, v31  }
0x33c: {  	[tilespmem:s28+$0x14230] =	vst v5;
	v16 =	vld [tilespmem:s28+$0x5240];
	v19 =	vadd.f32 v19, v18  }
0x33d: {  	v20 =	vld [tilespmem:s28+$0x5260];
	[tilespmem:s28+$0x14660] =	vst v3;
	v3 =	vadd.f32 v36, v35  }
0x33e: {  	v24 =	vld [tilespmem:s28+$0x5600];
	[tilespmem:s28+$0x15250] =	vst v19;
	v36 =	vadd.f32 v38, v37  }
0x33f: {  	v37 =	vld [tilespmem:s28+$0xD270];
	[tilespmem:s28+$0x14A00] =	vst v3;
	v3 =	vadd.f32 v40, v39  }
0x340: {  	v38 =	vadd.f32 v42, v41;
	v41 =	vld [tilespmem:s28+$0x5610];
	[tilespmem:s28+$0x14A10] =	vst v36  }
0x341: {  	v42 =	vld [tilespmem:s28+$0xD610];
	[tilespmem:s28+$0x14A20] =	vst v3;
	v3 =	vadd.f32 v44, v43  }
0x342: {  	v35 =	vld [tilespmem:s28+$0x5A10];
	[tilespmem:s28+$0x14A30] =	vst v38;
	v40 =	vadd.f32 v46, v45  }
0x343: {  	v39 =	vld [tilespmem:s28+$0xD600];
	[tilespmem:s28+$0x14A40] =	vst v3;
	v3 =	vadd.f32 v48, v47  }
0x344: {  	v45 =	vld [tilespmem:s28+$0xD620];
	v46 =	vadd.f32 v54, v53;
	[tilespmem:s28+$0x14A50] =	vst v40  }
0x345: {  	v53 =	vld [tilespmem:s28+$0x5650];
	[tilespmem:s28+$0x14A60] =	vst v3;
	v3 =	vadd.f32 v52, v51  }
0x346: {  	v54 =	vld [tilespmem:s28+$0xD650];
	v43 =	vadd.f32 v50, v49;
	[tilespmem:s28+$0x14E10] =	vst v46  }
0x347: {  	v36 =	vld [tilespmem:s28+$0xDA10];
	[tilespmem:s28+$0x14E00] =	vst v3;
	v3 =	vadd.f32 v56, v55  }
0x348: {  	v38 =	vld [tilespmem:s28+$0x5A20];
	v49 =	vadd.f32 v58, v57;
	[tilespmem:s28+$0x14A70] =	vst v43  }
0x349: {  	v44 =	vld [tilespmem:s28+$0x5620];
	[tilespmem:s28+$0x14E20] =	vst v3;
	v3 =	vadd.f32 v60, v59  }
0x34a: {  	v50 =	vld [tilespmem:s28+$0x5640];
	v58 =	vadd.f32 v11, v10;
	[tilespmem:s28+$0x14E30] =	vst v49  }
0x34b: {  	v57 =	vld [tilespmem:s28+$0xD660];
	[tilespmem:s28+$0x14E40] =	vst v3;
	v3 =	vadd.f32 v4, v63  }
0x34c: {  	v46 =	vld [tilespmem:s28+$0x5A50];
	v37 =	vadd.f32 v37, v22;
	[tilespmem:s28+$0x15210] =	vst v58  }
0x34d: {  	v40 =	vadd.f32 v42, v41;
	v41 =	vld [tilespmem:s28+$0x5A30];
	[tilespmem:s28+$0x14E60] =	vst v3;
	v3 =	vadd.f32 v9, v8  }
0x34e: {  	v42 =	vld [tilespmem:s28+$0xDA30];
	[tilespmem:s28+$0x15270] =	vst v37  }
0x34f: {  	v47 =	vld [tilespmem:s28+$0x5630];
	[tilespmem:s28+$0x15200] =	vst v3;
	v3 =	vadd.f32 v13, v12  }
0x350: {  	v48 =	vld [tilespmem:s28+$0xD630];
	[tilespmem:s28+$0x15610] =	vst v40;
	v52 =	vadd.f32 v62, v61  }
0x351: {  	v49 =	vld [tilespmem:s28+$0x5A60];
	[tilespmem:s28+$0x15220] =	vst v3;
	v3 =	vadd.f32 v17, v16  }
0x352: {  	v51 =	vld [tilespmem:s28+$0xD640];
	v61 =	vadd.f32 v15, v14;
	[tilespmem:s28+$0x14E50] =	vst v52  }
0x353: {  	v62 =	vld [tilespmem:s28+$0x5A00];
	[tilespmem:s28+$0x15240] =	vst v3;
	v3 =	vadd.f32 v21, v20  }
0x354: {  	v55 =	vadd.f32 v7, v6;
	v56 =	vld [tilespmem:s28+$0x5660];
	[tilespmem:s28+$0x15230] =	vst v61  }
0x355: {  	v52 =	vld [tilespmem:s28+$0x5A70];
	[tilespmem:s28+$0x15260] =	vst v3;
	v3 =	vadd.f32 v39, v24  }
0x356: {  	v43 =	vadd.f32 v48, v47;
	v47 =	vld [tilespmem:s28+$0xDA50];
	[tilespmem:s28+$0x14E70] =	vst v55  }
0x357: {  	v59 =	vld [tilespmem:s28+$0x5670];
	[tilespmem:s28+$0x15600] =	vst v3;
	v3 =	vadd.f32 v45, v44  }
0x358: {  	[tilespmem:s28+$0x15630] =	vst v43;
	v63 =	vld [tilespmem:s28+$0xDA00];
	v4 =	vadd.f32 v54, v53  }
0x359: {  	v60 =	vld [tilespmem:s28+$0xD670];
	[tilespmem:s28+$0x15620] =	vst v3;
	v3 =	vadd.f32 v51, v50  }
0x35a: {  	v54 =	vadd.f32 v42, v41;
	[tilespmem:s28+$0x15650] =	vst v4;
	v39 =	vld [tilespmem:s28+$0xDA20]  }
0x35b: {  	v44 =	vld [tilespmem:s28+$0x5A40];
	[tilespmem:s28+$0x15640] =	vst v3;
	v3 =	vadd.f32 v57, v56  }
0x35c: {  	[tilespmem:s28+$0x15A30] =	vst v54;
	v55 =	vadd.f32 v47, v46;
	v45 =	vld [tilespmem:s28+$0xDA40]  }
0x35d: {  	v53 =	vld [tilespmem:s28+$0xDA70];
	[tilespmem:s28+$0x15660] =	vst v3;
	v3 =	vadd.f32 v63, v62  }
0x35e: {  	v48 =	vadd.f32 v60, v59;
	[tilespmem:s28+$0x15A50] =	vst v55;
	v50 =	vld [tilespmem:s28+$0xDA60]  }
0x35f: {  	[tilespmem:s28+$0x15A00] =	vst v3;
	v3 =	vadd.f32 v39, v38  }
0x360: {  	[tilespmem:s28+$0x15670] =	vst v48;
	v51 =	vadd.f32 v36, v35  }
0x361: {  	[tilespmem:s28+$0x15A20] =	vst v3;
	v3 =	vadd.f32 v45, v44  }
0x362: {  	s29 =	sand.u32 $0x7, s19;
	[tilespmem:s28+$0x15A10] =	vst v51;
	v56 =	vadd.f32 v53, v52  }
0x363: {  	s29 =	sshll.u32 s29, $0x7;
	[tilespmem:s28+$0x15A40] =	vst v3;
	v3 =	vadd.f32 v50, v49  }
0x364: {  	s29 =	sadd.s32 s29, s26;
	[tilespmem:s28+$0x15A70] =	vst v56  }
0x365: {  	[tilespmem:s28+$0x15A60] =	vst v3;
	s28 =	sor.u32 $0x1C00, s29  }
0x366: {  	v3 =	vld [tilespmem:s28+$0x4200]  }
0x367: {  	v4 =	vld [tilespmem:s28+$0xC200];
	_ =	sdelay $0x4  }
0x368: {  	v3 =	vadd.f32 v4, v3;
	_ =	sdelay $0x1  }
0x369: {  	[tilespmem:s28+$0x14200] =	vst v3;
	s28 =	sor.u32 $0x1C10, s29  }
0x36a: {  	v3 =	vld [tilespmem:s28+$0x4200]  }
0x36b: {  	v57 =	vld [tilespmem:s28+$0xC200];
	_ =	sdelay $0x4  }
0x36c: {  	v3 =	vadd.f32 v57, v3;
	_ =	sdelay $0x1  }
0x36d: {  	[tilespmem:s28+$0x14200] =	vst v3;
	s28 =	sor.u32 $0x1C20, s29  }
0x36e: {  	v3 =	vld [tilespmem:s28+$0x4200]  }
0x36f: {  	v58 =	vld [tilespmem:s28+$0xC200];
	_ =	sdelay $0x4  }
0x370: {  	v3 =	vadd.f32 v58, v3;
	_ =	sdelay $0x1  }
0x371: {  	[tilespmem:s28+$0x14200] =	vst v3;
	s28 =	sor.u32 $0x1C30, s29  }
0x372: {  	v3 =	vld [tilespmem:s28+$0x4200]  }
0x373: {  	v59 =	vld [tilespmem:s28+$0xC200];
	_ =	sdelay $0x4  }
0x374: {  	v3 =	vadd.f32 v59, v3;
	_ =	sdelay $0x1  }
0x375: {  	[tilespmem:s28+$0x14200] =	vst v3;
	s28 =	sor.u32 $0x1C40, s29  }
0x376: {  	v3 =	vld [tilespmem:s28+$0x4200]  }
0x377: {  	v60 =	vld [tilespmem:s28+$0xC200];
	_ =	sdelay $0x4  }
0x378: {  	v3 =	vadd.f32 v60, v3;
	_ =	sdelay $0x1  }
0x379: {  	[tilespmem:s28+$0x14200] =	vst v3;
	s28 =	sor.u32 $0x1C50, s29  }
0x37a: {  	v3 =	vld [tilespmem:s28+$0x4200]  }
0x37b: {  	v61 =	vld [tilespmem:s28+$0xC200];
	_ =	sdelay $0x4  }
0x37c: {  	v3 =	vadd.f32 v61, v3;
	_ =	sdelay $0x1  }
0x37d: {  	[tilespmem:s28+$0x14200] =	vst v3;
	s28 =	sor.u32 $0x1C60, s29  }
0x37e: {  	v3 =	vld [tilespmem:s28+$0x4200]  }
0x37f: {  	v62 =	vld [tilespmem:s28+$0xC200];
	_ =	sdelay $0x4  }
0x380: {  	v3 =	vadd.f32 v62, v3;
	_ =	sdelay $0x1  }
0x381: {  	s29 =	sor.u32 $0x1C70, s29;
	[tilespmem:s28+$0x14200] =	vst v3  }
0x382: {  	v3 =	vld [tilespmem:s29+$0x4200]  }
0x383: {  	v63 =	vld [tilespmem:s29+$0xC200];
	_ =	sdelay $0x1  }
0x384: {  	p0 =	sne.s32 s11, $0x780  }
.Ltmp3:
0x385: {  	_ = 	snop;
	(pc) =	sbr.rel @p0 .LBB2_8-.Ltmp3, $4  }
0x386: {  	_ = 	snop  }
0x387: {  	v3 =	vadd.f32 v63, v3  }
0x388: {  	s25 =	sadd.s32 $0x400, s25  }
0x389: {  	s11 =	sadd.s32 $0x80, s11;
	s19 =	sadd.s32 $0x1, s19;
	s26 =	sadd.s32 $0x400, s26;
	[tilespmem:s29+$0x14200] =	vst v3  }
0x38a: {  	s11 =	rddreg [dreg:$0xe]  }
0x38b: {  	[hbm4b:s11+s2] =	stream.linear.scatter [tilespmem:s17], [sflag:$0x6], $0x4000, $0x38;
	[tilespmem:$0x18200] =	vst v63  }
0x38c: {  	_ =	swait.ge [sflag:s18], $0x4000  }
0x38d: {  	[sflag:s18] =	ssyncset.done $0x0  }
0x38e: {  	[sflag:s18] =	ssyncadd.s32 $0xFFFFC000  }
0x38f: {  	_ =	swait.ge [sflag:s10], $0x4000  }
0x390: {  	s24 =	sadd.s32 $0x1, s24;
	s29 =	rddreg [dreg:$0xf]  }
0x391: {  	p0 =	sne.s32 s24, s29  }
.Ltmp4:
0x392: {  	_ = 	snop;
	(pc) =	sbr.rel @p0 .LBB2_1-.Ltmp4, $3  }
0x393: {  	_ =	sdelay $0x1  }
0x394: {  	[sflag:s10] =	ssyncset.done $0x0  }
0x395: {  	[sflag:s10] =	ssyncadd.s32 $0xFFFFC000  }
0x396: {  	_ =	sfence.sel $0x180000  }
0x397: {  	[bflag:$0x0] =	sbarrier.arrive $0xFFFF  }
0x398: {  	_ =	strace $0x9000004A  }
0x399: {  	s0 =	stileid.u32;
	[bflag:$0x2] =	sbarrier.arrive $0xFFFF  }
0x39a: {  	p0 =	sne.s32 s0, $0x0;
	s0 =	rddreg [dreg:$0x2]  }
0x39b: {  	s0 =	sadd.s32 @!p0 $0x100000, s0  }
0x39c: {  	[sflag:s0] =	ssyncadd.tile.s32 @!p0 $0x1;
	_ =	shalt  }
.Lfunc_end2:
_tile_overlayer_lowered:
.L_overlay_start_2:
0x39d: {  	(tag) =	ssettag $0x2  }
0x39e: {  	s0 =	rddreg [dreg:$0x0];
	s2 =	stileid.u32  }
0x39f: {  	s1 =	rddreg [dreg:$0x1];
	p0 =	sne.s32 s2, $0x0  }
0x3a0: {  	s3 =	rddreg [dreg:$0x2];
	[bflag:$0x3] =	sbarrier.arrive $0xFFFF;
	s2 =	simm.s32 @!p0 $0x1C07  }
0x3a1: {  	[timem:s3], [sflag:s2] =	dma.local @!p0 [hbm:s0], s1  }
0x3a2: {  	s0 =	simm.s32 @!p0 $0x7  }
0x3a3: {  	_ =	swait.ge @!p0 [sflag:s0], s1  }
0x3a4: {  	s1 =	ssub.s32 @!p0 $0x0, s1;
	[sflag:s0] =	ssyncset.done @!p0 $0x0  }
0x3a5: {  	[sflag:s0] =	ssyncadd.s32 @!p0 s1  }
0x3a6: {  	[bflag:$0x3] =	sbarrier.arrive $0xFFFF  }
0x3a7: {  	_ =	shalt  }

</sc_bundles>
